<compile_context>
chip_gen: v7x
topology: tpu7x:2x2x1
jax: 0.10.2.dev20260603
libtpu: 0.0.44.dev20260713+nightly
codegen_flags: <defaults>
</compile_context>

<pallas_src>
import functools

import jax
import jax.numpy as jnp
from jax import lax
from jax.experimental import pallas as pl
from jax.experimental.pallas import tpu as pltpu
from jax.experimental.pallas import tpu_sc as plsc

_RATIO = 3
_MIN_NEG = 0
_R = 64
_C = 20000
_NW = 32
_RPW = _R // _NW
_NCH = _C // 16
_INT_MIN = -2147483648

_MESH = plsc.VectorSubcoreMesh(core_axis_name="c", subcore_axis_name="s")
_CP = pltpu.CompilerParams(needs_layout_passes=False)

_NB1 = 2048
_NB2 = 2048
_NB3 = 1024
_H2W = _NB2 + 16
_H3W = _NB3 + 16


def _wid():
    return lax.axis_index("s") * 2 + lax.axis_index("c")


def _tree_sum(vals):
    while len(vals) > 1:
        vals = [a + b for a, b in zip(vals[::2], vals[1::2])]
    return vals[0]


def _merge_hists(hall_v, mrg_v, nbins):
    def merge(j):
        sl = pl.ds(j * 16, 16)
        mrg_v[sl] = _tree_sum([hall_v[w2, sl] for w2 in range(_NW)])
    plsc.parallel_loop(0, nbins // 16, step=1, unroll=2)(merge)


def _zero_hist(h_v, width):
    def zh(i):
        h_v[pl.ds(i * 16, 16)] = jnp.zeros((16,), jnp.float32)
    plsc.parallel_loop(0, width // 16, step=1, unroll=8)(zh)


def _keys_from(v, nmv):
    flat = v * nmv.astype(jnp.float32)
    b = plsc.bitcast(flat, jnp.int32)
    key = jnp.where(b >= 0, b, b ^ jnp.int32(0x7FFFFFFF))
    return flat, key


def _scan_bins(merged_ref, nbins, k_rem):
    nch = nbins // 16
    kf = k_rem.astype(jnp.float32)

    def body(t, carry):
        acc, found, bsel, above = carry
        base = nbins - 16 * (t + 1)
        h = merged_ref[pl.ds(base, 16)]
        cs = plsc.cumsum(h)
        chunk_sum = cs[15]
        suff = acc + (chunk_sum - cs) + h
        m = suff >= kf
        pc = plsc.all_reduce_population_count(m)[0]
        has = pc > 0
        lane = pc - 1
        csl = jnp.max(jnp.where(m, cs, 0.0))
        hit = jnp.logical_and(has, jnp.logical_not(found))
        bsel = jnp.where(hit, base + lane, bsel)
        above = jnp.where(hit, acc + chunk_sum - csl, above)
        found = jnp.logical_or(found, has)
        return acc + chunk_sum, found, bsel, above

    _, _, bsel, above = lax.fori_loop(
        0, nch, body,
        (jnp.float32(0.0), jnp.bool_(False), jnp.int32(0), jnp.float32(0.0)))
    return bsel, above


def _lane_pack(pairs):
    io = lax.iota(jnp.int32, 16)
    out = jnp.zeros((16,), jnp.int32)
    for lane, val in pairs:
        out = jnp.where(io == lane, val, out)
    return out


@functools.partial(
    pl.kernel,
    out_type=(jax.ShapeDtypeStruct((_R, _C), jnp.int32),
              jax.ShapeDtypeStruct((_NW, 16), jnp.float32),
              jax.ShapeDtypeStruct((_NW, 16), jnp.int32),
              jax.ShapeDtypeStruct((_NW, _NB1), jnp.float32)),
    mesh=_MESH,
    scratch_types=[pltpu.VMEM((_C,), jnp.float32),
                   pltpu.VMEM((_C,), jnp.int32),
                   pltpu.VMEM((_C,), jnp.int32),
                   pltpu.VMEM((_NB1,), jnp.float32),
                   pltpu.VMEM((16,), jnp.float32),
                   pltpu.VMEM((16,), jnp.int32)],
    compiler_params=_CP,
)
def _c1(v_hbm, pm_hbm, nm_hbm, keys_hbm, posrow_hbm, counts_hbm, hist1_hbm,
        v_v, pm_v, nm_v, h_v, pr_v, ct_v):
    w = _wid()
    _zero_hist(h_v, _NB1)

    ones = jnp.ones((16,), jnp.float32)
    psums = []
    npos_t = jnp.int32(0)
    nnz_t = jnp.int32(0)
    for r in range(_RPW):
        row = w * _RPW + r
        pltpu.sync_copy(v_hbm.at[row], v_v)
        pltpu.sync_copy(pm_hbm.at[row], pm_v)
        pltpu.sync_copy(nm_hbm.at[row], nm_v)

        def body(i, carry):
            psum, npos, nnz = carry
            sl = pl.ds(i * 16, 16)
            v = v_v[sl]
            pmv = pm_v[sl]
            nmv = nm_v[sl]
            psum = psum + v * pmv.astype(jnp.float32)
            flat, key = _keys_from(v, nmv)
            nm_v[sl] = key
            nnz = nnz + (flat != 0.0).astype(jnp.int32)
            bin1 = jnp.right_shift(key, 21) + 1024
            plsc.addupdate_scatter(h_v, [bin1], ones)
            return psum, npos + pmv, nnz

        psum, nposv, nnzv = plsc.parallel_loop(
            0, _NCH, step=1, unroll=8,
            carry=(jnp.zeros((16,), jnp.float32), jnp.zeros((16,), jnp.int32),
                   jnp.zeros((16,), jnp.int32)))(body)
        pltpu.sync_copy(nm_v, keys_hbm.at[row])
        psums.append((r, jnp.sum(psum)))
        npos_t = npos_t + jnp.sum(nposv)
        nnz_t = nnz_t + jnp.sum(nnzv)

    io = lax.iota(jnp.int32, 16)
    prv = jnp.zeros((16,), jnp.float32)
    for r, s in psums:
        prv = jnp.where(io == r, s, prv)
    pr_v[...] = prv
    ct_v[...] = _lane_pack([(0, npos_t), (1, nnz_t)])
    pltpu.sync_copy(pr_v, posrow_hbm.at[w])
    pltpu.sync_copy(ct_v, counts_hbm.at[w])
    pltpu.sync_copy(h_v, hist1_hbm.at[w])


@functools.partial(
    pl.kernel,
    out_type=(jax.ShapeDtypeStruct((_NW, _H2W), jnp.float32),
              jax.ShapeDtypeStruct((_NW, 16), jnp.int32)),
    mesh=_MESH,
    scratch_types=[pltpu.VMEM((_NW, _NB1), jnp.float32),
                   pltpu.VMEM((_NB1,), jnp.float32),
                   pltpu.VMEM((_NW, 16), jnp.int32),
                   pltpu.VMEM((_C,), jnp.int32),
                   pltpu.VMEM((_H2W,), jnp.float32),
                   pltpu.VMEM((16,), jnp.int32)],
    compiler_params=_CP,
)
def _c2(counts_hbm, hist1_hbm, keys_hbm, hist2_hbm, sel2_hbm,
        hall_v, mrg_v, ct_v, k_v, h_v, sel_v):
    w = _wid()
    pltpu.sync_copy(hist1_hbm, hall_v)
    pltpu.sync_copy(counts_hbm, ct_v)

    _merge_hists(hall_v, mrg_v, _NB1)

    cts = _tree_sum([ct_v[w2, :] for w2 in range(_NW)])
    npos = cts[0]
    nnz = cts[1]
    k_tot = jnp.minimum(
        jnp.maximum(jnp.int32(_RATIO) * npos, jnp.int32(_MIN_NEG)), nnz)

    b1, above1 = _scan_bins(mrg_v, _NB1, k_tot)
    k_rem = k_tot - above1.astype(jnp.int32)

    _zero_hist(h_v, _H2W)

    ones = jnp.ones((16,), jnp.float32)
    for r in range(_RPW):
        row = w * _RPW + r
        pltpu.sync_copy(keys_hbm.at[row], k_v)

        def body(i):
            key = k_v[pl.ds(i * 16, 16)]
            match = (jnp.right_shift(key, 21) + 1024) == b1
            bin2 = jnp.right_shift(key, 10) & jnp.int32(0x7FF)
            idx = jnp.where(match, bin2, jnp.int32(_NB2))
            plsc.addupdate_scatter(h_v, [idx], ones)
        plsc.parallel_loop(0, _NCH, step=1, unroll=8)(body)

    sel_v[...] = _lane_pack([(0, b1), (1, k_rem), (3, k_tot)])
    pltpu.sync_copy(h_v, hist2_hbm.at[w])
    pltpu.sync_copy(sel_v, sel2_hbm.at[w])


@functools.partial(
    pl.kernel,
    out_type=(jax.ShapeDtypeStruct((_NW, _H3W), jnp.float32),
              jax.ShapeDtypeStruct((_NW, 16), jnp.int32)),
    mesh=_MESH,
    scratch_types=[pltpu.VMEM((_NW, _H2W), jnp.float32),
                   pltpu.VMEM((_NB2,), jnp.float32),
                   pltpu.VMEM((16,), jnp.int32),
                   pltpu.VMEM((_C,), jnp.int32),
                   pltpu.VMEM((_H3W,), jnp.float32),
                   pltpu.VMEM((16,), jnp.int32)],
    compiler_params=_CP,
)
def _c3(sel2_hbm, hist2_hbm, keys_hbm, hist3_hbm, sel3_hbm,
        hall_v, mrg_v, s_v, k_v, h_v, sel_v):
    w = _wid()
    pltpu.sync_copy(hist2_hbm, hall_v)
    pltpu.sync_copy(sel2_hbm.at[0], s_v)
    sel = s_v[...]
    b1 = sel[0]
    k_in = sel[1]
    k_tot = sel[3]

    _merge_hists(hall_v, mrg_v, _NB2)

    b2, above2 = _scan_bins(mrg_v, _NB2, k_in)
    k_rem = k_in - above2.astype(jnp.int32)
    top22s = jnp.left_shift(b1 - 1024, 11) + b2

    _zero_hist(h_v, _H3W)

    ones = jnp.ones((16,), jnp.float32)
    for r in range(_RPW):
        row = w * _RPW + r
        pltpu.sync_copy(keys_hbm.at[row], k_v)

        def body(i):
            key = k_v[pl.ds(i * 16, 16)]
            match = jnp.right_shift(key, 10) == top22s
            bin3 = key & jnp.int32(0x3FF)
            idx = jnp.where(match, bin3, jnp.int32(_NB3))
            plsc.addupdate_scatter(h_v, [idx], ones)
        plsc.parallel_loop(0, _NCH, step=1, unroll=8)(body)

    sel_v[...] = _lane_pack([(0, top22s), (1, k_rem), (3, k_tot)])
    pltpu.sync_copy(h_v, hist3_hbm.at[w])
    pltpu.sync_copy(sel_v, sel3_hbm.at[w])


@functools.partial(
    pl.kernel,
    out_type=(jax.ShapeDtypeStruct((_NW, 16), jnp.int32),
              jax.ShapeDtypeStruct((_NW, 16), jnp.int32)),
    mesh=_MESH,
    scratch_types=[pltpu.VMEM((_NW, _H3W), jnp.float32),
                   pltpu.VMEM((_NB3,), jnp.float32),
                   pltpu.VMEM((16,), jnp.int32),
                   pltpu.VMEM((_C,), jnp.int32),
                   pltpu.VMEM((16,), jnp.int32),
                   pltpu.VMEM((16,), jnp.int32)],
    compiler_params=_CP,
)
def _c4(sel3_hbm, hist3_hbm, keys_hbm, rowties_hbm, sel4_hbm,
        hall_v, mrg_v, s_v, k_v, rt_v, sel_v):
    w = _wid()
    pltpu.sync_copy(hist3_hbm, hall_v)
    pltpu.sync_copy(sel3_hbm.at[0], s_v)
    sel = s_v[...]
    top22s = sel[0]
    k_in = sel[1]
    k_tot = sel[3]

    _merge_hists(hall_v, mrg_v, _NB3)

    b3, above3 = _scan_bins(mrg_v, _NB3, k_in)
    c_take = k_in - above3.astype(jnp.int32)
    t_key = jnp.left_shift(top22s, 10) | b3

    ties = []
    for r in range(_RPW):
        row = w * _RPW + r
        pltpu.sync_copy(keys_hbm.at[row], k_v)

        def body(i, acc):
            key = k_v[pl.ds(i * 16, 16)]
            return acc + (key == t_key).astype(jnp.int32)
        tv = plsc.parallel_loop(
            0, _NCH, step=1, unroll=8,
            carry=jnp.zeros((16,), jnp.int32))(body)
        ties.append((r, jnp.sum(tv)))

    rt_v[...] = _lane_pack(ties)
    sel_v[...] = _lane_pack([(0, t_key), (1, c_take), (3, k_tot)])
    pltpu.sync_copy(rt_v, rowties_hbm.at[w])
    pltpu.sync_copy(sel_v, sel4_hbm.at[w])


@functools.partial(
    pl.kernel,
    out_type=jax.ShapeDtypeStruct((_NW, 16), jnp.float32),
    mesh=_MESH,
    scratch_types=[pltpu.VMEM((_NW, 16), jnp.int32),
                   pltpu.VMEM((16,), jnp.int32),
                   pltpu.VMEM((16,), jnp.float32),
                   pltpu.VMEM((_C,), jnp.int32),
                   pltpu.VMEM((_C,), jnp.float32),
                   pltpu.VMEM((16,), jnp.float32)],
    compiler_params=_CP,
)
def _c5(sel4_hbm, rowties_hbm, posrow_hbm, keys_hbm, v_hbm, out_hbm,
        rt_v, s_v, pr_v, k_v, v_v, o_v):
    w = _wid()
    pltpu.sync_copy(rowties_hbm, rt_v)
    pltpu.sync_copy(sel4_hbm.at[0], s_v)
    pltpu.sync_copy(posrow_hbm.at[w], pr_v)
    sel = s_v[...]
    t_key = sel[0]
    c_take = sel[1]

    def pre(w2, acc):
        return acc + rt_v[w2, :]
    prev = lax.fori_loop(0, w, pre, jnp.zeros((16,), jnp.int32))
    excl0 = prev[0] + prev[1]
    own = rt_v[w, :]
    rt0 = own[0]
    rt1 = own[1]
    take0 = jnp.clip(c_take - excl0, 0, rt0)
    take1 = jnp.clip(c_take - (excl0 + rt0), 0, rt1)
    takes = (take0, take1)
    pr = pr_v[...]

    outs = []
    for r in range(_RPW):
        row = w * _RPW + r
        pltpu.sync_copy(keys_hbm.at[row], k_v)
        pltpu.sync_copy(v_hbm.at[row], v_v)
        take_r = takes[r]
        rt_r = (rt0, rt1)[r]
        straddles = jnp.logical_and(take_r > 0, take_r < rt_r)

        def slow(_):
            def body(i, carry):
                negacc, run = carry
                sl = pl.ds(i * 16, 16)
                key = k_v[sl]
                v = v_v[sl]
                tie = key == t_key
                tiei = tie.astype(jnp.int32)
                incl = plsc.cumsum(tiei)
                rank = run + incl - tiei
                keep = (key > t_key) | (tie & (rank < take_r))
                negacc = negacc + jnp.where(keep, v, 0.0)
                return negacc, run + incl[15]
            negacc, _ = lax.fori_loop(
                0, _NCH, body, (jnp.zeros((16,), jnp.float32), jnp.int32(0)))
            return negacc

        def fast(_):
            all_ties = take_r > 0

            def body(i, acc):
                sl = pl.ds(i * 16, 16)
                key = k_v[sl]
                v = v_v[sl]
                keep = (key > t_key) | (all_ties & (key == t_key))
                return acc + jnp.where(keep, v, 0.0)
            return plsc.parallel_loop(
                0, _NCH, step=1, unroll=8,
                carry=jnp.zeros((16,), jnp.float32))(body)

        negacc = lax.cond(straddles, slow, fast, 0)
        outs.append((r, pr[r] + jnp.sum(negacc)))

    io = lax.iota(jnp.int32, 16)
    ov = jnp.zeros((16,), jnp.float32)
    for r, s in outs:
        ov = jnp.where(io == r, s, ov)
    o_v[...] = ov
    pltpu.sync_copy(o_v, out_hbm.at[w])


def kernel(values, positive_mask, negative_mask):
    keys, posrow, counts, hist1 = _c1(values, positive_mask, negative_mask)
    hist2, sel2 = _c2(counts, hist1, keys)
    hist3, sel3 = _c3(sel2, hist2, keys)
    rowties, sel4 = _c4(sel3, hist3, keys)
    out = _c5(sel4, rowties, posrow, keys, values)
    return out[:, :_RPW].reshape(_R)

# --- scband reference (transcript-rebuilt; emitter-appended) ---
"""Pipeline reference for scband-hard-negative-mining-72627896975933 (READ-ONLY COPY).

The authoritative reference and input builder live on the scoring server;
editing this copy changes nothing except your own understanding.
"""

import jax, jax.numpy as jnp
import numpy as np

NEG_POS_RATIO = 3
MIN_NEG = 0


def setup_inputs(seed: int = 0) -> dict:
    key = jax.random.key(seed)
    k1, k2, k3 = jax.random.split(key, 3)
    values = jax.random.normal(k1, (64, 20000), dtype=jnp.float32)
    positive_mask = jax.random.randint(k2, (64, 20000), 0, 2).astype(jnp.int32)
    negative_mask = jax.random.randint(k3, (64, 20000), 0, 2).astype(jnp.int32)
    return {"values": values, "positive_mask": positive_mask, "negative_mask": negative_mask}


def reference(values, positive_mask, negative_mask):
    pm = positive_mask.astype(values.dtype)
    nm = negative_mask.astype(values.dtype)
    batch_size, n_boxes = values.shape
    num_positives = jnp.sum(pm)
    positive_values = jnp.sum(values * pm, axis=-1)
    negative_values_unreduced = values * nm
    n_non_zero_negative_values = jnp.count_nonzero(negative_values_unreduced).astype(jnp.int32)
    top_k_negatives = jnp.maximum((NEG_POS_RATIO * num_positives).astype(jnp.int32), MIN_NEG)
    top_k_negatives = jnp.minimum(top_k_negatives, n_non_zero_negative_values)
    flat = negative_values_unreduced.reshape(-1)
    total = batch_size * n_boxes
    _, sorted_indices = jax.lax.top_k(flat, total)
    ranks = jnp.arange(total, dtype=jnp.int32)
    selected = (ranks < top_k_negatives).astype(flat.dtype)
    top_k_negative_mask = jnp.zeros_like(flat).at[sorted_indices].set(selected)
    top_k_negative_mask = top_k_negative_mask.reshape(batch_size, n_boxes)
    negative_values = jnp.sum(values * top_k_negative_mask, axis=-1)
    return positive_values + negative_values

if __name__ == "__main__":
    import jax
    _d = setup_inputs()
    print(jax.jit(kernel)(*tuple(_d.values())))

</pallas_src>

<mosaic_0001>
#map = affine_map<(d0, d1) -> (0, 0)>
module attributes {stable_mosaic.version = 14 : i64} {
  func.func @_c2(%arg0: i32, %arg1: i32, %arg2: memref<32x16xi32, #tpu.memory_space<hbm>>, %arg3: memref<32x2048xf32, #tpu.memory_space<hbm>>, %arg4: memref<64x20000xi32, #tpu.memory_space<hbm>>, %arg5: memref<32x2064xf32, #tpu.memory_space<hbm>>, %arg6: memref<32x16xi32, #tpu.memory_space<hbm>>, %arg7: memref<32x2048xf32, #tpu.memory_space<vmem>>, %arg8: memref<2048xf32, #tpu.memory_space<vmem>>, %arg9: memref<32x16xi32, #tpu.memory_space<vmem>>, %arg10: memref<20000xi32, #tpu.memory_space<vmem>>, %arg11: memref<2064xf32, #tpu.memory_space<vmem>>, %arg12: memref<16xi32, #tpu.memory_space<vmem>>) attributes {dimension_semantics = [#tpu.dimension_semantics<core_parallel>, #tpu.dimension_semantics<subcore_parallel>], iteration_bounds = array<i64: 2, 16>, scalar_prefetch = 0 : i64, scratch_operands = 6 : i64, tpu.core_type = #tpu.core_type<sc_vector_subcore>, window_params = [{transform_indices = #map}, {transform_indices = #map}, {transform_indices = #map}, {transform_indices = #map}, {transform_indices = #map}]} {
    %mul3A = arith.constant 2 : i32
    %mul3A_0 = arith.muli %arg1, %mul3A : i32
    %add3A = arith.addi %mul3A_0, %arg0 : i32
    "tpu.region"() ({
      %run_scoped3A = tpu.sem_alloc : memref<!tpu.dma_semaphore, #tpu.memory_space<semaphore_mem>>
      tpu.enqueue_dma source(%arg3 : memref<32x2048xf32, #tpu.memory_space<hbm>>) target(%arg7 : memref<32x2048xf32, #tpu.memory_space<vmem>>) target_semaphore(%run_scoped3A : memref<!tpu.dma_semaphore, #tpu.memory_space<semaphore_mem>>)
      tpu.wait_dma2 semaphore(%run_scoped3A : memref<!tpu.dma_semaphore, #tpu.memory_space<semaphore_mem>>) src(%arg3 : memref<32x2048xf32, #tpu.memory_space<hbm>>) dst(%arg7 : memref<32x2048xf32, #tpu.memory_space<vmem>>)
      tpu.yield
    }) : () -> ()
    "tpu.region"() ({
      %run_scoped3A = tpu.sem_alloc : memref<!tpu.dma_semaphore, #tpu.memory_space<semaphore_mem>>
      tpu.enqueue_dma source(%arg2 : memref<32x16xi32, #tpu.memory_space<hbm>>) target(%arg9 : memref<32x16xi32, #tpu.memory_space<vmem>>) target_semaphore(%run_scoped3A : memref<!tpu.dma_semaphore, #tpu.memory_space<semaphore_mem>>)
      tpu.wait_dma2 semaphore(%run_scoped3A : memref<!tpu.dma_semaphore, #tpu.memory_space<semaphore_mem>>) src(%arg2 : memref<32x16xi32, #tpu.memory_space<hbm>>) dst(%arg9 : memref<32x16xi32, #tpu.memory_space<vmem>>)
      tpu.yield
    }) : () -> ()
    %parallel_loop3A = arith.constant 0 : i32
    %parallel_loop3A_1 = arith.constant 128 : i32
    %parallel_loop3A_2 = arith.constant 1 : i32
    scf.for %parallel_loop3A_210 = %parallel_loop3A to %parallel_loop3A_1 step %parallel_loop3A_2  : i32 {
      %parallel_loop3A_211 = arith.constant 16 : i32
      %parallel_loop3A_212 = arith.muli %parallel_loop3A_210, %parallel_loop3A_211 : i32
      %parallel_loop3A_213 = arith.constant 0 : i32
      %parallel_loop3A_214 = arith.index_cast %parallel_loop3A_213 : i32 to index
      %parallel_loop3A_215 = arith.index_cast %parallel_loop3A_212 : i32 to index
      %parallel_loop3A_216 = tpu.vector_load %arg7[%parallel_loop3A_214, %parallel_loop3A_215] {strides = array<i32>} : memref<32x2048xf32, #tpu.memory_space<vmem>>, vector<16xf32>,
      %parallel_loop3A_217 = arith.constant 1 : i32
      %parallel_loop3A_218 = arith.index_cast %parallel_loop3A_217 : i32 to index
      %parallel_loop3A_219 = arith.index_cast %parallel_loop3A_212 : i32 to index
      %parallel_loop3A_220 = tpu.vector_load %arg7[%parallel_loop3A_218, %parallel_loop3A_219] {strides = array<i32>} : memref<32x2048xf32, #tpu.memory_space<vmem>>, vector<16xf32>,
      %parallel_loop3A_221 = arith.constant 2 : i32
      %parallel_loop3A_222 = arith.index_cast %parallel_loop3A_221 : i32 to index
      %parallel_loop3A_223 = arith.index_cast %parallel_loop3A_212 : i32 to index
      %parallel_loop3A_224 = tpu.vector_load %arg7[%parallel_loop3A_222, %parallel_loop3A_223] {strides = array<i32>} : memref<32x2048xf32, #tpu.memory_space<vmem>>, vector<16xf32>,
      %parallel_loop3A_225 = arith.constant 3 : i32
      %parallel_loop3A_226 = arith.index_cast %parallel_loop3A_225 : i32 to index
      %parallel_loop3A_227 = arith.index_cast %parallel_loop3A_212 : i32 to index
      %parallel_loop3A_228 = tpu.vector_load %arg7[%parallel_loop3A_226, %parallel_loop3A_227] {strides = array<i32>} : memref<32x2048xf32, #tpu.memory_space<vmem>>, vector<16xf32>,
      %parallel_loop3A_229 = arith.constant 4 : i32
      %parallel_loop3A_230 = arith.index_cast %parallel_loop3A_229 : i32 to index
      %parallel_loop3A_231 = arith.index_cast %parallel_loop3A_212 : i32 to index
      %parallel_loop3A_232 = tpu.vector_load %arg7[%parallel_loop3A_230, %parallel_loop3A_231] {strides = array<i32>} : memref<32x2048xf32, #tpu.memory_space<vmem>>, vector<16xf32>,
      %parallel_loop3A_233 = arith.constant 5 : i32
      %parallel_loop3A_234 = arith.index_cast %parallel_loop3A_233 : i32 to index
      %parallel_loop3A_235 = arith.index_cast %parallel_loop3A_212 : i32 to index
      %parallel_loop3A_236 = tpu.vector_load %arg7[%parallel_loop3A_234, %parallel_loop3A_235] {strides = array<i32>} : memref<32x2048xf32, #tpu.memory_space<vmem>>, vector<16xf32>,
      %parallel_loop3A_237 = arith.constant 6 : i32
      %parallel_loop3A_238 = arith.index_cast %parallel_loop3A_237 : i32 to index
      %parallel_loop3A_239 = arith.index_cast %parallel_loop3A_212 : i32 to index
      %parallel_loop3A_240 = tpu.vector_load %arg7[%parallel_loop3A_238, %parallel_loop3A_239] {strides = array<i32>} : memref<32x2048xf32, #tpu.memory_space<vmem>>, vector<16xf32>,
      %parallel_loop3A_241 = arith.constant 7 : i32
      %parallel_loop3A_242 = arith.index_cast %parallel_loop3A_241 : i32 to index
      %parallel_loop3A_243 = arith.index_cast %parallel_loop3A_212 : i32 to index
      %parallel_loop3A_244 = tpu.vector_load %arg7[%parallel_loop3A_242, %parallel_loop3A_243] {strides = array<i32>} : memref<32x2048xf32, #tpu.memory_space<vmem>>, vector<16xf32>,
      %parallel_loop3A_245 = arith.constant 8 : i32
      %parallel_loop3A_246 = arith.index_cast %parallel_loop3A_245 : i32 to index
      %parallel_loop3A_247 = arith.index_cast %parallel_loop3A_212 : i32 to index
      %parallel_loop3A_248 = tpu.vector_load %arg7[%parallel_loop3A_246, %parallel_loop3A_247] {strides = array<i32>} : memref<32x2048xf32, #tpu.memory_space<vmem>>, vector<16xf32>,
      %parallel_loop3A_249 = arith.constant 9 : i32
      %parallel_loop3A_250 = arith.index_cast %parallel_loop3A_249 : i32 to index
      %parallel_loop3A_251 = arith.index_cast %parallel_loop3A_212 : i32 to index
      %parallel_loop3A_252 = tpu.vector_load %arg7[%parallel_loop3A_250, %parallel_loop3A_251] {strides = array<i32>} : memref<32x2048xf32, #tpu.memory_space<vmem>>, vector<16xf32>,
      %parallel_loop3A_253 = arith.constant 10 : i32
      %parallel_loop3A_254 = arith.index_cast %parallel_loop3A_253 : i32 to index
      %parallel_loop3A_255 = arith.index_cast %parallel_loop3A_212 : i32 to index
      %parallel_loop3A_256 = tpu.vector_load %arg7[%parallel_loop3A_254, %parallel_loop3A_255] {strides = array<i32>} : memref<32x2048xf32, #tpu.memory_space<vmem>>, vector<16xf32>,
      %parallel_loop3A_257 = arith.constant 11 : i32
      %parallel_loop3A_258 = arith.index_cast %parallel_loop3A_257 : i32 to index
      %parallel_loop3A_259 = arith.index_cast %parallel_loop3A_212 : i32 to index
      %parallel_loop3A_260 = tpu.vector_load %arg7[%parallel_loop3A_258, %parallel_loop3A_259] {strides = array<i32>} : memref<32x2048xf32, #tpu.memory_space<vmem>>, vector<16xf32>,
      %parallel_loop3A_261 = arith.constant 12 : i32
      %parallel_loop3A_262 = arith.index_cast %parallel_loop3A_261 : i32 to index
      %parallel_loop3A_263 = arith.index_cast %parallel_loop3A_212 : i32 to index
      %parallel_loop3A_264 = tpu.vector_load %arg7[%parallel_loop3A_262, %parallel_loop3A_263] {strides = array<i32>} : memref<32x2048xf32, #tpu.memory_space<vmem>>, vector<16xf32>,
      %parallel_loop3A_265 = arith.constant 13 : i32
      %parallel_loop3A_266 = arith.index_cast %parallel_loop3A_265 : i32 to index
      %parallel_loop3A_267 = arith.index_cast %parallel_loop3A_212 : i32 to index
      %parallel_loop3A_268 = tpu.vector_load %arg7[%parallel_loop3A_266, %parallel_loop3A_267] {strides = array<i32>} : memref<32x2048xf32, #tpu.memory_space<vmem>>, vector<16xf32>,
      %parallel_loop3A_269 = arith.constant 14 : i32
      %parallel_loop3A_270 = arith.index_cast %parallel_loop3A_269 : i32 to index
      %parallel_loop3A_271 = arith.index_cast %parallel_loop3A_212 : i32 to index
      %parallel_loop3A_272 = tpu.vector_load %arg7[%parallel_loop3A_270, %parallel_loop3A_271] {strides = array<i32>} : memref<32x2048xf32, #tpu.memory_space<vmem>>, vector<16xf32>,
      %parallel_loop3A_273 = arith.constant 15 : i32
      %parallel_loop3A_274 = arith.index_cast %parallel_loop3A_273 : i32 to index
      %parallel_loop3A_275 = arith.index_cast %parallel_loop3A_212 : i32 to index
      %parallel_loop3A_276 = tpu.vector_load %arg7[%parallel_loop3A_274, %parallel_loop3A_275] {strides = array<i32>} : memref<32x2048xf32, #tpu.memory_space<vmem>>, vector<16xf32>,
      %parallel_loop3A_277 = arith.constant 16 : i32
      %parallel_loop3A_278 = arith.index_cast %parallel_loop3A_277 : i32 to index
      %parallel_loop3A_279 = arith.index_cast %parallel_loop3A_212 : i32 to index
      %parallel_loop3A_280 = tpu.vector_load %arg7[%parallel_loop3A_278, %parallel_loop3A_279] {strides = array<i32>} : memref<32x2048xf32, #tpu.memory_space<vmem>>, vector<16xf32>,
      %parallel_loop3A_281 = arith.constant 17 : i32
      %parallel_loop3A_282 = arith.index_cast %parallel_loop3A_281 : i32 to index
      %parallel_loop3A_283 = arith.index_cast %parallel_loop3A_212 : i32 to index
      %parallel_loop3A_284 = tpu.vector_load %arg7[%parallel_loop3A_282, %parallel_loop3A_283] {strides = array<i32>} : memref<32x2048xf32, #tpu.memory_space<vmem>>, vector<16xf32>,
      %parallel_loop3A_285 = arith.constant 18 : i32
      %parallel_loop3A_286 = arith.index_cast %parallel_loop3A_285 : i32 to index
      %parallel_loop3A_287 = arith.index_cast %parallel_loop3A_212 : i32 to index
      %parallel_loop3A_288 = tpu.vector_load %arg7[%parallel_loop3A_286, %parallel_loop3A_287] {strides = array<i32>} : memref<32x2048xf32, #tpu.memory_space<vmem>>, vector<16xf32>,
      %parallel_loop3A_289 = arith.constant 19 : i32
      %parallel_loop3A_290 = arith.index_cast %parallel_loop3A_289 : i32 to index
      %parallel_loop3A_291 = arith.index_cast %parallel_loop3A_212 : i32 to index
      %parallel_loop3A_292 = tpu.vector_load %arg7[%parallel_loop3A_290, %parallel_loop3A_291] {strides = array<i32>} : memref<32x2048xf32, #tpu.memory_space<vmem>>, vector<16xf32>,
      %parallel_loop3A_293 = arith.constant 20 : i32
      %parallel_loop3A_294 = arith.index_cast %parallel_loop3A_293 : i32 to index
      %parallel_loop3A_295 = arith.index_cast %parallel_loop3A_212 : i32 to index
      %parallel_loop3A_296 = tpu.vector_load %arg7[%parallel_loop3A_294, %parallel_loop3A_295] {strides = array<i32>} : memref<32x2048xf32, #tpu.memory_space<vmem>>, vector<16xf32>,
      %parallel_loop3A_297 = arith.constant 21 : i32
      %parallel_loop3A_298 = arith.index_cast %parallel_loop3A_297 : i32 to index
      %parallel_loop3A_299 = arith.index_cast %parallel_loop3A_212 : i32 to index
      %parallel_loop3A_300 = tpu.vector_load %arg7[%parallel_loop3A_298, %parallel_loop3A_299] {strides = array<i32>} : memref<32x2048xf32, #tpu.memory_space<vmem>>, vector<16xf32>,
      %parallel_loop3A_301 = arith.constant 22 : i32
      %parallel_loop3A_302 = arith.index_cast %parallel_loop3A_301 : i32 to index
      %parallel_loop3A_303 = arith.index_cast %parallel_loop3A_212 : i32 to index
      %parallel_loop3A_304 = tpu.vector_load %arg7[%parallel_loop3A_302, %parallel_loop3A_303] {strides = array<i32>} : memref<32x2048xf32, #tpu.memory_space<vmem>>, vector<16xf32>,
      %parallel_loop3A_305 = arith.constant 23 : i32
      %parallel_loop3A_306 = arith.index_cast %parallel_loop3A_305 : i32 to index
      %parallel_loop3A_307 = arith.index_cast %parallel_loop3A_212 : i32 to index
      %parallel_loop3A_308 = tpu.vector_load %arg7[%parallel_loop3A_306, %parallel_loop3A_307] {strides = array<i32>} : memref<32x2048xf32, #tpu.memory_space<vmem>>, vector<16xf32>,
      %parallel_loop3A_309 = arith.constant 24 : i32
      %parallel_loop3A_310 = arith.index_cast %parallel_loop3A_309 : i32 to index
      %parallel_loop3A_311 = arith.index_cast %parallel_loop3A_212 : i32 to index
      %parallel_loop3A_312 = tpu.vector_load %arg7[%parallel_loop3A_310, %parallel_loop3A_311] {strides = array<i32>} : memref<32x2048xf32, #tpu.memory_space<vmem>>, vector<16xf32>,
      %parallel_loop3A_313 = arith.constant 25 : i32
      %parallel_loop3A_314 = arith.index_cast %parallel_loop3A_313 : i32 to index
      %parallel_loop3A_315 = arith.index_cast %parallel_loop3A_212 : i32 to index
      %parallel_loop3A_316 = tpu.vector_load %arg7[%parallel_loop3A_314, %parallel_loop3A_315] {strides = array<i32>} : memref<32x2048xf32, #tpu.memory_space<vmem>>, vector<16xf32>,
      %parallel_loop3A_317 = arith.constant 26 : i32
      %parallel_loop3A_318 = arith.index_cast %parallel_loop3A_317 : i32 to index
      %parallel_loop3A_319 = arith.index_cast %parallel_loop3A_212 : i32 to index
      %parallel_loop3A_320 = tpu.vector_load %arg7[%parallel_loop3A_318, %parallel_loop3A_319] {strides = array<i32>} : memref<32x2048xf32, #tpu.memory_space<vmem>>, vector<16xf32>,
      %parallel_loop3A_321 = arith.constant 27 : i32
      %parallel_loop3A_322 = arith.index_cast %parallel_loop3A_321 : i32 to index
      %parallel_loop3A_323 = arith.index_cast %parallel_loop3A_212 : i32 to index
      %parallel_loop3A_324 = tpu.vector_load %arg7[%parallel_loop3A_322, %parallel_loop3A_323] {strides = array<i32>} : memref<32x2048xf32, #tpu.memory_space<vmem>>, vector<16xf32>,
      %parallel_loop3A_325 = arith.constant 28 : i32
      %parallel_loop3A_326 = arith.index_cast %parallel_loop3A_325 : i32 to index
      %parallel_loop3A_327 = arith.index_cast %parallel_loop3A_212 : i32 to index
      %parallel_loop3A_328 = tpu.vector_load %arg7[%parallel_loop3A_326, %parallel_loop3A_327] {strides = array<i32>} : memref<32x2048xf32, #tpu.memory_space<vmem>>, vector<16xf32>,
      %parallel_loop3A_329 = arith.constant 29 : i32
      %parallel_loop3A_330 = arith.index_cast %parallel_loop3A_329 : i32 to index
      %parallel_loop3A_331 = arith.index_cast %parallel_loop3A_212 : i32 to index
      %parallel_loop3A_332 = tpu.vector_load %arg7[%parallel_loop3A_330, %parallel_loop3A_331] {strides = array<i32>} : memref<32x2048xf32, #tpu.memory_space<vmem>>, vector<16xf32>,
      %parallel_loop3A_333 = arith.constant 30 : i32
      %parallel_loop3A_334 = arith.index_cast %parallel_loop3A_333 : i32 to index
      %parallel_loop3A_335 = arith.index_cast %parallel_loop3A_212 : i32 to index
      %parallel_loop3A_336 = tpu.vector_load %arg7[%parallel_loop3A_334, %parallel_loop3A_335] {strides = array<i32>} : memref<32x2048xf32, #tpu.memory_space<vmem>>, vector<16xf32>,
      %parallel_loop3A_337 = arith.constant 31 : i32
      %parallel_loop3A_338 = arith.index_cast %parallel_loop3A_337 : i32 to index
      %parallel_loop3A_339 = arith.index_cast %parallel_loop3A_212 : i32 to index
      %parallel_loop3A_340 = tpu.vector_load %arg7[%parallel_loop3A_338, %parallel_loop3A_339] {strides = array<i32>} : memref<32x2048xf32, #tpu.memory_space<vmem>>, vector<16xf32>,
      %parallel_loop3A_341 = arith.addf %parallel_loop3A_216, %parallel_loop3A_220 : vector<16xf32>
      %parallel_loop3A_342 = arith.addf %parallel_loop3A_224, %parallel_loop3A_228 : vector<16xf32>
      %parallel_loop3A_343 = arith.addf %parallel_loop3A_232, %parallel_loop3A_236 : vector<16xf32>
      %parallel_loop3A_344 = arith.addf %parallel_loop3A_240, %parallel_loop3A_244 : vector<16xf32>
      %parallel_loop3A_345 = arith.addf %parallel_loop3A_248, %parallel_loop3A_252 : vector<16xf32>
      %parallel_loop3A_346 = arith.addf %parallel_loop3A_256, %parallel_loop3A_260 : vector<16xf32>
      %parallel_loop3A_347 = arith.addf %parallel_loop3A_264, %parallel_loop3A_268 : vector<16xf32>
      %parallel_loop3A_348 = arith.addf %parallel_loop3A_272, %parallel_loop3A_276 : vector<16xf32>
      %parallel_loop3A_349 = arith.addf %parallel_loop3A_280, %parallel_loop3A_284 : vector<16xf32>
      %parallel_loop3A_350 = arith.addf %parallel_loop3A_288, %parallel_loop3A_292 : vector<16xf32>
      %parallel_loop3A_351 = arith.addf %parallel_loop3A_296, %parallel_loop3A_300 : vector<16xf32>
      %parallel_loop3A_352 = arith.addf %parallel_loop3A_304, %parallel_loop3A_308 : vector<16xf32>
      %parallel_loop3A_353 = arith.addf %parallel_loop3A_312, %parallel_loop3A_316 : vector<16xf32>
      %parallel_loop3A_354 = arith.addf %parallel_loop3A_320, %parallel_loop3A_324 : vector<16xf32>
      %parallel_loop3A_355 = arith.addf %parallel_loop3A_328, %parallel_loop3A_332 : vector<16xf32>
      %parallel_loop3A_356 = arith.addf %parallel_loop3A_336, %parallel_loop3A_340 : vector<16xf32>
      %parallel_loop3A_357 = arith.addf %parallel_loop3A_341, %parallel_loop3A_342 : vector<16xf32>
      %parallel_loop3A_358 = arith.addf %parallel_loop3A_343, %parallel_loop3A_344 : vector<16xf32>
      %parallel_loop3A_359 = arith.addf %parallel_loop3A_345, %parallel_loop3A_346 : vector<16xf32>
      %parallel_loop3A_360 = arith.addf %parallel_loop3A_347, %parallel_loop3A_348 : vector<16xf32>
      %parallel_loop3A_361 = arith.addf %parallel_loop3A_349, %parallel_loop3A_350 : vector<16xf32>
      %parallel_loop3A_362 = arith.addf %parallel_loop3A_351, %parallel_loop3A_352 : vector<16xf32>
      %parallel_loop3A_363 = arith.addf %parallel_loop3A_353, %parallel_loop3A_354 : vector<16xf32>
      %parallel_loop3A_364 = arith.addf %parallel_loop3A_355, %parallel_loop3A_356 : vector<16xf32>
      %parallel_loop3A_365 = arith.addf %parallel_loop3A_357, %parallel_loop3A_358 : vector<16xf32>
      %parallel_loop3A_366 = arith.addf %parallel_loop3A_359, %parallel_loop3A_360 : vector<16xf32>
      %parallel_loop3A_367 = arith.addf %parallel_loop3A_361, %parallel_loop3A_362 : vector<16xf32>
      %parallel_loop3A_368 = arith.addf %parallel_loop3A_363, %parallel_loop3A_364 : vector<16xf32>
      %parallel_loop3A_369 = arith.addf %parallel_loop3A_365, %parallel_loop3A_366 : vector<16xf32>
      %parallel_loop3A_370 = arith.addf %parallel_loop3A_367, %parallel_loop3A_368 : vector<16xf32>
      %parallel_loop3A_371 = arith.addf %parallel_loop3A_369, %parallel_loop3A_370 : vector<16xf32>
      %parallel_loop3A_372 = arith.index_cast %parallel_loop3A_212 : i32 to index
      %parallel_loop3A_373 = tpu.vector_load %arg8[%parallel_loop3A_372] {strides = array<i32>} : memref<2048xf32, #tpu.memory_space<vmem>>, vector<16xf32>,
      tpu.vector_store %arg8[%parallel_loop3A_372], %parallel_loop3A_371 {strides = array<i32>} : memref<2048xf32, #tpu.memory_space<vmem>>, vector<16xf32>,
    } {sc.loop_unroll_factor = 2 : i64, sc.parallel_access}
    %get3A = arith.constant 0 : i32
    %get3A_3 = arith.index_cast %get3A : i32 to index
    %get3A_4 = arith.constant 0 : index
    %get3A_5 = tpu.vector_load %arg9[%get3A_3, %get3A_4] {strides = array<i32>} : memref<32x16xi32, #tpu.memory_space<vmem>>, vector<16xi32>,
    %get3A_6 = arith.constant 1 : i32
    %get3A_7 = arith.index_cast %get3A_6 : i32 to index
    %get3A_8 = arith.constant 0 : index
    %get3A_9 = tpu.vector_load %arg9[%get3A_7, %get3A_8] {strides = array<i32>} : memref<32x16xi32, #tpu.memory_space<vmem>>, vector<16xi32>,
    %get3A_10 = arith.constant 2 : i32
    %get3A_11 = arith.index_cast %get3A_10 : i32 to index
    %get3A_12 = arith.constant 0 : index
    %get3A_13 = tpu.vector_load %arg9[%get3A_11, %get3A_12] {strides = array<i32>} : memref<32x16xi32, #tpu.memory_space<vmem>>, vector<16xi32>,
    %get3A_14 = arith.constant 3 : i32
    %get3A_15 = arith.index_cast %get3A_14 : i32 to index
    %get3A_16 = arith.constant 0 : index
    %get3A_17 = tpu.vector_load %arg9[%get3A_15, %get3A_16] {strides = array<i32>} : memref<32x16xi32, #tpu.memory_space<vmem>>, vector<16xi32>,
    %get3A_18 = arith.constant 4 : i32
    %get3A_19 = arith.index_cast %get3A_18 : i32 to index
    %get3A_20 = arith.constant 0 : index
    %get3A_21 = tpu.vector_load %arg9[%get3A_19, %get3A_20] {strides = array<i32>} : memref<32x16xi32, #tpu.memory_space<vmem>>, vector<16xi32>,
    %get3A_22 = arith.constant 5 : i32
    %get3A_23 = arith.index_cast %get3A_22 : i32 to index
    %get3A_24 = arith.constant 0 : index
    %get3A_25 = tpu.vector_load %arg9[%get3A_23, %get3A_24] {strides = array<i32>} : memref<32x16xi32, #tpu.memory_space<vmem>>, vector<16xi32>,
    %get3A_26 = arith.constant 6 : i32
    %get3A_27 = arith.index_cast %get3A_26 : i32 to index
    %get3A_28 = arith.constant 0 : index
    %get3A_29 = tpu.vector_load %arg9[%get3A_27, %get3A_28] {strides = array<i32>} : memref<32x16xi32, #tpu.memory_space<vmem>>, vector<16xi32>,
    %get3A_30 = arith.constant 7 : i32
    %get3A_31 = arith.index_cast %get3A_30 : i32 to index
    %get3A_32 = arith.constant 0 : index
    %get3A_33 = tpu.vector_load %arg9[%get3A_31, %get3A_32] {strides = array<i32>} : memref<32x16xi32, #tpu.memory_space<vmem>>, vector<16xi32>,
    %get3A_34 = arith.constant 8 : i32
    %get3A_35 = arith.index_cast %get3A_34 : i32 to index
    %get3A_36 = arith.constant 0 : index
    %get3A_37 = tpu.vector_load %arg9[%get3A_35, %get3A_36] {strides = array<i32>} : memref<32x16xi32, #tpu.memory_space<vmem>>, vector<16xi32>,
    %get3A_38 = arith.constant 9 : i32
    %get3A_39 = arith.index_cast %get3A_38 : i32 to index
    %get3A_40 = arith.constant 0 : index
    %get3A_41 = tpu.vector_load %arg9[%get3A_39, %get3A_40] {strides = array<i32>} : memref<32x16xi32, #tpu.memory_space<vmem>>, vector<16xi32>,
    %get3A_42 = arith.constant 10 : i32
    %get3A_43 = arith.index_cast %get3A_42 : i32 to index
    %get3A_44 = arith.constant 0 : index
    %get3A_45 = tpu.vector_load %arg9[%get3A_43, %get3A_44] {strides = array<i32>} : memref<32x16xi32, #tpu.memory_space<vmem>>, vector<16xi32>,
    %get3A_46 = arith.constant 11 : i32
    %get3A_47 = arith.index_cast %get3A_46 : i32 to index
    %get3A_48 = arith.constant 0 : index
    %get3A_49 = tpu.vector_load %arg9[%get3A_47, %get3A_48] {strides = array<i32>} : memref<32x16xi32, #tpu.memory_space<vmem>>, vector<16xi32>,
    %get3A_50 = arith.constant 12 : i32
    %get3A_51 = arith.index_cast %get3A_50 : i32 to index
    %get3A_52 = arith.constant 0 : index
    %get3A_53 = tpu.vector_load %arg9[%get3A_51, %get3A_52] {strides = array<i32>} : memref<32x16xi32, #tpu.memory_space<vmem>>, vector<16xi32>,
    %get3A_54 = arith.constant 13 : i32
    %get3A_55 = arith.index_cast %get3A_54 : i32 to index
    %get3A_56 = arith.constant 0 : index
    %get3A_57 = tpu.vector_load %arg9[%get3A_55, %get3A_56] {strides = array<i32>} : memref<32x16xi32, #tpu.memory_space<vmem>>, vector<16xi32>,
    %get3A_58 = arith.constant 14 : i32
    %get3A_59 = arith.index_cast %get3A_58 : i32 to index
    %get3A_60 = arith.constant 0 : index
    %get3A_61 = tpu.vector_load %arg9[%get3A_59, %get3A_60] {strides = array<i32>} : memref<32x16xi32, #tpu.memory_space<vmem>>, vector<16xi32>,
    %get3A_62 = arith.constant 15 : i32
    %get3A_63 = arith.index_cast %get3A_62 : i32 to index
    %get3A_64 = arith.constant 0 : index
    %get3A_65 = tpu.vector_load %arg9[%get3A_63, %get3A_64] {strides = array<i32>} : memref<32x16xi32, #tpu.memory_space<vmem>>, vector<16xi32>,
    %get3A_66 = arith.constant 16 : i32
    %get3A_67 = arith.index_cast %get3A_66 : i32 to index
    %get3A_68 = arith.constant 0 : index
    %get3A_69 = tpu.vector_load %arg9[%get3A_67, %get3A_68] {strides = array<i32>} : memref<32x16xi32, #tpu.memory_space<vmem>>, vector<16xi32>,
    %get3A_70 = arith.constant 17 : i32
    %get3A_71 = arith.index_cast %get3A_70 : i32 to index
    %get3A_72 = arith.constant 0 : index
    %get3A_73 = tpu.vector_load %arg9[%get3A_71, %get3A_72] {strides = array<i32>} : memref<32x16xi32, #tpu.memory_space<vmem>>, vector<16xi32>,
    %get3A_74 = arith.constant 18 : i32
    %get3A_75 = arith.index_cast %get3A_74 : i32 to index
    %get3A_76 = arith.constant 0 : index
    %get3A_77 = tpu.vector_load %arg9[%get3A_75, %get3A_76] {strides = array<i32>} : memref<32x16xi32, #tpu.memory_space<vmem>>, vector<16xi32>,
    %get3A_78 = arith.constant 19 : i32
    %get3A_79 = arith.index_cast %get3A_78 : i32 to index
    %get3A_80 = arith.constant 0 : index
    %get3A_81 = tpu.vector_load %arg9[%get3A_79, %get3A_80] {strides = array<i32>} : memref<32x16xi32, #tpu.memory_space<vmem>>, vector<16xi32>,
    %get3A_82 = arith.constant 20 : i32
    %get3A_83 = arith.index_cast %get3A_82 : i32 to index
    %get3A_84 = arith.constant 0 : index
    %get3A_85 = tpu.vector_load %arg9[%get3A_83, %get3A_84] {strides = array<i32>} : memref<32x16xi32, #tpu.memory_space<vmem>>, vector<16xi32>,
    %get3A_86 = arith.constant 21 : i32
    %get3A_87 = arith.index_cast %get3A_86 : i32 to index
    %get3A_88 = arith.constant 0 : index
    %get3A_89 = tpu.vector_load %arg9[%get3A_87, %get3A_88] {strides = array<i32>} : memref<32x16xi32, #tpu.memory_space<vmem>>, vector<16xi32>,
    %get3A_90 = arith.constant 22 : i32
    %get3A_91 = arith.index_cast %get3A_90 : i32 to index
    %get3A_92 = arith.constant 0 : index
    %get3A_93 = tpu.vector_load %arg9[%get3A_91, %get3A_92] {strides = array<i32>} : memref<32x16xi32, #tpu.memory_space<vmem>>, vector<16xi32>,
    %get3A_94 = arith.constant 23 : i32
    %get3A_95 = arith.index_cast %get3A_94 : i32 to index
    %get3A_96 = arith.constant 0 : index
    %get3A_97 = tpu.vector_load %arg9[%get3A_95, %get3A_96] {strides = array<i32>} : memref<32x16xi32, #tpu.memory_space<vmem>>, vector<16xi32>,
    %get3A_98 = arith.constant 24 : i32
    %get3A_99 = arith.index_cast %get3A_98 : i32 to index
    %get3A_100 = arith.constant 0 : index
    %get3A_101 = tpu.vector_load %arg9[%get3A_99, %get3A_100] {strides = array<i32>} : memref<32x16xi32, #tpu.memory_space<vmem>>, vector<16xi32>,
    %get3A_102 = arith.constant 25 : i32
    %get3A_103 = arith.index_cast %get3A_102 : i32 to index
    %get3A_104 = arith.constant 0 : index
    %get3A_105 = tpu.vector_load %arg9[%get3A_103, %get3A_104] {strides = array<i32>} : memref<32x16xi32, #tpu.memory_space<vmem>>, vector<16xi32>,
    %get3A_106 = arith.constant 26 : i32
    %get3A_107 = arith.index_cast %get3A_106 : i32 to index
    %get3A_108 = arith.constant 0 : index
    %get3A_109 = tpu.vector_load %arg9[%get3A_107, %get3A_108] {strides = array<i32>} : memref<32x16xi32, #tpu.memory_space<vmem>>, vector<16xi32>,
    %get3A_110 = arith.constant 27 : i32
    %get3A_111 = arith.index_cast %get3A_110 : i32 to index
    %get3A_112 = arith.constant 0 : index
    %get3A_113 = tpu.vector_load %arg9[%get3A_111, %get3A_112] {strides = array<i32>} : memref<32x16xi32, #tpu.memory_space<vmem>>, vector<16xi32>,
    %get3A_114 = arith.constant 28 : i32
    %get3A_115 = arith.index_cast %get3A_114 : i32 to index
    %get3A_116 = arith.constant 0 : index
    %get3A_117 = tpu.vector_load %arg9[%get3A_115, %get3A_116] {strides = array<i32>} : memref<32x16xi32, #tpu.memory_space<vmem>>, vector<16xi32>,
    %get3A_118 = arith.constant 29 : i32
    %get3A_119 = arith.index_cast %get3A_118 : i32 to index
    %get3A_120 = arith.constant 0 : index
    %get3A_121 = tpu.vector_load %arg9[%get3A_119, %get3A_120] {strides = array<i32>} : memref<32x16xi32, #tpu.memory_space<vmem>>, vector<16xi32>,
    %get3A_122 = arith.constant 30 : i32
    %get3A_123 = arith.index_cast %get3A_122 : i32 to index
    %get3A_124 = arith.constant 0 : index
    %get3A_125 = tpu.vector_load %arg9[%get3A_123, %get3A_124] {strides = array<i32>} : memref<32x16xi32, #tpu.memory_space<vmem>>, vector<16xi32>,
    %get3A_126 = arith.constant 31 : i32
    %get3A_127 = arith.index_cast %get3A_126 : i32 to index
    %get3A_128 = arith.constant 0 : index
    %get3A_129 = tpu.vector_load %arg9[%get3A_127, %get3A_128] {strides = array<i32>} : memref<32x16xi32, #tpu.memory_space<vmem>>, vector<16xi32>,
    %add3A_130 = arith.addi %get3A_5, %get3A_9 : vector<16xi32>
    %add3A_131 = arith.addi %get3A_13, %get3A_17 : vector<16xi32>
    %add3A_132 = arith.addi %get3A_21, %get3A_25 : vector<16xi32>
    %add3A_133 = arith.addi %get3A_29, %get3A_33 : vector<16xi32>
    %add3A_134 = arith.addi %get3A_37, %get3A_41 : vector<16xi32>
    %add3A_135 = arith.addi %get3A_45, %get3A_49 : vector<16xi32>
    %add3A_136 = arith.addi %get3A_53, %get3A_57 : vector<16xi32>
    %add3A_137 = arith.addi %get3A_61, %get3A_65 : vector<16xi32>
    %add3A_138 = arith.addi %get3A_69, %get3A_73 : vector<16xi32>
    %add3A_139 = arith.addi %get3A_77, %get3A_81 : vector<16xi32>
    %add3A_140 = arith.addi %get3A_85, %get3A_89 : vector<16xi32>
    %add3A_141 = arith.addi %get3A_93, %get3A_97 : vector<16xi32>
    %add3A_142 = arith.addi %get3A_101, %get3A_105 : vector<16xi32>
    %add3A_143 = arith.addi %get3A_109, %get3A_113 : vector<16xi32>
    %add3A_144 = arith.addi %get3A_117, %get3A_121 : vector<16xi32>
    %add3A_145 = arith.addi %get3A_125, %get3A_129 : vector<16xi32>
    %add3A_146 = arith.addi %add3A_130, %add3A_131 : vector<16xi32>
    %add3A_147 = arith.addi %add3A_132, %add3A_133 : vector<16xi32>
    %add3A_148 = arith.addi %add3A_134, %add3A_135 : vector<16xi32>
    %add3A_149 = arith.addi %add3A_136, %add3A_137 : vector<16xi32>
    %add3A_150 = arith.addi %add3A_138, %add3A_139 : vector<16xi32>
    %add3A_151 = arith.addi %add3A_140, %add3A_141 : vector<16xi32>
    %add3A_152 = arith.addi %add3A_142, %add3A_143 : vector<16xi32>
    %add3A_153 = arith.addi %add3A_144, %add3A_145 : vector<16xi32>
    %add3A_154 = arith.addi %add3A_146, %add3A_147 : vector<16xi32>
    %add3A_155 = arith.addi %add3A_148, %add3A_149 : vector<16xi32>
    %add3A_156 = arith.addi %add3A_150, %add3A_151 : vector<16xi32>
    %add3A_157 = arith.addi %add3A_152, %add3A_153 : vector<16xi32>
    %add3A_158 = arith.addi %add3A_154, %add3A_155 : vector<16xi32>
    %add3A_159 = arith.addi %add3A_156, %add3A_157 : vector<16xi32>
    %add3A_160 = arith.addi %add3A_158, %add3A_159 : vector<16xi32>
    %slice3A = vector.extract_strided_slice %add3A_160 {offsets = [0], sizes = [1], strides = [1]} : vector<16xi32> to vector<1xi32>
    %squeeze3A = vector.extract %slice3A[0] : i32 from vector<1xi32>
    %slice3A_161 = vector.extract_strided_slice %add3A_160 {offsets = [1], sizes = [1], strides = [1]} : vector<16xi32> to vector<1xi32>
    %squeeze3A_162 = vector.extract %slice3A_161[0] : i32 from vector<1xi32>
    %mul3A_163 = arith.constant 3 : i32
    %mul3A_164 = arith.muli %mul3A_163, %squeeze3A : i32
    %max3A = arith.constant 0 : i32
    %max3A_165 = arith.maxsi %mul3A_164, %max3A : i32
    %min3A = arith.minsi %max3A_165, %squeeze3A_162 : i32
    %convert_element_type3A = arith.sitofp %min3A : i32 to f32
    %scan3A = arith.constant 0.000000e+00 : f32
    %scan3A_166 = arith.constant false
    %scan3A_167 = arith.constant 0 : i32
    %scan3A_168 = arith.constant 0.000000e+00 : f32
    %scan3A_169 = arith.constant 0 : i32
    %scan3A_170 = arith.constant 128 : i32
    %scan3A_171 = arith.addi %scan3A_169, %scan3A_170 : i32
    %scan3A_172 = arith.constant 1 : i32
    %scan3A_173:4 = scf.for %scan3A_210 = %scan3A_169 to %scan3A_171 step %scan3A_172 iter_args(%scan3A_211 = %scan3A, %scan3A_212 = %scan3A_166, %scan3A_213 = %scan3A_167, %scan3A_214 = %scan3A_168) -> (f32, i1, i32, f32)  : i32 {
      %add3A_215 = arith.constant 1 : i32
      %add3A_216 = arith.addi %scan3A_210, %add3A_215 : i32
      %mul3A_217 = arith.constant 16 : i32
      %mul3A_218 = arith.muli %mul3A_217, %add3A_216 : i32
      %sub3A_219 = arith.constant 2048 : i32
      %sub3A_220 = arith.subi %sub3A_219, %mul3A_218 : i32
      %get3A_221 = arith.index_cast %sub3A_220 : i32 to index
      %get3A_222 = tpu.vector_load %arg8[%get3A_221] {strides = array<i32>} : memref<2048xf32, #tpu.memory_space<vmem>>, vector<16xf32>,
      %broadcast_in_dim3A_223 = arith.constant true
      %broadcast_in_dim3A_224 = vector.broadcast %broadcast_in_dim3A_223 : i1 to vector<16xi1>
      %masked_cumsum3A = tpu.scan <sum>, %get3A_222 masked %broadcast_in_dim3A_224 : vector<16xf32>, vector<16xi1> -> vector<16xf32>
      %slice3A_225 = vector.extract_strided_slice %masked_cumsum3A {offsets = [15], sizes = [1], strides = [1]} : vector<16xf32> to vector<1xf32>
      %squeeze3A_226 = vector.extract %slice3A_225[0] : f32 from vector<1xf32>
      %sub3A_227 = vector.broadcast %squeeze3A_226 : f32 to vector<16xf32>
      %sub3A_228 = arith.subf %sub3A_227, %masked_cumsum3A : vector<16xf32>
      %add3A_229 = vector.broadcast %scan3A_211 : f32 to vector<16xf32>
      %add3A_230 = arith.addf %add3A_229, %sub3A_228 : vector<16xf32>
      %add3A_231 = arith.addf %add3A_230, %get3A_222 : vector<16xf32>
      %ge3A = vector.broadcast %convert_element_type3A : f32 to vector<16xf32>
      %ge3A_232 = arith.cmpf oge, %add3A_231, %ge3A : vector<16xf32>
      %all_reduce_population_count3A = tpu.all_reduce %ge3A_232 {dim = 0 : i64, kind = #tpu.reduction_kind<sum>} : vector<16xi1> -> vector<16xi32>
      %slice3A_233 = vector.extract_strided_slice %all_reduce_population_count3A {offsets = [0], sizes = [1], strides = [1]} : vector<16xi32> to vector<1xi32>
      %squeeze3A_234 = vector.extract %slice3A_233[0] : i32 from vector<1xi32>
      %gt3A = arith.constant 0 : i32
      %gt3A_235 = arith.cmpi sgt, %squeeze3A_234, %gt3A : i32
      %sub3A_236 = arith.constant 1 : i32
      %sub3A_237 = arith.subi %squeeze3A_234, %sub3A_236 : i32
      %jit3A = arith.constant 0.000000e+00 : f32
      %broadcast_in_dim3A_238 = vector.broadcast %jit3A : f32 to vector<16xf32>
      %select_n3A_239 = arith.select %ge3A_232, %masked_cumsum3A, %broadcast_in_dim3A_238 : vector<16xi1>, vector<16xf32>
      %reduce_max3A = arith.constant true
      %reduce_max3A_240 = vector.broadcast %reduce_max3A : i1 to vector<16xi1>
      %reduce_max3A_241 = tpu.scan <max>, %select_n3A_239 masked %reduce_max3A_240 : vector<16xf32>, vector<16xi1> -> vector<16xf32>
      %reduce_max3A_242 = vector.extract %reduce_max3A_241[15] : f32 from vector<16xf32>
      %not3A = arith.constant true
      %not3A_243 = arith.xori %scan3A_212, %not3A : i1
      %and3A = arith.andi %gt3A_235, %not3A_243 : i1
      %add3A_244 = arith.addi %sub3A_220, %sub3A_237 : i32
      %select_n3A_245 = arith.select %and3A, %add3A_244, %scan3A_213 : i32
      %add3A_246 = arith.addf %scan3A_211, %squeeze3A_226 : f32
      %sub3A_247 = arith.subf %add3A_246, %reduce_max3A_242 : f32
      %select_n3A_248 = arith.select %and3A, %sub3A_247, %scan3A_214 : f32
      %or3A = arith.ori %scan3A_212, %gt3A_235 : i1
      %add3A_249 = arith.addf %scan3A_211, %squeeze3A_226 : f32
      scf.yield %add3A_249, %or3A, %select_n3A_245, %select_n3A_248 : f32, i1, i32, f32
    }
    %scan3A_174 = arith.constant 128 : i32
    %convert_element_type3A_175 = arith.fptosi %scan3A_173#3 : f32 to i32
    %sub3A = arith.subi %min3A, %convert_element_type3A_175 : i32
    %parallel_loop3A_176 = arith.constant 0 : i32
    %parallel_loop3A_177 = arith.constant 129 : i32
    %parallel_loop3A_178 = arith.constant 1 : i32
    scf.for %parallel_loop3A_210 = %parallel_loop3A_176 to %parallel_loop3A_177 step %parallel_loop3A_178  : i32 {
      %parallel_loop3A_211 = arith.constant 0.000000e+00 : f32
      %parallel_loop3A_212 = vector.broadcast %parallel_loop3A_211 : f32 to vector<16xf32>
      %parallel_loop3A_213 = arith.constant 16 : i32
      %parallel_loop3A_214 = arith.muli %parallel_loop3A_210, %parallel_loop3A_213 : i32
      %parallel_loop3A_215 = arith.index_cast %parallel_loop3A_214 : i32 to index
      %parallel_loop3A_216 = tpu.vector_load %arg11[%parallel_loop3A_215] {strides = array<i32>} : memref<2064xf32, #tpu.memory_space<vmem>>, vector<16xf32>,
      tpu.vector_store %arg11[%parallel_loop3A_215], %parallel_loop3A_212 {strides = array<i32>} : memref<2064xf32, #tpu.memory_space<vmem>>, vector<16xf32>,
    } {sc.loop_unroll_factor = 8 : i64, sc.parallel_access}
    %broadcast_in_dim3A = arith.constant 1.000000e+00 : f32
    %broadcast_in_dim3A_179 = vector.broadcast %broadcast_in_dim3A : f32 to vector<16xf32>
    %mul3A_180 = arith.constant 2 : i32
    %mul3A_181 = arith.muli %add3A, %mul3A_180 : i32
    %add3A_182 = arith.constant 0 : i32
    %add3A_183 = arith.addi %mul3A_181, %add3A_182 : i32
    "tpu.region"() ({
      %run_scoped3A = tpu.sem_alloc : memref<!tpu.dma_semaphore, #tpu.memory_space<semaphore_mem>>
      %dma_start3A = arith.constant 0 : i32
      %dma_start3A_210 = tpu.memref_slice %arg4[%add3A_183, %dma_start3A] : memref<64x20000xi32, #tpu.memory_space<hbm>> -> memref<1x20000xi32, #tpu.memory_space<hbm>>
      %dma_start3A_211 = tpu.memref_squeeze %dma_start3A_210 : memref<1x20000xi32, #tpu.memory_space<hbm>> -> memref<20000xi32, #tpu.memory_space<hbm>>
      %dma_start3A_212 = arith.constant 0 : i32
      %dma_start3A_213 = tpu.memref_slice %arg4[%add3A_183, %dma_start3A_212] : memref<64x20000xi32, #tpu.memory_space<hbm>> -> memref<1x20000xi32, #tpu.memory_space<hbm>>
      %dma_start3A_214 = tpu.memref_squeeze %dma_start3A_213 : memref<1x20000xi32, #tpu.memory_space<hbm>> -> memref<20000xi32, #tpu.memory_space<hbm>>
      tpu.enqueue_dma source(%dma_start3A_214 : memref<20000xi32, #tpu.memory_space<hbm>>) target(%arg10 : memref<20000xi32, #tpu.memory_space<vmem>>) target_semaphore(%run_scoped3A : memref<!tpu.dma_semaphore, #tpu.memory_space<semaphore_mem>>)
      %dma_wait3A = arith.constant 0 : i32
      %dma_wait3A_215 = tpu.memref_slice %arg4[%add3A_183, %dma_wait3A] : memref<64x20000xi32, #tpu.memory_space<hbm>> -> memref<1x20000xi32, #tpu.memory_space<hbm>>
      %dma_wait3A_216 = tpu.memref_squeeze %dma_wait3A_215 : memref<1x20000xi32, #tpu.memory_space<hbm>> -> memref<20000xi32, #tpu.memory_space<hbm>>
      %dma_wait3A_217 = arith.constant 0 : i32
      %dma_wait3A_218 = tpu.memref_slice %arg4[%add3A_183, %dma_wait3A_217] : memref<64x20000xi32, #tpu.memory_space<hbm>> -> memref<1x20000xi32, #tpu.memory_space<hbm>>
      %dma_wait3A_219 = tpu.memref_squeeze %dma_wait3A_218 : memref<1x20000xi32, #tpu.memory_space<hbm>> -> memref<20000xi32, #tpu.memory_space<hbm>>
      tpu.wait_dma2 semaphore(%run_scoped3A : memref<!tpu.dma_semaphore, #tpu.memory_space<semaphore_mem>>) src(%dma_wait3A_219 : memref<20000xi32, #tpu.memory_space<hbm>>) dst(%arg10 : memref<20000xi32, #tpu.memory_space<vmem>>)
      tpu.yield
    }) : () -> ()
    %parallel_loop3A_184 = arith.constant 0 : i32
    %parallel_loop3A_185 = arith.constant 1250 : i32
    %parallel_loop3A_186 = arith.constant 1 : i32
    scf.for %parallel_loop3A_210 = %parallel_loop3A_184 to %parallel_loop3A_185 step %parallel_loop3A_186  : i32 {
      %parallel_loop3A_211 = arith.constant 16 : i32
      %parallel_loop3A_212 = arith.muli %parallel_loop3A_210, %parallel_loop3A_211 : i32
      %parallel_loop3A_213 = arith.index_cast %parallel_loop3A_212 : i32 to index
      %parallel_loop3A_214 = tpu.vector_load %arg10[%parallel_loop3A_213] {strides = array<i32>} : memref<20000xi32, #tpu.memory_space<vmem>>, vector<16xi32>,
      %parallel_loop3A_215 = arith.constant 21 : i32
      %parallel_loop3A_216 = vector.broadcast %parallel_loop3A_215 : i32 to vector<16xi32>
      %parallel_loop3A_217 = arith.shrsi %parallel_loop3A_214, %parallel_loop3A_216 : vector<16xi32>
      %parallel_loop3A_218 = arith.constant 1024 : i32
      %parallel_loop3A_219 = vector.broadcast %parallel_loop3A_218 : i32 to vector<16xi32>
      %parallel_loop3A_220 = arith.addi %parallel_loop3A_217, %parallel_loop3A_219 : vector<16xi32>
      %parallel_loop3A_221 = vector.broadcast %scan3A_173#2 : i32 to vector<16xi32>
      %parallel_loop3A_222 = arith.cmpi eq, %parallel_loop3A_220, %parallel_loop3A_221 : vector<16xi32>
      %parallel_loop3A_223 = arith.constant 10 : i32
      %parallel_loop3A_224 = vector.broadcast %parallel_loop3A_223 : i32 to vector<16xi32>
      %parallel_loop3A_225 = arith.shrsi %parallel_loop3A_214, %parallel_loop3A_224 : vector<16xi32>
      %parallel_loop3A_226 = arith.constant 2047 : i32
      %parallel_loop3A_227 = vector.broadcast %parallel_loop3A_226 : i32 to vector<16xi32>
      %parallel_loop3A_228 = arith.andi %parallel_loop3A_225, %parallel_loop3A_227 : vector<16xi32>
      %parallel_loop3A_229 = arith.constant 2048 : i32
      %parallel_loop3A_230 = vector.broadcast %parallel_loop3A_229 : i32 to vector<16xi32>
      %parallel_loop3A_231 = arith.select %parallel_loop3A_222, %parallel_loop3A_228, %parallel_loop3A_230 : vector<16xi1>, vector<16xi32>
      tpu.vector_store_idx %arg11[%parallel_loop3A_231], %broadcast_in_dim3A_179 {add = true} : memref<2064xf32, #tpu.memory_space<vmem>>[vector<16xi32>], vector<16xf32>,
    } {sc.loop_unroll_factor = 8 : i64, sc.parallel_access}
    %mul3A_187 = arith.constant 2 : i32
    %mul3A_188 = arith.muli %add3A, %mul3A_187 : i32
    %add3A_189 = arith.constant 1 : i32
    %add3A_190 = arith.addi %mul3A_188, %add3A_189 : i32
    "tpu.region"() ({
      %run_scoped3A = tpu.sem_alloc : memref<!tpu.dma_semaphore, #tpu.memory_space<semaphore_mem>>
      %dma_start3A = arith.constant 0 : i32
      %dma_start3A_210 = tpu.memref_slice %arg4[%add3A_190, %dma_start3A] : memref<64x20000xi32, #tpu.memory_space<hbm>> -> memref<1x20000xi32, #tpu.memory_space<hbm>>
      %dma_start3A_211 = tpu.memref_squeeze %dma_start3A_210 : memref<1x20000xi32, #tpu.memory_space<hbm>> -> memref<20000xi32, #tpu.memory_space<hbm>>
      %dma_start3A_212 = arith.constant 0 : i32
      %dma_start3A_213 = tpu.memref_slice %arg4[%add3A_190, %dma_start3A_212] : memref<64x20000xi32, #tpu.memory_space<hbm>> -> memref<1x20000xi32, #tpu.memory_space<hbm>>
      %dma_start3A_214 = tpu.memref_squeeze %dma_start3A_213 : memref<1x20000xi32, #tpu.memory_space<hbm>> -> memref<20000xi32, #tpu.memory_space<hbm>>
      tpu.enqueue_dma source(%dma_start3A_214 : memref<20000xi32, #tpu.memory_space<hbm>>) target(%arg10 : memref<20000xi32, #tpu.memory_space<vmem>>) target_semaphore(%run_scoped3A : memref<!tpu.dma_semaphore, #tpu.memory_space<semaphore_mem>>)
      %dma_wait3A = arith.constant 0 : i32
      %dma_wait3A_215 = tpu.memref_slice %arg4[%add3A_190, %dma_wait3A] : memref<64x20000xi32, #tpu.memory_space<hbm>> -> memref<1x20000xi32, #tpu.memory_space<hbm>>
      %dma_wait3A_216 = tpu.memref_squeeze %dma_wait3A_215 : memref<1x20000xi32, #tpu.memory_space<hbm>> -> memref<20000xi32, #tpu.memory_space<hbm>>
      %dma_wait3A_217 = arith.constant 0 : i32
      %dma_wait3A_218 = tpu.memref_slice %arg4[%add3A_190, %dma_wait3A_217] : memref<64x20000xi32, #tpu.memory_space<hbm>> -> memref<1x20000xi32, #tpu.memory_space<hbm>>
      %dma_wait3A_219 = tpu.memref_squeeze %dma_wait3A_218 : memref<1x20000xi32, #tpu.memory_space<hbm>> -> memref<20000xi32, #tpu.memory_space<hbm>>
      tpu.wait_dma2 semaphore(%run_scoped3A : memref<!tpu.dma_semaphore, #tpu.memory_space<semaphore_mem>>) src(%dma_wait3A_219 : memref<20000xi32, #tpu.memory_space<hbm>>) dst(%arg10 : memref<20000xi32, #tpu.memory_space<vmem>>)
      tpu.yield
    }) : () -> ()
    %parallel_loop3A_191 = arith.constant 0 : i32
    %parallel_loop3A_192 = arith.constant 1250 : i32
    %parallel_loop3A_193 = arith.constant 1 : i32
    scf.for %parallel_loop3A_210 = %parallel_loop3A_191 to %parallel_loop3A_192 step %parallel_loop3A_193  : i32 {
      %parallel_loop3A_211 = arith.constant 16 : i32
      %parallel_loop3A_212 = arith.muli %parallel_loop3A_210, %parallel_loop3A_211 : i32
      %parallel_loop3A_213 = arith.index_cast %parallel_loop3A_212 : i32 to index
      %parallel_loop3A_214 = tpu.vector_load %arg10[%parallel_loop3A_213] {strides = array<i32>} : memref<20000xi32, #tpu.memory_space<vmem>>, vector<16xi32>,
      %parallel_loop3A_215 = arith.constant 21 : i32
      %parallel_loop3A_216 = vector.broadcast %parallel_loop3A_215 : i32 to vector<16xi32>
      %parallel_loop3A_217 = arith.shrsi %parallel_loop3A_214, %parallel_loop3A_216 : vector<16xi32>
      %parallel_loop3A_218 = arith.constant 1024 : i32
      %parallel_loop3A_219 = vector.broadcast %parallel_loop3A_218 : i32 to vector<16xi32>
      %parallel_loop3A_220 = arith.addi %parallel_loop3A_217, %parallel_loop3A_219 : vector<16xi32>
      %parallel_loop3A_221 = vector.broadcast %scan3A_173#2 : i32 to vector<16xi32>
      %parallel_loop3A_222 = arith.cmpi eq, %parallel_loop3A_220, %parallel_loop3A_221 : vector<16xi32>
      %parallel_loop3A_223 = arith.constant 10 : i32
      %parallel_loop3A_224 = vector.broadcast %parallel_loop3A_223 : i32 to vector<16xi32>
      %parallel_loop3A_225 = arith.shrsi %parallel_loop3A_214, %parallel_loop3A_224 : vector<16xi32>
      %parallel_loop3A_226 = arith.constant 2047 : i32
      %parallel_loop3A_227 = vector.broadcast %parallel_loop3A_226 : i32 to vector<16xi32>
      %parallel_loop3A_228 = arith.andi %parallel_loop3A_225, %parallel_loop3A_227 : vector<16xi32>
      %parallel_loop3A_229 = arith.constant 2048 : i32
      %parallel_loop3A_230 = vector.broadcast %parallel_loop3A_229 : i32 to vector<16xi32>
      %parallel_loop3A_231 = arith.select %parallel_loop3A_222, %parallel_loop3A_228, %parallel_loop3A_230 : vector<16xi1>, vector<16xi32>
      tpu.vector_store_idx %arg11[%parallel_loop3A_231], %broadcast_in_dim3A_179 {add = true} : memref<2064xf32, #tpu.memory_space<vmem>>[vector<16xi32>], vector<16xf32>,
    } {sc.loop_unroll_factor = 8 : i64, sc.parallel_access}
    %iota3A = tpu.iota {dimensions = array<i32: 0>} : vector<16xi32>
    %broadcast_in_dim3A_194 = arith.constant 0 : i32
    %broadcast_in_dim3A_195 = vector.broadcast %broadcast_in_dim3A_194 : i32 to vector<16xi32>
    %eq3A = arith.constant 0 : i32
    %eq3A_196 = vector.broadcast %eq3A : i32 to vector<16xi32>
    %eq3A_197 = arith.cmpi eq, %iota3A, %eq3A_196 : vector<16xi32>
    %broadcast_in_dim3A_198 = vector.broadcast %scan3A_173#2 : i32 to vector<16xi32>
    %select_n3A = arith.select %eq3A_197, %broadcast_in_dim3A_198, %broadcast_in_dim3A_195 : vector<16xi1>, vector<16xi32>
    %eq3A_199 = arith.constant 1 : i32
    %eq3A_200 = vector.broadcast %eq3A_199 : i32 to vector<16xi32>
    %eq3A_201 = arith.cmpi eq, %iota3A, %eq3A_200 : vector<16xi32>
    %broadcast_in_dim3A_202 = vector.broadcast %sub3A : i32 to vector<16xi32>
    %select_n3A_203 = arith.select %eq3A_201, %broadcast_in_dim3A_202, %select_n3A : vector<16xi1>, vector<16xi32>
    %eq3A_204 = arith.constant 3 : i32
    %eq3A_205 = vector.broadcast %eq3A_204 : i32 to vector<16xi32>
    %eq3A_206 = arith.cmpi eq, %iota3A, %eq3A_205 : vector<16xi32>
    %broadcast_in_dim3A_207 = vector.broadcast %min3A : i32 to vector<16xi32>
    %select_n3A_208 = arith.select %eq3A_206, %broadcast_in_dim3A_207, %select_n3A_203 : vector<16xi1>, vector<16xi32>
    %swap3A = arith.constant 0 : index
    %swap3A_209 = tpu.vector_load %arg12[%swap3A] {strides = array<i32>} : memref<16xi32, #tpu.memory_space<vmem>>, vector<16xi32>,
    tpu.vector_store %arg12[%swap3A], %select_n3A_208 {strides = array<i32>} : memref<16xi32, #tpu.memory_space<vmem>>, vector<16xi32>,
    "tpu.region"() ({
      %run_scoped3A = tpu.sem_alloc : memref<!tpu.dma_semaphore, #tpu.memory_space<semaphore_mem>>
      %dma_start3A = arith.constant 0 : i32
      %dma_start3A_210 = tpu.memref_slice %arg5[%add3A, %dma_start3A] : memref<32x2064xf32, #tpu.memory_space<hbm>> -> memref<1x2064xf32, #tpu.memory_space<hbm>>
      %dma_start3A_211 = tpu.memref_squeeze %dma_start3A_210 : memref<1x2064xf32, #tpu.memory_space<hbm>> -> memref<2064xf32, #tpu.memory_space<hbm>>
      %dma_start3A_212 = arith.constant 0 : i32
      %dma_start3A_213 = tpu.memref_slice %arg5[%add3A, %dma_start3A_212] : memref<32x2064xf32, #tpu.memory_space<hbm>> -> memref<1x2064xf32, #tpu.memory_space<hbm>>
      %dma_start3A_214 = tpu.memref_squeeze %dma_start3A_213 : memref<1x2064xf32, #tpu.memory_space<hbm>> -> memref<2064xf32, #tpu.memory_space<hbm>>
      tpu.enqueue_dma source(%arg11 : memref<2064xf32, #tpu.memory_space<vmem>>) target(%dma_start3A_214 : memref<2064xf32, #tpu.memory_space<hbm>>) target_semaphore(%run_scoped3A : memref<!tpu.dma_semaphore, #tpu.memory_space<semaphore_mem>>)
      %dma_wait3A = arith.constant 0 : i32
      %dma_wait3A_215 = tpu.memref_slice %arg5[%add3A, %dma_wait3A] : memref<32x2064xf32, #tpu.memory_space<hbm>> -> memref<1x2064xf32, #tpu.memory_space<hbm>>
      %dma_wait3A_216 = tpu.memref_squeeze %dma_wait3A_215 : memref<1x2064xf32, #tpu.memory_space<hbm>> -> memref<2064xf32, #tpu.memory_space<hbm>>
      %dma_wait3A_217 = arith.constant 0 : i32
      %dma_wait3A_218 = tpu.memref_slice %arg5[%add3A, %dma_wait3A_217] : memref<32x2064xf32, #tpu.memory_space<hbm>> -> memref<1x2064xf32, #tpu.memory_space<hbm>>
      %dma_wait3A_219 = tpu.memref_squeeze %dma_wait3A_218 : memref<1x2064xf32, #tpu.memory_space<hbm>> -> memref<2064xf32, #tpu.memory_space<hbm>>
      tpu.wait_dma2 semaphore(%run_scoped3A : memref<!tpu.dma_semaphore, #tpu.memory_space<semaphore_mem>>) src(%arg11 : memref<2064xf32, #tpu.memory_space<vmem>>) dst(%dma_wait3A_219 : memref<2064xf32, #tpu.memory_space<hbm>>)
      tpu.yield
    }) : () -> ()
    "tpu.region"() ({
      %run_scoped3A = tpu.sem_alloc : memref<!tpu.dma_semaphore, #tpu.memory_space<semaphore_mem>>
      %dma_start3A = arith.constant 0 : i32
      %dma_start3A_210 = tpu.memref_slice %arg6[%add3A, %dma_start3A] : memref<32x16xi32, #tpu.memory_space<hbm>> -> memref<1x16xi32, #tpu.memory_space<hbm>>
      %dma_start3A_211 = tpu.memref_squeeze %dma_start3A_210 : memref<1x16xi32, #tpu.memory_space<hbm>> -> memref<16xi32, #tpu.memory_space<hbm>>
      %dma_start3A_212 = arith.constant 0 : i32
      %dma_start3A_213 = tpu.memref_slice %arg6[%add3A, %dma_start3A_212] : memref<32x16xi32, #tpu.memory_space<hbm>> -> memref<1x16xi32, #tpu.memory_space<hbm>>
      %dma_start3A_214 = tpu.memref_squeeze %dma_start3A_213 : memref<1x16xi32, #tpu.memory_space<hbm>> -> memref<16xi32, #tpu.memory_space<hbm>>
      tpu.enqueue_dma source(%arg12 : memref<16xi32, #tpu.memory_space<vmem>>) target(%dma_start3A_214 : memref<16xi32, #tpu.memory_space<hbm>>) target_semaphore(%run_scoped3A : memref<!tpu.dma_semaphore, #tpu.memory_space<semaphore_mem>>)
      %dma_wait3A = arith.constant 0 : i32
      %dma_wait3A_215 = tpu.memref_slice %arg6[%add3A, %dma_wait3A] : memref<32x16xi32, #tpu.memory_space<hbm>> -> memref<1x16xi32, #tpu.memory_space<hbm>>
      %dma_wait3A_216 = tpu.memref_squeeze %dma_wait3A_215 : memref<1x16xi32, #tpu.memory_space<hbm>> -> memref<16xi32, #tpu.memory_space<hbm>>
      %dma_wait3A_217 = arith.constant 0 : i32
      %dma_wait3A_218 = tpu.memref_slice %arg6[%add3A, %dma_wait3A_217] : memref<32x16xi32, #tpu.memory_space<hbm>> -> memref<1x16xi32, #tpu.memory_space<hbm>>
      %dma_wait3A_219 = tpu.memref_squeeze %dma_wait3A_218 : memref<1x16xi32, #tpu.memory_space<hbm>> -> memref<16xi32, #tpu.memory_space<hbm>>
      tpu.wait_dma2 semaphore(%run_scoped3A : memref<!tpu.dma_semaphore, #tpu.memory_space<semaphore_mem>>) src(%arg12 : memref<16xi32, #tpu.memory_space<vmem>>) dst(%dma_wait3A_219 : memref<16xi32, #tpu.memory_space<hbm>>)
      tpu.yield
    }) : () -> ()
    return
  }
}

#map = affine_map<(d0, d1) -> (0, 0)>
module attributes {stable_mosaic.version = 14 : i64} {
  func.func @_c1(%arg0: i32, %arg1: i32, %arg2: memref<64x20000xf32, #tpu.memory_space<hbm>>, %arg3: memref<64x20000xi32, #tpu.memory_space<hbm>>, %arg4: memref<64x20000xi32, #tpu.memory_space<hbm>>, %arg5: memref<64x20000xi32, #tpu.memory_space<hbm>>, %arg6: memref<32x16xf32, #tpu.memory_space<hbm>>, %arg7: memref<32x16xi32, #tpu.memory_space<hbm>>, %arg8: memref<32x2048xf32, #tpu.memory_space<hbm>>, %arg9: memref<20000xf32, #tpu.memory_space<vmem>>, %arg10: memref<20000xi32, #tpu.memory_space<vmem>>, %arg11: memref<20000xi32, #tpu.memory_space<vmem>>, %arg12: memref<2048xf32, #tpu.memory_space<vmem>>, %arg13: memref<16xf32, #tpu.memory_space<vmem>>, %arg14: memref<16xi32, #tpu.memory_space<vmem>>) attributes {dimension_semantics = [#tpu.dimension_semantics<core_parallel>, #tpu.dimension_semantics<subcore_parallel>], iteration_bounds = array<i64: 2, 16>, scalar_prefetch = 0 : i64, scratch_operands = 6 : i64, tpu.core_type = #tpu.core_type<sc_vector_subcore>, window_params = [{transform_indices = #map}, {transform_indices = #map}, {transform_indices = #map}, {transform_indices = #map}, {transform_indices = #map}, {transform_indices = #map}, {transform_indices = #map}]} {
    %mul3A = arith.constant 2 : i32
    %mul3A_0 = arith.muli %arg1, %mul3A : i32
    %add3A = arith.addi %mul3A_0, %arg0 : i32
    %parallel_loop3A = arith.constant 0 : i32
    %parallel_loop3A_1 = arith.constant 128 : i32
    %parallel_loop3A_2 = arith.constant 1 : i32
    scf.for %parallel_loop3A_87 = %parallel_loop3A to %parallel_loop3A_1 step %parallel_loop3A_2  : i32 {
      %parallel_loop3A_88 = arith.constant 0.000000e+00 : f32
      %parallel_loop3A_89 = vector.broadcast %parallel_loop3A_88 : f32 to vector<16xf32>
      %parallel_loop3A_90 = arith.constant 16 : i32
      %parallel_loop3A_91 = arith.muli %parallel_loop3A_87, %parallel_loop3A_90 : i32
      %parallel_loop3A_92 = arith.index_cast %parallel_loop3A_91 : i32 to index
      %parallel_loop3A_93 = tpu.vector_load %arg12[%parallel_loop3A_92] {strides = array<i32>} : memref<2048xf32, #tpu.memory_space<vmem>>, vector<16xf32>,
      tpu.vector_store %arg12[%parallel_loop3A_92], %parallel_loop3A_89 {strides = array<i32>} : memref<2048xf32, #tpu.memory_space<vmem>>, vector<16xf32>,
    } {sc.loop_unroll_factor = 8 : i64, sc.parallel_access}
    %broadcast_in_dim3A = arith.constant 1.000000e+00 : f32
    %broadcast_in_dim3A_3 = vector.broadcast %broadcast_in_dim3A : f32 to vector<16xf32>
    %mul3A_4 = arith.constant 2 : i32
    %mul3A_5 = arith.muli %add3A, %mul3A_4 : i32
    %add3A_6 = arith.constant 0 : i32
    %add3A_7 = arith.addi %mul3A_5, %add3A_6 : i32
    "tpu.region"() ({
      %run_scoped3A = tpu.sem_alloc : memref<!tpu.dma_semaphore, #tpu.memory_space<semaphore_mem>>
      %dma_start3A = arith.constant 0 : i32
      %dma_start3A_87 = tpu.memref_slice %arg2[%add3A_7, %dma_start3A] : memref<64x20000xf32, #tpu.memory_space<hbm>> -> memref<1x20000xf32, #tpu.memory_space<hbm>>
      %dma_start3A_88 = tpu.memref_squeeze %dma_start3A_87 : memref<1x20000xf32, #tpu.memory_space<hbm>> -> memref<20000xf32, #tpu.memory_space<hbm>>
      %dma_start3A_89 = arith.constant 0 : i32
      %dma_start3A_90 = tpu.memref_slice %arg2[%add3A_7, %dma_start3A_89] : memref<64x20000xf32, #tpu.memory_space<hbm>> -> memref<1x20000xf32, #tpu.memory_space<hbm>>
      %dma_start3A_91 = tpu.memref_squeeze %dma_start3A_90 : memref<1x20000xf32, #tpu.memory_space<hbm>> -> memref<20000xf32, #tpu.memory_space<hbm>>
      tpu.enqueue_dma source(%dma_start3A_91 : memref<20000xf32, #tpu.memory_space<hbm>>) target(%arg9 : memref<20000xf32, #tpu.memory_space<vmem>>) target_semaphore(%run_scoped3A : memref<!tpu.dma_semaphore, #tpu.memory_space<semaphore_mem>>)
      %dma_wait3A = arith.constant 0 : i32
      %dma_wait3A_92 = tpu.memref_slice %arg2[%add3A_7, %dma_wait3A] : memref<64x20000xf32, #tpu.memory_space<hbm>> -> memref<1x20000xf32, #tpu.memory_space<hbm>>
      %dma_wait3A_93 = tpu.memref_squeeze %dma_wait3A_92 : memref<1x20000xf32, #tpu.memory_space<hbm>> -> memref<20000xf32, #tpu.memory_space<hbm>>
      %dma_wait3A_94 = arith.constant 0 : i32
      %dma_wait3A_95 = tpu.memref_slice %arg2[%add3A_7, %dma_wait3A_94] : memref<64x20000xf32, #tpu.memory_space<hbm>> -> memref<1x20000xf32, #tpu.memory_space<hbm>>
      %dma_wait3A_96 = tpu.memref_squeeze %dma_wait3A_95 : memref<1x20000xf32, #tpu.memory_space<hbm>> -> memref<20000xf32, #tpu.memory_space<hbm>>
      tpu.wait_dma2 semaphore(%run_scoped3A : memref<!tpu.dma_semaphore, #tpu.memory_space<semaphore_mem>>) src(%dma_wait3A_96 : memref<20000xf32, #tpu.memory_space<hbm>>) dst(%arg9 : memref<20000xf32, #tpu.memory_space<vmem>>)
      tpu.yield
    }) : () -> ()
    "tpu.region"() ({
      %run_scoped3A = tpu.sem_alloc : memref<!tpu.dma_semaphore, #tpu.memory_space<semaphore_mem>>
      %dma_start3A = arith.constant 0 : i32
      %dma_start3A_87 = tpu.memref_slice %arg3[%add3A_7, %dma_start3A] : memref<64x20000xi32, #tpu.memory_space<hbm>> -> memref<1x20000xi32, #tpu.memory_space<hbm>>
      %dma_start3A_88 = tpu.memref_squeeze %dma_start3A_87 : memref<1x20000xi32, #tpu.memory_space<hbm>> -> memref<20000xi32, #tpu.memory_space<hbm>>
      %dma_start3A_89 = arith.constant 0 : i32
      %dma_start3A_90 = tpu.memref_slice %arg3[%add3A_7, %dma_start3A_89] : memref<64x20000xi32, #tpu.memory_space<hbm>> -> memref<1x20000xi32, #tpu.memory_space<hbm>>
      %dma_start3A_91 = tpu.memref_squeeze %dma_start3A_90 : memref<1x20000xi32, #tpu.memory_space<hbm>> -> memref<20000xi32, #tpu.memory_space<hbm>>
      tpu.enqueue_dma source(%dma_start3A_91 : memref<20000xi32, #tpu.memory_space<hbm>>) target(%arg10 : memref<20000xi32, #tpu.memory_space<vmem>>) target_semaphore(%run_scoped3A : memref<!tpu.dma_semaphore, #tpu.memory_space<semaphore_mem>>)
      %dma_wait3A = arith.constant 0 : i32
      %dma_wait3A_92 = tpu.memref_slice %arg3[%add3A_7, %dma_wait3A] : memref<64x20000xi32, #tpu.memory_space<hbm>> -> memref<1x20000xi32, #tpu.memory_space<hbm>>
      %dma_wait3A_93 = tpu.memref_squeeze %dma_wait3A_92 : memref<1x20000xi32, #tpu.memory_space<hbm>> -> memref<20000xi32, #tpu.memory_space<hbm>>
      %dma_wait3A_94 = arith.constant 0 : i32
      %dma_wait3A_95 = tpu.memref_slice %arg3[%add3A_7, %dma_wait3A_94] : memref<64x20000xi32, #tpu.memory_space<hbm>> -> memref<1x20000xi32, #tpu.memory_space<hbm>>
      %dma_wait3A_96 = tpu.memref_squeeze %dma_wait3A_95 : memref<1x20000xi32, #tpu.memory_space<hbm>> -> memref<20000xi32, #tpu.memory_space<hbm>>
      tpu.wait_dma2 semaphore(%run_scoped3A : memref<!tpu.dma_semaphore, #tpu.memory_space<semaphore_mem>>) src(%dma_wait3A_96 : memref<20000xi32, #tpu.memory_space<hbm>>) dst(%arg10 : memref<20000xi32, #tpu.memory_space<vmem>>)
      tpu.yield
    }) : () -> ()
    "tpu.region"() ({
      %run_scoped3A = tpu.sem_alloc : memref<!tpu.dma_semaphore, #tpu.memory_space<semaphore_mem>>
      %dma_start3A = arith.constant 0 : i32
      %dma_start3A_87 = tpu.memref_slice %arg4[%add3A_7, %dma_start3A] : memref<64x20000xi32, #tpu.memory_space<hbm>> -> memref<1x20000xi32, #tpu.memory_space<hbm>>
      %dma_start3A_88 = tpu.memref_squeeze %dma_start3A_87 : memref<1x20000xi32, #tpu.memory_space<hbm>> -> memref<20000xi32, #tpu.memory_space<hbm>>
      %dma_start3A_89 = arith.constant 0 : i32
      %dma_start3A_90 = tpu.memref_slice %arg4[%add3A_7, %dma_start3A_89] : memref<64x20000xi32, #tpu.memory_space<hbm>> -> memref<1x20000xi32, #tpu.memory_space<hbm>>
      %dma_start3A_91 = tpu.memref_squeeze %dma_start3A_90 : memref<1x20000xi32, #tpu.memory_space<hbm>> -> memref<20000xi32, #tpu.memory_space<hbm>>
      tpu.enqueue_dma source(%dma_start3A_91 : memref<20000xi32, #tpu.memory_space<hbm>>) target(%arg11 : memref<20000xi32, #tpu.memory_space<vmem>>) target_semaphore(%run_scoped3A : memref<!tpu.dma_semaphore, #tpu.memory_space<semaphore_mem>>)
      %dma_wait3A = arith.constant 0 : i32
      %dma_wait3A_92 = tpu.memref_slice %arg4[%add3A_7, %dma_wait3A] : memref<64x20000xi32, #tpu.memory_space<hbm>> -> memref<1x20000xi32, #tpu.memory_space<hbm>>
      %dma_wait3A_93 = tpu.memref_squeeze %dma_wait3A_92 : memref<1x20000xi32, #tpu.memory_space<hbm>> -> memref<20000xi32, #tpu.memory_space<hbm>>
      %dma_wait3A_94 = arith.constant 0 : i32
      %dma_wait3A_95 = tpu.memref_slice %arg4[%add3A_7, %dma_wait3A_94] : memref<64x20000xi32, #tpu.memory_space<hbm>> -> memref<1x20000xi32, #tpu.memory_space<hbm>>
      %dma_wait3A_96 = tpu.memref_squeeze %dma_wait3A_95 : memref<1x20000xi32, #tpu.memory_space<hbm>> -> memref<20000xi32, #tpu.memory_space<hbm>>
      tpu.wait_dma2 semaphore(%run_scoped3A : memref<!tpu.dma_semaphore, #tpu.memory_space<semaphore_mem>>) src(%dma_wait3A_96 : memref<20000xi32, #tpu.memory_space<hbm>>) dst(%arg11 : memref<20000xi32, #tpu.memory_space<vmem>>)
      tpu.yield
    }) : () -> ()
    %broadcast_in_dim3A_8 = arith.constant 0.000000e+00 : f32
    %broadcast_in_dim3A_9 = vector.broadcast %broadcast_in_dim3A_8 : f32 to vector<16xf32>
    %broadcast_in_dim3A_10 = arith.constant 0 : i32
    %broadcast_in_dim3A_11 = vector.broadcast %broadcast_in_dim3A_10 : i32 to vector<16xi32>
    %broadcast_in_dim3A_12 = arith.constant 0 : i32
    %broadcast_in_dim3A_13 = vector.broadcast %broadcast_in_dim3A_12 : i32 to vector<16xi32>
    %parallel_loop3A_14 = arith.constant 0 : i32
    %parallel_loop3A_15 = arith.constant 1250 : i32
    %parallel_loop3A_16 = arith.constant 1 : i32
    %parallel_loop3A_17:3 = scf.for %parallel_loop3A_87 = %parallel_loop3A_14 to %parallel_loop3A_15 step %parallel_loop3A_16 iter_args(%parallel_loop3A_88 = %broadcast_in_dim3A_9, %parallel_loop3A_89 = %broadcast_in_dim3A_11, %parallel_loop3A_90 = %broadcast_in_dim3A_13) -> (vector<16xf32>, vector<16xi32>, vector<16xi32>)  : i32 {
      %parallel_loop3A_91 = arith.constant 16 : i32
      %parallel_loop3A_92 = arith.muli %parallel_loop3A_87, %parallel_loop3A_91 : i32
      %parallel_loop3A_93 = arith.index_cast %parallel_loop3A_92 : i32 to index
      %parallel_loop3A_94 = tpu.vector_load %arg9[%parallel_loop3A_93] {strides = array<i32>} : memref<20000xf32, #tpu.memory_space<vmem>>, vector<16xf32>,
      %parallel_loop3A_95 = arith.index_cast %parallel_loop3A_92 : i32 to index
      %parallel_loop3A_96 = tpu.vector_load %arg10[%parallel_loop3A_95] {strides = array<i32>} : memref<20000xi32, #tpu.memory_space<vmem>>, vector<16xi32>,
      %parallel_loop3A_97 = arith.index_cast %parallel_loop3A_92 : i32 to index
      %parallel_loop3A_98 = tpu.vector_load %arg11[%parallel_loop3A_97] {strides = array<i32>} : memref<20000xi32, #tpu.memory_space<vmem>>, vector<16xi32>,
      %parallel_loop3A_99 = arith.sitofp %parallel_loop3A_96 : vector<16xi32> to vector<16xf32>
      %parallel_loop3A_100 = arith.mulf %parallel_loop3A_94, %parallel_loop3A_99 : vector<16xf32>
      %parallel_loop3A_101 = arith.addf %parallel_loop3A_88, %parallel_loop3A_100 : vector<16xf32>
      %parallel_loop3A_102 = arith.sitofp %parallel_loop3A_98 : vector<16xi32> to vector<16xf32>
      %parallel_loop3A_103 = arith.mulf %parallel_loop3A_94, %parallel_loop3A_102 : vector<16xf32>
      %parallel_loop3A_104 = vector.bitcast %parallel_loop3A_103 : vector<16xf32> to vector<16xi32>
      %parallel_loop3A_105 = arith.constant 0 : i32
      %parallel_loop3A_106 = vector.broadcast %parallel_loop3A_105 : i32 to vector<16xi32>
      %parallel_loop3A_107 = arith.cmpi sge, %parallel_loop3A_104, %parallel_loop3A_106 : vector<16xi32>
      %parallel_loop3A_108 = arith.constant 2147483647 : i32
      %parallel_loop3A_109 = vector.broadcast %parallel_loop3A_108 : i32 to vector<16xi32>
      %parallel_loop3A_110 = arith.xori %parallel_loop3A_104, %parallel_loop3A_109 : vector<16xi32>
      %parallel_loop3A_111 = arith.select %parallel_loop3A_107, %parallel_loop3A_104, %parallel_loop3A_110 : vector<16xi1>, vector<16xi32>
      %parallel_loop3A_112 = arith.index_cast %parallel_loop3A_92 : i32 to index
      %parallel_loop3A_113 = tpu.vector_load %arg11[%parallel_loop3A_112] {strides = array<i32>} : memref<20000xi32, #tpu.memory_space<vmem>>, vector<16xi32>,
      tpu.vector_store %arg11[%parallel_loop3A_112], %parallel_loop3A_111 {strides = array<i32>} : memref<20000xi32, #tpu.memory_space<vmem>>, vector<16xi32>,
      %parallel_loop3A_114 = arith.constant 0.000000e+00 : f32
      %parallel_loop3A_115 = vector.broadcast %parallel_loop3A_114 : f32 to vector<16xf32>
      %parallel_loop3A_116 = arith.cmpf one, %parallel_loop3A_103, %parallel_loop3A_115 : vector<16xf32>
      %parallel_loop3A_117 = arith.extui %parallel_loop3A_116 : vector<16xi1> to vector<16xi32>
      %parallel_loop3A_118 = arith.addi %parallel_loop3A_90, %parallel_loop3A_117 : vector<16xi32>
      %parallel_loop3A_119 = arith.constant 21 : i32
      %parallel_loop3A_120 = vector.broadcast %parallel_loop3A_119 : i32 to vector<16xi32>
      %parallel_loop3A_121 = arith.shrsi %parallel_loop3A_111, %parallel_loop3A_120 : vector<16xi32>
      %parallel_loop3A_122 = arith.constant 1024 : i32
      %parallel_loop3A_123 = vector.broadcast %parallel_loop3A_122 : i32 to vector<16xi32>
      %parallel_loop3A_124 = arith.addi %parallel_loop3A_121, %parallel_loop3A_123 : vector<16xi32>
      tpu.vector_store_idx %arg12[%parallel_loop3A_124], %broadcast_in_dim3A_3 {add = true} : memref<2048xf32, #tpu.memory_space<vmem>>[vector<16xi32>], vector<16xf32>,
      %parallel_loop3A_125 = arith.addi %parallel_loop3A_89, %parallel_loop3A_96 : vector<16xi32>
      scf.yield %parallel_loop3A_101, %parallel_loop3A_125, %parallel_loop3A_118 : vector<16xf32>, vector<16xi32>, vector<16xi32>
    } {sc.loop_unroll_factor = 8 : i64, sc.parallel_access}
    "tpu.region"() ({
      %run_scoped3A = tpu.sem_alloc : memref<!tpu.dma_semaphore, #tpu.memory_space<semaphore_mem>>
      %dma_start3A = arith.constant 0 : i32
      %dma_start3A_87 = tpu.memref_slice %arg5[%add3A_7, %dma_start3A] : memref<64x20000xi32, #tpu.memory_space<hbm>> -> memref<1x20000xi32, #tpu.memory_space<hbm>>
      %dma_start3A_88 = tpu.memref_squeeze %dma_start3A_87 : memref<1x20000xi32, #tpu.memory_space<hbm>> -> memref<20000xi32, #tpu.memory_space<hbm>>
      %dma_start3A_89 = arith.constant 0 : i32
      %dma_start3A_90 = tpu.memref_slice %arg5[%add3A_7, %dma_start3A_89] : memref<64x20000xi32, #tpu.memory_space<hbm>> -> memref<1x20000xi32, #tpu.memory_space<hbm>>
      %dma_start3A_91 = tpu.memref_squeeze %dma_start3A_90 : memref<1x20000xi32, #tpu.memory_space<hbm>> -> memref<20000xi32, #tpu.memory_space<hbm>>
      tpu.enqueue_dma source(%arg11 : memref<20000xi32, #tpu.memory_space<vmem>>) target(%dma_start3A_91 : memref<20000xi32, #tpu.memory_space<hbm>>) target_semaphore(%run_scoped3A : memref<!tpu.dma_semaphore, #tpu.memory_space<semaphore_mem>>)
      %dma_wait3A = arith.constant 0 : i32
      %dma_wait3A_92 = tpu.memref_slice %arg5[%add3A_7, %dma_wait3A] : memref<64x20000xi32, #tpu.memory_space<hbm>> -> memref<1x20000xi32, #tpu.memory_space<hbm>>
      %dma_wait3A_93 = tpu.memref_squeeze %dma_wait3A_92 : memref<1x20000xi32, #tpu.memory_space<hbm>> -> memref<20000xi32, #tpu.memory_space<hbm>>
      %dma_wait3A_94 = arith.constant 0 : i32
      %dma_wait3A_95 = tpu.memref_slice %arg5[%add3A_7, %dma_wait3A_94] : memref<64x20000xi32, #tpu.memory_space<hbm>> -> memref<1x20000xi32, #tpu.memory_space<hbm>>
      %dma_wait3A_96 = tpu.memref_squeeze %dma_wait3A_95 : memref<1x20000xi32, #tpu.memory_space<hbm>> -> memref<20000xi32, #tpu.memory_space<hbm>>
      tpu.wait_dma2 semaphore(%run_scoped3A : memref<!tpu.dma_semaphore, #tpu.memory_space<semaphore_mem>>) src(%arg11 : memref<20000xi32, #tpu.memory_space<vmem>>) dst(%dma_wait3A_96 : memref<20000xi32, #tpu.memory_space<hbm>>)
      tpu.yield
    }) : () -> ()
    %reduce_sum3A = arith.constant true
    %reduce_sum3A_18 = vector.broadcast %reduce_sum3A : i1 to vector<16xi1>
    %reduce_sum3A_19 = tpu.scan <sum>, %parallel_loop3A_17#0 masked %reduce_sum3A_18 : vector<16xf32>, vector<16xi1> -> vector<16xf32>
    %reduce_sum3A_20 = vector.extract %reduce_sum3A_19[15] : f32 from vector<16xf32>
    %reduce_sum3A_21 = arith.constant true
    %reduce_sum3A_22 = vector.broadcast %reduce_sum3A_21 : i1 to vector<16xi1>
    %reduce_sum3A_23 = tpu.scan <sum>, %parallel_loop3A_17#1 masked %reduce_sum3A_22 : vector<16xi32>, vector<16xi1> -> vector<16xi32>
    %reduce_sum3A_24 = vector.extract %reduce_sum3A_23[15] : i32 from vector<16xi32>
    %add3A_25 = arith.constant 0 : i32
    %add3A_26 = arith.addi %add3A_25, %reduce_sum3A_24 : i32
    %reduce_sum3A_27 = arith.constant true
    %reduce_sum3A_28 = vector.broadcast %reduce_sum3A_27 : i1 to vector<16xi1>
    %reduce_sum3A_29 = tpu.scan <sum>, %parallel_loop3A_17#2 masked %reduce_sum3A_28 : vector<16xi32>, vector<16xi1> -> vector<16xi32>
    %reduce_sum3A_30 = vector.extract %reduce_sum3A_29[15] : i32 from vector<16xi32>
    %add3A_31 = arith.constant 0 : i32
    %add3A_32 = arith.addi %add3A_31, %reduce_sum3A_30 : i32
    %mul3A_33 = arith.constant 2 : i32
    %mul3A_34 = arith.muli %add3A, %mul3A_33 : i32
    %add3A_35 = arith.constant 1 : i32
    %add3A_36 = arith.addi %mul3A_34, %add3A_35 : i32
    "tpu.region"() ({
      %run_scoped3A = tpu.sem_alloc : memref<!tpu.dma_semaphore, #tpu.memory_space<semaphore_mem>>
      %dma_start3A = arith.constant 0 : i32
      %dma_start3A_87 = tpu.memref_slice %arg2[%add3A_36, %dma_start3A] : memref<64x20000xf32, #tpu.memory_space<hbm>> -> memref<1x20000xf32, #tpu.memory_space<hbm>>
      %dma_start3A_88 = tpu.memref_squeeze %dma_start3A_87 : memref<1x20000xf32, #tpu.memory_space<hbm>> -> memref<20000xf32, #tpu.memory_space<hbm>>
      %dma_start3A_89 = arith.constant 0 : i32
      %dma_start3A_90 = tpu.memref_slice %arg2[%add3A_36, %dma_start3A_89] : memref<64x20000xf32, #tpu.memory_space<hbm>> -> memref<1x20000xf32, #tpu.memory_space<hbm>>
      %dma_start3A_91 = tpu.memref_squeeze %dma_start3A_90 : memref<1x20000xf32, #tpu.memory_space<hbm>> -> memref<20000xf32, #tpu.memory_space<hbm>>
      tpu.enqueue_dma source(%dma_start3A_91 : memref<20000xf32, #tpu.memory_space<hbm>>) target(%arg9 : memref<20000xf32, #tpu.memory_space<vmem>>) target_semaphore(%run_scoped3A : memref<!tpu.dma_semaphore, #tpu.memory_space<semaphore_mem>>)
      %dma_wait3A = arith.constant 0 : i32
      %dma_wait3A_92 = tpu.memref_slice %arg2[%add3A_36, %dma_wait3A] : memref<64x20000xf32, #tpu.memory_space<hbm>> -> memref<1x20000xf32, #tpu.memory_space<hbm>>
      %dma_wait3A_93 = tpu.memref_squeeze %dma_wait3A_92 : memref<1x20000xf32, #tpu.memory_space<hbm>> -> memref<20000xf32, #tpu.memory_space<hbm>>
      %dma_wait3A_94 = arith.constant 0 : i32
      %dma_wait3A_95 = tpu.memref_slice %arg2[%add3A_36, %dma_wait3A_94] : memref<64x20000xf32, #tpu.memory_space<hbm>> -> memref<1x20000xf32, #tpu.memory_space<hbm>>
      %dma_wait3A_96 = tpu.memref_squeeze %dma_wait3A_95 : memref<1x20000xf32, #tpu.memory_space<hbm>> -> memref<20000xf32, #tpu.memory_space<hbm>>
      tpu.wait_dma2 semaphore(%run_scoped3A : memref<!tpu.dma_semaphore, #tpu.memory_space<semaphore_mem>>) src(%dma_wait3A_96 : memref<20000xf32, #tpu.memory_space<hbm>>) dst(%arg9 : memref<20000xf32, #tpu.memory_space<vmem>>)
      tpu.yield
    }) : () -> ()
    "tpu.region"() ({
      %run_scoped3A = tpu.sem_alloc : memref<!tpu.dma_semaphore, #tpu.memory_space<semaphore_mem>>
      %dma_start3A = arith.constant 0 : i32
      %dma_start3A_87 = tpu.memref_slice %arg3[%add3A_36, %dma_start3A] : memref<64x20000xi32, #tpu.memory_space<hbm>> -> memref<1x20000xi32, #tpu.memory_space<hbm>>
      %dma_start3A_88 = tpu.memref_squeeze %dma_start3A_87 : memref<1x20000xi32, #tpu.memory_space<hbm>> -> memref<20000xi32, #tpu.memory_space<hbm>>
      %dma_start3A_89 = arith.constant 0 : i32
      %dma_start3A_90 = tpu.memref_slice %arg3[%add3A_36, %dma_start3A_89] : memref<64x20000xi32, #tpu.memory_space<hbm>> -> memref<1x20000xi32, #tpu.memory_space<hbm>>
      %dma_start3A_91 = tpu.memref_squeeze %dma_start3A_90 : memref<1x20000xi32, #tpu.memory_space<hbm>> -> memref<20000xi32, #tpu.memory_space<hbm>>
      tpu.enqueue_dma source(%dma_start3A_91 : memref<20000xi32, #tpu.memory_space<hbm>>) target(%arg10 : memref<20000xi32, #tpu.memory_space<vmem>>) target_semaphore(%run_scoped3A : memref<!tpu.dma_semaphore, #tpu.memory_space<semaphore_mem>>)
      %dma_wait3A = arith.constant 0 : i32
      %dma_wait3A_92 = tpu.memref_slice %arg3[%add3A_36, %dma_wait3A] : memref<64x20000xi32, #tpu.memory_space<hbm>> -> memref<1x20000xi32, #tpu.memory_space<hbm>>
      %dma_wait3A_93 = tpu.memref_squeeze %dma_wait3A_92 : memref<1x20000xi32, #tpu.memory_space<hbm>> -> memref<20000xi32, #tpu.memory_space<hbm>>
      %dma_wait3A_94 = arith.constant 0 : i32
      %dma_wait3A_95 = tpu.memref_slice %arg3[%add3A_36, %dma_wait3A_94] : memref<64x20000xi32, #tpu.memory_space<hbm>> -> memref<1x20000xi32, #tpu.memory_space<hbm>>
      %dma_wait3A_96 = tpu.memref_squeeze %dma_wait3A_95 : memref<1x20000xi32, #tpu.memory_space<hbm>> -> memref<20000xi32, #tpu.memory_space<hbm>>
      tpu.wait_dma2 semaphore(%run_scoped3A : memref<!tpu.dma_semaphore, #tpu.memory_space<semaphore_mem>>) src(%dma_wait3A_96 : memref<20000xi32, #tpu.memory_space<hbm>>) dst(%arg10 : memref<20000xi32, #tpu.memory_space<vmem>>)
      tpu.yield
    }) : () -> ()
    "tpu.region"() ({
      %run_scoped3A = tpu.sem_alloc : memref<!tpu.dma_semaphore, #tpu.memory_space<semaphore_mem>>
      %dma_start3A = arith.constant 0 : i32
      %dma_start3A_87 = tpu.memref_slice %arg4[%add3A_36, %dma_start3A] : memref<64x20000xi32, #tpu.memory_space<hbm>> -> memref<1x20000xi32, #tpu.memory_space<hbm>>
      %dma_start3A_88 = tpu.memref_squeeze %dma_start3A_87 : memref<1x20000xi32, #tpu.memory_space<hbm>> -> memref<20000xi32, #tpu.memory_space<hbm>>
      %dma_start3A_89 = arith.constant 0 : i32
      %dma_start3A_90 = tpu.memref_slice %arg4[%add3A_36, %dma_start3A_89] : memref<64x20000xi32, #tpu.memory_space<hbm>> -> memref<1x20000xi32, #tpu.memory_space<hbm>>
      %dma_start3A_91 = tpu.memref_squeeze %dma_start3A_90 : memref<1x20000xi32, #tpu.memory_space<hbm>> -> memref<20000xi32, #tpu.memory_space<hbm>>
      tpu.enqueue_dma source(%dma_start3A_91 : memref<20000xi32, #tpu.memory_space<hbm>>) target(%arg11 : memref<20000xi32, #tpu.memory_space<vmem>>) target_semaphore(%run_scoped3A : memref<!tpu.dma_semaphore, #tpu.memory_space<semaphore_mem>>)
      %dma_wait3A = arith.constant 0 : i32
      %dma_wait3A_92 = tpu.memref_slice %arg4[%add3A_36, %dma_wait3A] : memref<64x20000xi32, #tpu.memory_space<hbm>> -> memref<1x20000xi32, #tpu.memory_space<hbm>>
      %dma_wait3A_93 = tpu.memref_squeeze %dma_wait3A_92 : memref<1x20000xi32, #tpu.memory_space<hbm>> -> memref<20000xi32, #tpu.memory_space<hbm>>
      %dma_wait3A_94 = arith.constant 0 : i32
      %dma_wait3A_95 = tpu.memref_slice %arg4[%add3A_36, %dma_wait3A_94] : memref<64x20000xi32, #tpu.memory_space<hbm>> -> memref<1x20000xi32, #tpu.memory_space<hbm>>
      %dma_wait3A_96 = tpu.memref_squeeze %dma_wait3A_95 : memref<1x20000xi32, #tpu.memory_space<hbm>> -> memref<20000xi32, #tpu.memory_space<hbm>>
      tpu.wait_dma2 semaphore(%run_scoped3A : memref<!tpu.dma_semaphore, #tpu.memory_space<semaphore_mem>>) src(%dma_wait3A_96 : memref<20000xi32, #tpu.memory_space<hbm>>) dst(%arg11 : memref<20000xi32, #tpu.memory_space<vmem>>)
      tpu.yield
    }) : () -> ()
    %broadcast_in_dim3A_37 = arith.constant 0.000000e+00 : f32
    %broadcast_in_dim3A_38 = vector.broadcast %broadcast_in_dim3A_37 : f32 to vector<16xf32>
    %broadcast_in_dim3A_39 = arith.constant 0 : i32
    %broadcast_in_dim3A_40 = vector.broadcast %broadcast_in_dim3A_39 : i32 to vector<16xi32>
    %broadcast_in_dim3A_41 = arith.constant 0 : i32
    %broadcast_in_dim3A_42 = vector.broadcast %broadcast_in_dim3A_41 : i32 to vector<16xi32>
    %parallel_loop3A_43 = arith.constant 0 : i32
    %parallel_loop3A_44 = arith.constant 1250 : i32
    %parallel_loop3A_45 = arith.constant 1 : i32
    %parallel_loop3A_46:3 = scf.for %parallel_loop3A_87 = %parallel_loop3A_43 to %parallel_loop3A_44 step %parallel_loop3A_45 iter_args(%parallel_loop3A_88 = %broadcast_in_dim3A_38, %parallel_loop3A_89 = %broadcast_in_dim3A_40, %parallel_loop3A_90 = %broadcast_in_dim3A_42) -> (vector<16xf32>, vector<16xi32>, vector<16xi32>)  : i32 {
      %parallel_loop3A_91 = arith.constant 16 : i32
      %parallel_loop3A_92 = arith.muli %parallel_loop3A_87, %parallel_loop3A_91 : i32
      %parallel_loop3A_93 = arith.index_cast %parallel_loop3A_92 : i32 to index
      %parallel_loop3A_94 = tpu.vector_load %arg9[%parallel_loop3A_93] {strides = array<i32>} : memref<20000xf32, #tpu.memory_space<vmem>>, vector<16xf32>,
      %parallel_loop3A_95 = arith.index_cast %parallel_loop3A_92 : i32 to index
      %parallel_loop3A_96 = tpu.vector_load %arg10[%parallel_loop3A_95] {strides = array<i32>} : memref<20000xi32, #tpu.memory_space<vmem>>, vector<16xi32>,
      %parallel_loop3A_97 = arith.index_cast %parallel_loop3A_92 : i32 to index
      %parallel_loop3A_98 = tpu.vector_load %arg11[%parallel_loop3A_97] {strides = array<i32>} : memref<20000xi32, #tpu.memory_space<vmem>>, vector<16xi32>,
      %parallel_loop3A_99 = arith.sitofp %parallel_loop3A_96 : vector<16xi32> to vector<16xf32>
      %parallel_loop3A_100 = arith.mulf %parallel_loop3A_94, %parallel_loop3A_99 : vector<16xf32>
      %parallel_loop3A_101 = arith.addf %parallel_loop3A_88, %parallel_loop3A_100 : vector<16xf32>
      %parallel_loop3A_102 = arith.sitofp %parallel_loop3A_98 : vector<16xi32> to vector<16xf32>
      %parallel_loop3A_103 = arith.mulf %parallel_loop3A_94, %parallel_loop3A_102 : vector<16xf32>
      %parallel_loop3A_104 = vector.bitcast %parallel_loop3A_103 : vector<16xf32> to vector<16xi32>
      %parallel_loop3A_105 = arith.constant 0 : i32
      %parallel_loop3A_106 = vector.broadcast %parallel_loop3A_105 : i32 to vector<16xi32>
      %parallel_loop3A_107 = arith.cmpi sge, %parallel_loop3A_104, %parallel_loop3A_106 : vector<16xi32>
      %parallel_loop3A_108 = arith.constant 2147483647 : i32
      %parallel_loop3A_109 = vector.broadcast %parallel_loop3A_108 : i32 to vector<16xi32>
      %parallel_loop3A_110 = arith.xori %parallel_loop3A_104, %parallel_loop3A_109 : vector<16xi32>
      %parallel_loop3A_111 = arith.select %parallel_loop3A_107, %parallel_loop3A_104, %parallel_loop3A_110 : vector<16xi1>, vector<16xi32>
      %parallel_loop3A_112 = arith.index_cast %parallel_loop3A_92 : i32 to index
      %parallel_loop3A_113 = tpu.vector_load %arg11[%parallel_loop3A_112] {strides = array<i32>} : memref<20000xi32, #tpu.memory_space<vmem>>, vector<16xi32>,
      tpu.vector_store %arg11[%parallel_loop3A_112], %parallel_loop3A_111 {strides = array<i32>} : memref<20000xi32, #tpu.memory_space<vmem>>, vector<16xi32>,
      %parallel_loop3A_114 = arith.constant 0.000000e+00 : f32
      %parallel_loop3A_115 = vector.broadcast %parallel_loop3A_114 : f32 to vector<16xf32>
      %parallel_loop3A_116 = arith.cmpf one, %parallel_loop3A_103, %parallel_loop3A_115 : vector<16xf32>
      %parallel_loop3A_117 = arith.extui %parallel_loop3A_116 : vector<16xi1> to vector<16xi32>
      %parallel_loop3A_118 = arith.addi %parallel_loop3A_90, %parallel_loop3A_117 : vector<16xi32>
      %parallel_loop3A_119 = arith.constant 21 : i32
      %parallel_loop3A_120 = vector.broadcast %parallel_loop3A_119 : i32 to vector<16xi32>
      %parallel_loop3A_121 = arith.shrsi %parallel_loop3A_111, %parallel_loop3A_120 : vector<16xi32>
      %parallel_loop3A_122 = arith.constant 1024 : i32
      %parallel_loop3A_123 = vector.broadcast %parallel_loop3A_122 : i32 to vector<16xi32>
      %parallel_loop3A_124 = arith.addi %parallel_loop3A_121, %parallel_loop3A_123 : vector<16xi32>
      tpu.vector_store_idx %arg12[%parallel_loop3A_124], %broadcast_in_dim3A_3 {add = true} : memref<2048xf32, #tpu.memory_space<vmem>>[vector<16xi32>], vector<16xf32>,
      %parallel_loop3A_125 = arith.addi %parallel_loop3A_89, %parallel_loop3A_96 : vector<16xi32>
      scf.yield %parallel_loop3A_101, %parallel_loop3A_125, %parallel_loop3A_118 : vector<16xf32>, vector<16xi32>, vector<16xi32>
    } {sc.loop_unroll_factor = 8 : i64, sc.parallel_access}
    "tpu.region"() ({
      %run_scoped3A = tpu.sem_alloc : memref<!tpu.dma_semaphore, #tpu.memory_space<semaphore_mem>>
      %dma_start3A = arith.constant 0 : i32
      %dma_start3A_87 = tpu.memref_slice %arg5[%add3A_36, %dma_start3A] : memref<64x20000xi32, #tpu.memory_space<hbm>> -> memref<1x20000xi32, #tpu.memory_space<hbm>>
      %dma_start3A_88 = tpu.memref_squeeze %dma_start3A_87 : memref<1x20000xi32, #tpu.memory_space<hbm>> -> memref<20000xi32, #tpu.memory_space<hbm>>
      %dma_start3A_89 = arith.constant 0 : i32
      %dma_start3A_90 = tpu.memref_slice %arg5[%add3A_36, %dma_start3A_89] : memref<64x20000xi32, #tpu.memory_space<hbm>> -> memref<1x20000xi32, #tpu.memory_space<hbm>>
      %dma_start3A_91 = tpu.memref_squeeze %dma_start3A_90 : memref<1x20000xi32, #tpu.memory_space<hbm>> -> memref<20000xi32, #tpu.memory_space<hbm>>
      tpu.enqueue_dma source(%arg11 : memref<20000xi32, #tpu.memory_space<vmem>>) target(%dma_start3A_91 : memref<20000xi32, #tpu.memory_space<hbm>>) target_semaphore(%run_scoped3A : memref<!tpu.dma_semaphore, #tpu.memory_space<semaphore_mem>>)
      %dma_wait3A = arith.constant 0 : i32
      %dma_wait3A_92 = tpu.memref_slice %arg5[%add3A_36, %dma_wait3A] : memref<64x20000xi32, #tpu.memory_space<hbm>> -> memref<1x20000xi32, #tpu.memory_space<hbm>>
      %dma_wait3A_93 = tpu.memref_squeeze %dma_wait3A_92 : memref<1x20000xi32, #tpu.memory_space<hbm>> -> memref<20000xi32, #tpu.memory_space<hbm>>
      %dma_wait3A_94 = arith.constant 0 : i32
      %dma_wait3A_95 = tpu.memref_slice %arg5[%add3A_36, %dma_wait3A_94] : memref<64x20000xi32, #tpu.memory_space<hbm>> -> memref<1x20000xi32, #tpu.memory_space<hbm>>
      %dma_wait3A_96 = tpu.memref_squeeze %dma_wait3A_95 : memref<1x20000xi32, #tpu.memory_space<hbm>> -> memref<20000xi32, #tpu.memory_space<hbm>>
      tpu.wait_dma2 semaphore(%run_scoped3A : memref<!tpu.dma_semaphore, #tpu.memory_space<semaphore_mem>>) src(%arg11 : memref<20000xi32, #tpu.memory_space<vmem>>) dst(%dma_wait3A_96 : memref<20000xi32, #tpu.memory_space<hbm>>)
      tpu.yield
    }) : () -> ()
    %reduce_sum3A_47 = arith.constant true
    %reduce_sum3A_48 = vector.broadcast %reduce_sum3A_47 : i1 to vector<16xi1>
    %reduce_sum3A_49 = tpu.scan <sum>, %parallel_loop3A_46#0 masked %reduce_sum3A_48 : vector<16xf32>, vector<16xi1> -> vector<16xf32>
    %reduce_sum3A_50 = vector.extract %reduce_sum3A_49[15] : f32 from vector<16xf32>
    %reduce_sum3A_51 = arith.constant true
    %reduce_sum3A_52 = vector.broadcast %reduce_sum3A_51 : i1 to vector<16xi1>
    %reduce_sum3A_53 = tpu.scan <sum>, %parallel_loop3A_46#1 masked %reduce_sum3A_52 : vector<16xi32>, vector<16xi1> -> vector<16xi32>
    %reduce_sum3A_54 = vector.extract %reduce_sum3A_53[15] : i32 from vector<16xi32>
    %add3A_55 = arith.addi %add3A_26, %reduce_sum3A_54 : i32
    %reduce_sum3A_56 = arith.constant true
    %reduce_sum3A_57 = vector.broadcast %reduce_sum3A_56 : i1 to vector<16xi1>
    %reduce_sum3A_58 = tpu.scan <sum>, %parallel_loop3A_46#2 masked %reduce_sum3A_57 : vector<16xi32>, vector<16xi1> -> vector<16xi32>
    %reduce_sum3A_59 = vector.extract %reduce_sum3A_58[15] : i32 from vector<16xi32>
    %add3A_60 = arith.addi %add3A_32, %reduce_sum3A_59 : i32
    %iota3A = tpu.iota {dimensions = array<i32: 0>} : vector<16xi32>
    %broadcast_in_dim3A_61 = arith.constant 0.000000e+00 : f32
    %broadcast_in_dim3A_62 = vector.broadcast %broadcast_in_dim3A_61 : f32 to vector<16xf32>
    %eq3A = arith.constant 0 : i32
    %eq3A_63 = vector.broadcast %eq3A : i32 to vector<16xi32>
    %eq3A_64 = arith.cmpi eq, %iota3A, %eq3A_63 : vector<16xi32>
    %broadcast_in_dim3A_65 = vector.broadcast %reduce_sum3A_20 : f32 to vector<16xf32>
    %select_n3A = arith.select %eq3A_64, %broadcast_in_dim3A_65, %broadcast_in_dim3A_62 : vector<16xi1>, vector<16xf32>
    %eq3A_66 = arith.constant 1 : i32
    %eq3A_67 = vector.broadcast %eq3A_66 : i32 to vector<16xi32>
    %eq3A_68 = arith.cmpi eq, %iota3A, %eq3A_67 : vector<16xi32>
    %broadcast_in_dim3A_69 = vector.broadcast %reduce_sum3A_50 : f32 to vector<16xf32>
    %select_n3A_70 = arith.select %eq3A_68, %broadcast_in_dim3A_69, %select_n3A : vector<16xi1>, vector<16xf32>
    %swap3A = arith.constant 0 : index
    %swap3A_71 = tpu.vector_load %arg13[%swap3A] {strides = array<i32>} : memref<16xf32, #tpu.memory_space<vmem>>, vector<16xf32>,
    tpu.vector_store %arg13[%swap3A], %select_n3A_70 {strides = array<i32>} : memref<16xf32, #tpu.memory_space<vmem>>, vector<16xf32>,
    %iota3A_72 = tpu.iota {dimensions = array<i32: 0>} : vector<16xi32>
    %broadcast_in_dim3A_73 = arith.constant 0 : i32
    %broadcast_in_dim3A_74 = vector.broadcast %broadcast_in_dim3A_73 : i32 to vector<16xi32>
    %eq3A_75 = arith.constant 0 : i32
    %eq3A_76 = vector.broadcast %eq3A_75 : i32 to vector<16xi32>
    %eq3A_77 = arith.cmpi eq, %iota3A_72, %eq3A_76 : vector<16xi32>
    %broadcast_in_dim3A_78 = vector.broadcast %add3A_55 : i32 to vector<16xi32>
    %select_n3A_79 = arith.select %eq3A_77, %broadcast_in_dim3A_78, %broadcast_in_dim3A_74 : vector<16xi1>, vector<16xi32>
    %eq3A_80 = arith.constant 1 : i32
    %eq3A_81 = vector.broadcast %eq3A_80 : i32 to vector<16xi32>
    %eq3A_82 = arith.cmpi eq, %iota3A_72, %eq3A_81 : vector<16xi32>
    %broadcast_in_dim3A_83 = vector.broadcast %add3A_60 : i32 to vector<16xi32>
    %select_n3A_84 = arith.select %eq3A_82, %broadcast_in_dim3A_83, %select_n3A_79 : vector<16xi1>, vector<16xi32>
    %swap3A_85 = arith.constant 0 : index
    %swap3A_86 = tpu.vector_load %arg14[%swap3A_85] {strides = array<i32>} : memref<16xi32, #tpu.memory_space<vmem>>, vector<16xi32>,
    tpu.vector_store %arg14[%swap3A_85], %select_n3A_84 {strides = array<i32>} : memref<16xi32, #tpu.memory_space<vmem>>, vector<16xi32>,
    "tpu.region"() ({
      %run_scoped3A = tpu.sem_alloc : memref<!tpu.dma_semaphore, #tpu.memory_space<semaphore_mem>>
      %dma_start3A = arith.constant 0 : i32
      %dma_start3A_87 = tpu.memref_slice %arg6[%add3A, %dma_start3A] : memref<32x16xf32, #tpu.memory_space<hbm>> -> memref<1x16xf32, #tpu.memory_space<hbm>>
      %dma_start3A_88 = tpu.memref_squeeze %dma_start3A_87 : memref<1x16xf32, #tpu.memory_space<hbm>> -> memref<16xf32, #tpu.memory_space<hbm>>
      %dma_start3A_89 = arith.constant 0 : i32
      %dma_start3A_90 = tpu.memref_slice %arg6[%add3A, %dma_start3A_89] : memref<32x16xf32, #tpu.memory_space<hbm>> -> memref<1x16xf32, #tpu.memory_space<hbm>>
      %dma_start3A_91 = tpu.memref_squeeze %dma_start3A_90 : memref<1x16xf32, #tpu.memory_space<hbm>> -> memref<16xf32, #tpu.memory_space<hbm>>
      tpu.enqueue_dma source(%arg13 : memref<16xf32, #tpu.memory_space<vmem>>) target(%dma_start3A_91 : memref<16xf32, #tpu.memory_space<hbm>>) target_semaphore(%run_scoped3A : memref<!tpu.dma_semaphore, #tpu.memory_space<semaphore_mem>>)
      %dma_wait3A = arith.constant 0 : i32
      %dma_wait3A_92 = tpu.memref_slice %arg6[%add3A, %dma_wait3A] : memref<32x16xf32, #tpu.memory_space<hbm>> -> memref<1x16xf32, #tpu.memory_space<hbm>>
      %dma_wait3A_93 = tpu.memref_squeeze %dma_wait3A_92 : memref<1x16xf32, #tpu.memory_space<hbm>> -> memref<16xf32, #tpu.memory_space<hbm>>
      %dma_wait3A_94 = arith.constant 0 : i32
      %dma_wait3A_95 = tpu.memref_slice %arg6[%add3A, %dma_wait3A_94] : memref<32x16xf32, #tpu.memory_space<hbm>> -> memref<1x16xf32, #tpu.memory_space<hbm>>
      %dma_wait3A_96 = tpu.memref_squeeze %dma_wait3A_95 : memref<1x16xf32, #tpu.memory_space<hbm>> -> memref<16xf32, #tpu.memory_space<hbm>>
      tpu.wait_dma2 semaphore(%run_scoped3A : memref<!tpu.dma_semaphore, #tpu.memory_space<semaphore_mem>>) src(%arg13 : memref<16xf32, #tpu.memory_space<vmem>>) dst(%dma_wait3A_96 : memref<16xf32, #tpu.memory_space<hbm>>)
      tpu.yield
    }) : () -> ()
    "tpu.region"() ({
      %run_scoped3A = tpu.sem_alloc : memref<!tpu.dma_semaphore, #tpu.memory_space<semaphore_mem>>
      %dma_start3A = arith.constant 0 : i32
      %dma_start3A_87 = tpu.memref_slice %arg7[%add3A, %dma_start3A] : memref<32x16xi32, #tpu.memory_space<hbm>> -> memref<1x16xi32, #tpu.memory_space<hbm>>
      %dma_start3A_88 = tpu.memref_squeeze %dma_start3A_87 : memref<1x16xi32, #tpu.memory_space<hbm>> -> memref<16xi32, #tpu.memory_space<hbm>>
      %dma_start3A_89 = arith.constant 0 : i32
      %dma_start3A_90 = tpu.memref_slice %arg7[%add3A, %dma_start3A_89] : memref<32x16xi32, #tpu.memory_space<hbm>> -> memref<1x16xi32, #tpu.memory_space<hbm>>
      %dma_start3A_91 = tpu.memref_squeeze %dma_start3A_90 : memref<1x16xi32, #tpu.memory_space<hbm>> -> memref<16xi32, #tpu.memory_space<hbm>>
      tpu.enqueue_dma source(%arg14 : memref<16xi32, #tpu.memory_space<vmem>>) target(%dma_start3A_91 : memref<16xi32, #tpu.memory_space<hbm>>) target_semaphore(%run_scoped3A : memref<!tpu.dma_semaphore, #tpu.memory_space<semaphore_mem>>)
      %dma_wait3A = arith.constant 0 : i32
      %dma_wait3A_92 = tpu.memref_slice %arg7[%add3A, %dma_wait3A] : memref<32x16xi32, #tpu.memory_space<hbm>> -> memref<1x16xi32, #tpu.memory_space<hbm>>
      %dma_wait3A_93 = tpu.memref_squeeze %dma_wait3A_92 : memref<1x16xi32, #tpu.memory_space<hbm>> -> memref<16xi32, #tpu.memory_space<hbm>>
      %dma_wait3A_94 = arith.constant 0 : i32
      %dma_wait3A_95 = tpu.memref_slice %arg7[%add3A, %dma_wait3A_94] : memref<32x16xi32, #tpu.memory_space<hbm>> -> memref<1x16xi32, #tpu.memory_space<hbm>>
      %dma_wait3A_96 = tpu.memref_squeeze %dma_wait3A_95 : memref<1x16xi32, #tpu.memory_space<hbm>> -> memref<16xi32, #tpu.memory_space<hbm>>
      tpu.wait_dma2 semaphore(%run_scoped3A : memref<!tpu.dma_semaphore, #tpu.memory_space<semaphore_mem>>) src(%arg14 : memref<16xi32, #tpu.memory_space<vmem>>) dst(%dma_wait3A_96 : memref<16xi32, #tpu.memory_space<hbm>>)
      tpu.yield
    }) : () -> ()
    "tpu.region"() ({
      %run_scoped3A = tpu.sem_alloc : memref<!tpu.dma_semaphore, #tpu.memory_space<semaphore_mem>>
      %dma_start3A = arith.constant 0 : i32
      %dma_start3A_87 = tpu.memref_slice %arg8[%add3A, %dma_start3A] : memref<32x2048xf32, #tpu.memory_space<hbm>> -> memref<1x2048xf32, #tpu.memory_space<hbm>>
      %dma_start3A_88 = tpu.memref_squeeze %dma_start3A_87 : memref<1x2048xf32, #tpu.memory_space<hbm>> -> memref<2048xf32, #tpu.memory_space<hbm>>
      %dma_start3A_89 = arith.constant 0 : i32
      %dma_start3A_90 = tpu.memref_slice %arg8[%add3A, %dma_start3A_89] : memref<32x2048xf32, #tpu.memory_space<hbm>> -> memref<1x2048xf32, #tpu.memory_space<hbm>>
      %dma_start3A_91 = tpu.memref_squeeze %dma_start3A_90 : memref<1x2048xf32, #tpu.memory_space<hbm>> -> memref<2048xf32, #tpu.memory_space<hbm>>
      tpu.enqueue_dma source(%arg12 : memref<2048xf32, #tpu.memory_space<vmem>>) target(%dma_start3A_91 : memref<2048xf32, #tpu.memory_space<hbm>>) target_semaphore(%run_scoped3A : memref<!tpu.dma_semaphore, #tpu.memory_space<semaphore_mem>>)
      %dma_wait3A = arith.constant 0 : i32
      %dma_wait3A_92 = tpu.memref_slice %arg8[%add3A, %dma_wait3A] : memref<32x2048xf32, #tpu.memory_space<hbm>> -> memref<1x2048xf32, #tpu.memory_space<hbm>>
      %dma_wait3A_93 = tpu.memref_squeeze %dma_wait3A_92 : memref<1x2048xf32, #tpu.memory_space<hbm>> -> memref<2048xf32, #tpu.memory_space<hbm>>
      %dma_wait3A_94 = arith.constant 0 : i32
      %dma_wait3A_95 = tpu.memref_slice %arg8[%add3A, %dma_wait3A_94] : memref<32x2048xf32, #tpu.memory_space<hbm>> -> memref<1x2048xf32, #tpu.memory_space<hbm>>
      %dma_wait3A_96 = tpu.memref_squeeze %dma_wait3A_95 : memref<1x2048xf32, #tpu.memory_space<hbm>> -> memref<2048xf32, #tpu.memory_space<hbm>>
      tpu.wait_dma2 semaphore(%run_scoped3A : memref<!tpu.dma_semaphore, #tpu.memory_space<semaphore_mem>>) src(%arg12 : memref<2048xf32, #tpu.memory_space<vmem>>) dst(%dma_wait3A_96 : memref<2048xf32, #tpu.memory_space<hbm>>)
      tpu.yield
    }) : () -> ()
    return
  }
}

#map = affine_map<(d0, d1) -> (0, 0)>
module attributes {stable_mosaic.version = 14 : i64} {
  func.func @_c3(%arg0: i32, %arg1: i32, %arg2: memref<32x16xi32, #tpu.memory_space<hbm>>, %arg3: memref<32x2064xf32, #tpu.memory_space<hbm>>, %arg4: memref<64x20000xi32, #tpu.memory_space<hbm>>, %arg5: memref<32x1040xf32, #tpu.memory_space<hbm>>, %arg6: memref<32x16xi32, #tpu.memory_space<hbm>>, %arg7: memref<32x2064xf32, #tpu.memory_space<vmem>>, %arg8: memref<2048xf32, #tpu.memory_space<vmem>>, %arg9: memref<16xi32, #tpu.memory_space<vmem>>, %arg10: memref<20000xi32, #tpu.memory_space<vmem>>, %arg11: memref<1040xf32, #tpu.memory_space<vmem>>, %arg12: memref<16xi32, #tpu.memory_space<vmem>>) attributes {dimension_semantics = [#tpu.dimension_semantics<core_parallel>, #tpu.dimension_semantics<subcore_parallel>], iteration_bounds = array<i64: 2, 16>, scalar_prefetch = 0 : i64, scratch_operands = 6 : i64, tpu.core_type = #tpu.core_type<sc_vector_subcore>, window_params = [{transform_indices = #map}, {transform_indices = #map}, {transform_indices = #map}, {transform_indices = #map}, {transform_indices = #map}]} {
    %mul3A = arith.constant 2 : i32
    %mul3A_0 = arith.muli %arg1, %mul3A : i32
    %add3A = arith.addi %mul3A_0, %arg0 : i32
    "tpu.region"() ({
      %run_scoped3A_56 = tpu.sem_alloc : memref<!tpu.dma_semaphore, #tpu.memory_space<semaphore_mem>>
      tpu.enqueue_dma source(%arg3 : memref<32x2064xf32, #tpu.memory_space<hbm>>) target(%arg7 : memref<32x2064xf32, #tpu.memory_space<vmem>>) target_semaphore(%run_scoped3A_56 : memref<!tpu.dma_semaphore, #tpu.memory_space<semaphore_mem>>)
      tpu.wait_dma2 semaphore(%run_scoped3A_56 : memref<!tpu.dma_semaphore, #tpu.memory_space<semaphore_mem>>) src(%arg3 : memref<32x2064xf32, #tpu.memory_space<hbm>>) dst(%arg7 : memref<32x2064xf32, #tpu.memory_space<vmem>>)
      tpu.yield
    }) : () -> ()
    %run_scoped3A = arith.constant 0 : i32
    "tpu.region"() ({
      %run_scoped3A_56 = tpu.sem_alloc : memref<!tpu.dma_semaphore, #tpu.memory_space<semaphore_mem>>
      %dma_start3A = arith.constant 0 : i32
      %dma_start3A_57 = tpu.memref_slice %arg2[%run_scoped3A, %dma_start3A] : memref<32x16xi32, #tpu.memory_space<hbm>> -> memref<1x16xi32, #tpu.memory_space<hbm>>
      %dma_start3A_58 = tpu.memref_squeeze %dma_start3A_57 : memref<1x16xi32, #tpu.memory_space<hbm>> -> memref<16xi32, #tpu.memory_space<hbm>>
      %dma_start3A_59 = arith.constant 0 : i32
      %dma_start3A_60 = tpu.memref_slice %arg2[%run_scoped3A, %dma_start3A_59] : memref<32x16xi32, #tpu.memory_space<hbm>> -> memref<1x16xi32, #tpu.memory_space<hbm>>
      %dma_start3A_61 = tpu.memref_squeeze %dma_start3A_60 : memref<1x16xi32, #tpu.memory_space<hbm>> -> memref<16xi32, #tpu.memory_space<hbm>>
      tpu.enqueue_dma source(%dma_start3A_61 : memref<16xi32, #tpu.memory_space<hbm>>) target(%arg9 : memref<16xi32, #tpu.memory_space<vmem>>) target_semaphore(%run_scoped3A_56 : memref<!tpu.dma_semaphore, #tpu.memory_space<semaphore_mem>>)
      %dma_wait3A = arith.constant 0 : i32
      %dma_wait3A_62 = tpu.memref_slice %arg2[%run_scoped3A, %dma_wait3A] : memref<32x16xi32, #tpu.memory_space<hbm>> -> memref<1x16xi32, #tpu.memory_space<hbm>>
      %dma_wait3A_63 = tpu.memref_squeeze %dma_wait3A_62 : memref<1x16xi32, #tpu.memory_space<hbm>> -> memref<16xi32, #tpu.memory_space<hbm>>
      %dma_wait3A_64 = arith.constant 0 : i32
      %dma_wait3A_65 = tpu.memref_slice %arg2[%run_scoped3A, %dma_wait3A_64] : memref<32x16xi32, #tpu.memory_space<hbm>> -> memref<1x16xi32, #tpu.memory_space<hbm>>
      %dma_wait3A_66 = tpu.memref_squeeze %dma_wait3A_65 : memref<1x16xi32, #tpu.memory_space<hbm>> -> memref<16xi32, #tpu.memory_space<hbm>>
      tpu.wait_dma2 semaphore(%run_scoped3A_56 : memref<!tpu.dma_semaphore, #tpu.memory_space<semaphore_mem>>) src(%dma_wait3A_66 : memref<16xi32, #tpu.memory_space<hbm>>) dst(%arg9 : memref<16xi32, #tpu.memory_space<vmem>>)
      tpu.yield
    }) : () -> ()
    %get3A = arith.constant 0 : index
    %get3A_1 = tpu.vector_load %arg9[%get3A] {strides = array<i32>} : memref<16xi32, #tpu.memory_space<vmem>>, vector<16xi32>,
    %slice3A = vector.extract_strided_slice %get3A_1 {offsets = [0], sizes = [1], strides = [1]} : vector<16xi32> to vector<1xi32>
    %squeeze3A = vector.extract %slice3A[0] : i32 from vector<1xi32>
    %slice3A_2 = vector.extract_strided_slice %get3A_1 {offsets = [1], sizes = [1], strides = [1]} : vector<16xi32> to vector<1xi32>
    %squeeze3A_3 = vector.extract %slice3A_2[0] : i32 from vector<1xi32>
    %slice3A_4 = vector.extract_strided_slice %get3A_1 {offsets = [3], sizes = [1], strides = [1]} : vector<16xi32> to vector<1xi32>
    %squeeze3A_5 = vector.extract %slice3A_4[0] : i32 from vector<1xi32>
    %parallel_loop3A = arith.constant 0 : i32
    %parallel_loop3A_6 = arith.constant 128 : i32
    %parallel_loop3A_7 = arith.constant 1 : i32
    scf.for %parallel_loop3A_56 = %parallel_loop3A to %parallel_loop3A_6 step %parallel_loop3A_7  : i32 {
      %parallel_loop3A_57 = arith.constant 16 : i32
      %parallel_loop3A_58 = arith.muli %parallel_loop3A_56, %parallel_loop3A_57 : i32
      %parallel_loop3A_59 = arith.constant 0 : i32
      %parallel_loop3A_60 = arith.index_cast %parallel_loop3A_59 : i32 to index
      %parallel_loop3A_61 = arith.index_cast %parallel_loop3A_58 : i32 to index
      %parallel_loop3A_62 = tpu.vector_load %arg7[%parallel_loop3A_60, %parallel_loop3A_61] {strides = array<i32>} : memref<32x2064xf32, #tpu.memory_space<vmem>>, vector<16xf32>,
      %parallel_loop3A_63 = arith.constant 1 : i32
      %parallel_loop3A_64 = arith.index_cast %parallel_loop3A_63 : i32 to index
      %parallel_loop3A_65 = arith.index_cast %parallel_loop3A_58 : i32 to index
      %parallel_loop3A_66 = tpu.vector_load %arg7[%parallel_loop3A_64, %parallel_loop3A_65] {strides = array<i32>} : memref<32x2064xf32, #tpu.memory_space<vmem>>, vector<16xf32>,
      %parallel_loop3A_67 = arith.constant 2 : i32
      %parallel_loop3A_68 = arith.index_cast %parallel_loop3A_67 : i32 to index
      %parallel_loop3A_69 = arith.index_cast %parallel_loop3A_58 : i32 to index
      %parallel_loop3A_70 = tpu.vector_load %arg7[%parallel_loop3A_68, %parallel_loop3A_69] {strides = array<i32>} : memref<32x2064xf32, #tpu.memory_space<vmem>>, vector<16xf32>,
      %parallel_loop3A_71 = arith.constant 3 : i32
      %parallel_loop3A_72 = arith.index_cast %parallel_loop3A_71 : i32 to index
      %parallel_loop3A_73 = arith.index_cast %parallel_loop3A_58 : i32 to index
      %parallel_loop3A_74 = tpu.vector_load %arg7[%parallel_loop3A_72, %parallel_loop3A_73] {strides = array<i32>} : memref<32x2064xf32, #tpu.memory_space<vmem>>, vector<16xf32>,
      %parallel_loop3A_75 = arith.constant 4 : i32
      %parallel_loop3A_76 = arith.index_cast %parallel_loop3A_75 : i32 to index
      %parallel_loop3A_77 = arith.index_cast %parallel_loop3A_58 : i32 to index
      %parallel_loop3A_78 = tpu.vector_load %arg7[%parallel_loop3A_76, %parallel_loop3A_77] {strides = array<i32>} : memref<32x2064xf32, #tpu.memory_space<vmem>>, vector<16xf32>,
      %parallel_loop3A_79 = arith.constant 5 : i32
      %parallel_loop3A_80 = arith.index_cast %parallel_loop3A_79 : i32 to index
      %parallel_loop3A_81 = arith.index_cast %parallel_loop3A_58 : i32 to index
      %parallel_loop3A_82 = tpu.vector_load %arg7[%parallel_loop3A_80, %parallel_loop3A_81] {strides = array<i32>} : memref<32x2064xf32, #tpu.memory_space<vmem>>, vector<16xf32>,
      %parallel_loop3A_83 = arith.constant 6 : i32
      %parallel_loop3A_84 = arith.index_cast %parallel_loop3A_83 : i32 to index
      %parallel_loop3A_85 = arith.index_cast %parallel_loop3A_58 : i32 to index
      %parallel_loop3A_86 = tpu.vector_load %arg7[%parallel_loop3A_84, %parallel_loop3A_85] {strides = array<i32>} : memref<32x2064xf32, #tpu.memory_space<vmem>>, vector<16xf32>,
      %parallel_loop3A_87 = arith.constant 7 : i32
      %parallel_loop3A_88 = arith.index_cast %parallel_loop3A_87 : i32 to index
      %parallel_loop3A_89 = arith.index_cast %parallel_loop3A_58 : i32 to index
      %parallel_loop3A_90 = tpu.vector_load %arg7[%parallel_loop3A_88, %parallel_loop3A_89] {strides = array<i32>} : memref<32x2064xf32, #tpu.memory_space<vmem>>, vector<16xf32>,
      %parallel_loop3A_91 = arith.constant 8 : i32
      %parallel_loop3A_92 = arith.index_cast %parallel_loop3A_91 : i32 to index
      %parallel_loop3A_93 = arith.index_cast %parallel_loop3A_58 : i32 to index
      %parallel_loop3A_94 = tpu.vector_load %arg7[%parallel_loop3A_92, %parallel_loop3A_93] {strides = array<i32>} : memref<32x2064xf32, #tpu.memory_space<vmem>>, vector<16xf32>,
      %parallel_loop3A_95 = arith.constant 9 : i32
      %parallel_loop3A_96 = arith.index_cast %parallel_loop3A_95 : i32 to index
      %parallel_loop3A_97 = arith.index_cast %parallel_loop3A_58 : i32 to index
      %parallel_loop3A_98 = tpu.vector_load %arg7[%parallel_loop3A_96, %parallel_loop3A_97] {strides = array<i32>} : memref<32x2064xf32, #tpu.memory_space<vmem>>, vector<16xf32>,
      %parallel_loop3A_99 = arith.constant 10 : i32
      %parallel_loop3A_100 = arith.index_cast %parallel_loop3A_99 : i32 to index
      %parallel_loop3A_101 = arith.index_cast %parallel_loop3A_58 : i32 to index
      %parallel_loop3A_102 = tpu.vector_load %arg7[%parallel_loop3A_100, %parallel_loop3A_101] {strides = array<i32>} : memref<32x2064xf32, #tpu.memory_space<vmem>>, vector<16xf32>,
      %parallel_loop3A_103 = arith.constant 11 : i32
      %parallel_loop3A_104 = arith.index_cast %parallel_loop3A_103 : i32 to index
      %parallel_loop3A_105 = arith.index_cast %parallel_loop3A_58 : i32 to index
      %parallel_loop3A_106 = tpu.vector_load %arg7[%parallel_loop3A_104, %parallel_loop3A_105] {strides = array<i32>} : memref<32x2064xf32, #tpu.memory_space<vmem>>, vector<16xf32>,
      %parallel_loop3A_107 = arith.constant 12 : i32
      %parallel_loop3A_108 = arith.index_cast %parallel_loop3A_107 : i32 to index
      %parallel_loop3A_109 = arith.index_cast %parallel_loop3A_58 : i32 to index
      %parallel_loop3A_110 = tpu.vector_load %arg7[%parallel_loop3A_108, %parallel_loop3A_109] {strides = array<i32>} : memref<32x2064xf32, #tpu.memory_space<vmem>>, vector<16xf32>,
      %parallel_loop3A_111 = arith.constant 13 : i32
      %parallel_loop3A_112 = arith.index_cast %parallel_loop3A_111 : i32 to index
      %parallel_loop3A_113 = arith.index_cast %parallel_loop3A_58 : i32 to index
      %parallel_loop3A_114 = tpu.vector_load %arg7[%parallel_loop3A_112, %parallel_loop3A_113] {strides = array<i32>} : memref<32x2064xf32, #tpu.memory_space<vmem>>, vector<16xf32>,
      %parallel_loop3A_115 = arith.constant 14 : i32
      %parallel_loop3A_116 = arith.index_cast %parallel_loop3A_115 : i32 to index
      %parallel_loop3A_117 = arith.index_cast %parallel_loop3A_58 : i32 to index
      %parallel_loop3A_118 = tpu.vector_load %arg7[%parallel_loop3A_116, %parallel_loop3A_117] {strides = array<i32>} : memref<32x2064xf32, #tpu.memory_space<vmem>>, vector<16xf32>,
      %parallel_loop3A_119 = arith.constant 15 : i32
      %parallel_loop3A_120 = arith.index_cast %parallel_loop3A_119 : i32 to index
      %parallel_loop3A_121 = arith.index_cast %parallel_loop3A_58 : i32 to index
      %parallel_loop3A_122 = tpu.vector_load %arg7[%parallel_loop3A_120, %parallel_loop3A_121] {strides = array<i32>} : memref<32x2064xf32, #tpu.memory_space<vmem>>, vector<16xf32>,
      %parallel_loop3A_123 = arith.constant 16 : i32
      %parallel_loop3A_124 = arith.index_cast %parallel_loop3A_123 : i32 to index
      %parallel_loop3A_125 = arith.index_cast %parallel_loop3A_58 : i32 to index
      %parallel_loop3A_126 = tpu.vector_load %arg7[%parallel_loop3A_124, %parallel_loop3A_125] {strides = array<i32>} : memref<32x2064xf32, #tpu.memory_space<vmem>>, vector<16xf32>,
      %parallel_loop3A_127 = arith.constant 17 : i32
      %parallel_loop3A_128 = arith.index_cast %parallel_loop3A_127 : i32 to index
      %parallel_loop3A_129 = arith.index_cast %parallel_loop3A_58 : i32 to index
      %parallel_loop3A_130 = tpu.vector_load %arg7[%parallel_loop3A_128, %parallel_loop3A_129] {strides = array<i32>} : memref<32x2064xf32, #tpu.memory_space<vmem>>, vector<16xf32>,
      %parallel_loop3A_131 = arith.constant 18 : i32
      %parallel_loop3A_132 = arith.index_cast %parallel_loop3A_131 : i32 to index
      %parallel_loop3A_133 = arith.index_cast %parallel_loop3A_58 : i32 to index
      %parallel_loop3A_134 = tpu.vector_load %arg7[%parallel_loop3A_132, %parallel_loop3A_133] {strides = array<i32>} : memref<32x2064xf32, #tpu.memory_space<vmem>>, vector<16xf32>,
      %parallel_loop3A_135 = arith.constant 19 : i32
      %parallel_loop3A_136 = arith.index_cast %parallel_loop3A_135 : i32 to index
      %parallel_loop3A_137 = arith.index_cast %parallel_loop3A_58 : i32 to index
      %parallel_loop3A_138 = tpu.vector_load %arg7[%parallel_loop3A_136, %parallel_loop3A_137] {strides = array<i32>} : memref<32x2064xf32, #tpu.memory_space<vmem>>, vector<16xf32>,
      %parallel_loop3A_139 = arith.constant 20 : i32
      %parallel_loop3A_140 = arith.index_cast %parallel_loop3A_139 : i32 to index
      %parallel_loop3A_141 = arith.index_cast %parallel_loop3A_58 : i32 to index
      %parallel_loop3A_142 = tpu.vector_load %arg7[%parallel_loop3A_140, %parallel_loop3A_141] {strides = array<i32>} : memref<32x2064xf32, #tpu.memory_space<vmem>>, vector<16xf32>,
      %parallel_loop3A_143 = arith.constant 21 : i32
      %parallel_loop3A_144 = arith.index_cast %parallel_loop3A_143 : i32 to index
      %parallel_loop3A_145 = arith.index_cast %parallel_loop3A_58 : i32 to index
      %parallel_loop3A_146 = tpu.vector_load %arg7[%parallel_loop3A_144, %parallel_loop3A_145] {strides = array<i32>} : memref<32x2064xf32, #tpu.memory_space<vmem>>, vector<16xf32>,
      %parallel_loop3A_147 = arith.constant 22 : i32
      %parallel_loop3A_148 = arith.index_cast %parallel_loop3A_147 : i32 to index
      %parallel_loop3A_149 = arith.index_cast %parallel_loop3A_58 : i32 to index
      %parallel_loop3A_150 = tpu.vector_load %arg7[%parallel_loop3A_148, %parallel_loop3A_149] {strides = array<i32>} : memref<32x2064xf32, #tpu.memory_space<vmem>>, vector<16xf32>,
      %parallel_loop3A_151 = arith.constant 23 : i32
      %parallel_loop3A_152 = arith.index_cast %parallel_loop3A_151 : i32 to index
      %parallel_loop3A_153 = arith.index_cast %parallel_loop3A_58 : i32 to index
      %parallel_loop3A_154 = tpu.vector_load %arg7[%parallel_loop3A_152, %parallel_loop3A_153] {strides = array<i32>} : memref<32x2064xf32, #tpu.memory_space<vmem>>, vector<16xf32>,
      %parallel_loop3A_155 = arith.constant 24 : i32
      %parallel_loop3A_156 = arith.index_cast %parallel_loop3A_155 : i32 to index
      %parallel_loop3A_157 = arith.index_cast %parallel_loop3A_58 : i32 to index
      %parallel_loop3A_158 = tpu.vector_load %arg7[%parallel_loop3A_156, %parallel_loop3A_157] {strides = array<i32>} : memref<32x2064xf32, #tpu.memory_space<vmem>>, vector<16xf32>,
      %parallel_loop3A_159 = arith.constant 25 : i32
      %parallel_loop3A_160 = arith.index_cast %parallel_loop3A_159 : i32 to index
      %parallel_loop3A_161 = arith.index_cast %parallel_loop3A_58 : i32 to index
      %parallel_loop3A_162 = tpu.vector_load %arg7[%parallel_loop3A_160, %parallel_loop3A_161] {strides = array<i32>} : memref<32x2064xf32, #tpu.memory_space<vmem>>, vector<16xf32>,
      %parallel_loop3A_163 = arith.constant 26 : i32
      %parallel_loop3A_164 = arith.index_cast %parallel_loop3A_163 : i32 to index
      %parallel_loop3A_165 = arith.index_cast %parallel_loop3A_58 : i32 to index
      %parallel_loop3A_166 = tpu.vector_load %arg7[%parallel_loop3A_164, %parallel_loop3A_165] {strides = array<i32>} : memref<32x2064xf32, #tpu.memory_space<vmem>>, vector<16xf32>,
      %parallel_loop3A_167 = arith.constant 27 : i32
      %parallel_loop3A_168 = arith.index_cast %parallel_loop3A_167 : i32 to index
      %parallel_loop3A_169 = arith.index_cast %parallel_loop3A_58 : i32 to index
      %parallel_loop3A_170 = tpu.vector_load %arg7[%parallel_loop3A_168, %parallel_loop3A_169] {strides = array<i32>} : memref<32x2064xf32, #tpu.memory_space<vmem>>, vector<16xf32>,
      %parallel_loop3A_171 = arith.constant 28 : i32
      %parallel_loop3A_172 = arith.index_cast %parallel_loop3A_171 : i32 to index
      %parallel_loop3A_173 = arith.index_cast %parallel_loop3A_58 : i32 to index
      %parallel_loop3A_174 = tpu.vector_load %arg7[%parallel_loop3A_172, %parallel_loop3A_173] {strides = array<i32>} : memref<32x2064xf32, #tpu.memory_space<vmem>>, vector<16xf32>,
      %parallel_loop3A_175 = arith.constant 29 : i32
      %parallel_loop3A_176 = arith.index_cast %parallel_loop3A_175 : i32 to index
      %parallel_loop3A_177 = arith.index_cast %parallel_loop3A_58 : i32 to index
      %parallel_loop3A_178 = tpu.vector_load %arg7[%parallel_loop3A_176, %parallel_loop3A_177] {strides = array<i32>} : memref<32x2064xf32, #tpu.memory_space<vmem>>, vector<16xf32>,
      %parallel_loop3A_179 = arith.constant 30 : i32
      %parallel_loop3A_180 = arith.index_cast %parallel_loop3A_179 : i32 to index
      %parallel_loop3A_181 = arith.index_cast %parallel_loop3A_58 : i32 to index
      %parallel_loop3A_182 = tpu.vector_load %arg7[%parallel_loop3A_180, %parallel_loop3A_181] {strides = array<i32>} : memref<32x2064xf32, #tpu.memory_space<vmem>>, vector<16xf32>,
      %parallel_loop3A_183 = arith.constant 31 : i32
      %parallel_loop3A_184 = arith.index_cast %parallel_loop3A_183 : i32 to index
      %parallel_loop3A_185 = arith.index_cast %parallel_loop3A_58 : i32 to index
      %parallel_loop3A_186 = tpu.vector_load %arg7[%parallel_loop3A_184, %parallel_loop3A_185] {strides = array<i32>} : memref<32x2064xf32, #tpu.memory_space<vmem>>, vector<16xf32>,
      %parallel_loop3A_187 = arith.addf %parallel_loop3A_62, %parallel_loop3A_66 : vector<16xf32>
      %parallel_loop3A_188 = arith.addf %parallel_loop3A_70, %parallel_loop3A_74 : vector<16xf32>
      %parallel_loop3A_189 = arith.addf %parallel_loop3A_78, %parallel_loop3A_82 : vector<16xf32>
      %parallel_loop3A_190 = arith.addf %parallel_loop3A_86, %parallel_loop3A_90 : vector<16xf32>
      %parallel_loop3A_191 = arith.addf %parallel_loop3A_94, %parallel_loop3A_98 : vector<16xf32>
      %parallel_loop3A_192 = arith.addf %parallel_loop3A_102, %parallel_loop3A_106 : vector<16xf32>
      %parallel_loop3A_193 = arith.addf %parallel_loop3A_110, %parallel_loop3A_114 : vector<16xf32>
      %parallel_loop3A_194 = arith.addf %parallel_loop3A_118, %parallel_loop3A_122 : vector<16xf32>
      %parallel_loop3A_195 = arith.addf %parallel_loop3A_126, %parallel_loop3A_130 : vector<16xf32>
      %parallel_loop3A_196 = arith.addf %parallel_loop3A_134, %parallel_loop3A_138 : vector<16xf32>
      %parallel_loop3A_197 = arith.addf %parallel_loop3A_142, %parallel_loop3A_146 : vector<16xf32>
      %parallel_loop3A_198 = arith.addf %parallel_loop3A_150, %parallel_loop3A_154 : vector<16xf32>
      %parallel_loop3A_199 = arith.addf %parallel_loop3A_158, %parallel_loop3A_162 : vector<16xf32>
      %parallel_loop3A_200 = arith.addf %parallel_loop3A_166, %parallel_loop3A_170 : vector<16xf32>
      %parallel_loop3A_201 = arith.addf %parallel_loop3A_174, %parallel_loop3A_178 : vector<16xf32>
      %parallel_loop3A_202 = arith.addf %parallel_loop3A_182, %parallel_loop3A_186 : vector<16xf32>
      %parallel_loop3A_203 = arith.addf %parallel_loop3A_187, %parallel_loop3A_188 : vector<16xf32>
      %parallel_loop3A_204 = arith.addf %parallel_loop3A_189, %parallel_loop3A_190 : vector<16xf32>
      %parallel_loop3A_205 = arith.addf %parallel_loop3A_191, %parallel_loop3A_192 : vector<16xf32>
      %parallel_loop3A_206 = arith.addf %parallel_loop3A_193, %parallel_loop3A_194 : vector<16xf32>
      %parallel_loop3A_207 = arith.addf %parallel_loop3A_195, %parallel_loop3A_196 : vector<16xf32>
      %parallel_loop3A_208 = arith.addf %parallel_loop3A_197, %parallel_loop3A_198 : vector<16xf32>
      %parallel_loop3A_209 = arith.addf %parallel_loop3A_199, %parallel_loop3A_200 : vector<16xf32>
      %parallel_loop3A_210 = arith.addf %parallel_loop3A_201, %parallel_loop3A_202 : vector<16xf32>
      %parallel_loop3A_211 = arith.addf %parallel_loop3A_203, %parallel_loop3A_204 : vector<16xf32>
      %parallel_loop3A_212 = arith.addf %parallel_loop3A_205, %parallel_loop3A_206 : vector<16xf32>
      %parallel_loop3A_213 = arith.addf %parallel_loop3A_207, %parallel_loop3A_208 : vector<16xf32>
      %parallel_loop3A_214 = arith.addf %parallel_loop3A_209, %parallel_loop3A_210 : vector<16xf32>
      %parallel_loop3A_215 = arith.addf %parallel_loop3A_211, %parallel_loop3A_212 : vector<16xf32>
      %parallel_loop3A_216 = arith.addf %parallel_loop3A_213, %parallel_loop3A_214 : vector<16xf32>
      %parallel_loop3A_217 = arith.addf %parallel_loop3A_215, %parallel_loop3A_216 : vector<16xf32>
      %parallel_loop3A_218 = arith.index_cast %parallel_loop3A_58 : i32 to index
      %parallel_loop3A_219 = tpu.vector_load %arg8[%parallel_loop3A_218] {strides = array<i32>} : memref<2048xf32, #tpu.memory_space<vmem>>, vector<16xf32>,
      tpu.vector_store %arg8[%parallel_loop3A_218], %parallel_loop3A_217 {strides = array<i32>} : memref<2048xf32, #tpu.memory_space<vmem>>, vector<16xf32>,
    } {sc.loop_unroll_factor = 2 : i64, sc.parallel_access}
    %convert_element_type3A = arith.sitofp %squeeze3A_3 : i32 to f32
    %scan3A = arith.constant 0.000000e+00 : f32
    %scan3A_8 = arith.constant false
    %scan3A_9 = arith.constant 0 : i32
    %scan3A_10 = arith.constant 0.000000e+00 : f32
    %scan3A_11 = arith.constant 0 : i32
    %scan3A_12 = arith.constant 128 : i32
    %scan3A_13 = arith.addi %scan3A_11, %scan3A_12 : i32
    %scan3A_14 = arith.constant 1 : i32
    %scan3A_15:4 = scf.for %scan3A_56 = %scan3A_11 to %scan3A_13 step %scan3A_14 iter_args(%scan3A_57 = %scan3A, %scan3A_58 = %scan3A_8, %scan3A_59 = %scan3A_9, %scan3A_60 = %scan3A_10) -> (f32, i1, i32, f32)  : i32 {
      %add3A_61 = arith.constant 1 : i32
      %add3A_62 = arith.addi %scan3A_56, %add3A_61 : i32
      %mul3A_63 = arith.constant 16 : i32
      %mul3A_64 = arith.muli %mul3A_63, %add3A_62 : i32
      %sub3A_65 = arith.constant 2048 : i32
      %sub3A_66 = arith.subi %sub3A_65, %mul3A_64 : i32
      %get3A_67 = arith.index_cast %sub3A_66 : i32 to index
      %get3A_68 = tpu.vector_load %arg8[%get3A_67] {strides = array<i32>} : memref<2048xf32, #tpu.memory_space<vmem>>, vector<16xf32>,
      %broadcast_in_dim3A_69 = arith.constant true
      %broadcast_in_dim3A_70 = vector.broadcast %broadcast_in_dim3A_69 : i1 to vector<16xi1>
      %masked_cumsum3A = tpu.scan <sum>, %get3A_68 masked %broadcast_in_dim3A_70 : vector<16xf32>, vector<16xi1> -> vector<16xf32>
      %slice3A_71 = vector.extract_strided_slice %masked_cumsum3A {offsets = [15], sizes = [1], strides = [1]} : vector<16xf32> to vector<1xf32>
      %squeeze3A_72 = vector.extract %slice3A_71[0] : f32 from vector<1xf32>
      %sub3A_73 = vector.broadcast %squeeze3A_72 : f32 to vector<16xf32>
      %sub3A_74 = arith.subf %sub3A_73, %masked_cumsum3A : vector<16xf32>
      %add3A_75 = vector.broadcast %scan3A_57 : f32 to vector<16xf32>
      %add3A_76 = arith.addf %add3A_75, %sub3A_74 : vector<16xf32>
      %add3A_77 = arith.addf %add3A_76, %get3A_68 : vector<16xf32>
      %ge3A = vector.broadcast %convert_element_type3A : f32 to vector<16xf32>
      %ge3A_78 = arith.cmpf oge, %add3A_77, %ge3A : vector<16xf32>
      %all_reduce_population_count3A = tpu.all_reduce %ge3A_78 {dim = 0 : i64, kind = #tpu.reduction_kind<sum>} : vector<16xi1> -> vector<16xi32>
      %slice3A_79 = vector.extract_strided_slice %all_reduce_population_count3A {offsets = [0], sizes = [1], strides = [1]} : vector<16xi32> to vector<1xi32>
      %squeeze3A_80 = vector.extract %slice3A_79[0] : i32 from vector<1xi32>
      %gt3A = arith.constant 0 : i32
      %gt3A_81 = arith.cmpi sgt, %squeeze3A_80, %gt3A : i32
      %sub3A_82 = arith.constant 1 : i32
      %sub3A_83 = arith.subi %squeeze3A_80, %sub3A_82 : i32
      %jit3A = arith.constant 0.000000e+00 : f32
      %broadcast_in_dim3A_84 = vector.broadcast %jit3A : f32 to vector<16xf32>
      %select_n3A_85 = arith.select %ge3A_78, %masked_cumsum3A, %broadcast_in_dim3A_84 : vector<16xi1>, vector<16xf32>
      %reduce_max3A = arith.constant true
      %reduce_max3A_86 = vector.broadcast %reduce_max3A : i1 to vector<16xi1>
      %reduce_max3A_87 = tpu.scan <max>, %select_n3A_85 masked %reduce_max3A_86 : vector<16xf32>, vector<16xi1> -> vector<16xf32>
      %reduce_max3A_88 = vector.extract %reduce_max3A_87[15] : f32 from vector<16xf32>
      %not3A = arith.constant true
      %not3A_89 = arith.xori %scan3A_58, %not3A : i1
      %and3A = arith.andi %gt3A_81, %not3A_89 : i1
      %add3A_90 = arith.addi %sub3A_66, %sub3A_83 : i32
      %select_n3A_91 = arith.select %and3A, %add3A_90, %scan3A_59 : i32
      %add3A_92 = arith.addf %scan3A_57, %squeeze3A_72 : f32
      %sub3A_93 = arith.subf %add3A_92, %reduce_max3A_88 : f32
      %select_n3A_94 = arith.select %and3A, %sub3A_93, %scan3A_60 : f32
      %or3A = arith.ori %scan3A_58, %gt3A_81 : i1
      %add3A_95 = arith.addf %scan3A_57, %squeeze3A_72 : f32
      scf.yield %add3A_95, %or3A, %select_n3A_91, %select_n3A_94 : f32, i1, i32, f32
    }
    %scan3A_16 = arith.constant 128 : i32
    %convert_element_type3A_17 = arith.fptosi %scan3A_15#3 : f32 to i32
    %sub3A = arith.subi %squeeze3A_3, %convert_element_type3A_17 : i32
    %sub3A_18 = arith.constant 1024 : i32
    %sub3A_19 = arith.subi %squeeze3A, %sub3A_18 : i32
    %shift_left3A = arith.constant 11 : i32
    %shift_left3A_20 = arith.shli %sub3A_19, %shift_left3A : i32
    %add3A_21 = arith.addi %shift_left3A_20, %scan3A_15#2 : i32
    %parallel_loop3A_22 = arith.constant 0 : i32
    %parallel_loop3A_23 = arith.constant 65 : i32
    %parallel_loop3A_24 = arith.constant 1 : i32
    scf.for %parallel_loop3A_56 = %parallel_loop3A_22 to %parallel_loop3A_23 step %parallel_loop3A_24  : i32 {
      %parallel_loop3A_57 = arith.constant 0.000000e+00 : f32
      %parallel_loop3A_58 = vector.broadcast %parallel_loop3A_57 : f32 to vector<16xf32>
      %parallel_loop3A_59 = arith.constant 16 : i32
      %parallel_loop3A_60 = arith.muli %parallel_loop3A_56, %parallel_loop3A_59 : i32
      %parallel_loop3A_61 = arith.index_cast %parallel_loop3A_60 : i32 to index
      %parallel_loop3A_62 = tpu.vector_load %arg11[%parallel_loop3A_61] {strides = array<i32>} : memref<1040xf32, #tpu.memory_space<vmem>>, vector<16xf32>,
      tpu.vector_store %arg11[%parallel_loop3A_61], %parallel_loop3A_58 {strides = array<i32>} : memref<1040xf32, #tpu.memory_space<vmem>>, vector<16xf32>,
    } {sc.loop_unroll_factor = 8 : i64, sc.parallel_access}
    %broadcast_in_dim3A = arith.constant 1.000000e+00 : f32
    %broadcast_in_dim3A_25 = vector.broadcast %broadcast_in_dim3A : f32 to vector<16xf32>
    %mul3A_26 = arith.constant 2 : i32
    %mul3A_27 = arith.muli %add3A, %mul3A_26 : i32
    %add3A_28 = arith.constant 0 : i32
    %add3A_29 = arith.addi %mul3A_27, %add3A_28 : i32
    "tpu.region"() ({
      %run_scoped3A_56 = tpu.sem_alloc : memref<!tpu.dma_semaphore, #tpu.memory_space<semaphore_mem>>
      %dma_start3A = arith.constant 0 : i32
      %dma_start3A_57 = tpu.memref_slice %arg4[%add3A_29, %dma_start3A] : memref<64x20000xi32, #tpu.memory_space<hbm>> -> memref<1x20000xi32, #tpu.memory_space<hbm>>
      %dma_start3A_58 = tpu.memref_squeeze %dma_start3A_57 : memref<1x20000xi32, #tpu.memory_space<hbm>> -> memref<20000xi32, #tpu.memory_space<hbm>>
      %dma_start3A_59 = arith.constant 0 : i32
      %dma_start3A_60 = tpu.memref_slice %arg4[%add3A_29, %dma_start3A_59] : memref<64x20000xi32, #tpu.memory_space<hbm>> -> memref<1x20000xi32, #tpu.memory_space<hbm>>
      %dma_start3A_61 = tpu.memref_squeeze %dma_start3A_60 : memref<1x20000xi32, #tpu.memory_space<hbm>> -> memref<20000xi32, #tpu.memory_space<hbm>>
      tpu.enqueue_dma source(%dma_start3A_61 : memref<20000xi32, #tpu.memory_space<hbm>>) target(%arg10 : memref<20000xi32, #tpu.memory_space<vmem>>) target_semaphore(%run_scoped3A_56 : memref<!tpu.dma_semaphore, #tpu.memory_space<semaphore_mem>>)
      %dma_wait3A = arith.constant 0 : i32
      %dma_wait3A_62 = tpu.memref_slice %arg4[%add3A_29, %dma_wait3A] : memref<64x20000xi32, #tpu.memory_space<hbm>> -> memref<1x20000xi32, #tpu.memory_space<hbm>>
      %dma_wait3A_63 = tpu.memref_squeeze %dma_wait3A_62 : memref<1x20000xi32, #tpu.memory_space<hbm>> -> memref<20000xi32, #tpu.memory_space<hbm>>
      %dma_wait3A_64 = arith.constant 0 : i32
      %dma_wait3A_65 = tpu.memref_slice %arg4[%add3A_29, %dma_wait3A_64] : memref<64x20000xi32, #tpu.memory_space<hbm>> -> memref<1x20000xi32, #tpu.memory_space<hbm>>
      %dma_wait3A_66 = tpu.memref_squeeze %dma_wait3A_65 : memref<1x20000xi32, #tpu.memory_space<hbm>> -> memref<20000xi32, #tpu.memory_space<hbm>>
      tpu.wait_dma2 semaphore(%run_scoped3A_56 : memref<!tpu.dma_semaphore, #tpu.memory_space<semaphore_mem>>) src(%dma_wait3A_66 : memref<20000xi32, #tpu.memory_space<hbm>>) dst(%arg10 : memref<20000xi32, #tpu.memory_space<vmem>>)
      tpu.yield
    }) : () -> ()
    %parallel_loop3A_30 = arith.constant 0 : i32
    %parallel_loop3A_31 = arith.constant 1250 : i32
    %parallel_loop3A_32 = arith.constant 1 : i32
    scf.for %parallel_loop3A_56 = %parallel_loop3A_30 to %parallel_loop3A_31 step %parallel_loop3A_32  : i32 {
      %parallel_loop3A_57 = arith.constant 16 : i32
      %parallel_loop3A_58 = arith.muli %parallel_loop3A_56, %parallel_loop3A_57 : i32
      %parallel_loop3A_59 = arith.index_cast %parallel_loop3A_58 : i32 to index
      %parallel_loop3A_60 = tpu.vector_load %arg10[%parallel_loop3A_59] {strides = array<i32>} : memref<20000xi32, #tpu.memory_space<vmem>>, vector<16xi32>,
      %parallel_loop3A_61 = arith.constant 10 : i32
      %parallel_loop3A_62 = vector.broadcast %parallel_loop3A_61 : i32 to vector<16xi32>
      %parallel_loop3A_63 = arith.shrsi %parallel_loop3A_60, %parallel_loop3A_62 : vector<16xi32>
      %parallel_loop3A_64 = vector.broadcast %add3A_21 : i32 to vector<16xi32>
      %parallel_loop3A_65 = arith.cmpi eq, %parallel_loop3A_63, %parallel_loop3A_64 : vector<16xi32>
      %parallel_loop3A_66 = arith.constant 1023 : i32
      %parallel_loop3A_67 = vector.broadcast %parallel_loop3A_66 : i32 to vector<16xi32>
      %parallel_loop3A_68 = arith.andi %parallel_loop3A_60, %parallel_loop3A_67 : vector<16xi32>
      %parallel_loop3A_69 = arith.constant 1024 : i32
      %parallel_loop3A_70 = vector.broadcast %parallel_loop3A_69 : i32 to vector<16xi32>
      %parallel_loop3A_71 = arith.select %parallel_loop3A_65, %parallel_loop3A_68, %parallel_loop3A_70 : vector<16xi1>, vector<16xi32>
      tpu.vector_store_idx %arg11[%parallel_loop3A_71], %broadcast_in_dim3A_25 {add = true} : memref<1040xf32, #tpu.memory_space<vmem>>[vector<16xi32>], vector<16xf32>,
    } {sc.loop_unroll_factor = 8 : i64, sc.parallel_access}
    %mul3A_33 = arith.constant 2 : i32
    %mul3A_34 = arith.muli %add3A, %mul3A_33 : i32
    %add3A_35 = arith.constant 1 : i32
    %add3A_36 = arith.addi %mul3A_34, %add3A_35 : i32
    "tpu.region"() ({
      %run_scoped3A_56 = tpu.sem_alloc : memref<!tpu.dma_semaphore, #tpu.memory_space<semaphore_mem>>
      %dma_start3A = arith.constant 0 : i32
      %dma_start3A_57 = tpu.memref_slice %arg4[%add3A_36, %dma_start3A] : memref<64x20000xi32, #tpu.memory_space<hbm>> -> memref<1x20000xi32, #tpu.memory_space<hbm>>
      %dma_start3A_58 = tpu.memref_squeeze %dma_start3A_57 : memref<1x20000xi32, #tpu.memory_space<hbm>> -> memref<20000xi32, #tpu.memory_space<hbm>>
      %dma_start3A_59 = arith.constant 0 : i32
      %dma_start3A_60 = tpu.memref_slice %arg4[%add3A_36, %dma_start3A_59] : memref<64x20000xi32, #tpu.memory_space<hbm>> -> memref<1x20000xi32, #tpu.memory_space<hbm>>
      %dma_start3A_61 = tpu.memref_squeeze %dma_start3A_60 : memref<1x20000xi32, #tpu.memory_space<hbm>> -> memref<20000xi32, #tpu.memory_space<hbm>>
      tpu.enqueue_dma source(%dma_start3A_61 : memref<20000xi32, #tpu.memory_space<hbm>>) target(%arg10 : memref<20000xi32, #tpu.memory_space<vmem>>) target_semaphore(%run_scoped3A_56 : memref<!tpu.dma_semaphore, #tpu.memory_space<semaphore_mem>>)
      %dma_wait3A = arith.constant 0 : i32
      %dma_wait3A_62 = tpu.memref_slice %arg4[%add3A_36, %dma_wait3A] : memref<64x20000xi32, #tpu.memory_space<hbm>> -> memref<1x20000xi32, #tpu.memory_space<hbm>>
      %dma_wait3A_63 = tpu.memref_squeeze %dma_wait3A_62 : memref<1x20000xi32, #tpu.memory_space<hbm>> -> memref<20000xi32, #tpu.memory_space<hbm>>
      %dma_wait3A_64 = arith.constant 0 : i32
      %dma_wait3A_65 = tpu.memref_slice %arg4[%add3A_36, %dma_wait3A_64] : memref<64x20000xi32, #tpu.memory_space<hbm>> -> memref<1x20000xi32, #tpu.memory_space<hbm>>
      %dma_wait3A_66 = tpu.memref_squeeze %dma_wait3A_65 : memref<1x20000xi32, #tpu.memory_space<hbm>> -> memref<20000xi32, #tpu.memory_space<hbm>>
      tpu.wait_dma2 semaphore(%run_scoped3A_56 : memref<!tpu.dma_semaphore, #tpu.memory_space<semaphore_mem>>) src(%dma_wait3A_66 : memref<20000xi32, #tpu.memory_space<hbm>>) dst(%arg10 : memref<20000xi32, #tpu.memory_space<vmem>>)
      tpu.yield
    }) : () -> ()
    %parallel_loop3A_37 = arith.constant 0 : i32
    %parallel_loop3A_38 = arith.constant 1250 : i32
    %parallel_loop3A_39 = arith.constant 1 : i32
    scf.for %parallel_loop3A_56 = %parallel_loop3A_37 to %parallel_loop3A_38 step %parallel_loop3A_39  : i32 {
      %parallel_loop3A_57 = arith.constant 16 : i32
      %parallel_loop3A_58 = arith.muli %parallel_loop3A_56, %parallel_loop3A_57 : i32
      %parallel_loop3A_59 = arith.index_cast %parallel_loop3A_58 : i32 to index
      %parallel_loop3A_60 = tpu.vector_load %arg10[%parallel_loop3A_59] {strides = array<i32>} : memref<20000xi32, #tpu.memory_space<vmem>>, vector<16xi32>,
      %parallel_loop3A_61 = arith.constant 10 : i32
      %parallel_loop3A_62 = vector.broadcast %parallel_loop3A_61 : i32 to vector<16xi32>
      %parallel_loop3A_63 = arith.shrsi %parallel_loop3A_60, %parallel_loop3A_62 : vector<16xi32>
      %parallel_loop3A_64 = vector.broadcast %add3A_21 : i32 to vector<16xi32>
      %parallel_loop3A_65 = arith.cmpi eq, %parallel_loop3A_63, %parallel_loop3A_64 : vector<16xi32>
      %parallel_loop3A_66 = arith.constant 1023 : i32
      %parallel_loop3A_67 = vector.broadcast %parallel_loop3A_66 : i32 to vector<16xi32>
      %parallel_loop3A_68 = arith.andi %parallel_loop3A_60, %parallel_loop3A_67 : vector<16xi32>
      %parallel_loop3A_69 = arith.constant 1024 : i32
      %parallel_loop3A_70 = vector.broadcast %parallel_loop3A_69 : i32 to vector<16xi32>
      %parallel_loop3A_71 = arith.select %parallel_loop3A_65, %parallel_loop3A_68, %parallel_loop3A_70 : vector<16xi1>, vector<16xi32>
      tpu.vector_store_idx %arg11[%parallel_loop3A_71], %broadcast_in_dim3A_25 {add = true} : memref<1040xf32, #tpu.memory_space<vmem>>[vector<16xi32>], vector<16xf32>,
    } {sc.loop_unroll_factor = 8 : i64, sc.parallel_access}
    %iota3A = tpu.iota {dimensions = array<i32: 0>} : vector<16xi32>
    %broadcast_in_dim3A_40 = arith.constant 0 : i32
    %broadcast_in_dim3A_41 = vector.broadcast %broadcast_in_dim3A_40 : i32 to vector<16xi32>
    %eq3A = arith.constant 0 : i32
    %eq3A_42 = vector.broadcast %eq3A : i32 to vector<16xi32>
    %eq3A_43 = arith.cmpi eq, %iota3A, %eq3A_42 : vector<16xi32>
    %broadcast_in_dim3A_44 = vector.broadcast %add3A_21 : i32 to vector<16xi32>
    %select_n3A = arith.select %eq3A_43, %broadcast_in_dim3A_44, %broadcast_in_dim3A_41 : vector<16xi1>, vector<16xi32>
    %eq3A_45 = arith.constant 1 : i32
    %eq3A_46 = vector.broadcast %eq3A_45 : i32 to vector<16xi32>
    %eq3A_47 = arith.cmpi eq, %iota3A, %eq3A_46 : vector<16xi32>
    %broadcast_in_dim3A_48 = vector.broadcast %sub3A : i32 to vector<16xi32>
    %select_n3A_49 = arith.select %eq3A_47, %broadcast_in_dim3A_48, %select_n3A : vector<16xi1>, vector<16xi32>
    %eq3A_50 = arith.constant 3 : i32
    %eq3A_51 = vector.broadcast %eq3A_50 : i32 to vector<16xi32>
    %eq3A_52 = arith.cmpi eq, %iota3A, %eq3A_51 : vector<16xi32>
    %broadcast_in_dim3A_53 = vector.broadcast %squeeze3A_5 : i32 to vector<16xi32>
    %select_n3A_54 = arith.select %eq3A_52, %broadcast_in_dim3A_53, %select_n3A_49 : vector<16xi1>, vector<16xi32>
    %swap3A = arith.constant 0 : index
    %swap3A_55 = tpu.vector_load %arg12[%swap3A] {strides = array<i32>} : memref<16xi32, #tpu.memory_space<vmem>>, vector<16xi32>,
    tpu.vector_store %arg12[%swap3A], %select_n3A_54 {strides = array<i32>} : memref<16xi32, #tpu.memory_space<vmem>>, vector<16xi32>,
    "tpu.region"() ({
      %run_scoped3A_56 = tpu.sem_alloc : memref<!tpu.dma_semaphore, #tpu.memory_space<semaphore_mem>>
      %dma_start3A = arith.constant 0 : i32
      %dma_start3A_57 = tpu.memref_slice %arg5[%add3A, %dma_start3A] : memref<32x1040xf32, #tpu.memory_space<hbm>> -> memref<1x1040xf32, #tpu.memory_space<hbm>>
      %dma_start3A_58 = tpu.memref_squeeze %dma_start3A_57 : memref<1x1040xf32, #tpu.memory_space<hbm>> -> memref<1040xf32, #tpu.memory_space<hbm>>
      %dma_start3A_59 = arith.constant 0 : i32
      %dma_start3A_60 = tpu.memref_slice %arg5[%add3A, %dma_start3A_59] : memref<32x1040xf32, #tpu.memory_space<hbm>> -> memref<1x1040xf32, #tpu.memory_space<hbm>>
      %dma_start3A_61 = tpu.memref_squeeze %dma_start3A_60 : memref<1x1040xf32, #tpu.memory_space<hbm>> -> memref<1040xf32, #tpu.memory_space<hbm>>
      tpu.enqueue_dma source(%arg11 : memref<1040xf32, #tpu.memory_space<vmem>>) target(%dma_start3A_61 : memref<1040xf32, #tpu.memory_space<hbm>>) target_semaphore(%run_scoped3A_56 : memref<!tpu.dma_semaphore, #tpu.memory_space<semaphore_mem>>)
      %dma_wait3A = arith.constant 0 : i32
      %dma_wait3A_62 = tpu.memref_slice %arg5[%add3A, %dma_wait3A] : memref<32x1040xf32, #tpu.memory_space<hbm>> -> memref<1x1040xf32, #tpu.memory_space<hbm>>
      %dma_wait3A_63 = tpu.memref_squeeze %dma_wait3A_62 : memref<1x1040xf32, #tpu.memory_space<hbm>> -> memref<1040xf32, #tpu.memory_space<hbm>>
      %dma_wait3A_64 = arith.constant 0 : i32
      %dma_wait3A_65 = tpu.memref_slice %arg5[%add3A, %dma_wait3A_64] : memref<32x1040xf32, #tpu.memory_space<hbm>> -> memref<1x1040xf32, #tpu.memory_space<hbm>>
      %dma_wait3A_66 = tpu.memref_squeeze %dma_wait3A_65 : memref<1x1040xf32, #tpu.memory_space<hbm>> -> memref<1040xf32, #tpu.memory_space<hbm>>
      tpu.wait_dma2 semaphore(%run_scoped3A_56 : memref<!tpu.dma_semaphore, #tpu.memory_space<semaphore_mem>>) src(%arg11 : memref<1040xf32, #tpu.memory_space<vmem>>) dst(%dma_wait3A_66 : memref<1040xf32, #tpu.memory_space<hbm>>)
      tpu.yield
    }) : () -> ()
    "tpu.region"() ({
      %run_scoped3A_56 = tpu.sem_alloc : memref<!tpu.dma_semaphore, #tpu.memory_space<semaphore_mem>>
      %dma_start3A = arith.constant 0 : i32
      %dma_start3A_57 = tpu.memref_slice %arg6[%add3A, %dma_start3A] : memref<32x16xi32, #tpu.memory_space<hbm>> -> memref<1x16xi32, #tpu.memory_space<hbm>>
      %dma_start3A_58 = tpu.memref_squeeze %dma_start3A_57 : memref<1x16xi32, #tpu.memory_space<hbm>> -> memref<16xi32, #tpu.memory_space<hbm>>
      %dma_start3A_59 = arith.constant 0 : i32
      %dma_start3A_60 = tpu.memref_slice %arg6[%add3A, %dma_start3A_59] : memref<32x16xi32, #tpu.memory_space<hbm>> -> memref<1x16xi32, #tpu.memory_space<hbm>>
      %dma_start3A_61 = tpu.memref_squeeze %dma_start3A_60 : memref<1x16xi32, #tpu.memory_space<hbm>> -> memref<16xi32, #tpu.memory_space<hbm>>
      tpu.enqueue_dma source(%arg12 : memref<16xi32, #tpu.memory_space<vmem>>) target(%dma_start3A_61 : memref<16xi32, #tpu.memory_space<hbm>>) target_semaphore(%run_scoped3A_56 : memref<!tpu.dma_semaphore, #tpu.memory_space<semaphore_mem>>)
      %dma_wait3A = arith.constant 0 : i32
      %dma_wait3A_62 = tpu.memref_slice %arg6[%add3A, %dma_wait3A] : memref<32x16xi32, #tpu.memory_space<hbm>> -> memref<1x16xi32, #tpu.memory_space<hbm>>
      %dma_wait3A_63 = tpu.memref_squeeze %dma_wait3A_62 : memref<1x16xi32, #tpu.memory_space<hbm>> -> memref<16xi32, #tpu.memory_space<hbm>>
      %dma_wait3A_64 = arith.constant 0 : i32
      %dma_wait3A_65 = tpu.memref_slice %arg6[%add3A, %dma_wait3A_64] : memref<32x16xi32, #tpu.memory_space<hbm>> -> memref<1x16xi32, #tpu.memory_space<hbm>>
      %dma_wait3A_66 = tpu.memref_squeeze %dma_wait3A_65 : memref<1x16xi32, #tpu.memory_space<hbm>> -> memref<16xi32, #tpu.memory_space<hbm>>
      tpu.wait_dma2 semaphore(%run_scoped3A_56 : memref<!tpu.dma_semaphore, #tpu.memory_space<semaphore_mem>>) src(%arg12 : memref<16xi32, #tpu.memory_space<vmem>>) dst(%dma_wait3A_66 : memref<16xi32, #tpu.memory_space<hbm>>)
      tpu.yield
    }) : () -> ()
    return
  }
}

#map = affine_map<(d0, d1) -> (0, 0)>
module attributes {stable_mosaic.version = 14 : i64} {
  func.func @_c4(%arg0: i32, %arg1: i32, %arg2: memref<32x16xi32, #tpu.memory_space<hbm>>, %arg3: memref<32x1040xf32, #tpu.memory_space<hbm>>, %arg4: memref<64x20000xi32, #tpu.memory_space<hbm>>, %arg5: memref<32x16xi32, #tpu.memory_space<hbm>>, %arg6: memref<32x16xi32, #tpu.memory_space<hbm>>, %arg7: memref<32x1040xf32, #tpu.memory_space<vmem>>, %arg8: memref<1024xf32, #tpu.memory_space<vmem>>, %arg9: memref<16xi32, #tpu.memory_space<vmem>>, %arg10: memref<20000xi32, #tpu.memory_space<vmem>>, %arg11: memref<16xi32, #tpu.memory_space<vmem>>, %arg12: memref<16xi32, #tpu.memory_space<vmem>>) attributes {dimension_semantics = [#tpu.dimension_semantics<core_parallel>, #tpu.dimension_semantics<subcore_parallel>], iteration_bounds = array<i64: 2, 16>, scalar_prefetch = 0 : i64, scratch_operands = 6 : i64, tpu.core_type = #tpu.core_type<sc_vector_subcore>, window_params = [{transform_indices = #map}, {transform_indices = #map}, {transform_indices = #map}, {transform_indices = #map}, {transform_indices = #map}]} {
    %mul3A = arith.constant 2 : i32
    %mul3A_0 = arith.muli %arg1, %mul3A : i32
    %add3A = arith.addi %mul3A_0, %arg0 : i32
    "tpu.region"() ({
      %run_scoped3A_76 = tpu.sem_alloc : memref<!tpu.dma_semaphore, #tpu.memory_space<semaphore_mem>>
      tpu.enqueue_dma source(%arg3 : memref<32x1040xf32, #tpu.memory_space<hbm>>) target(%arg7 : memref<32x1040xf32, #tpu.memory_space<vmem>>) target_semaphore(%run_scoped3A_76 : memref<!tpu.dma_semaphore, #tpu.memory_space<semaphore_mem>>)
      tpu.wait_dma2 semaphore(%run_scoped3A_76 : memref<!tpu.dma_semaphore, #tpu.memory_space<semaphore_mem>>) src(%arg3 : memref<32x1040xf32, #tpu.memory_space<hbm>>) dst(%arg7 : memref<32x1040xf32, #tpu.memory_space<vmem>>)
      tpu.yield
    }) : () -> ()
    %run_scoped3A = arith.constant 0 : i32
    "tpu.region"() ({
      %run_scoped3A_76 = tpu.sem_alloc : memref<!tpu.dma_semaphore, #tpu.memory_space<semaphore_mem>>
      %dma_start3A = arith.constant 0 : i32
      %dma_start3A_77 = tpu.memref_slice %arg2[%run_scoped3A, %dma_start3A] : memref<32x16xi32, #tpu.memory_space<hbm>> -> memref<1x16xi32, #tpu.memory_space<hbm>>
      %dma_start3A_78 = tpu.memref_squeeze %dma_start3A_77 : memref<1x16xi32, #tpu.memory_space<hbm>> -> memref<16xi32, #tpu.memory_space<hbm>>
      %dma_start3A_79 = arith.constant 0 : i32
      %dma_start3A_80 = tpu.memref_slice %arg2[%run_scoped3A, %dma_start3A_79] : memref<32x16xi32, #tpu.memory_space<hbm>> -> memref<1x16xi32, #tpu.memory_space<hbm>>
      %dma_start3A_81 = tpu.memref_squeeze %dma_start3A_80 : memref<1x16xi32, #tpu.memory_space<hbm>> -> memref<16xi32, #tpu.memory_space<hbm>>
      tpu.enqueue_dma source(%dma_start3A_81 : memref<16xi32, #tpu.memory_space<hbm>>) target(%arg9 : memref<16xi32, #tpu.memory_space<vmem>>) target_semaphore(%run_scoped3A_76 : memref<!tpu.dma_semaphore, #tpu.memory_space<semaphore_mem>>)
      %dma_wait3A = arith.constant 0 : i32
      %dma_wait3A_82 = tpu.memref_slice %arg2[%run_scoped3A, %dma_wait3A] : memref<32x16xi32, #tpu.memory_space<hbm>> -> memref<1x16xi32, #tpu.memory_space<hbm>>
      %dma_wait3A_83 = tpu.memref_squeeze %dma_wait3A_82 : memref<1x16xi32, #tpu.memory_space<hbm>> -> memref<16xi32, #tpu.memory_space<hbm>>
      %dma_wait3A_84 = arith.constant 0 : i32
      %dma_wait3A_85 = tpu.memref_slice %arg2[%run_scoped3A, %dma_wait3A_84] : memref<32x16xi32, #tpu.memory_space<hbm>> -> memref<1x16xi32, #tpu.memory_space<hbm>>
      %dma_wait3A_86 = tpu.memref_squeeze %dma_wait3A_85 : memref<1x16xi32, #tpu.memory_space<hbm>> -> memref<16xi32, #tpu.memory_space<hbm>>
      tpu.wait_dma2 semaphore(%run_scoped3A_76 : memref<!tpu.dma_semaphore, #tpu.memory_space<semaphore_mem>>) src(%dma_wait3A_86 : memref<16xi32, #tpu.memory_space<hbm>>) dst(%arg9 : memref<16xi32, #tpu.memory_space<vmem>>)
      tpu.yield
    }) : () -> ()
    %get3A = arith.constant 0 : index
    %get3A_1 = tpu.vector_load %arg9[%get3A] {strides = array<i32>} : memref<16xi32, #tpu.memory_space<vmem>>, vector<16xi32>,
    %slice3A = vector.extract_strided_slice %get3A_1 {offsets = [0], sizes = [1], strides = [1]} : vector<16xi32> to vector<1xi32>
    %squeeze3A = vector.extract %slice3A[0] : i32 from vector<1xi32>
    %slice3A_2 = vector.extract_strided_slice %get3A_1 {offsets = [1], sizes = [1], strides = [1]} : vector<16xi32> to vector<1xi32>
    %squeeze3A_3 = vector.extract %slice3A_2[0] : i32 from vector<1xi32>
    %slice3A_4 = vector.extract_strided_slice %get3A_1 {offsets = [3], sizes = [1], strides = [1]} : vector<16xi32> to vector<1xi32>
    %squeeze3A_5 = vector.extract %slice3A_4[0] : i32 from vector<1xi32>
    %parallel_loop3A = arith.constant 0 : i32
    %parallel_loop3A_6 = arith.constant 64 : i32
    %parallel_loop3A_7 = arith.constant 1 : i32
    scf.for %parallel_loop3A_76 = %parallel_loop3A to %parallel_loop3A_6 step %parallel_loop3A_7  : i32 {
      %parallel_loop3A_77 = arith.constant 16 : i32
      %parallel_loop3A_78 = arith.muli %parallel_loop3A_76, %parallel_loop3A_77 : i32
      %parallel_loop3A_79 = arith.constant 0 : i32
      %parallel_loop3A_80 = arith.index_cast %parallel_loop3A_79 : i32 to index
      %parallel_loop3A_81 = arith.index_cast %parallel_loop3A_78 : i32 to index
      %parallel_loop3A_82 = tpu.vector_load %arg7[%parallel_loop3A_80, %parallel_loop3A_81] {strides = array<i32>} : memref<32x1040xf32, #tpu.memory_space<vmem>>, vector<16xf32>,
      %parallel_loop3A_83 = arith.constant 1 : i32
      %parallel_loop3A_84 = arith.index_cast %parallel_loop3A_83 : i32 to index
      %parallel_loop3A_85 = arith.index_cast %parallel_loop3A_78 : i32 to index
      %parallel_loop3A_86 = tpu.vector_load %arg7[%parallel_loop3A_84, %parallel_loop3A_85] {strides = array<i32>} : memref<32x1040xf32, #tpu.memory_space<vmem>>, vector<16xf32>,
      %parallel_loop3A_87 = arith.constant 2 : i32
      %parallel_loop3A_88 = arith.index_cast %parallel_loop3A_87 : i32 to index
      %parallel_loop3A_89 = arith.index_cast %parallel_loop3A_78 : i32 to index
      %parallel_loop3A_90 = tpu.vector_load %arg7[%parallel_loop3A_88, %parallel_loop3A_89] {strides = array<i32>} : memref<32x1040xf32, #tpu.memory_space<vmem>>, vector<16xf32>,
      %parallel_loop3A_91 = arith.constant 3 : i32
      %parallel_loop3A_92 = arith.index_cast %parallel_loop3A_91 : i32 to index
      %parallel_loop3A_93 = arith.index_cast %parallel_loop3A_78 : i32 to index
      %parallel_loop3A_94 = tpu.vector_load %arg7[%parallel_loop3A_92, %parallel_loop3A_93] {strides = array<i32>} : memref<32x1040xf32, #tpu.memory_space<vmem>>, vector<16xf32>,
      %parallel_loop3A_95 = arith.constant 4 : i32
      %parallel_loop3A_96 = arith.index_cast %parallel_loop3A_95 : i32 to index
      %parallel_loop3A_97 = arith.index_cast %parallel_loop3A_78 : i32 to index
      %parallel_loop3A_98 = tpu.vector_load %arg7[%parallel_loop3A_96, %parallel_loop3A_97] {strides = array<i32>} : memref<32x1040xf32, #tpu.memory_space<vmem>>, vector<16xf32>,
      %parallel_loop3A_99 = arith.constant 5 : i32
      %parallel_loop3A_100 = arith.index_cast %parallel_loop3A_99 : i32 to index
      %parallel_loop3A_101 = arith.index_cast %parallel_loop3A_78 : i32 to index
      %parallel_loop3A_102 = tpu.vector_load %arg7[%parallel_loop3A_100, %parallel_loop3A_101] {strides = array<i32>} : memref<32x1040xf32, #tpu.memory_space<vmem>>, vector<16xf32>,
      %parallel_loop3A_103 = arith.constant 6 : i32
      %parallel_loop3A_104 = arith.index_cast %parallel_loop3A_103 : i32 to index
      %parallel_loop3A_105 = arith.index_cast %parallel_loop3A_78 : i32 to index
      %parallel_loop3A_106 = tpu.vector_load %arg7[%parallel_loop3A_104, %parallel_loop3A_105] {strides = array<i32>} : memref<32x1040xf32, #tpu.memory_space<vmem>>, vector<16xf32>,
      %parallel_loop3A_107 = arith.constant 7 : i32
      %parallel_loop3A_108 = arith.index_cast %parallel_loop3A_107 : i32 to index
      %parallel_loop3A_109 = arith.index_cast %parallel_loop3A_78 : i32 to index
      %parallel_loop3A_110 = tpu.vector_load %arg7[%parallel_loop3A_108, %parallel_loop3A_109] {strides = array<i32>} : memref<32x1040xf32, #tpu.memory_space<vmem>>, vector<16xf32>,
      %parallel_loop3A_111 = arith.constant 8 : i32
      %parallel_loop3A_112 = arith.index_cast %parallel_loop3A_111 : i32 to index
      %parallel_loop3A_113 = arith.index_cast %parallel_loop3A_78 : i32 to index
      %parallel_loop3A_114 = tpu.vector_load %arg7[%parallel_loop3A_112, %parallel_loop3A_113] {strides = array<i32>} : memref<32x1040xf32, #tpu.memory_space<vmem>>, vector<16xf32>,
      %parallel_loop3A_115 = arith.constant 9 : i32
      %parallel_loop3A_116 = arith.index_cast %parallel_loop3A_115 : i32 to index
      %parallel_loop3A_117 = arith.index_cast %parallel_loop3A_78 : i32 to index
      %parallel_loop3A_118 = tpu.vector_load %arg7[%parallel_loop3A_116, %parallel_loop3A_117] {strides = array<i32>} : memref<32x1040xf32, #tpu.memory_space<vmem>>, vector<16xf32>,
      %parallel_loop3A_119 = arith.constant 10 : i32
      %parallel_loop3A_120 = arith.index_cast %parallel_loop3A_119 : i32 to index
      %parallel_loop3A_121 = arith.index_cast %parallel_loop3A_78 : i32 to index
      %parallel_loop3A_122 = tpu.vector_load %arg7[%parallel_loop3A_120, %parallel_loop3A_121] {strides = array<i32>} : memref<32x1040xf32, #tpu.memory_space<vmem>>, vector<16xf32>,
      %parallel_loop3A_123 = arith.constant 11 : i32
      %parallel_loop3A_124 = arith.index_cast %parallel_loop3A_123 : i32 to index
      %parallel_loop3A_125 = arith.index_cast %parallel_loop3A_78 : i32 to index
      %parallel_loop3A_126 = tpu.vector_load %arg7[%parallel_loop3A_124, %parallel_loop3A_125] {strides = array<i32>} : memref<32x1040xf32, #tpu.memory_space<vmem>>, vector<16xf32>,
      %parallel_loop3A_127 = arith.constant 12 : i32
      %parallel_loop3A_128 = arith.index_cast %parallel_loop3A_127 : i32 to index
      %parallel_loop3A_129 = arith.index_cast %parallel_loop3A_78 : i32 to index
      %parallel_loop3A_130 = tpu.vector_load %arg7[%parallel_loop3A_128, %parallel_loop3A_129] {strides = array<i32>} : memref<32x1040xf32, #tpu.memory_space<vmem>>, vector<16xf32>,
      %parallel_loop3A_131 = arith.constant 13 : i32
      %parallel_loop3A_132 = arith.index_cast %parallel_loop3A_131 : i32 to index
      %parallel_loop3A_133 = arith.index_cast %parallel_loop3A_78 : i32 to index
      %parallel_loop3A_134 = tpu.vector_load %arg7[%parallel_loop3A_132, %parallel_loop3A_133] {strides = array<i32>} : memref<32x1040xf32, #tpu.memory_space<vmem>>, vector<16xf32>,
      %parallel_loop3A_135 = arith.constant 14 : i32
      %parallel_loop3A_136 = arith.index_cast %parallel_loop3A_135 : i32 to index
      %parallel_loop3A_137 = arith.index_cast %parallel_loop3A_78 : i32 to index
      %parallel_loop3A_138 = tpu.vector_load %arg7[%parallel_loop3A_136, %parallel_loop3A_137] {strides = array<i32>} : memref<32x1040xf32, #tpu.memory_space<vmem>>, vector<16xf32>,
      %parallel_loop3A_139 = arith.constant 15 : i32
      %parallel_loop3A_140 = arith.index_cast %parallel_loop3A_139 : i32 to index
      %parallel_loop3A_141 = arith.index_cast %parallel_loop3A_78 : i32 to index
      %parallel_loop3A_142 = tpu.vector_load %arg7[%parallel_loop3A_140, %parallel_loop3A_141] {strides = array<i32>} : memref<32x1040xf32, #tpu.memory_space<vmem>>, vector<16xf32>,
      %parallel_loop3A_143 = arith.constant 16 : i32
      %parallel_loop3A_144 = arith.index_cast %parallel_loop3A_143 : i32 to index
      %parallel_loop3A_145 = arith.index_cast %parallel_loop3A_78 : i32 to index
      %parallel_loop3A_146 = tpu.vector_load %arg7[%parallel_loop3A_144, %parallel_loop3A_145] {strides = array<i32>} : memref<32x1040xf32, #tpu.memory_space<vmem>>, vector<16xf32>,
      %parallel_loop3A_147 = arith.constant 17 : i32
      %parallel_loop3A_148 = arith.index_cast %parallel_loop3A_147 : i32 to index
      %parallel_loop3A_149 = arith.index_cast %parallel_loop3A_78 : i32 to index
      %parallel_loop3A_150 = tpu.vector_load %arg7[%parallel_loop3A_148, %parallel_loop3A_149] {strides = array<i32>} : memref<32x1040xf32, #tpu.memory_space<vmem>>, vector<16xf32>,
      %parallel_loop3A_151 = arith.constant 18 : i32
      %parallel_loop3A_152 = arith.index_cast %parallel_loop3A_151 : i32 to index
      %parallel_loop3A_153 = arith.index_cast %parallel_loop3A_78 : i32 to index
      %parallel_loop3A_154 = tpu.vector_load %arg7[%parallel_loop3A_152, %parallel_loop3A_153] {strides = array<i32>} : memref<32x1040xf32, #tpu.memory_space<vmem>>, vector<16xf32>,
      %parallel_loop3A_155 = arith.constant 19 : i32
      %parallel_loop3A_156 = arith.index_cast %parallel_loop3A_155 : i32 to index
      %parallel_loop3A_157 = arith.index_cast %parallel_loop3A_78 : i32 to index
      %parallel_loop3A_158 = tpu.vector_load %arg7[%parallel_loop3A_156, %parallel_loop3A_157] {strides = array<i32>} : memref<32x1040xf32, #tpu.memory_space<vmem>>, vector<16xf32>,
      %parallel_loop3A_159 = arith.constant 20 : i32
      %parallel_loop3A_160 = arith.index_cast %parallel_loop3A_159 : i32 to index
      %parallel_loop3A_161 = arith.index_cast %parallel_loop3A_78 : i32 to index
      %parallel_loop3A_162 = tpu.vector_load %arg7[%parallel_loop3A_160, %parallel_loop3A_161] {strides = array<i32>} : memref<32x1040xf32, #tpu.memory_space<vmem>>, vector<16xf32>,
      %parallel_loop3A_163 = arith.constant 21 : i32
      %parallel_loop3A_164 = arith.index_cast %parallel_loop3A_163 : i32 to index
      %parallel_loop3A_165 = arith.index_cast %parallel_loop3A_78 : i32 to index
      %parallel_loop3A_166 = tpu.vector_load %arg7[%parallel_loop3A_164, %parallel_loop3A_165] {strides = array<i32>} : memref<32x1040xf32, #tpu.memory_space<vmem>>, vector<16xf32>,
      %parallel_loop3A_167 = arith.constant 22 : i32
      %parallel_loop3A_168 = arith.index_cast %parallel_loop3A_167 : i32 to index
      %parallel_loop3A_169 = arith.index_cast %parallel_loop3A_78 : i32 to index
      %parallel_loop3A_170 = tpu.vector_load %arg7[%parallel_loop3A_168, %parallel_loop3A_169] {strides = array<i32>} : memref<32x1040xf32, #tpu.memory_space<vmem>>, vector<16xf32>,
      %parallel_loop3A_171 = arith.constant 23 : i32
      %parallel_loop3A_172 = arith.index_cast %parallel_loop3A_171 : i32 to index
      %parallel_loop3A_173 = arith.index_cast %parallel_loop3A_78 : i32 to index
      %parallel_loop3A_174 = tpu.vector_load %arg7[%parallel_loop3A_172, %parallel_loop3A_173] {strides = array<i32>} : memref<32x1040xf32, #tpu.memory_space<vmem>>, vector<16xf32>,
      %parallel_loop3A_175 = arith.constant 24 : i32
      %parallel_loop3A_176 = arith.index_cast %parallel_loop3A_175 : i32 to index
      %parallel_loop3A_177 = arith.index_cast %parallel_loop3A_78 : i32 to index
      %parallel_loop3A_178 = tpu.vector_load %arg7[%parallel_loop3A_176, %parallel_loop3A_177] {strides = array<i32>} : memref<32x1040xf32, #tpu.memory_space<vmem>>, vector<16xf32>,
      %parallel_loop3A_179 = arith.constant 25 : i32
      %parallel_loop3A_180 = arith.index_cast %parallel_loop3A_179 : i32 to index
      %parallel_loop3A_181 = arith.index_cast %parallel_loop3A_78 : i32 to index
      %parallel_loop3A_182 = tpu.vector_load %arg7[%parallel_loop3A_180, %parallel_loop3A_181] {strides = array<i32>} : memref<32x1040xf32, #tpu.memory_space<vmem>>, vector<16xf32>,
      %parallel_loop3A_183 = arith.constant 26 : i32
      %parallel_loop3A_184 = arith.index_cast %parallel_loop3A_183 : i32 to index
      %parallel_loop3A_185 = arith.index_cast %parallel_loop3A_78 : i32 to index
      %parallel_loop3A_186 = tpu.vector_load %arg7[%parallel_loop3A_184, %parallel_loop3A_185] {strides = array<i32>} : memref<32x1040xf32, #tpu.memory_space<vmem>>, vector<16xf32>,
      %parallel_loop3A_187 = arith.constant 27 : i32
      %parallel_loop3A_188 = arith.index_cast %parallel_loop3A_187 : i32 to index
      %parallel_loop3A_189 = arith.index_cast %parallel_loop3A_78 : i32 to index
      %parallel_loop3A_190 = tpu.vector_load %arg7[%parallel_loop3A_188, %parallel_loop3A_189] {strides = array<i32>} : memref<32x1040xf32, #tpu.memory_space<vmem>>, vector<16xf32>,
      %parallel_loop3A_191 = arith.constant 28 : i32
      %parallel_loop3A_192 = arith.index_cast %parallel_loop3A_191 : i32 to index
      %parallel_loop3A_193 = arith.index_cast %parallel_loop3A_78 : i32 to index
      %parallel_loop3A_194 = tpu.vector_load %arg7[%parallel_loop3A_192, %parallel_loop3A_193] {strides = array<i32>} : memref<32x1040xf32, #tpu.memory_space<vmem>>, vector<16xf32>,
      %parallel_loop3A_195 = arith.constant 29 : i32
      %parallel_loop3A_196 = arith.index_cast %parallel_loop3A_195 : i32 to index
      %parallel_loop3A_197 = arith.index_cast %parallel_loop3A_78 : i32 to index
      %parallel_loop3A_198 = tpu.vector_load %arg7[%parallel_loop3A_196, %parallel_loop3A_197] {strides = array<i32>} : memref<32x1040xf32, #tpu.memory_space<vmem>>, vector<16xf32>,
      %parallel_loop3A_199 = arith.constant 30 : i32
      %parallel_loop3A_200 = arith.index_cast %parallel_loop3A_199 : i32 to index
      %parallel_loop3A_201 = arith.index_cast %parallel_loop3A_78 : i32 to index
      %parallel_loop3A_202 = tpu.vector_load %arg7[%parallel_loop3A_200, %parallel_loop3A_201] {strides = array<i32>} : memref<32x1040xf32, #tpu.memory_space<vmem>>, vector<16xf32>,
      %parallel_loop3A_203 = arith.constant 31 : i32
      %parallel_loop3A_204 = arith.index_cast %parallel_loop3A_203 : i32 to index
      %parallel_loop3A_205 = arith.index_cast %parallel_loop3A_78 : i32 to index
      %parallel_loop3A_206 = tpu.vector_load %arg7[%parallel_loop3A_204, %parallel_loop3A_205] {strides = array<i32>} : memref<32x1040xf32, #tpu.memory_space<vmem>>, vector<16xf32>,
      %parallel_loop3A_207 = arith.addf %parallel_loop3A_82, %parallel_loop3A_86 : vector<16xf32>
      %parallel_loop3A_208 = arith.addf %parallel_loop3A_90, %parallel_loop3A_94 : vector<16xf32>
      %parallel_loop3A_209 = arith.addf %parallel_loop3A_98, %parallel_loop3A_102 : vector<16xf32>
      %parallel_loop3A_210 = arith.addf %parallel_loop3A_106, %parallel_loop3A_110 : vector<16xf32>
      %parallel_loop3A_211 = arith.addf %parallel_loop3A_114, %parallel_loop3A_118 : vector<16xf32>
      %parallel_loop3A_212 = arith.addf %parallel_loop3A_122, %parallel_loop3A_126 : vector<16xf32>
      %parallel_loop3A_213 = arith.addf %parallel_loop3A_130, %parallel_loop3A_134 : vector<16xf32>
      %parallel_loop3A_214 = arith.addf %parallel_loop3A_138, %parallel_loop3A_142 : vector<16xf32>
      %parallel_loop3A_215 = arith.addf %parallel_loop3A_146, %parallel_loop3A_150 : vector<16xf32>
      %parallel_loop3A_216 = arith.addf %parallel_loop3A_154, %parallel_loop3A_158 : vector<16xf32>
      %parallel_loop3A_217 = arith.addf %parallel_loop3A_162, %parallel_loop3A_166 : vector<16xf32>
      %parallel_loop3A_218 = arith.addf %parallel_loop3A_170, %parallel_loop3A_174 : vector<16xf32>
      %parallel_loop3A_219 = arith.addf %parallel_loop3A_178, %parallel_loop3A_182 : vector<16xf32>
      %parallel_loop3A_220 = arith.addf %parallel_loop3A_186, %parallel_loop3A_190 : vector<16xf32>
      %parallel_loop3A_221 = arith.addf %parallel_loop3A_194, %parallel_loop3A_198 : vector<16xf32>
      %parallel_loop3A_222 = arith.addf %parallel_loop3A_202, %parallel_loop3A_206 : vector<16xf32>
      %parallel_loop3A_223 = arith.addf %parallel_loop3A_207, %parallel_loop3A_208 : vector<16xf32>
      %parallel_loop3A_224 = arith.addf %parallel_loop3A_209, %parallel_loop3A_210 : vector<16xf32>
      %parallel_loop3A_225 = arith.addf %parallel_loop3A_211, %parallel_loop3A_212 : vector<16xf32>
      %parallel_loop3A_226 = arith.addf %parallel_loop3A_213, %parallel_loop3A_214 : vector<16xf32>
      %parallel_loop3A_227 = arith.addf %parallel_loop3A_215, %parallel_loop3A_216 : vector<16xf32>
      %parallel_loop3A_228 = arith.addf %parallel_loop3A_217, %parallel_loop3A_218 : vector<16xf32>
      %parallel_loop3A_229 = arith.addf %parallel_loop3A_219, %parallel_loop3A_220 : vector<16xf32>
      %parallel_loop3A_230 = arith.addf %parallel_loop3A_221, %parallel_loop3A_222 : vector<16xf32>
      %parallel_loop3A_231 = arith.addf %parallel_loop3A_223, %parallel_loop3A_224 : vector<16xf32>
      %parallel_loop3A_232 = arith.addf %parallel_loop3A_225, %parallel_loop3A_226 : vector<16xf32>
      %parallel_loop3A_233 = arith.addf %parallel_loop3A_227, %parallel_loop3A_228 : vector<16xf32>
      %parallel_loop3A_234 = arith.addf %parallel_loop3A_229, %parallel_loop3A_230 : vector<16xf32>
      %parallel_loop3A_235 = arith.addf %parallel_loop3A_231, %parallel_loop3A_232 : vector<16xf32>
      %parallel_loop3A_236 = arith.addf %parallel_loop3A_233, %parallel_loop3A_234 : vector<16xf32>
      %parallel_loop3A_237 = arith.addf %parallel_loop3A_235, %parallel_loop3A_236 : vector<16xf32>
      %parallel_loop3A_238 = arith.index_cast %parallel_loop3A_78 : i32 to index
      %parallel_loop3A_239 = tpu.vector_load %arg8[%parallel_loop3A_238] {strides = array<i32>} : memref<1024xf32, #tpu.memory_space<vmem>>, vector<16xf32>,
      tpu.vector_store %arg8[%parallel_loop3A_238], %parallel_loop3A_237 {strides = array<i32>} : memref<1024xf32, #tpu.memory_space<vmem>>, vector<16xf32>,
    } {sc.loop_unroll_factor = 2 : i64, sc.parallel_access}
    %convert_element_type3A = arith.sitofp %squeeze3A_3 : i32 to f32
    %scan3A = arith.constant 0.000000e+00 : f32
    %scan3A_8 = arith.constant false
    %scan3A_9 = arith.constant 0 : i32
    %scan3A_10 = arith.constant 0.000000e+00 : f32
    %scan3A_11 = arith.constant 0 : i32
    %scan3A_12 = arith.constant 64 : i32
    %scan3A_13 = arith.addi %scan3A_11, %scan3A_12 : i32
    %scan3A_14 = arith.constant 1 : i32
    %scan3A_15:4 = scf.for %scan3A_76 = %scan3A_11 to %scan3A_13 step %scan3A_14 iter_args(%scan3A_77 = %scan3A, %scan3A_78 = %scan3A_8, %scan3A_79 = %scan3A_9, %scan3A_80 = %scan3A_10) -> (f32, i1, i32, f32)  : i32 {
      %add3A_81 = arith.constant 1 : i32
      %add3A_82 = arith.addi %scan3A_76, %add3A_81 : i32
      %mul3A_83 = arith.constant 16 : i32
      %mul3A_84 = arith.muli %mul3A_83, %add3A_82 : i32
      %sub3A_85 = arith.constant 1024 : i32
      %sub3A_86 = arith.subi %sub3A_85, %mul3A_84 : i32
      %get3A_87 = arith.index_cast %sub3A_86 : i32 to index
      %get3A_88 = tpu.vector_load %arg8[%get3A_87] {strides = array<i32>} : memref<1024xf32, #tpu.memory_space<vmem>>, vector<16xf32>,
      %broadcast_in_dim3A_89 = arith.constant true
      %broadcast_in_dim3A_90 = vector.broadcast %broadcast_in_dim3A_89 : i1 to vector<16xi1>
      %masked_cumsum3A = tpu.scan <sum>, %get3A_88 masked %broadcast_in_dim3A_90 : vector<16xf32>, vector<16xi1> -> vector<16xf32>
      %slice3A_91 = vector.extract_strided_slice %masked_cumsum3A {offsets = [15], sizes = [1], strides = [1]} : vector<16xf32> to vector<1xf32>
      %squeeze3A_92 = vector.extract %slice3A_91[0] : f32 from vector<1xf32>
      %sub3A_93 = vector.broadcast %squeeze3A_92 : f32 to vector<16xf32>
      %sub3A_94 = arith.subf %sub3A_93, %masked_cumsum3A : vector<16xf32>
      %add3A_95 = vector.broadcast %scan3A_77 : f32 to vector<16xf32>
      %add3A_96 = arith.addf %add3A_95, %sub3A_94 : vector<16xf32>
      %add3A_97 = arith.addf %add3A_96, %get3A_88 : vector<16xf32>
      %ge3A = vector.broadcast %convert_element_type3A : f32 to vector<16xf32>
      %ge3A_98 = arith.cmpf oge, %add3A_97, %ge3A : vector<16xf32>
      %all_reduce_population_count3A = tpu.all_reduce %ge3A_98 {dim = 0 : i64, kind = #tpu.reduction_kind<sum>} : vector<16xi1> -> vector<16xi32>
      %slice3A_99 = vector.extract_strided_slice %all_reduce_population_count3A {offsets = [0], sizes = [1], strides = [1]} : vector<16xi32> to vector<1xi32>
      %squeeze3A_100 = vector.extract %slice3A_99[0] : i32 from vector<1xi32>
      %gt3A = arith.constant 0 : i32
      %gt3A_101 = arith.cmpi sgt, %squeeze3A_100, %gt3A : i32
      %sub3A_102 = arith.constant 1 : i32
      %sub3A_103 = arith.subi %squeeze3A_100, %sub3A_102 : i32
      %jit3A = arith.constant 0.000000e+00 : f32
      %broadcast_in_dim3A_104 = vector.broadcast %jit3A : f32 to vector<16xf32>
      %select_n3A_105 = arith.select %ge3A_98, %masked_cumsum3A, %broadcast_in_dim3A_104 : vector<16xi1>, vector<16xf32>
      %reduce_max3A = arith.constant true
      %reduce_max3A_106 = vector.broadcast %reduce_max3A : i1 to vector<16xi1>
      %reduce_max3A_107 = tpu.scan <max>, %select_n3A_105 masked %reduce_max3A_106 : vector<16xf32>, vector<16xi1> -> vector<16xf32>
      %reduce_max3A_108 = vector.extract %reduce_max3A_107[15] : f32 from vector<16xf32>
      %not3A = arith.constant true
      %not3A_109 = arith.xori %scan3A_78, %not3A : i1
      %and3A = arith.andi %gt3A_101, %not3A_109 : i1
      %add3A_110 = arith.addi %sub3A_86, %sub3A_103 : i32
      %select_n3A_111 = arith.select %and3A, %add3A_110, %scan3A_79 : i32
      %add3A_112 = arith.addf %scan3A_77, %squeeze3A_92 : f32
      %sub3A_113 = arith.subf %add3A_112, %reduce_max3A_108 : f32
      %select_n3A_114 = arith.select %and3A, %sub3A_113, %scan3A_80 : f32
      %or3A_115 = arith.ori %scan3A_78, %gt3A_101 : i1
      %add3A_116 = arith.addf %scan3A_77, %squeeze3A_92 : f32
      scf.yield %add3A_116, %or3A_115, %select_n3A_111, %select_n3A_114 : f32, i1, i32, f32
    }
    %scan3A_16 = arith.constant 64 : i32
    %convert_element_type3A_17 = arith.fptosi %scan3A_15#3 : f32 to i32
    %sub3A = arith.subi %squeeze3A_3, %convert_element_type3A_17 : i32
    %shift_left3A = arith.constant 10 : i32
    %shift_left3A_18 = arith.shli %squeeze3A, %shift_left3A : i32
    %or3A = arith.ori %shift_left3A_18, %scan3A_15#2 : i32
    %mul3A_19 = arith.constant 2 : i32
    %mul3A_20 = arith.muli %add3A, %mul3A_19 : i32
    %add3A_21 = arith.constant 0 : i32
    %add3A_22 = arith.addi %mul3A_20, %add3A_21 : i32
    "tpu.region"() ({
      %run_scoped3A_76 = tpu.sem_alloc : memref<!tpu.dma_semaphore, #tpu.memory_space<semaphore_mem>>
      %dma_start3A = arith.constant 0 : i32
      %dma_start3A_77 = tpu.memref_slice %arg4[%add3A_22, %dma_start3A] : memref<64x20000xi32, #tpu.memory_space<hbm>> -> memref<1x20000xi32, #tpu.memory_space<hbm>>
      %dma_start3A_78 = tpu.memref_squeeze %dma_start3A_77 : memref<1x20000xi32, #tpu.memory_space<hbm>> -> memref<20000xi32, #tpu.memory_space<hbm>>
      %dma_start3A_79 = arith.constant 0 : i32
      %dma_start3A_80 = tpu.memref_slice %arg4[%add3A_22, %dma_start3A_79] : memref<64x20000xi32, #tpu.memory_space<hbm>> -> memref<1x20000xi32, #tpu.memory_space<hbm>>
      %dma_start3A_81 = tpu.memref_squeeze %dma_start3A_80 : memref<1x20000xi32, #tpu.memory_space<hbm>> -> memref<20000xi32, #tpu.memory_space<hbm>>
      tpu.enqueue_dma source(%dma_start3A_81 : memref<20000xi32, #tpu.memory_space<hbm>>) target(%arg10 : memref<20000xi32, #tpu.memory_space<vmem>>) target_semaphore(%run_scoped3A_76 : memref<!tpu.dma_semaphore, #tpu.memory_space<semaphore_mem>>)
      %dma_wait3A = arith.constant 0 : i32
      %dma_wait3A_82 = tpu.memref_slice %arg4[%add3A_22, %dma_wait3A] : memref<64x20000xi32, #tpu.memory_space<hbm>> -> memref<1x20000xi32, #tpu.memory_space<hbm>>
      %dma_wait3A_83 = tpu.memref_squeeze %dma_wait3A_82 : memref<1x20000xi32, #tpu.memory_space<hbm>> -> memref<20000xi32, #tpu.memory_space<hbm>>
      %dma_wait3A_84 = arith.constant 0 : i32
      %dma_wait3A_85 = tpu.memref_slice %arg4[%add3A_22, %dma_wait3A_84] : memref<64x20000xi32, #tpu.memory_space<hbm>> -> memref<1x20000xi32, #tpu.memory_space<hbm>>
      %dma_wait3A_86 = tpu.memref_squeeze %dma_wait3A_85 : memref<1x20000xi32, #tpu.memory_space<hbm>> -> memref<20000xi32, #tpu.memory_space<hbm>>
      tpu.wait_dma2 semaphore(%run_scoped3A_76 : memref<!tpu.dma_semaphore, #tpu.memory_space<semaphore_mem>>) src(%dma_wait3A_86 : memref<20000xi32, #tpu.memory_space<hbm>>) dst(%arg10 : memref<20000xi32, #tpu.memory_space<vmem>>)
      tpu.yield
    }) : () -> ()
    %broadcast_in_dim3A = arith.constant 0 : i32
    %broadcast_in_dim3A_23 = vector.broadcast %broadcast_in_dim3A : i32 to vector<16xi32>
    %parallel_loop3A_24 = arith.constant 0 : i32
    %parallel_loop3A_25 = arith.constant 1250 : i32
    %parallel_loop3A_26 = arith.constant 1 : i32
    %parallel_loop3A_27 = scf.for %parallel_loop3A_76 = %parallel_loop3A_24 to %parallel_loop3A_25 step %parallel_loop3A_26 iter_args(%parallel_loop3A_77 = %broadcast_in_dim3A_23) -> (vector<16xi32>)  : i32 {
      %parallel_loop3A_78 = arith.constant 16 : i32
      %parallel_loop3A_79 = arith.muli %parallel_loop3A_76, %parallel_loop3A_78 : i32
      %parallel_loop3A_80 = arith.index_cast %parallel_loop3A_79 : i32 to index
      %parallel_loop3A_81 = tpu.vector_load %arg10[%parallel_loop3A_80] {strides = array<i32>} : memref<20000xi32, #tpu.memory_space<vmem>>, vector<16xi32>,
      %parallel_loop3A_82 = vector.broadcast %or3A : i32 to vector<16xi32>
      %parallel_loop3A_83 = arith.cmpi eq, %parallel_loop3A_81, %parallel_loop3A_82 : vector<16xi32>
      %parallel_loop3A_84 = arith.extui %parallel_loop3A_83 : vector<16xi1> to vector<16xi32>
      %parallel_loop3A_85 = arith.addi %parallel_loop3A_77, %parallel_loop3A_84 : vector<16xi32>
      scf.yield %parallel_loop3A_85 : vector<16xi32>
    } {sc.loop_unroll_factor = 8 : i64, sc.parallel_access}
    %reduce_sum3A = arith.constant true
    %reduce_sum3A_28 = vector.broadcast %reduce_sum3A : i1 to vector<16xi1>
    %reduce_sum3A_29 = tpu.scan <sum>, %parallel_loop3A_27 masked %reduce_sum3A_28 : vector<16xi32>, vector<16xi1> -> vector<16xi32>
    %reduce_sum3A_30 = vector.extract %reduce_sum3A_29[15] : i32 from vector<16xi32>
    %mul3A_31 = arith.constant 2 : i32
    %mul3A_32 = arith.muli %add3A, %mul3A_31 : i32
    %add3A_33 = arith.constant 1 : i32
    %add3A_34 = arith.addi %mul3A_32, %add3A_33 : i32
    "tpu.region"() ({
      %run_scoped3A_76 = tpu.sem_alloc : memref<!tpu.dma_semaphore, #tpu.memory_space<semaphore_mem>>
      %dma_start3A = arith.constant 0 : i32
      %dma_start3A_77 = tpu.memref_slice %arg4[%add3A_34, %dma_start3A] : memref<64x20000xi32, #tpu.memory_space<hbm>> -> memref<1x20000xi32, #tpu.memory_space<hbm>>
      %dma_start3A_78 = tpu.memref_squeeze %dma_start3A_77 : memref<1x20000xi32, #tpu.memory_space<hbm>> -> memref<20000xi32, #tpu.memory_space<hbm>>
      %dma_start3A_79 = arith.constant 0 : i32
      %dma_start3A_80 = tpu.memref_slice %arg4[%add3A_34, %dma_start3A_79] : memref<64x20000xi32, #tpu.memory_space<hbm>> -> memref<1x20000xi32, #tpu.memory_space<hbm>>
      %dma_start3A_81 = tpu.memref_squeeze %dma_start3A_80 : memref<1x20000xi32, #tpu.memory_space<hbm>> -> memref<20000xi32, #tpu.memory_space<hbm>>
      tpu.enqueue_dma source(%dma_start3A_81 : memref<20000xi32, #tpu.memory_space<hbm>>) target(%arg10 : memref<20000xi32, #tpu.memory_space<vmem>>) target_semaphore(%run_scoped3A_76 : memref<!tpu.dma_semaphore, #tpu.memory_space<semaphore_mem>>)
      %dma_wait3A = arith.constant 0 : i32
      %dma_wait3A_82 = tpu.memref_slice %arg4[%add3A_34, %dma_wait3A] : memref<64x20000xi32, #tpu.memory_space<hbm>> -> memref<1x20000xi32, #tpu.memory_space<hbm>>
      %dma_wait3A_83 = tpu.memref_squeeze %dma_wait3A_82 : memref<1x20000xi32, #tpu.memory_space<hbm>> -> memref<20000xi32, #tpu.memory_space<hbm>>
      %dma_wait3A_84 = arith.constant 0 : i32
      %dma_wait3A_85 = tpu.memref_slice %arg4[%add3A_34, %dma_wait3A_84] : memref<64x20000xi32, #tpu.memory_space<hbm>> -> memref<1x20000xi32, #tpu.memory_space<hbm>>
      %dma_wait3A_86 = tpu.memref_squeeze %dma_wait3A_85 : memref<1x20000xi32, #tpu.memory_space<hbm>> -> memref<20000xi32, #tpu.memory_space<hbm>>
      tpu.wait_dma2 semaphore(%run_scoped3A_76 : memref<!tpu.dma_semaphore, #tpu.memory_space<semaphore_mem>>) src(%dma_wait3A_86 : memref<20000xi32, #tpu.memory_space<hbm>>) dst(%arg10 : memref<20000xi32, #tpu.memory_space<vmem>>)
      tpu.yield
    }) : () -> ()
    %broadcast_in_dim3A_35 = arith.constant 0 : i32
    %broadcast_in_dim3A_36 = vector.broadcast %broadcast_in_dim3A_35 : i32 to vector<16xi32>
    %parallel_loop3A_37 = arith.constant 0 : i32
    %parallel_loop3A_38 = arith.constant 1250 : i32
    %parallel_loop3A_39 = arith.constant 1 : i32
    %parallel_loop3A_40 = scf.for %parallel_loop3A_76 = %parallel_loop3A_37 to %parallel_loop3A_38 step %parallel_loop3A_39 iter_args(%parallel_loop3A_77 = %broadcast_in_dim3A_36) -> (vector<16xi32>)  : i32 {
      %parallel_loop3A_78 = arith.constant 16 : i32
      %parallel_loop3A_79 = arith.muli %parallel_loop3A_76, %parallel_loop3A_78 : i32
      %parallel_loop3A_80 = arith.index_cast %parallel_loop3A_79 : i32 to index
      %parallel_loop3A_81 = tpu.vector_load %arg10[%parallel_loop3A_80] {strides = array<i32>} : memref<20000xi32, #tpu.memory_space<vmem>>, vector<16xi32>,
      %parallel_loop3A_82 = vector.broadcast %or3A : i32 to vector<16xi32>
      %parallel_loop3A_83 = arith.cmpi eq, %parallel_loop3A_81, %parallel_loop3A_82 : vector<16xi32>
      %parallel_loop3A_84 = arith.extui %parallel_loop3A_83 : vector<16xi1> to vector<16xi32>
      %parallel_loop3A_85 = arith.addi %parallel_loop3A_77, %parallel_loop3A_84 : vector<16xi32>
      scf.yield %parallel_loop3A_85 : vector<16xi32>
    } {sc.loop_unroll_factor = 8 : i64, sc.parallel_access}
    %reduce_sum3A_41 = arith.constant true
    %reduce_sum3A_42 = vector.broadcast %reduce_sum3A_41 : i1 to vector<16xi1>
    %reduce_sum3A_43 = tpu.scan <sum>, %parallel_loop3A_40 masked %reduce_sum3A_42 : vector<16xi32>, vector<16xi1> -> vector<16xi32>
    %reduce_sum3A_44 = vector.extract %reduce_sum3A_43[15] : i32 from vector<16xi32>
    %iota3A = tpu.iota {dimensions = array<i32: 0>} : vector<16xi32>
    %broadcast_in_dim3A_45 = arith.constant 0 : i32
    %broadcast_in_dim3A_46 = vector.broadcast %broadcast_in_dim3A_45 : i32 to vector<16xi32>
    %eq3A = arith.constant 0 : i32
    %eq3A_47 = vector.broadcast %eq3A : i32 to vector<16xi32>
    %eq3A_48 = arith.cmpi eq, %iota3A, %eq3A_47 : vector<16xi32>
    %broadcast_in_dim3A_49 = vector.broadcast %reduce_sum3A_30 : i32 to vector<16xi32>
    %select_n3A = arith.select %eq3A_48, %broadcast_in_dim3A_49, %broadcast_in_dim3A_46 : vector<16xi1>, vector<16xi32>
    %eq3A_50 = arith.constant 1 : i32
    %eq3A_51 = vector.broadcast %eq3A_50 : i32 to vector<16xi32>
    %eq3A_52 = arith.cmpi eq, %iota3A, %eq3A_51 : vector<16xi32>
    %broadcast_in_dim3A_53 = vector.broadcast %reduce_sum3A_44 : i32 to vector<16xi32>
    %select_n3A_54 = arith.select %eq3A_52, %broadcast_in_dim3A_53, %select_n3A : vector<16xi1>, vector<16xi32>
    %swap3A = arith.constant 0 : index
    %swap3A_55 = tpu.vector_load %arg11[%swap3A] {strides = array<i32>} : memref<16xi32, #tpu.memory_space<vmem>>, vector<16xi32>,
    tpu.vector_store %arg11[%swap3A], %select_n3A_54 {strides = array<i32>} : memref<16xi32, #tpu.memory_space<vmem>>, vector<16xi32>,
    %iota3A_56 = tpu.iota {dimensions = array<i32: 0>} : vector<16xi32>
    %broadcast_in_dim3A_57 = arith.constant 0 : i32
    %broadcast_in_dim3A_58 = vector.broadcast %broadcast_in_dim3A_57 : i32 to vector<16xi32>
    %eq3A_59 = arith.constant 0 : i32
    %eq3A_60 = vector.broadcast %eq3A_59 : i32 to vector<16xi32>
    %eq3A_61 = arith.cmpi eq, %iota3A_56, %eq3A_60 : vector<16xi32>
    %broadcast_in_dim3A_62 = vector.broadcast %or3A : i32 to vector<16xi32>
    %select_n3A_63 = arith.select %eq3A_61, %broadcast_in_dim3A_62, %broadcast_in_dim3A_58 : vector<16xi1>, vector<16xi32>
    %eq3A_64 = arith.constant 1 : i32
    %eq3A_65 = vector.broadcast %eq3A_64 : i32 to vector<16xi32>
    %eq3A_66 = arith.cmpi eq, %iota3A_56, %eq3A_65 : vector<16xi32>
    %broadcast_in_dim3A_67 = vector.broadcast %sub3A : i32 to vector<16xi32>
    %select_n3A_68 = arith.select %eq3A_66, %broadcast_in_dim3A_67, %select_n3A_63 : vector<16xi1>, vector<16xi32>
    %eq3A_69 = arith.constant 3 : i32
    %eq3A_70 = vector.broadcast %eq3A_69 : i32 to vector<16xi32>
    %eq3A_71 = arith.cmpi eq, %iota3A_56, %eq3A_70 : vector<16xi32>
    %broadcast_in_dim3A_72 = vector.broadcast %squeeze3A_5 : i32 to vector<16xi32>
    %select_n3A_73 = arith.select %eq3A_71, %broadcast_in_dim3A_72, %select_n3A_68 : vector<16xi1>, vector<16xi32>
    %swap3A_74 = arith.constant 0 : index
    %swap3A_75 = tpu.vector_load %arg12[%swap3A_74] {strides = array<i32>} : memref<16xi32, #tpu.memory_space<vmem>>, vector<16xi32>,
    tpu.vector_store %arg12[%swap3A_74], %select_n3A_73 {strides = array<i32>} : memref<16xi32, #tpu.memory_space<vmem>>, vector<16xi32>,
    "tpu.region"() ({
      %run_scoped3A_76 = tpu.sem_alloc : memref<!tpu.dma_semaphore, #tpu.memory_space<semaphore_mem>>
      %dma_start3A = arith.constant 0 : i32
      %dma_start3A_77 = tpu.memref_slice %arg5[%add3A, %dma_start3A] : memref<32x16xi32, #tpu.memory_space<hbm>> -> memref<1x16xi32, #tpu.memory_space<hbm>>
      %dma_start3A_78 = tpu.memref_squeeze %dma_start3A_77 : memref<1x16xi32, #tpu.memory_space<hbm>> -> memref<16xi32, #tpu.memory_space<hbm>>
      %dma_start3A_79 = arith.constant 0 : i32
      %dma_start3A_80 = tpu.memref_slice %arg5[%add3A, %dma_start3A_79] : memref<32x16xi32, #tpu.memory_space<hbm>> -> memref<1x16xi32, #tpu.memory_space<hbm>>
      %dma_start3A_81 = tpu.memref_squeeze %dma_start3A_80 : memref<1x16xi32, #tpu.memory_space<hbm>> -> memref<16xi32, #tpu.memory_space<hbm>>
      tpu.enqueue_dma source(%arg11 : memref<16xi32, #tpu.memory_space<vmem>>) target(%dma_start3A_81 : memref<16xi32, #tpu.memory_space<hbm>>) target_semaphore(%run_scoped3A_76 : memref<!tpu.dma_semaphore, #tpu.memory_space<semaphore_mem>>)
      %dma_wait3A = arith.constant 0 : i32
      %dma_wait3A_82 = tpu.memref_slice %arg5[%add3A, %dma_wait3A] : memref<32x16xi32, #tpu.memory_space<hbm>> -> memref<1x16xi32, #tpu.memory_space<hbm>>
      %dma_wait3A_83 = tpu.memref_squeeze %dma_wait3A_82 : memref<1x16xi32, #tpu.memory_space<hbm>> -> memref<16xi32, #tpu.memory_space<hbm>>
      %dma_wait3A_84 = arith.constant 0 : i32
      %dma_wait3A_85 = tpu.memref_slice %arg5[%add3A, %dma_wait3A_84] : memref<32x16xi32, #tpu.memory_space<hbm>> -> memref<1x16xi32, #tpu.memory_space<hbm>>
      %dma_wait3A_86 = tpu.memref_squeeze %dma_wait3A_85 : memref<1x16xi32, #tpu.memory_space<hbm>> -> memref<16xi32, #tpu.memory_space<hbm>>
      tpu.wait_dma2 semaphore(%run_scoped3A_76 : memref<!tpu.dma_semaphore, #tpu.memory_space<semaphore_mem>>) src(%arg11 : memref<16xi32, #tpu.memory_space<vmem>>) dst(%dma_wait3A_86 : memref<16xi32, #tpu.memory_space<hbm>>)
      tpu.yield
    }) : () -> ()
    "tpu.region"() ({
      %run_scoped3A_76 = tpu.sem_alloc : memref<!tpu.dma_semaphore, #tpu.memory_space<semaphore_mem>>
      %dma_start3A = arith.constant 0 : i32
      %dma_start3A_77 = tpu.memref_slice %arg6[%add3A, %dma_start3A] : memref<32x16xi32, #tpu.memory_space<hbm>> -> memref<1x16xi32, #tpu.memory_space<hbm>>
      %dma_start3A_78 = tpu.memref_squeeze %dma_start3A_77 : memref<1x16xi32, #tpu.memory_space<hbm>> -> memref<16xi32, #tpu.memory_space<hbm>>
      %dma_start3A_79 = arith.constant 0 : i32
      %dma_start3A_80 = tpu.memref_slice %arg6[%add3A, %dma_start3A_79] : memref<32x16xi32, #tpu.memory_space<hbm>> -> memref<1x16xi32, #tpu.memory_space<hbm>>
      %dma_start3A_81 = tpu.memref_squeeze %dma_start3A_80 : memref<1x16xi32, #tpu.memory_space<hbm>> -> memref<16xi32, #tpu.memory_space<hbm>>
      tpu.enqueue_dma source(%arg12 : memref<16xi32, #tpu.memory_space<vmem>>) target(%dma_start3A_81 : memref<16xi32, #tpu.memory_space<hbm>>) target_semaphore(%run_scoped3A_76 : memref<!tpu.dma_semaphore, #tpu.memory_space<semaphore_mem>>)
      %dma_wait3A = arith.constant 0 : i32
      %dma_wait3A_82 = tpu.memref_slice %arg6[%add3A, %dma_wait3A] : memref<32x16xi32, #tpu.memory_space<hbm>> -> memref<1x16xi32, #tpu.memory_space<hbm>>
      %dma_wait3A_83 = tpu.memref_squeeze %dma_wait3A_82 : memref<1x16xi32, #tpu.memory_space<hbm>> -> memref<16xi32, #tpu.memory_space<hbm>>
      %dma_wait3A_84 = arith.constant 0 : i32
      %dma_wait3A_85 = tpu.memref_slice %arg6[%add3A, %dma_wait3A_84] : memref<32x16xi32, #tpu.memory_space<hbm>> -> memref<1x16xi32, #tpu.memory_space<hbm>>
      %dma_wait3A_86 = tpu.memref_squeeze %dma_wait3A_85 : memref<1x16xi32, #tpu.memory_space<hbm>> -> memref<16xi32, #tpu.memory_space<hbm>>
      tpu.wait_dma2 semaphore(%run_scoped3A_76 : memref<!tpu.dma_semaphore, #tpu.memory_space<semaphore_mem>>) src(%arg12 : memref<16xi32, #tpu.memory_space<vmem>>) dst(%dma_wait3A_86 : memref<16xi32, #tpu.memory_space<hbm>>)
      tpu.yield
    }) : () -> ()
    return
  }
}

#map = affine_map<(d0, d1) -> (0, 0)>
module attributes {stable_mosaic.version = 14 : i64} {
  func.func @_c5(%arg0: i32, %arg1: i32, %arg2: memref<32x16xi32, #tpu.memory_space<hbm>>, %arg3: memref<32x16xi32, #tpu.memory_space<hbm>>, %arg4: memref<32x16xf32, #tpu.memory_space<hbm>>, %arg5: memref<64x20000xi32, #tpu.memory_space<hbm>>, %arg6: memref<64x20000xf32, #tpu.memory_space<hbm>>, %arg7: memref<32x16xf32, #tpu.memory_space<hbm>>, %arg8: memref<32x16xi32, #tpu.memory_space<vmem>>, %arg9: memref<16xi32, #tpu.memory_space<vmem>>, %arg10: memref<16xf32, #tpu.memory_space<vmem>>, %arg11: memref<20000xi32, #tpu.memory_space<vmem>>, %arg12: memref<20000xf32, #tpu.memory_space<vmem>>, %arg13: memref<16xf32, #tpu.memory_space<vmem>>) attributes {dimension_semantics = [#tpu.dimension_semantics<core_parallel>, #tpu.dimension_semantics<subcore_parallel>], iteration_bounds = array<i64: 2, 16>, scalar_prefetch = 0 : i64, scratch_operands = 6 : i64, tpu.core_type = #tpu.core_type<sc_vector_subcore>, window_params = [{transform_indices = #map}, {transform_indices = #map}, {transform_indices = #map}, {transform_indices = #map}, {transform_indices = #map}, {transform_indices = #map}]} {
    %mul3A = arith.constant 2 : i32
    %mul3A_0 = arith.muli %arg1, %mul3A : i32
    %add3A = arith.addi %mul3A_0, %arg0 : i32
    "tpu.region"() ({
      %run_scoped3A_79 = tpu.sem_alloc : memref<!tpu.dma_semaphore, #tpu.memory_space<semaphore_mem>>
      tpu.enqueue_dma source(%arg3 : memref<32x16xi32, #tpu.memory_space<hbm>>) target(%arg8 : memref<32x16xi32, #tpu.memory_space<vmem>>) target_semaphore(%run_scoped3A_79 : memref<!tpu.dma_semaphore, #tpu.memory_space<semaphore_mem>>)
      tpu.wait_dma2 semaphore(%run_scoped3A_79 : memref<!tpu.dma_semaphore, #tpu.memory_space<semaphore_mem>>) src(%arg3 : memref<32x16xi32, #tpu.memory_space<hbm>>) dst(%arg8 : memref<32x16xi32, #tpu.memory_space<vmem>>)
      tpu.yield
    }) : () -> ()
    %run_scoped3A = arith.constant 0 : i32
    "tpu.region"() ({
      %run_scoped3A_79 = tpu.sem_alloc : memref<!tpu.dma_semaphore, #tpu.memory_space<semaphore_mem>>
      %dma_start3A = arith.constant 0 : i32
      %dma_start3A_80 = tpu.memref_slice %arg2[%run_scoped3A, %dma_start3A] : memref<32x16xi32, #tpu.memory_space<hbm>> -> memref<1x16xi32, #tpu.memory_space<hbm>>
      %dma_start3A_81 = tpu.memref_squeeze %dma_start3A_80 : memref<1x16xi32, #tpu.memory_space<hbm>> -> memref<16xi32, #tpu.memory_space<hbm>>
      %dma_start3A_82 = arith.constant 0 : i32
      %dma_start3A_83 = tpu.memref_slice %arg2[%run_scoped3A, %dma_start3A_82] : memref<32x16xi32, #tpu.memory_space<hbm>> -> memref<1x16xi32, #tpu.memory_space<hbm>>
      %dma_start3A_84 = tpu.memref_squeeze %dma_start3A_83 : memref<1x16xi32, #tpu.memory_space<hbm>> -> memref<16xi32, #tpu.memory_space<hbm>>
      tpu.enqueue_dma source(%dma_start3A_84 : memref<16xi32, #tpu.memory_space<hbm>>) target(%arg9 : memref<16xi32, #tpu.memory_space<vmem>>) target_semaphore(%run_scoped3A_79 : memref<!tpu.dma_semaphore, #tpu.memory_space<semaphore_mem>>)
      %dma_wait3A = arith.constant 0 : i32
      %dma_wait3A_85 = tpu.memref_slice %arg2[%run_scoped3A, %dma_wait3A] : memref<32x16xi32, #tpu.memory_space<hbm>> -> memref<1x16xi32, #tpu.memory_space<hbm>>
      %dma_wait3A_86 = tpu.memref_squeeze %dma_wait3A_85 : memref<1x16xi32, #tpu.memory_space<hbm>> -> memref<16xi32, #tpu.memory_space<hbm>>
      %dma_wait3A_87 = arith.constant 0 : i32
      %dma_wait3A_88 = tpu.memref_slice %arg2[%run_scoped3A, %dma_wait3A_87] : memref<32x16xi32, #tpu.memory_space<hbm>> -> memref<1x16xi32, #tpu.memory_space<hbm>>
      %dma_wait3A_89 = tpu.memref_squeeze %dma_wait3A_88 : memref<1x16xi32, #tpu.memory_space<hbm>> -> memref<16xi32, #tpu.memory_space<hbm>>
      tpu.wait_dma2 semaphore(%run_scoped3A_79 : memref<!tpu.dma_semaphore, #tpu.memory_space<semaphore_mem>>) src(%dma_wait3A_89 : memref<16xi32, #tpu.memory_space<hbm>>) dst(%arg9 : memref<16xi32, #tpu.memory_space<vmem>>)
      tpu.yield
    }) : () -> ()
    "tpu.region"() ({
      %run_scoped3A_79 = tpu.sem_alloc : memref<!tpu.dma_semaphore, #tpu.memory_space<semaphore_mem>>
      %dma_start3A = arith.constant 0 : i32
      %dma_start3A_80 = tpu.memref_slice %arg4[%add3A, %dma_start3A] : memref<32x16xf32, #tpu.memory_space<hbm>> -> memref<1x16xf32, #tpu.memory_space<hbm>>
      %dma_start3A_81 = tpu.memref_squeeze %dma_start3A_80 : memref<1x16xf32, #tpu.memory_space<hbm>> -> memref<16xf32, #tpu.memory_space<hbm>>
      %dma_start3A_82 = arith.constant 0 : i32
      %dma_start3A_83 = tpu.memref_slice %arg4[%add3A, %dma_start3A_82] : memref<32x16xf32, #tpu.memory_space<hbm>> -> memref<1x16xf32, #tpu.memory_space<hbm>>
      %dma_start3A_84 = tpu.memref_squeeze %dma_start3A_83 : memref<1x16xf32, #tpu.memory_space<hbm>> -> memref<16xf32, #tpu.memory_space<hbm>>
      tpu.enqueue_dma source(%dma_start3A_84 : memref<16xf32, #tpu.memory_space<hbm>>) target(%arg10 : memref<16xf32, #tpu.memory_space<vmem>>) target_semaphore(%run_scoped3A_79 : memref<!tpu.dma_semaphore, #tpu.memory_space<semaphore_mem>>)
      %dma_wait3A = arith.constant 0 : i32
      %dma_wait3A_85 = tpu.memref_slice %arg4[%add3A, %dma_wait3A] : memref<32x16xf32, #tpu.memory_space<hbm>> -> memref<1x16xf32, #tpu.memory_space<hbm>>
      %dma_wait3A_86 = tpu.memref_squeeze %dma_wait3A_85 : memref<1x16xf32, #tpu.memory_space<hbm>> -> memref<16xf32, #tpu.memory_space<hbm>>
      %dma_wait3A_87 = arith.constant 0 : i32
      %dma_wait3A_88 = tpu.memref_slice %arg4[%add3A, %dma_wait3A_87] : memref<32x16xf32, #tpu.memory_space<hbm>> -> memref<1x16xf32, #tpu.memory_space<hbm>>
      %dma_wait3A_89 = tpu.memref_squeeze %dma_wait3A_88 : memref<1x16xf32, #tpu.memory_space<hbm>> -> memref<16xf32, #tpu.memory_space<hbm>>
      tpu.wait_dma2 semaphore(%run_scoped3A_79 : memref<!tpu.dma_semaphore, #tpu.memory_space<semaphore_mem>>) src(%dma_wait3A_89 : memref<16xf32, #tpu.memory_space<hbm>>) dst(%arg10 : memref<16xf32, #tpu.memory_space<vmem>>)
      tpu.yield
    }) : () -> ()
    %get3A = arith.constant 0 : index
    %get3A_1 = tpu.vector_load %arg9[%get3A] {strides = array<i32>} : memref<16xi32, #tpu.memory_space<vmem>>, vector<16xi32>,
    %slice3A = vector.extract_strided_slice %get3A_1 {offsets = [0], sizes = [1], strides = [1]} : vector<16xi32> to vector<1xi32>
    %squeeze3A = vector.extract %slice3A[0] : i32 from vector<1xi32>
    %slice3A_2 = vector.extract_strided_slice %get3A_1 {offsets = [1], sizes = [1], strides = [1]} : vector<16xi32> to vector<1xi32>
    %squeeze3A_3 = vector.extract %slice3A_2[0] : i32 from vector<1xi32>
    %broadcast_in_dim3A = arith.constant 0 : i32
    %broadcast_in_dim3A_4 = vector.broadcast %broadcast_in_dim3A : i32 to vector<16xi32>
    %while3A = arith.constant 0 : i32
    %while3A_5 = arith.subi %add3A, %while3A : i32
    %while3A_6 = arith.addi %while3A, %while3A_5 : i32
    %while3A_7 = arith.constant 1 : i32
    %while3A_8 = arith.divsi %while3A_5, %while3A_7 : i32
    %while3A_9 = arith.muli %while3A_8, %while3A_7 : i32
    %while3A_10 = arith.addi %while3A, %while3A_9 : i32
    %while3A_11 = arith.constant 1 : i32
    %while3A_12 = scf.for %while3A_79 = %while3A to %while3A_10 step %while3A_11 iter_args(%while3A_80 = %broadcast_in_dim3A_4) -> (vector<16xi32>)  : i32 {
      %get3A_81 = arith.index_cast %while3A_79 : i32 to index
      %get3A_82 = arith.constant 0 : index
      %get3A_83 = tpu.vector_load %arg8[%get3A_81, %get3A_82] {strides = array<i32>} : memref<32x16xi32, #tpu.memory_space<vmem>>, vector<16xi32>,
      %add3A_84 = arith.addi %while3A_80, %get3A_83 : vector<16xi32>
      scf.yield %add3A_84 : vector<16xi32>
    }
    %while3A_13 = arith.constant 1 : i32
    %while3A_14 = scf.for %while3A_79 = %while3A_10 to %while3A_6 step %while3A_13 iter_args(%while3A_80 = %while3A_12) -> (vector<16xi32>)  : i32 {
      %get3A_81 = arith.index_cast %while3A_79 : i32 to index
      %get3A_82 = arith.constant 0 : index
      %get3A_83 = tpu.vector_load %arg8[%get3A_81, %get3A_82] {strides = array<i32>} : memref<32x16xi32, #tpu.memory_space<vmem>>, vector<16xi32>,
      %add3A_84 = arith.addi %while3A_80, %get3A_83 : vector<16xi32>
      scf.yield %add3A_84 : vector<16xi32>
    }
    %slice3A_15 = vector.extract_strided_slice %while3A_14 {offsets = [0], sizes = [1], strides = [1]} : vector<16xi32> to vector<1xi32>
    %squeeze3A_16 = vector.extract %slice3A_15[0] : i32 from vector<1xi32>
    %slice3A_17 = vector.extract_strided_slice %while3A_14 {offsets = [1], sizes = [1], strides = [1]} : vector<16xi32> to vector<1xi32>
    %squeeze3A_18 = vector.extract %slice3A_17[0] : i32 from vector<1xi32>
    %add3A_19 = arith.addi %squeeze3A_16, %squeeze3A_18 : i32
    %get3A_20 = arith.index_cast %add3A : i32 to index
    %get3A_21 = arith.constant 0 : index
    %get3A_22 = tpu.vector_load %arg8[%get3A_20, %get3A_21] {strides = array<i32>} : memref<32x16xi32, #tpu.memory_space<vmem>>, vector<16xi32>,
    %slice3A_23 = vector.extract_strided_slice %get3A_22 {offsets = [0], sizes = [1], strides = [1]} : vector<16xi32> to vector<1xi32>
    %squeeze3A_24 = vector.extract %slice3A_23[0] : i32 from vector<1xi32>
    %slice3A_25 = vector.extract_strided_slice %get3A_22 {offsets = [1], sizes = [1], strides = [1]} : vector<16xi32> to vector<1xi32>
    %squeeze3A_26 = vector.extract %slice3A_25[0] : i32 from vector<1xi32>
    %sub3A = arith.subi %squeeze3A_3, %add3A_19 : i32
    %jit3A = arith.constant 0 : i32
    %max3A = arith.maxsi %jit3A, %sub3A : i32
    %min3A = arith.minsi %squeeze3A_24, %max3A : i32
    %add3A_27 = arith.addi %add3A_19, %squeeze3A_24 : i32
    %sub3A_28 = arith.subi %squeeze3A_3, %add3A_27 : i32
    %jit3A_29 = arith.constant 0 : i32
    %max3A_30 = arith.maxsi %jit3A_29, %sub3A_28 : i32
    %min3A_31 = arith.minsi %squeeze3A_26, %max3A_30 : i32
    %get3A_32 = arith.constant 0 : index
    %get3A_33 = tpu.vector_load %arg10[%get3A_32] {strides = array<i32>} : memref<16xf32, #tpu.memory_space<vmem>>, vector<16xf32>,
    %mul3A_34 = arith.constant 2 : i32
    %mul3A_35 = arith.muli %add3A, %mul3A_34 : i32
    %add3A_36 = arith.constant 0 : i32
    %add3A_37 = arith.addi %mul3A_35, %add3A_36 : i32
    "tpu.region"() ({
      %run_scoped3A_79 = tpu.sem_alloc : memref<!tpu.dma_semaphore, #tpu.memory_space<semaphore_mem>>
      %dma_start3A = arith.constant 0 : i32
      %dma_start3A_80 = tpu.memref_slice %arg5[%add3A_37, %dma_start3A] : memref<64x20000xi32, #tpu.memory_space<hbm>> -> memref<1x20000xi32, #tpu.memory_space<hbm>>
      %dma_start3A_81 = tpu.memref_squeeze %dma_start3A_80 : memref<1x20000xi32, #tpu.memory_space<hbm>> -> memref<20000xi32, #tpu.memory_space<hbm>>
      %dma_start3A_82 = arith.constant 0 : i32
      %dma_start3A_83 = tpu.memref_slice %arg5[%add3A_37, %dma_start3A_82] : memref<64x20000xi32, #tpu.memory_space<hbm>> -> memref<1x20000xi32, #tpu.memory_space<hbm>>
      %dma_start3A_84 = tpu.memref_squeeze %dma_start3A_83 : memref<1x20000xi32, #tpu.memory_space<hbm>> -> memref<20000xi32, #tpu.memory_space<hbm>>
      tpu.enqueue_dma source(%dma_start3A_84 : memref<20000xi32, #tpu.memory_space<hbm>>) target(%arg11 : memref<20000xi32, #tpu.memory_space<vmem>>) target_semaphore(%run_scoped3A_79 : memref<!tpu.dma_semaphore, #tpu.memory_space<semaphore_mem>>)
      %dma_wait3A = arith.constant 0 : i32
      %dma_wait3A_85 = tpu.memref_slice %arg5[%add3A_37, %dma_wait3A] : memref<64x20000xi32, #tpu.memory_space<hbm>> -> memref<1x20000xi32, #tpu.memory_space<hbm>>
      %dma_wait3A_86 = tpu.memref_squeeze %dma_wait3A_85 : memref<1x20000xi32, #tpu.memory_space<hbm>> -> memref<20000xi32, #tpu.memory_space<hbm>>
      %dma_wait3A_87 = arith.constant 0 : i32
      %dma_wait3A_88 = tpu.memref_slice %arg5[%add3A_37, %dma_wait3A_87] : memref<64x20000xi32, #tpu.memory_space<hbm>> -> memref<1x20000xi32, #tpu.memory_space<hbm>>
      %dma_wait3A_89 = tpu.memref_squeeze %dma_wait3A_88 : memref<1x20000xi32, #tpu.memory_space<hbm>> -> memref<20000xi32, #tpu.memory_space<hbm>>
      tpu.wait_dma2 semaphore(%run_scoped3A_79 : memref<!tpu.dma_semaphore, #tpu.memory_space<semaphore_mem>>) src(%dma_wait3A_89 : memref<20000xi32, #tpu.memory_space<hbm>>) dst(%arg11 : memref<20000xi32, #tpu.memory_space<vmem>>)
      tpu.yield
    }) : () -> ()
    "tpu.region"() ({
      %run_scoped3A_79 = tpu.sem_alloc : memref<!tpu.dma_semaphore, #tpu.memory_space<semaphore_mem>>
      %dma_start3A = arith.constant 0 : i32
      %dma_start3A_80 = tpu.memref_slice %arg6[%add3A_37, %dma_start3A] : memref<64x20000xf32, #tpu.memory_space<hbm>> -> memref<1x20000xf32, #tpu.memory_space<hbm>>
      %dma_start3A_81 = tpu.memref_squeeze %dma_start3A_80 : memref<1x20000xf32, #tpu.memory_space<hbm>> -> memref<20000xf32, #tpu.memory_space<hbm>>
      %dma_start3A_82 = arith.constant 0 : i32
      %dma_start3A_83 = tpu.memref_slice %arg6[%add3A_37, %dma_start3A_82] : memref<64x20000xf32, #tpu.memory_space<hbm>> -> memref<1x20000xf32, #tpu.memory_space<hbm>>
      %dma_start3A_84 = tpu.memref_squeeze %dma_start3A_83 : memref<1x20000xf32, #tpu.memory_space<hbm>> -> memref<20000xf32, #tpu.memory_space<hbm>>
      tpu.enqueue_dma source(%dma_start3A_84 : memref<20000xf32, #tpu.memory_space<hbm>>) target(%arg12 : memref<20000xf32, #tpu.memory_space<vmem>>) target_semaphore(%run_scoped3A_79 : memref<!tpu.dma_semaphore, #tpu.memory_space<semaphore_mem>>)
      %dma_wait3A = arith.constant 0 : i32
      %dma_wait3A_85 = tpu.memref_slice %arg6[%add3A_37, %dma_wait3A] : memref<64x20000xf32, #tpu.memory_space<hbm>> -> memref<1x20000xf32, #tpu.memory_space<hbm>>
      %dma_wait3A_86 = tpu.memref_squeeze %dma_wait3A_85 : memref<1x20000xf32, #tpu.memory_space<hbm>> -> memref<20000xf32, #tpu.memory_space<hbm>>
      %dma_wait3A_87 = arith.constant 0 : i32
      %dma_wait3A_88 = tpu.memref_slice %arg6[%add3A_37, %dma_wait3A_87] : memref<64x20000xf32, #tpu.memory_space<hbm>> -> memref<1x20000xf32, #tpu.memory_space<hbm>>
      %dma_wait3A_89 = tpu.memref_squeeze %dma_wait3A_88 : memref<1x20000xf32, #tpu.memory_space<hbm>> -> memref<20000xf32, #tpu.memory_space<hbm>>
      tpu.wait_dma2 semaphore(%run_scoped3A_79 : memref<!tpu.dma_semaphore, #tpu.memory_space<semaphore_mem>>) src(%dma_wait3A_89 : memref<20000xf32, #tpu.memory_space<hbm>>) dst(%arg12 : memref<20000xf32, #tpu.memory_space<vmem>>)
      tpu.yield
    }) : () -> ()
    %gt3A = arith.constant 0 : i32
    %gt3A_38 = arith.cmpi sgt, %min3A, %gt3A : i32
    %lt3A = arith.cmpi slt, %min3A, %squeeze3A_24 : i32
    %and3A = arith.andi %gt3A_38, %lt3A : i1
    %convert_element_type3A = arith.extui %and3A : i1 to i32
    %cond3A = arith.constant 0 : i32
    %cond3A_39 = arith.constant 0 : i32
    %cond3A_40 = arith.cmpi ne, %convert_element_type3A, %cond3A_39 : i32
    %cond3A_41 = scf.if %cond3A_40 -> (vector<16xf32>) {
      %broadcast_in_dim3A_79 = arith.constant 0.000000e+00 : f32
      %broadcast_in_dim3A_80 = vector.broadcast %broadcast_in_dim3A_79 : f32 to vector<16xf32>
      %scan3A = arith.constant 0 : i32
      %scan3A_81 = arith.constant 0 : i32
      %scan3A_82 = arith.constant 1250 : i32
      %scan3A_83 = arith.addi %scan3A_81, %scan3A_82 : i32
      %scan3A_84 = arith.constant 1 : i32
      %scan3A_85:2 = scf.for %scan3A_87 = %scan3A_81 to %scan3A_83 step %scan3A_84 iter_args(%scan3A_88 = %broadcast_in_dim3A_80, %scan3A_89 = %scan3A) -> (vector<16xf32>, i32)  : i32 {
        %mul3A_90 = arith.constant 16 : i32
        %mul3A_91 = arith.muli %scan3A_87, %mul3A_90 : i32
        %get3A_92 = arith.index_cast %mul3A_91 : i32 to index
        %get3A_93 = tpu.vector_load %arg11[%get3A_92] {strides = array<i32>} : memref<20000xi32, #tpu.memory_space<vmem>>, vector<16xi32>,
        %get3A_94 = arith.index_cast %mul3A_91 : i32 to index
        %get3A_95 = tpu.vector_load %arg12[%get3A_94] {strides = array<i32>} : memref<20000xf32, #tpu.memory_space<vmem>>, vector<16xf32>,
        %eq3A_96 = vector.broadcast %squeeze3A : i32 to vector<16xi32>
        %eq3A_97 = arith.cmpi eq, %get3A_93, %eq3A_96 : vector<16xi32>
        %convert_element_type3A_98 = arith.extui %eq3A_97 : vector<16xi1> to vector<16xi32>
        %broadcast_in_dim3A_99 = arith.constant true
        %broadcast_in_dim3A_100 = vector.broadcast %broadcast_in_dim3A_99 : i1 to vector<16xi1>
        %masked_cumsum3A = tpu.scan <sum>, %convert_element_type3A_98 masked %broadcast_in_dim3A_100 : vector<16xi32>, vector<16xi1> -> vector<16xi32>
        %add3A_101 = vector.broadcast %scan3A_89 : i32 to vector<16xi32>
        %add3A_102 = arith.addi %add3A_101, %masked_cumsum3A : vector<16xi32>
        %sub3A_103 = arith.subi %add3A_102, %convert_element_type3A_98 : vector<16xi32>
        %gt3A_104 = vector.broadcast %squeeze3A : i32 to vector<16xi32>
        %gt3A_105 = arith.cmpi sgt, %get3A_93, %gt3A_104 : vector<16xi32>
        %lt3A_106 = vector.broadcast %min3A : i32 to vector<16xi32>
        %lt3A_107 = arith.cmpi slt, %sub3A_103, %lt3A_106 : vector<16xi32>
        %and3A_108 = arith.andi %eq3A_97, %lt3A_107 : vector<16xi1>
        %or3A = arith.ori %gt3A_105, %and3A_108 : vector<16xi1>
        %jit3A_109 = arith.constant 0.000000e+00 : f32
        %broadcast_in_dim3A_110 = vector.broadcast %jit3A_109 : f32 to vector<16xf32>
        %select_n3A_111 = arith.select %or3A, %get3A_95, %broadcast_in_dim3A_110 : vector<16xi1>, vector<16xf32>
        %add3A_112 = arith.addf %scan3A_88, %select_n3A_111 : vector<16xf32>
        %slice3A_113 = vector.extract_strided_slice %masked_cumsum3A {offsets = [15], sizes = [1], strides = [1]} : vector<16xi32> to vector<1xi32>
        %squeeze3A_114 = vector.extract %slice3A_113[0] : i32 from vector<1xi32>
        %add3A_115 = arith.addi %scan3A_89, %squeeze3A_114 : i32
        scf.yield %add3A_112, %add3A_115 : vector<16xf32>, i32
      }
      %scan3A_86 = arith.constant 1250 : i32
      scf.yield %scan3A_85#0 : vector<16xf32>
    } else {
      %gt3A_79 = arith.constant 0 : i32
      %gt3A_80 = arith.cmpi sgt, %min3A, %gt3A_79 : i32
      %broadcast_in_dim3A_81 = arith.constant 0.000000e+00 : f32
      %broadcast_in_dim3A_82 = vector.broadcast %broadcast_in_dim3A_81 : f32 to vector<16xf32>
      %parallel_loop3A = arith.constant 0 : i32
      %parallel_loop3A_83 = arith.constant 1250 : i32
      %parallel_loop3A_84 = arith.constant 1 : i32
      %parallel_loop3A_85 = scf.for %parallel_loop3A_86 = %parallel_loop3A to %parallel_loop3A_83 step %parallel_loop3A_84 iter_args(%parallel_loop3A_87 = %broadcast_in_dim3A_82) -> (vector<16xf32>)  : i32 {
        %parallel_loop3A_88 = arith.constant 16 : i32
        %parallel_loop3A_89 = arith.muli %parallel_loop3A_86, %parallel_loop3A_88 : i32
        %parallel_loop3A_90 = arith.index_cast %parallel_loop3A_89 : i32 to index
        %parallel_loop3A_91 = tpu.vector_load %arg11[%parallel_loop3A_90] {strides = array<i32>} : memref<20000xi32, #tpu.memory_space<vmem>>, vector<16xi32>,
        %parallel_loop3A_92 = arith.index_cast %parallel_loop3A_89 : i32 to index
        %parallel_loop3A_93 = tpu.vector_load %arg12[%parallel_loop3A_92] {strides = array<i32>} : memref<20000xf32, #tpu.memory_space<vmem>>, vector<16xf32>,
        %parallel_loop3A_94 = vector.broadcast %squeeze3A : i32 to vector<16xi32>
        %parallel_loop3A_95 = arith.cmpi sgt, %parallel_loop3A_91, %parallel_loop3A_94 : vector<16xi32>
        %parallel_loop3A_96 = vector.broadcast %squeeze3A : i32 to vector<16xi32>
        %parallel_loop3A_97 = arith.cmpi eq, %parallel_loop3A_91, %parallel_loop3A_96 : vector<16xi32>
        %parallel_loop3A_98 = vector.broadcast %gt3A_80 : i1 to vector<16xi1>
        %parallel_loop3A_99 = arith.andi %parallel_loop3A_98, %parallel_loop3A_97 : vector<16xi1>
        %parallel_loop3A_100 = arith.ori %parallel_loop3A_95, %parallel_loop3A_99 : vector<16xi1>
        %parallel_loop3A_101 = arith.constant 0.000000e+00 : f32
        %parallel_loop3A_102 = vector.broadcast %parallel_loop3A_101 : f32 to vector<16xf32>
        %parallel_loop3A_103 = arith.select %parallel_loop3A_100, %parallel_loop3A_93, %parallel_loop3A_102 : vector<16xi1>, vector<16xf32>
        %parallel_loop3A_104 = arith.addf %parallel_loop3A_87, %parallel_loop3A_103 : vector<16xf32>
        scf.yield %parallel_loop3A_104 : vector<16xf32>
      } {sc.loop_unroll_factor = 8 : i64, sc.parallel_access}
      scf.yield %parallel_loop3A_85 : vector<16xf32>
    }
    %slice3A_42 = vector.extract_strided_slice %get3A_33 {offsets = [0], sizes = [1], strides = [1]} : vector<16xf32> to vector<1xf32>
    %squeeze3A_43 = vector.extract %slice3A_42[0] : f32 from vector<1xf32>
    %reduce_sum3A = arith.constant true
    %reduce_sum3A_44 = vector.broadcast %reduce_sum3A : i1 to vector<16xi1>
    %reduce_sum3A_45 = tpu.scan <sum>, %cond3A_41 masked %reduce_sum3A_44 : vector<16xf32>, vector<16xi1> -> vector<16xf32>
    %reduce_sum3A_46 = vector.extract %reduce_sum3A_45[15] : f32 from vector<16xf32>
    %add3A_47 = arith.addf %squeeze3A_43, %reduce_sum3A_46 : f32
    %mul3A_48 = arith.constant 2 : i32
    %mul3A_49 = arith.muli %add3A, %mul3A_48 : i32
    %add3A_50 = arith.constant 1 : i32
    %add3A_51 = arith.addi %mul3A_49, %add3A_50 : i32
    "tpu.region"() ({
      %run_scoped3A_79 = tpu.sem_alloc : memref<!tpu.dma_semaphore, #tpu.memory_space<semaphore_mem>>
      %dma_start3A = arith.constant 0 : i32
      %dma_start3A_80 = tpu.memref_slice %arg5[%add3A_51, %dma_start3A] : memref<64x20000xi32, #tpu.memory_space<hbm>> -> memref<1x20000xi32, #tpu.memory_space<hbm>>
      %dma_start3A_81 = tpu.memref_squeeze %dma_start3A_80 : memref<1x20000xi32, #tpu.memory_space<hbm>> -> memref<20000xi32, #tpu.memory_space<hbm>>
      %dma_start3A_82 = arith.constant 0 : i32
      %dma_start3A_83 = tpu.memref_slice %arg5[%add3A_51, %dma_start3A_82] : memref<64x20000xi32, #tpu.memory_space<hbm>> -> memref<1x20000xi32, #tpu.memory_space<hbm>>
      %dma_start3A_84 = tpu.memref_squeeze %dma_start3A_83 : memref<1x20000xi32, #tpu.memory_space<hbm>> -> memref<20000xi32, #tpu.memory_space<hbm>>
      tpu.enqueue_dma source(%dma_start3A_84 : memref<20000xi32, #tpu.memory_space<hbm>>) target(%arg11 : memref<20000xi32, #tpu.memory_space<vmem>>) target_semaphore(%run_scoped3A_79 : memref<!tpu.dma_semaphore, #tpu.memory_space<semaphore_mem>>)
      %dma_wait3A = arith.constant 0 : i32
      %dma_wait3A_85 = tpu.memref_slice %arg5[%add3A_51, %dma_wait3A] : memref<64x20000xi32, #tpu.memory_space<hbm>> -> memref<1x20000xi32, #tpu.memory_space<hbm>>
      %dma_wait3A_86 = tpu.memref_squeeze %dma_wait3A_85 : memref<1x20000xi32, #tpu.memory_space<hbm>> -> memref<20000xi32, #tpu.memory_space<hbm>>
      %dma_wait3A_87 = arith.constant 0 : i32
      %dma_wait3A_88 = tpu.memref_slice %arg5[%add3A_51, %dma_wait3A_87] : memref<64x20000xi32, #tpu.memory_space<hbm>> -> memref<1x20000xi32, #tpu.memory_space<hbm>>
      %dma_wait3A_89 = tpu.memref_squeeze %dma_wait3A_88 : memref<1x20000xi32, #tpu.memory_space<hbm>> -> memref<20000xi32, #tpu.memory_space<hbm>>
      tpu.wait_dma2 semaphore(%run_scoped3A_79 : memref<!tpu.dma_semaphore, #tpu.memory_space<semaphore_mem>>) src(%dma_wait3A_89 : memref<20000xi32, #tpu.memory_space<hbm>>) dst(%arg11 : memref<20000xi32, #tpu.memory_space<vmem>>)
      tpu.yield
    }) : () -> ()
    "tpu.region"() ({
      %run_scoped3A_79 = tpu.sem_alloc : memref<!tpu.dma_semaphore, #tpu.memory_space<semaphore_mem>>
      %dma_start3A = arith.constant 0 : i32
      %dma_start3A_80 = tpu.memref_slice %arg6[%add3A_51, %dma_start3A] : memref<64x20000xf32, #tpu.memory_space<hbm>> -> memref<1x20000xf32, #tpu.memory_space<hbm>>
      %dma_start3A_81 = tpu.memref_squeeze %dma_start3A_80 : memref<1x20000xf32, #tpu.memory_space<hbm>> -> memref<20000xf32, #tpu.memory_space<hbm>>
      %dma_start3A_82 = arith.constant 0 : i32
      %dma_start3A_83 = tpu.memref_slice %arg6[%add3A_51, %dma_start3A_82] : memref<64x20000xf32, #tpu.memory_space<hbm>> -> memref<1x20000xf32, #tpu.memory_space<hbm>>
      %dma_start3A_84 = tpu.memref_squeeze %dma_start3A_83 : memref<1x20000xf32, #tpu.memory_space<hbm>> -> memref<20000xf32, #tpu.memory_space<hbm>>
      tpu.enqueue_dma source(%dma_start3A_84 : memref<20000xf32, #tpu.memory_space<hbm>>) target(%arg12 : memref<20000xf32, #tpu.memory_space<vmem>>) target_semaphore(%run_scoped3A_79 : memref<!tpu.dma_semaphore, #tpu.memory_space<semaphore_mem>>)
      %dma_wait3A = arith.constant 0 : i32
      %dma_wait3A_85 = tpu.memref_slice %arg6[%add3A_51, %dma_wait3A] : memref<64x20000xf32, #tpu.memory_space<hbm>> -> memref<1x20000xf32, #tpu.memory_space<hbm>>
      %dma_wait3A_86 = tpu.memref_squeeze %dma_wait3A_85 : memref<1x20000xf32, #tpu.memory_space<hbm>> -> memref<20000xf32, #tpu.memory_space<hbm>>
      %dma_wait3A_87 = arith.constant 0 : i32
      %dma_wait3A_88 = tpu.memref_slice %arg6[%add3A_51, %dma_wait3A_87] : memref<64x20000xf32, #tpu.memory_space<hbm>> -> memref<1x20000xf32, #tpu.memory_space<hbm>>
      %dma_wait3A_89 = tpu.memref_squeeze %dma_wait3A_88 : memref<1x20000xf32, #tpu.memory_space<hbm>> -> memref<20000xf32, #tpu.memory_space<hbm>>
      tpu.wait_dma2 semaphore(%run_scoped3A_79 : memref<!tpu.dma_semaphore, #tpu.memory_space<semaphore_mem>>) src(%dma_wait3A_89 : memref<20000xf32, #tpu.memory_space<hbm>>) dst(%arg12 : memref<20000xf32, #tpu.memory_space<vmem>>)
      tpu.yield
    }) : () -> ()
    %gt3A_52 = arith.constant 0 : i32
    %gt3A_53 = arith.cmpi sgt, %min3A_31, %gt3A_52 : i32
    %lt3A_54 = arith.cmpi slt, %min3A_31, %squeeze3A_26 : i32
    %and3A_55 = arith.andi %gt3A_53, %lt3A_54 : i1
    %convert_element_type3A_56 = arith.extui %and3A_55 : i1 to i32
    %cond3A_57 = arith.constant 0 : i32
    %cond3A_58 = arith.constant 0 : i32
    %cond3A_59 = arith.cmpi ne, %convert_element_type3A_56, %cond3A_58 : i32
    %cond3A_60 = scf.if %cond3A_59 -> (vector<16xf32>) {
      %broadcast_in_dim3A_79 = arith.constant 0.000000e+00 : f32
      %broadcast_in_dim3A_80 = vector.broadcast %broadcast_in_dim3A_79 : f32 to vector<16xf32>
      %scan3A = arith.constant 0 : i32
      %scan3A_81 = arith.constant 0 : i32
      %scan3A_82 = arith.constant 1250 : i32
      %scan3A_83 = arith.addi %scan3A_81, %scan3A_82 : i32
      %scan3A_84 = arith.constant 1 : i32
      %scan3A_85:2 = scf.for %scan3A_87 = %scan3A_81 to %scan3A_83 step %scan3A_84 iter_args(%scan3A_88 = %broadcast_in_dim3A_80, %scan3A_89 = %scan3A) -> (vector<16xf32>, i32)  : i32 {
        %mul3A_90 = arith.constant 16 : i32
        %mul3A_91 = arith.muli %scan3A_87, %mul3A_90 : i32
        %get3A_92 = arith.index_cast %mul3A_91 : i32 to index
        %get3A_93 = tpu.vector_load %arg11[%get3A_92] {strides = array<i32>} : memref<20000xi32, #tpu.memory_space<vmem>>, vector<16xi32>,
        %get3A_94 = arith.index_cast %mul3A_91 : i32 to index
        %get3A_95 = tpu.vector_load %arg12[%get3A_94] {strides = array<i32>} : memref<20000xf32, #tpu.memory_space<vmem>>, vector<16xf32>,
        %eq3A_96 = vector.broadcast %squeeze3A : i32 to vector<16xi32>
        %eq3A_97 = arith.cmpi eq, %get3A_93, %eq3A_96 : vector<16xi32>
        %convert_element_type3A_98 = arith.extui %eq3A_97 : vector<16xi1> to vector<16xi32>
        %broadcast_in_dim3A_99 = arith.constant true
        %broadcast_in_dim3A_100 = vector.broadcast %broadcast_in_dim3A_99 : i1 to vector<16xi1>
        %masked_cumsum3A = tpu.scan <sum>, %convert_element_type3A_98 masked %broadcast_in_dim3A_100 : vector<16xi32>, vector<16xi1> -> vector<16xi32>
        %add3A_101 = vector.broadcast %scan3A_89 : i32 to vector<16xi32>
        %add3A_102 = arith.addi %add3A_101, %masked_cumsum3A : vector<16xi32>
        %sub3A_103 = arith.subi %add3A_102, %convert_element_type3A_98 : vector<16xi32>
        %gt3A_104 = vector.broadcast %squeeze3A : i32 to vector<16xi32>
        %gt3A_105 = arith.cmpi sgt, %get3A_93, %gt3A_104 : vector<16xi32>
        %lt3A_106 = vector.broadcast %min3A_31 : i32 to vector<16xi32>
        %lt3A_107 = arith.cmpi slt, %sub3A_103, %lt3A_106 : vector<16xi32>
        %and3A_108 = arith.andi %eq3A_97, %lt3A_107 : vector<16xi1>
        %or3A = arith.ori %gt3A_105, %and3A_108 : vector<16xi1>
        %jit3A_109 = arith.constant 0.000000e+00 : f32
        %broadcast_in_dim3A_110 = vector.broadcast %jit3A_109 : f32 to vector<16xf32>
        %select_n3A_111 = arith.select %or3A, %get3A_95, %broadcast_in_dim3A_110 : vector<16xi1>, vector<16xf32>
        %add3A_112 = arith.addf %scan3A_88, %select_n3A_111 : vector<16xf32>
        %slice3A_113 = vector.extract_strided_slice %masked_cumsum3A {offsets = [15], sizes = [1], strides = [1]} : vector<16xi32> to vector<1xi32>
        %squeeze3A_114 = vector.extract %slice3A_113[0] : i32 from vector<1xi32>
        %add3A_115 = arith.addi %scan3A_89, %squeeze3A_114 : i32
        scf.yield %add3A_112, %add3A_115 : vector<16xf32>, i32
      }
      %scan3A_86 = arith.constant 1250 : i32
      scf.yield %scan3A_85#0 : vector<16xf32>
    } else {
      %gt3A_79 = arith.constant 0 : i32
      %gt3A_80 = arith.cmpi sgt, %min3A_31, %gt3A_79 : i32
      %broadcast_in_dim3A_81 = arith.constant 0.000000e+00 : f32
      %broadcast_in_dim3A_82 = vector.broadcast %broadcast_in_dim3A_81 : f32 to vector<16xf32>
      %parallel_loop3A = arith.constant 0 : i32
      %parallel_loop3A_83 = arith.constant 1250 : i32
      %parallel_loop3A_84 = arith.constant 1 : i32
      %parallel_loop3A_85 = scf.for %parallel_loop3A_86 = %parallel_loop3A to %parallel_loop3A_83 step %parallel_loop3A_84 iter_args(%parallel_loop3A_87 = %broadcast_in_dim3A_82) -> (vector<16xf32>)  : i32 {
        %parallel_loop3A_88 = arith.constant 16 : i32
        %parallel_loop3A_89 = arith.muli %parallel_loop3A_86, %parallel_loop3A_88 : i32
        %parallel_loop3A_90 = arith.index_cast %parallel_loop3A_89 : i32 to index
        %parallel_loop3A_91 = tpu.vector_load %arg11[%parallel_loop3A_90] {strides = array<i32>} : memref<20000xi32, #tpu.memory_space<vmem>>, vector<16xi32>,
        %parallel_loop3A_92 = arith.index_cast %parallel_loop3A_89 : i32 to index
        %parallel_loop3A_93 = tpu.vector_load %arg12[%parallel_loop3A_92] {strides = array<i32>} : memref<20000xf32, #tpu.memory_space<vmem>>, vector<16xf32>,
        %parallel_loop3A_94 = vector.broadcast %squeeze3A : i32 to vector<16xi32>
        %parallel_loop3A_95 = arith.cmpi sgt, %parallel_loop3A_91, %parallel_loop3A_94 : vector<16xi32>
        %parallel_loop3A_96 = vector.broadcast %squeeze3A : i32 to vector<16xi32>
        %parallel_loop3A_97 = arith.cmpi eq, %parallel_loop3A_91, %parallel_loop3A_96 : vector<16xi32>
        %parallel_loop3A_98 = vector.broadcast %gt3A_80 : i1 to vector<16xi1>
        %parallel_loop3A_99 = arith.andi %parallel_loop3A_98, %parallel_loop3A_97 : vector<16xi1>
        %parallel_loop3A_100 = arith.ori %parallel_loop3A_95, %parallel_loop3A_99 : vector<16xi1>
        %parallel_loop3A_101 = arith.constant 0.000000e+00 : f32
        %parallel_loop3A_102 = vector.broadcast %parallel_loop3A_101 : f32 to vector<16xf32>
        %parallel_loop3A_103 = arith.select %parallel_loop3A_100, %parallel_loop3A_93, %parallel_loop3A_102 : vector<16xi1>, vector<16xf32>
        %parallel_loop3A_104 = arith.addf %parallel_loop3A_87, %parallel_loop3A_103 : vector<16xf32>
        scf.yield %parallel_loop3A_104 : vector<16xf32>
      } {sc.loop_unroll_factor = 8 : i64, sc.parallel_access}
      scf.yield %parallel_loop3A_85 : vector<16xf32>
    }
    %slice3A_61 = vector.extract_strided_slice %get3A_33 {offsets = [1], sizes = [1], strides = [1]} : vector<16xf32> to vector<1xf32>
    %squeeze3A_62 = vector.extract %slice3A_61[0] : f32 from vector<1xf32>
    %reduce_sum3A_63 = arith.constant true
    %reduce_sum3A_64 = vector.broadcast %reduce_sum3A_63 : i1 to vector<16xi1>
    %reduce_sum3A_65 = tpu.scan <sum>, %cond3A_60 masked %reduce_sum3A_64 : vector<16xf32>, vector<16xi1> -> vector<16xf32>
    %reduce_sum3A_66 = vector.extract %reduce_sum3A_65[15] : f32 from vector<16xf32>
    %add3A_67 = arith.addf %squeeze3A_62, %reduce_sum3A_66 : f32
    %iota3A = tpu.iota {dimensions = array<i32: 0>} : vector<16xi32>
    %broadcast_in_dim3A_68 = arith.constant 0.000000e+00 : f32
    %broadcast_in_dim3A_69 = vector.broadcast %broadcast_in_dim3A_68 : f32 to vector<16xf32>
    %eq3A = arith.constant 0 : i32
    %eq3A_70 = vector.broadcast %eq3A : i32 to vector<16xi32>
    %eq3A_71 = arith.cmpi eq, %iota3A, %eq3A_70 : vector<16xi32>
    %broadcast_in_dim3A_72 = vector.broadcast %add3A_47 : f32 to vector<16xf32>
    %select_n3A = arith.select %eq3A_71, %broadcast_in_dim3A_72, %broadcast_in_dim3A_69 : vector<16xi1>, vector<16xf32>
    %eq3A_73 = arith.constant 1 : i32
    %eq3A_74 = vector.broadcast %eq3A_73 : i32 to vector<16xi32>
    %eq3A_75 = arith.cmpi eq, %iota3A, %eq3A_74 : vector<16xi32>
    %broadcast_in_dim3A_76 = vector.broadcast %add3A_67 : f32 to vector<16xf32>
    %select_n3A_77 = arith.select %eq3A_75, %broadcast_in_dim3A_76, %select_n3A : vector<16xi1>, vector<16xf32>
    %swap3A = arith.constant 0 : index
    %swap3A_78 = tpu.vector_load %arg13[%swap3A] {strides = array<i32>} : memref<16xf32, #tpu.memory_space<vmem>>, vector<16xf32>,
    tpu.vector_store %arg13[%swap3A], %select_n3A_77 {strides = array<i32>} : memref<16xf32, #tpu.memory_space<vmem>>, vector<16xf32>,
    "tpu.region"() ({
      %run_scoped3A_79 = tpu.sem_alloc : memref<!tpu.dma_semaphore, #tpu.memory_space<semaphore_mem>>
      %dma_start3A = arith.constant 0 : i32
      %dma_start3A_80 = tpu.memref_slice %arg7[%add3A, %dma_start3A] : memref<32x16xf32, #tpu.memory_space<hbm>> -> memref<1x16xf32, #tpu.memory_space<hbm>>
      %dma_start3A_81 = tpu.memref_squeeze %dma_start3A_80 : memref<1x16xf32, #tpu.memory_space<hbm>> -> memref<16xf32, #tpu.memory_space<hbm>>
      %dma_start3A_82 = arith.constant 0 : i32
      %dma_start3A_83 = tpu.memref_slice %arg7[%add3A, %dma_start3A_82] : memref<32x16xf32, #tpu.memory_space<hbm>> -> memref<1x16xf32, #tpu.memory_space<hbm>>
      %dma_start3A_84 = tpu.memref_squeeze %dma_start3A_83 : memref<1x16xf32, #tpu.memory_space<hbm>> -> memref<16xf32, #tpu.memory_space<hbm>>
      tpu.enqueue_dma source(%arg13 : memref<16xf32, #tpu.memory_space<vmem>>) target(%dma_start3A_84 : memref<16xf32, #tpu.memory_space<hbm>>) target_semaphore(%run_scoped3A_79 : memref<!tpu.dma_semaphore, #tpu.memory_space<semaphore_mem>>)
      %dma_wait3A = arith.constant 0 : i32
      %dma_wait3A_85 = tpu.memref_slice %arg7[%add3A, %dma_wait3A] : memref<32x16xf32, #tpu.memory_space<hbm>> -> memref<1x16xf32, #tpu.memory_space<hbm>>
      %dma_wait3A_86 = tpu.memref_squeeze %dma_wait3A_85 : memref<1x16xf32, #tpu.memory_space<hbm>> -> memref<16xf32, #tpu.memory_space<hbm>>
      %dma_wait3A_87 = arith.constant 0 : i32
      %dma_wait3A_88 = tpu.memref_slice %arg7[%add3A, %dma_wait3A_87] : memref<32x16xf32, #tpu.memory_space<hbm>> -> memref<1x16xf32, #tpu.memory_space<hbm>>
      %dma_wait3A_89 = tpu.memref_squeeze %dma_wait3A_88 : memref<1x16xf32, #tpu.memory_space<hbm>> -> memref<16xf32, #tpu.memory_space<hbm>>
      tpu.wait_dma2 semaphore(%run_scoped3A_79 : memref<!tpu.dma_semaphore, #tpu.memory_space<semaphore_mem>>) src(%arg13 : memref<16xf32, #tpu.memory_space<vmem>>) dst(%dma_wait3A_89 : memref<16xf32, #tpu.memory_space<hbm>>)
      tpu.yield
    }) : () -> ()
    return
  }
}

</mosaic_0001>

<sc_bundles>
// kernel: kernel.10.cloned.1.call-start
scs
__scs_entry_jumppad:
0x0: {  	(pc) =	sbr.rel $0x88, $3  }
0x1: {  	(tag) =	ssettag $0x0;
	lr =	simm.s32 $0x1  }
0x2: {  	[smem:$0x3F9E] =	sst lr;
	_ =	strace $0xD0000000  }
0x3: {  	_ = 	snop  }
0x4: {  	_ = 	snop  }
0x5: {  	_ = 	snop  }
0x6: {  	_ = 	snop  }
0x7: {  	_ = 	snop  }
__scs_overlays_trampoline_lowered:
0x8: {  	[smem:$0x3FAD] =	sst s0  }
0x9: {  	[smem:$0x3FAE] =	sst s1  }
0xa: {  	[smem:$0x3FAF] =	sst s2  }
0xb: {  	[smem:$0x3FB0] =	sst s3  }
0xc: {  	[smem:$0x3FB1] =	sst s4  }
0xd: {  	[smem:$0x3FB2] =	sst s5  }
0xe: {  	[smem:$0x3FB3] =	sst s6  }
0xf: {  	[smem:$0x3FB4] =	sst s7  }
0x10: {  	[smem:$0x3FB5] =	sst s8  }
0x11: {  	[smem:$0x3FB6] =	sst s9;
	s0 =	simm.s32 @!p0 $0x0  }
0x12: {  	s1 =	sld [smem:$0x3F9C];
	s0 =	simm.s32 @p0 $0x1  }
0x13: {  	[smem:$0x3FB7] =	sst s0;
	s0 =	simm.s32 @!p1 $0x0  }
0x14: {  	s2 =	sld [smem:$0x3F9B];
	s0 =	simm.s32 @p1 $0x1  }
0x15: {  	[smem:$0x3FB8] =	sst s0;
	s0 =	simm.s32 @!p2 $0x0  }
0x16: {  	s3 =	sld [smem:$0x3FDB];
	s0 =	simm.s32 @p2 $0x1  }
0x17: {  	s4 =	simm.s32 $0x1BF5;
	[smem:$0x3FBA] =	sst s0  }
0x18: {  	s0 =	sld [smem:$0x3F9D];
	_ =	swait.ge [sflag:s4], $0x0  }
0x19: {  	s7 =	sld [smem:$0x3F9E]  }
0x1a: {  	s8 =	sadd.s32 $0xFFFFE003, lr  }
0x1b: {  	s9 =	sadd.s32 $0xFFFFFEF7, lr;
	s5 =	simm.s32 $0xFFFFFFFF;
	p2 =	slt.u32 s8, $0xFFFFF086  }
0x1c: {  	p1 =	slt.u32 s9, $0xF7A;
	s5 =	simm.s32 @!p2 $0x0  }
0x1d: {  	s5 =	simm.s32 @p1 $0x1;
	p0 =	seq.s32 s7, s2  }
0x1e: {  	s7 =	smul.u32 @!p0 $0xF7A, s2;
	p2 =	seq.s32 @!p0 s5, $0x0  }
0x1f: {  	s9 =	smul.u32 $0xF7A, s1;
	s8 =	simm.s32 @!p0 $0x1BF5;
	p2 =	por !p2, p0  }
0x20: {  	[sflag:s8] =	ssyncset.s32 @!p0 $0xFFFFF086;
	s6 =	sadd.s32 @!p0 s3, s7;
	s7 =	simm.s32 @!p0 $0x108  }
0x21: {  	s3 =	sadd.s32 s3, s9;
	s6 =	sadd.s32 @!p0 $0x88, s6;
	s7 =	simm.s32 @p2 $0x1082  }
0x22: {  	[simem:s7], [sflag:s8] =	dma.local @!p0 [hbm:s6], $0xF7A  }
0x23: {  	s9 =	sor.u32 $0xD0000000, s2;
	s6 =	simm.s32 $0x108;
	_ =	swait.ge @!p0 [sflag:s8], $0x0  }
0x24: {  	s3 =	sadd.s32 $0x88, s3;
	s6 =	simm.s32 @!p1 $0x1082;
	[sflag:s4] =	ssyncset.s32 $0xFFFFF086  }
0x25: {  	[simem:s6], [sflag:s4] =	dma.local [hbm:s3], $0xF7A  }
0x26: {  	[smem:$0x3F9E] =	sst s1;
	(tag) =	ssettag s2;
	_ =	strace s9  }
0x27: {  	s1 =	sld [smem:$0x3FAE]  }
0x28: {  	s2 =	sld [smem:$0x3FAF]  }
0x29: {  	s4 =	sld [smem:$0x3FB1]  }
0x2a: {  	p0 =	seq.s32 s5, $0x0;
	s5 =	sld [smem:$0x3FB2]  }
0x2b: {  	s6 =	sld [smem:$0x3FB3]  }
0x2c: {  	s7 =	sld [smem:$0x3FB4]  }
0x2d: {  	s3 =	simm.s32 $0x108;
	s8 =	sld [smem:$0x3FB5]  }
0x2e: {  	s3 =	simm.s32 @!p0 $0x1082;
	s9 =	sld [smem:$0x3FB6]  }
0x2f: {  	lr =	sadd.s32 s0, s3;
	s0 =	sld [smem:$0x3FAD]  }
0x30: {  	s3 =	sld [smem:$0x3FB0]  }
0x31: {  	[smem:$0x3FB9] =	sst s10  }
0x32: {  	s10 =	sld [smem:$0x3FB7];
	_ =	sdelay $0x3  }
0x33: {  	p0 =	seq.s32 s10, $0x1;
	s10 =	sld [smem:$0x3FB9];
	_ =	sdelay $0x3  }
0x34: {  	[smem:$0x3FB9] =	sst s10  }
0x35: {  	s10 =	sld [smem:$0x3FB8];
	_ =	sdelay $0x3  }
0x36: {  	p1 =	seq.s32 s10, $0x1;
	s10 =	sld [smem:$0x3FB9];
	_ =	sdelay $0x3  }
0x37: {  	[smem:$0x3FB9] =	sst s10  }
0x38: {  	s10 =	sld [smem:$0x3FBA]  }
0x39: {  	_ = 	snop;
	(pc) =	sbr.ind lr, $3  }
0x3a: {  	_ = 	snop  }
0x3b: {  	_ = 	snop  }
0x3c: {  	p2 =	seq.s32 s10, $0x1;
	s10 =	sld [smem:$0x3FB9]  }
0x3d: {  	_ =	shalt  }
0x3e: {  	_ =	shalt  }
0x3f: {  	_ =	shalt  }
0x40: {  	_ =	shalt  }
0x41: {  	_ =	shalt  }
0x42: {  	_ =	shalt  }
0x43: {  	_ =	shalt  }
0x44: {  	_ =	shalt  }
0x45: {  	_ =	shalt  }
0x46: {  	_ =	shalt  }
0x47: {  	_ =	shalt  }
0x48: {  	_ =	shalt  }
0x49: {  	_ =	shalt  }
0x4a: {  	_ =	shalt  }
0x4b: {  	_ =	shalt  }
0x4c: {  	_ =	shalt  }
0x4d: {  	_ =	shalt  }
0x4e: {  	_ =	shalt  }
0x4f: {  	_ =	shalt  }
0x50: {  	_ =	shalt  }
0x51: {  	_ =	shalt  }
0x52: {  	_ =	shalt  }
0x53: {  	_ =	shalt  }
0x54: {  	_ =	shalt  }
0x55: {  	_ =	shalt  }
0x56: {  	_ =	shalt  }
0x57: {  	_ =	shalt  }
0x58: {  	_ =	shalt  }
0x59: {  	_ =	shalt  }
0x5a: {  	_ =	shalt  }
0x5b: {  	_ =	shalt  }
0x5c: {  	_ =	shalt  }
0x5d: {  	_ =	shalt  }
0x5e: {  	_ =	shalt  }
0x5f: {  	_ =	shalt  }
0x60: {  	_ =	shalt  }
0x61: {  	_ =	shalt  }
0x62: {  	_ =	shalt  }
0x63: {  	_ =	shalt  }
0x64: {  	_ =	shalt  }
0x65: {  	_ =	shalt  }
0x66: {  	_ =	shalt  }
0x67: {  	_ =	shalt  }
0x68: {  	_ =	shalt  }
0x69: {  	_ =	shalt  }
0x6a: {  	_ =	shalt  }
0x6b: {  	_ =	shalt  }
0x6c: {  	_ =	shalt  }
0x6d: {  	_ =	shalt  }
0x6e: {  	_ =	shalt  }
0x6f: {  	_ =	shalt  }
0x70: {  	_ =	shalt  }
0x71: {  	_ =	shalt  }
0x72: {  	_ =	shalt  }
0x73: {  	_ =	shalt  }
0x74: {  	_ =	shalt  }
0x75: {  	_ =	shalt  }
0x76: {  	_ =	shalt  }
0x77: {  	_ =	shalt  }
0x78: {  	_ =	shalt  }
0x79: {  	_ =	shalt  }
0x7a: {  	_ =	shalt  }
0x7b: {  	_ =	shalt  }
0x7c: {  	_ =	shalt  }
0x7d: {  	_ =	shalt  }
0x7e: {  	_ =	shalt  }
0x7f: {  	_ =	shalt  }
0x80: {  	_ =	shalt  }
0x81: {  	_ =	shalt  }
0x82: {  	_ =	shalt  }
0x83: {  	_ =	shalt  }
0x84: {  	_ =	shalt  }
0x85: {  	_ =	shalt  }
0x86: {  	_ =	shalt  }
0x87: {  	_ =	shalt  }
.Lfunc_end0:
.L_simem_size_0:
called_computation.1_lowered:
.L_overlay_start_0:
0x88: {  	s2 =	sld [smem:$0x3FD9]  }
0x89: {  	s3 =	sld [smem:$0x3FFE];
	_ =	sdelay $0x1  }
0x8a: {  	s1 =	srdreg.scid  }
0x8b: {  	s0 =	sand.u32 $0x1, s1  }
0x8c: {  	s16 =	sshll.u32 s0, $0xA;
	s2 =	sadd.s32 s3, s2  }
0x8d: {  	s2 =	sadd.s32 s2, s16  }
0x8e: {  	[smem:$0x3FC5] =	sst s2  }
0x8f: {  	_ = 	snop  }
0x90: {  	(tm) =	ssettm $0x1  }
0x91: {  	s17 =	sld [smem:$0x3FFB];
	_ =	sdelay $0x3  }
0x92: {  	_ =	strace s17  }
0x93: {  	s2 =	sld [smem:$0x3FFC];
	_ =	sdelay $0x3  }
0x94: {  	_ =	strace s2  }
0x95: {  	s2 =	sld [smem:$0x3FFD];
	_ =	sdelay $0x3  }
0x96: {  	_ =	strace s2  }
0x97: {  	_ =	strace $0x8FFFFFFF  }
0x98: {  	s18 =	sld [smem:$0x3FDB];
	_ =	sdelay $0x1  }
0x99: {  	s19 =	simm.s32 $_scs_section_size  }
0x9a: {  	s4 =	simm.s32 $_size__tile_overlayer_lowered;
	s5 =	simm.s32 $_tile_overlayer_lowered  }
0x9b: {  	s22 =	simm.s32 $0x1BFF;
	s21 =	sshll.u32 s5, $0x1;
	s2 =	sadd.s32 s19, s18  }
0x9c: {  	s6 =	simm.s32 $0x0;
	s20 =	sshll.u32 s4, $0x1;
	s4 =	sadd.s32 s21, s2  }
0x9d: {  	[timem:s6], [sflag:s22] =	dma.local [hbm:s4], s20  }
0x9e: {  	_ =	swait.ge [sflag:s22], s20  }
0x9f: {  	s3 =	ssub.s32 $0x0, s20;
	[sflag:s22] =	ssyncset.done $0x0  }
0xa0: {  	[sflag:s22] =	ssyncadd.s32 s3;
	_ =	sdelay $0x1  }
0xa1: {  	s23 =	simm.s32 $0x1B8B  }
0xa2: {  	_ =	swait.ge [sflag:s23], $0x1  }
0xa3: {  	[sflag:s23] =	ssyncset.done $0x0  }
0xa4: {  	s25 =	simm.s32 $0x1B8E;
	s24 =	sld [smem:$0x3FFE];
	[sflag:s23] =	ssyncadd.s32 $0xFFFFFFFF  }
0xa5: {  	s26 =	simm.s32 $execute0_lowered;
	[smem:$0x3FD2] =	sst s25  }
0xa6: {  	s4 =	sshll.u32 s26, $0x1;
	_ =	strace $0x80000049;
	[dreg:$0x1] =	wrdreg $0xFFFFFFFF  }
0xa7: {  	s28 =	simm.s32 $_size_execute0_lowered;
	s2 =	sadd.s32 s2, s4;
	[dreg:$0x0] =	wrdreg $0x0  }
0xa8: {  	s4 =	sshll.u32 s28, $0x1;
	[dreg:$0x2] =	wrdreg s2  }
0xa9: {  	[dreg:$0x3] =	wrdreg s4  }
0xaa: {  	[dreg:$0x4] =	wrdreg $0xC0  }
0xab: {  	_ =	task [dreg:s6], $0x5FFFF  }
0xac: {  	[dreg:$0x1] =	wrdreg $0xFFFFFFFF  }
0xad: {  	[dreg:$0x0] =	wrdreg $0x60  }
0xae: {  	[dreg:$0x2] =	wrdreg s24  }
0xaf: {  	[dreg:$0x3] =	wrdreg $0x9  }
0xb0: {  	_ =	task.clear_ibuf [dreg:s6], $0x4FFFF;
	_ =	strace $0x90000049  }
0xb1: {  	s29 =	simm.s32 $0x9;
	_ =	strace $0x8000004B  }
0xb2: {  	_ =	swait.ge [sflag:s29], $0x1  }
0xb3: {  	[sflag:s29] =	ssyncadd.s32 $0xFFFFFFFF  }
0xb4: {  	_ =	strace $0x9000004B  }
0xb5: {  	_ =	sfence  }
0xb6: {  	s30 =	sld [smem:$0x0];
	_ =	sdelay $0x2  }
0xb7: {  	s31 =	sshll.u32 s1, $0xD;
	s1 =	sshrl.u32 s1, $0x2  }
0xb8: {  	s3 =	sand.u32 $0x4000, s31;
	s1 =	sadd.s32 s1, s30  }
0xb9: {  	s0 =	sor.u32 s3, s0;
	s1 =	sshll.u32 s1, $0x11  }
0xba: {  	s0 =	sor.u32 s1, s0  }
0xbb: {  	s0 =	sadd.s32 $0x8F2B, s0  }
0xbc: {  	[sflag:s0] =	ssyncadd.remote.s32 $0x1  }
0xbd: {  	_ =	sfence.sel $0xFFFF  }
0xbe: {  	[dreg:$0x0] =	wrdreg $0xFFFFFFFF;
	(pc) =	sbr.abs _section_cstart, $3  }
0xbf: {  	[dreg:$0x1] =	wrdreg $0xFFFFFFFF  }
0xc0: {  	_ =	task.clear_ibuf [dreg:s6], $0x2FFFF;
	_ =	strace $0x9FFFFFFF  }
0xc1: {  	(tm) =	ssettm $0x7FFFFFFF  }
tec
execute0_lowered:
.L_overlay_start_1:
0x0: {  	(tag) =	ssettag $0x1  }
0x1: {  	s0 =	rddreg [dreg:$0x0];
	s1 =	srdreg.scid  }
0x2: {  	s5 =	stileid.u32;
	s6 =	simm.s32 $0x0;
	s1 =	sand.u32 $0x1, s1  }
0x3: {  	s2 =	sshll.u32 s5, $0x1;
	[smem:$0x7FF] =	sst s6;
	s3 =	sshrl.u32 s5, $0x1  }
0x4: {  	s7 =	sadd.s32 $0x2400, s0;
	s5 =	sshrl.u32 s5, $0x2;
	s25 =	sadd.s32 $0x2600, s0  }
0x5: {  	_ =	strace $0x8000004A;
	s3 =	smul.u32 $0x27400, s3;
	[dreg:$0x4] =	wrdreg s7  }
0x6: {  	s2 =	sor.u32 s1, s2;
	s24 =	smul.u32 $0x4400, s5;
	[dreg:$0x5] =	wrdreg s25  }
0x7: {  	s5 =	sshll.u32 s5, $0xA;
	s1 =	ssub.s32 $0x2, s1;
	s4 =	sshll.u32 s2, $0x8  }
0x8: {  	s2 =	sshll.u32 s2, $0x7;
	s26 =	sshrl.u32 s1, $0x1;
	s4 =	sand.u32 $0x300, s4  }
0x9: {  	s2 =	sand.u32 $0x380, s2;
	s1 =	ssub.s32 s1, s26;
	s3 =	sor.u32 s3, s4  }
0xa: {  	s4 =	sor.u32 s24, s2;
	s2 =	sor.u32 s5, s2;
	s3 =	sshrl.u32 s3, $0x3  }
0xb: {  	s31 =	smax.u32 s1, $0x1;
	s4 =	sshrl.u32 s4, $0x3;
	s3 =	sadd.s32 s3, s0  }
0xc: {  	s2 =	sshrl.u32 s2, $0x3;
	[dreg:$0xa] =	wrdreg s31;
	s28 =	sadd.s32 $0x4600, s3  }
0xd: {  	s4 =	sadd.s32 s4, s0;
	s29 =	sadd.s32 $0x4610, s3;
	[dreg:$0x6] =	wrdreg s28  }
0xe: {  	s0 =	sadd.s32 s2, s0;
	s30 =	sadd.s32 $0x2BC00, s4;
	[dreg:$0x7] =	wrdreg s29  }
0xf: {  	v0 =	vimm.f32 $0.0e+00;
	v1 =	vimm.f32 $1.000000000e+00;
	s0 =	sadd.s32 $0x2DE00, s0;
	[dreg:$0x8] =	wrdreg s30  }
0x10: {  	vm0 =	vcmask $0x300;
	vm1 =	vcmask $0x704;
	vm2 =	vcmask $0xF0C;
	s1 =	simm.s32 $0x0;
	s2 =	simm.s32 $0x1;
	[dreg:$0x9] =	wrdreg s0  }
.LBB2_1:
0x11: {  	[dreg:$0xb] =	wrdreg s1  }
0x12: {  	s0 =	rddreg [dreg:$0x5]  }
0x13: {  	[tilespmem:s6], [sflag:$0x1] =	stream.linear.gather [hbm4b:s0+s6], $0x10000, $0x38;
	[tilespmem:$0x16F80] =	vst v63  }
0x14: {  	_ =	swait.ge [sflag:s2], $0x10000  }
0x15: {  	[sflag:s2] =	ssyncset.done $0x0  }
0x16: {  	s12 =	simm.s32 $0x10800;
	s11 =	rddreg [dreg:$0x4];
	[sflag:s2] =	ssyncadd.s32 $0xFFFF0000  }
0x17: {  	[tilespmem:s12], [sflag:$0x1] =	stream.linear.gather [hbm4b:s11+s6], $0x1000, $0x38;
	[tilespmem:$0x16F80] =	vst v63  }
0x18: {  	s18 =	sand.u32 $0x60, s6;
	_ =	swait.ge [sflag:s2], $0x1000  }
0x19: {  	s20 =	sand.u32 $0x3C00, s6;
	s19 =	sor.u32 $0x10, s18;
	[sflag:s2] =	ssyncset.done $0x0  }
0x1a: {  	s13 =	sor.u32 s19, s20;
	[sflag:s2] =	ssyncadd.s32 $0xFFFFF000  }
0x1b: {  	v2 =	vld [tilespmem:s13+$0x80];
	_ =	sdelay $0x4  }
0x1c: {  	v9 =	vld [tilespmem:s13+$0x0];
	[tilespmem:$0x1FF80] =	vst v2  }
0x1d: {  	v2 =	vld [tilespmem:s13+$0x100];
	_ =	sdelay $0x4  }
0x1e: {  	[tilespmem:$0x1FF90] =	vst v2  }
0x1f: {  	v2 =	vld [tilespmem:s13+$0x200];
	_ =	sdelay $0x4  }
0x20: {  	v10 =	vld [tilespmem:s13+$0x180];
	[tilespmem:$0x1FFA0] =	vst v2  }
0x21: {  	v11 =	vld [tilespmem:s13+$0x280]  }
0x22: {  	s0 =	sor.u32 $0x4000, s20;
	v12 =	vld [tilespmem:s13+$0x300]  }
0x23: {  	s1 =	sor.u32 $0x4080, s20;
	s3 =	sor.u32 s19, s0;
	v13 =	vld [tilespmem:s13+$0x380]  }
0x24: {  	s4 =	sor.u32 s19, s1;
	s2 =	sor.u32 $0x4100, s20;
	v14 =	vld [tilespmem:s3+$0x0]  }
0x25: {  	s6 =	sor.u32 $0x4300, s20;
	s5 =	sor.u32 s19, s2;
	v15 =	vld [tilespmem:s4+$0x0]  }
0x26: {  	s9 =	sor.u32 s19, s6;
	v16 =	vld [tilespmem:s5+$0x0]  }
0x27: {  	s0 =	sor.u32 s18, s0;
	v21 =	vld [tilespmem:s9+$0x0]  }
0x28: {  	s1 =	sor.u32 s18, s1;
	v19 =	vld [tilespmem:s0+$0x0]  }
0x29: {  	s2 =	sor.u32 s18, s2;
	v39 =	vld [tilespmem:s1+$0x0]  }
0x2a: {  	s6 =	sor.u32 s18, s6;
	v40 =	vld [tilespmem:s2+$0x0]  }
0x2b: {  	v44 =	vld [tilespmem:s6+$0x0];
	s2 =	sor.u32 s18, s20  }
0x2c: {  	v62 =	vld [tilespmem:s2+$0x0]  }
0x2d: {  	v63 =	vld [tilespmem:s2+$0x80]  }
0x2e: {  	v7 =	vld [tilespmem:s2+$0x100]  }
0x2f: {  	v6 =	vld [tilespmem:s2+$0x180]  }
0x30: {  	v8 =	vld [tilespmem:s2+$0x200]  }
0x31: {  	v5 =	vld [tilespmem:s2+$0x280]  }
0x32: {  	s3 =	sor.u32 $0x4180, s20;
	v4 =	vld [tilespmem:s2+$0x300]  }
0x33: {  	s4 =	sor.u32 $0x4200, s20;
	s14 =	sor.u32 s19, s3;
	v3 =	vld [tilespmem:s2+$0x380]  }
0x34: {  	s5 =	sor.u32 $0x4280, s20;
	s7 =	sor.u32 s19, s4;
	v17 =	vld [tilespmem:s14+$0x0]  }
0x35: {  	s9 =	sor.u32 $0x8080, s20;
	s8 =	sor.u32 s19, s5;
	v18 =	vld [tilespmem:s7+$0x0]  }
0x36: {  	s13 =	sor.u32 $0x8200, s20;
	s12 =	sor.u32 s19, s9;
	v20 =	vld [tilespmem:s8+$0x0]  }
0x37: {  	s17 =	sor.u32 s19, s13;
	v24 =	vld [tilespmem:s12+$0x0]  }
0x38: {  	s3 =	sor.u32 s18, s3;
	v27 =	vld [tilespmem:s17+$0x0]  }
0x39: {  	s4 =	sor.u32 s18, s4;
	v41 =	vld [tilespmem:s3+$0x0]  }
0x3a: {  	s5 =	sor.u32 s18, s5;
	v42 =	vld [tilespmem:s4+$0x0]  }
0x3b: {  	s9 =	sor.u32 s18, s9;
	v43 =	vld [tilespmem:s5+$0x0]  }
0x3c: {  	s13 =	sor.u32 s18, s13;
	s7 =	sor.u32 $0x4380, s20;
	v47 =	vld [tilespmem:s9+$0x0]  }
0x3d: {  	s8 =	sor.u32 $0x8000, s20;
	v50 =	vld [tilespmem:s13+$0x0];
	s10 =	sor.u32 s19, s7  }
0x3e: {  	s14 =	sor.u32 $0x8280, s20;
	s11 =	sor.u32 s19, s8;
	v22 =	vld [tilespmem:s10+$0x0]  }
0x3f: {  	s17 =	sor.u32 $0xC000, s20;
	s21 =	sor.u32 s19, s14;
	v23 =	vld [tilespmem:s11+$0x0]  }
0x40: {  	s24 =	sor.u32 s19, s17;
	v28 =	vld [tilespmem:s21+$0x0]  }
0x41: {  	s7 =	sor.u32 s18, s7;
	v31 =	vld [tilespmem:s24+$0x0]  }
0x42: {  	s8 =	sor.u32 s18, s8;
	v45 =	vld [tilespmem:s7+$0x0]  }
0x43: {  	s14 =	sor.u32 s18, s14;
	v46 =	vld [tilespmem:s8+$0x0]  }
0x44: {  	s17 =	sor.u32 s18, s17;
	s10 =	sor.u32 $0x8100, s20;
	v51 =	vld [tilespmem:s14+$0x0]  }
0x45: {  	s11 =	sor.u32 $0x8180, s20;
	v54 =	vld [tilespmem:s17+$0x0];
	s15 =	sor.u32 s19, s10  }
0x46: {  	s21 =	sor.u32 $0xC080, s20;
	s16 =	sor.u32 s19, s11;
	v25 =	vld [tilespmem:s15+$0x0]  }
0x47: {  	s24 =	sor.u32 $0xC200, s20;
	s25 =	sor.u32 s19, s21;
	v26 =	vld [tilespmem:s16+$0x0]  }
0x48: {  	s29 =	sor.u32 s19, s24;
	v32 =	vld [tilespmem:s25+$0x0]  }
0x49: {  	s10 =	sor.u32 s18, s10;
	v35 =	vld [tilespmem:s29+$0x0]  }
0x4a: {  	s11 =	sor.u32 s18, s11;
	v48 =	vld [tilespmem:s10+$0x0]  }
0x4b: {  	s21 =	sor.u32 s18, s21;
	s15 =	sor.u32 $0x8300, s20;
	v49 =	vld [tilespmem:s11+$0x0]  }
0x4c: {  	s16 =	sor.u32 $0x8380, s20;
	v55 =	vld [tilespmem:s21+$0x0];
	s22 =	sor.u32 s19, s15  }
0x4d: {  	s23 =	sor.u32 s19, s16;
	v29 =	vld [tilespmem:s22+$0x0];
	s22 =	sor.u32 $0xC100, s20  }
0x4e: {  	v30 =	vld [tilespmem:s23+$0x0];
	s23 =	sor.u32 $0xC180, s20;
	s26 =	sor.u32 s19, s22  }
0x4f: {  	s30 =	sor.u32 $0xC300, s20;
	s25 =	sor.u32 $0xC280, s20;
	s28 =	sor.u32 s19, s23;
	v33 =	vld [tilespmem:s26+$0x0]  }
0x50: {  	s21 =	simm.s32 $0x20;
	s15 =	sor.u32 s18, s15;
	s22 =	sor.u32 s18, s22;
	v34 =	vld [tilespmem:s28+$0x0]  }
0x51: {  	s16 =	sor.u32 s18, s16;
	s29 =	sor.u32 s18, s25;
	s26 =	sor.u32 s19, s25;
	v56 =	vld [tilespmem:s22+$0x0]  }
0x52: {  	s23 =	sor.u32 s18, s23;
	s28 =	sor.u32 s19, s30;
	v36 =	vld [tilespmem:s26+$0x0];
	s26 =	sor.u32 $0xC380, s20  }
0x53: {  	s30 =	sor.u32 s18, s30;
	v37 =	vld [tilespmem:s28+$0x0];
	s28 =	sor.u32 s18, s24;
	s31 =	sor.u32 s19, s26  }
0x54: {  	s20 =	sand.u32 $0x60, s21;
	v38 =	vld [tilespmem:s31+$0x0];
	s31 =	sor.u32 s18, s26;
	s18 =	simm.s32 $0x100  }
0x55: {  	v57 =	vld [tilespmem:s23+$0x0];
	s22 =	sor.u32 $0x10, s20;
	s23 =	sand.u32 $0x3C00, s18  }
0x56: {  	v52 =	vld [tilespmem:s15+$0x0];
	s3 =	sor.u32 s22, s23  }
0x57: {  	v2 =	vld [tilespmem:s3+$0x0]  }
0x58: {  	v53 =	vld [tilespmem:s16+$0x0]  }
0x59: {  	v59 =	vld [tilespmem:s29+$0x0]  }
0x5a: {  	v60 =	vld [tilespmem:s30+$0x0]  }
0x5b: {  	v58 =	vld [tilespmem:s28+$0x0]  }
0x5c: {  	v61 =	vld [tilespmem:s31+$0x0];
	[tilespmem:$0x1FFB0] =	vst v2  }
0x5d: {  	v2 =	vld [tilespmem:s3+$0x80];
	_ =	sdelay $0x4  }
0x5e: {  	v19 =	vadd.f32 v39, v19;
	[tilespmem:$0x1FFC0] =	vst v2  }
0x5f: {  	v5 =	vadd.f32 v5, v8;
	v3 =	vadd.f32 v3, v4;
	v2 =	vld [tilespmem:s3+$0x100]  }
0x60: {  	v6 =	vadd.f32 v6, v7;
	v39 =	vadd.f32 v41, v40  }
0x61: {  	v40 =	vadd.f32 v43, v42;
	v3 =	vadd.f32 v3, v5  }
0x62: {  	v23 =	vadd.f32 v24, v23;
	v41 =	vadd.f32 v45, v44  }
0x63: {  	v42 =	vadd.f32 v47, v46;
	v19 =	vadd.f32 v39, v19  }
0x64: {  	v44 =	vadd.f32 v51, v50;
	v24 =	vadd.f32 v26, v25;
	[tilespmem:$0x1FFD0] =	vst v2  }
0x65: {  	v25 =	vadd.f32 v28, v27;
	v27 =	vadd.f32 v32, v31;
	v2 =	vld [tilespmem:s3+$0x180]  }
0x66: {  	v43 =	vadd.f32 v49, v48;
	v46 =	vadd.f32 v55, v54  }
0x67: {  	v45 =	vadd.f32 v53, v52;
	v53 =	vadd.f32 v63, v62  }
0x68: {  	v26 =	vadd.f32 v30, v29;
	v28 =	vadd.f32 v34, v33  }
0x69: {  	v48 =	vadd.f32 v57, v56;
	v6 =	vadd.f32 v6, v53  }
0x6a: {  	v29 =	vadd.f32 v36, v35;
	v49 =	vadd.f32 v59, v58;
	[tilespmem:$0x1FFE0] =	vst v2;
	v2 =	vld [tilespmem:$0x1FF80]  }
0x6b: {  	v8 =	vadd.f32 v48, v46;
	v33 =	vadd.f32 v38, v37  }
0x6c: {  	v37 =	vadd.f32 v28, v27;
	v27 =	vadd.f32 v41, v40  }
0x6d: {  	v28 =	vadd.f32 v43, v42;
	v50 =	vadd.f32 v61, v60  }
0x6e: {  	v38 =	vadd.f32 v33, v29;
	v33 =	vadd.f32 v45, v44  }
0x6f: {  	v54 =	vadd.f32 v50, v49;
	v2 =	vadd.f32 v2, v9;
	v9 =	vld [tilespmem:$0x1FF90]  }
0x70: {  	v3 =	vadd.f32 v3, v6;
	v19 =	vadd.f32 v27, v19  }
0x71: {  	v56 =	vadd.f32 v33, v28;
	v8 =	vadd.f32 v54, v8;
	_ =	sdelay $0x1  }
0x72: {  	v3 =	vadd.f32 v19, v3;
	v8 =	vadd.f32 v8, v56  }
0x73: {  	v10 =	vadd.f32 v10, v9;
	v9 =	vld [tilespmem:s3+$0x200]  }
0x74: {  	v8 =	vadd.f32 v8, v3;
	v3 =	vld [tilespmem:$0x1FFB0]  }
0x75: {  	v60 =	vld [tilespmem:$0x1FFC0]  }
0x76: {  	v61 =	vld [tilespmem:$0x1FFD0]  }
0x77: {  	v62 =	vld [tilespmem:$0x1FFE0]  }
0x78: {  	[tilespmem:$0x1FFF0] =	vst v9;
	v9 =	vld [tilespmem:$0x1FFA0]  }
0x79: {  	v15 =	vadd.f32 v15, v14;
	s1 =	sor.u32 $0x4000, s23;
	v14 =	vld [tilespmem:s3+$0x300]  }
0x7a: {  	v22 =	vadd.f32 v22, v21;
	s0 =	sor.u32 $0x4080, s23;
	s4 =	sor.u32 s22, s1;
	v21 =	vld [tilespmem:s3+$0x380]  }
0x7b: {  	v20 =	vadd.f32 v20, v18;
	s2 =	sor.u32 $0x8180, s23;
	s5 =	sor.u32 s22, s0;
	v18 =	vld [tilespmem:s4+$0x0]  }
0x7c: {  	v16 =	vadd.f32 v17, v16;
	s16 =	sor.u32 s22, s2;
	v17 =	vld [tilespmem:s5+$0x0]  }
0x7d: {  	s1 =	sor.u32 s20, s1;
	v29 =	vld [tilespmem:s16+$0x0]  }
0x7e: {  	s11 =	sor.u32 $0x4100, s23;
	v6 =	vld [tilespmem:s1+$0x0]  }
0x7f: {  	v34 =	vadd.f32 v22, v20;
	v20 =	vadd.f32 v38, v37;
	s4 =	sor.u32 $0x4200, s23;
	s1 =	sor.u32 s20, s11;
	v38 =	vld [tilespmem:$0x1FFF0]  }
0x80: {  	s5 =	sor.u32 $0x4280, s23;
	s8 =	sor.u32 s22, s4;
	v58 =	vld [tilespmem:s1+$0x0]  }
0x81: {  	v2 =	vadd.f32 v10, v2;
	s1 =	sor.u32 s20, s5;
	v10 =	vld [tilespmem:s8+$0x0]  }
0x82: {  	v63 =	vld [tilespmem:s1+$0x0]  }
0x83: {  	s6 =	sor.u32 s22, s11;
	s8 =	sor.u32 $0x8000, s23;
	v9 =	vadd.f32 v11, v9;
	v11 =	vadd.f32 v13, v12;
	v13 =	vld [tilespmem:s3+$0x280]  }
0x84: {  	s9 =	sor.u32 s22, s5;
	s5 =	sor.u32 s20, s8;
	v12 =	vld [tilespmem:s6+$0x0]  }
0x85: {  	s13 =	sor.u32 s22, s8;
	s8 =	sor.u32 s20, s2;
	s3 =	sor.u32 $0x4180, s23;
	v44 =	vld [tilespmem:s5+$0x0]  }
0x86: {  	v50 =	vld [tilespmem:s8+$0x0];
	s7 =	sor.u32 s22, s3  }
0x87: {  	v35 =	vadd.f32 v24, v23;
	v36 =	vadd.f32 v26, v25;
	s6 =	sor.u32 $0x4300, s23;
	v31 =	vld [tilespmem:s7+$0x0]  }
0x88: {  	s16 =	sor.u32 $0x8300, s23;
	s10 =	sor.u32 s22, s6;
	v9 =	vadd.f32 v11, v9;
	v11 =	vadd.f32 v16, v15;
	v16 =	vld [tilespmem:s9+$0x0]  }
0x89: {  	s25 =	sor.u32 s22, s16;
	v23 =	vld [tilespmem:s10+$0x0]  }
0x8a: {  	s11 =	sor.u32 s20, s3;
	v15 =	vadd.f32 v36, v35;
	v35 =	vld [tilespmem:s25+$0x0]  }
0x8b: {  	s3 =	sor.u32 s20, s6;
	s7 =	sor.u32 $0x4380, s23;
	v59 =	vld [tilespmem:s11+$0x0]  }
0x8c: {  	v39 =	vld [tilespmem:s3+$0x0];
	s12 =	sor.u32 s22, s7  }
0x8d: {  	s9 =	sor.u32 $0x8080, s23;
	v26 =	vld [tilespmem:s12+$0x0]  }
0x8e: {  	s10 =	sor.u32 $0x8380, s23;
	s14 =	sor.u32 s22, s9;
	v2 =	vadd.f32 v9, v2;
	v9 =	vadd.f32 v34, v11;
	v11 =	vld [tilespmem:s13+$0x0]  }
0x8f: {  	s25 =	sor.u32 $0xC180, s23;
	s26 =	sor.u32 s22, s10;
	v22 =	vld [tilespmem:s14+$0x0]  }
0x90: {  	s31 =	sor.u32 s22, s25;
	v47 =	vld [tilespmem:s26+$0x0]  }
0x91: {  	s6 =	sor.u32 s20, s9;
	s12 =	sor.u32 $0x8100, s23;
	v7 =	vld [tilespmem:s31+$0x0]  }
0x92: {  	s13 =	sor.u32 $0x8200, s23;
	v46 =	vld [tilespmem:s6+$0x0];
	s15 =	sor.u32 s22, s12  }
0x93: {  	s14 =	sor.u32 $0x8280, s23;
	s17 =	sor.u32 s22, s13;
	v25 =	vld [tilespmem:s15+$0x0]  }
0x94: {  	s24 =	sor.u32 s22, s14;
	v24 =	vld [tilespmem:s17+$0x0]  }
0x95: {  	s0 =	sor.u32 s20, s0;
	v32 =	vld [tilespmem:s24+$0x0];
	s17 =	sor.u32 $0xC000, s23  }
0x96: {  	s24 =	sor.u32 $0xC080, s23;
	v2 =	vadd.f32 v9, v2;
	v9 =	vadd.f32 v20, v15;
	v15 =	vld [tilespmem:s0+$0x0];
	s28 =	sor.u32 s22, s17  }
0x97: {  	v3 =	vadd.f32 v60, v3;
	v27 =	vadd.f32 v62, v61;
	s15 =	sor.u32 $0xC100, s23;
	s29 =	sor.u32 s22, s24;
	v37 =	vld [tilespmem:s28+$0x0]  }
0x98: {  	s26 =	sor.u32 $0xC200, s23;
	s30 =	sor.u32 s22, s15;
	v51 =	vld [tilespmem:s29+$0x0]  }
0x99: {  	v3 =	vadd.f32 v27, v3;
	v52 =	vld [tilespmem:s30+$0x0];
	s28 =	sor.u32 $0xC280, s23;
	s29 =	sor.u32 s22, s26  }
0x9a: {  	v14 =	vadd.f32 v21, v14;
	v13 =	vadd.f32 v13, v38;
	v4 =	vld [tilespmem:s29+$0x0];
	s29 =	sor.u32 $0xC300, s23;
	s30 =	sor.u32 s22, s28  }
0x9b: {  	v17 =	vadd.f32 v17, v18;
	v12 =	vadd.f32 v31, v12;
	v55 =	vld [tilespmem:s30+$0x0];
	s30 =	sor.u32 $0xC380, s23;
	s31 =	sor.u32 s22, s29  }
0x9c: {  	v10 =	vadd.f32 v16, v10;
	v13 =	vadd.f32 v14, v13;
	v5 =	vld [tilespmem:s31+$0x0];
	s31 =	sor.u32 s22, s30  }
0x9d: {  	v9 =	vadd.f32 v9, v2;
	v43 =	vadd.f32 v26, v23;
	v57 =	vld [tilespmem:s31+$0x0];
	s31 =	sor.u32 s20, s4  }
0x9e: {  	v11 =	vadd.f32 v22, v11;
	v47 =	vadd.f32 v47, v35;
	s4 =	sor.u32 s20, s7;
	v2 =	vld [tilespmem:s31+$0x0]  }
0x9f: {  	v12 =	vadd.f32 v12, v17;
	v3 =	vadd.f32 v13, v3;
	s7 =	sor.u32 s20, s12;
	v42 =	vld [tilespmem:s4+$0x0]  }
0xa0: {  	s9 =	sor.u32 s20, s13;
	v45 =	vadd.f32 v29, v25;
	v24 =	vadd.f32 v32, v24;
	v48 =	vld [tilespmem:s7+$0x0]  }
0xa1: {  	s11 =	sor.u32 s20, s14;
	v10 =	vadd.f32 v43, v10;
	v49 =	vadd.f32 v51, v37;
	v51 =	vld [tilespmem:s9+$0x0]  }
0xa2: {  	s12 =	sor.u32 s20, s16;
	v7 =	vadd.f32 v7, v52;
	v52 =	vld [tilespmem:s11+$0x0];
	v11 =	vadd.f32 v45, v11  }
0xa3: {  	s16 =	sor.u32 s20, s24;
	s24 =	sor.u32 s20, s25;
	v53 =	vld [tilespmem:s12+$0x0];
	v4 =	vadd.f32 v55, v4;
	v5 =	vadd.f32 v57, v5  }
0xa4: {  	s25 =	sor.u32 s20, s26;
	s26 =	sor.u32 s20, s28;
	s28 =	sor.u32 s20, s29;
	v54 =	vadd.f32 v47, v24;
	v10 =	vadd.f32 v10, v12;
	v56 =	vld [tilespmem:s16+$0x0]  }
0xa5: {  	s13 =	sor.u32 s20, s10;
	v61 =	vld [tilespmem:s28+$0x0];
	v7 =	vadd.f32 v7, v49;
	v4 =	vadd.f32 v5, v4  }
0xa6: {  	v6 =	vadd.f32 v15, v6;
	v55 =	vld [tilespmem:s13+$0x0];
	v11 =	vadd.f32 v54, v11  }
0xa7: {  	s14 =	sor.u32 s20, s17;
	s17 =	sor.u32 s20, s15;
	v3 =	vadd.f32 v10, v3;
	v10 =	vld [tilespmem:s25+$0x0];
	v4 =	vadd.f32 v4, v7  }
0xa8: {  	v57 =	vld [tilespmem:s17+$0x0];
	v2 =	vadd.f32 v63, v2;
	v7 =	vadd.f32 v59, v58  }
0xa9: {  	v5 =	vld [tilespmem:s14+$0x0];
	v4 =	vadd.f32 v4, v11;
	v11 =	vadd.f32 v42, v39  }
0xaa: {  	v60 =	vadd.f32 v46, v44;
	s29 =	sor.u32 s20, s30;
	s30 =	simm.s32 $0x0;
	v14 =	vadd.f32 v52, v51;
	v58 =	vld [tilespmem:s24+$0x0]  }
0xab: {  	s0 =	sand.u32 $0x780, s30;
	v59 =	vld [tilespmem:s26+$0x0];
	v6 =	vadd.f32 v7, v6;
	v2 =	vadd.f32 v11, v2  }
0xac: {  	s20 =	sor.u32 s20, s23;
	v62 =	vld [tilespmem:s29+$0x0];
	s0 =	sor.u32 s19, s0;
	s19 =	simm.s32 $0x10000;
	v16 =	vadd.f32 v55, v53;
	v11 =	vadd.f32 v50, v48  }
0xad: {  	[tilespmem:s19+$0x0] =	vst v8;
	v8 =	vld [tilespmem:s20+$0x200];
	v63 =	vadd.f32 v4, v3;
	v7 =	vadd.f32 v2, v6  }
0xae: {  	v4 =	vld [tilespmem:s20+$0x80];
	v6 =	vadd.f32 v11, v60;
	v11 =	vadd.f32 v16, v14  }
0xaf: {  	s31 =	sand.u32 $0x780, s21;
	v12 =	vadd.f32 v56, v5;
	v3 =	vld [tilespmem:s20+$0x100];
	v13 =	vadd.f32 v58, v57  }
0xb0: {  	[tilespmem:s0+$0x10000] =	vst v9;
	s0 =	sor.u32 s22, s31;
	v9 =	vadd.f32 v59, v10;
	v10 =	vld [tilespmem:s20+$0x180];
	v5 =	vadd.f32 v11, v6  }
0xb1: {  	s21 =	simm.s32 $0x2;
	s22 =	simm.s32 $0x40;
	v2 =	vld [tilespmem:s20+$0x0];
	[tilespmem:s0+$0x10000] =	vst v63;
	v6 =	vadd.f32 v13, v12;
	v11 =	vadd.f32 v62, v61  }
.LBB2_2:
0xb2: {  	s24 =	sand.u32 $0x60, s22;
	s18 =	sadd.s32 $0x100, s18  }
0xb3: {  	v12 =	vld [tilespmem:s20+$0x280];
	s25 =	sand.u32 $0x3C00, s18;
	s23 =	sor.u32 $0x10, s24  }
0xb4: {  	v13 =	vld [tilespmem:s20+$0x300];
	s0 =	sor.u32 s23, s25  }
0xb5: {  	v41 =	vld [tilespmem:s0+$0x380]  }
0xb6: {  	v14 =	vadd.f32 v4, v2;
	v4 =	vadd.f32 v11, v9;
	v9 =	vld [tilespmem:s20+$0x380]  }
0xb7: {  	s1 =	sor.u32 $0x4000, s25;
	v2 =	vld [tilespmem:s0+$0x0]  }
0xb8: {  	s9 =	sor.u32 $0x4080, s25;
	s10 =	sor.u32 s23, s1;
	v10 =	vadd.f32 v10, v3;
	v3 =	vld [tilespmem:s0+$0x80]  }
0xb9: {  	s12 =	sor.u32 $0x4100, s25;
	s13 =	sor.u32 s23, s9;
	v42 =	vld [tilespmem:s10+$0x0]  }
0xba: {  	s16 =	sor.u32 $0x4200, s25;
	s15 =	sor.u32 s23, s12;
	v43 =	vld [tilespmem:s13+$0x0]  }
0xbb: {  	s6 =	sor.u32 $0x8080, s25;
	s2 =	sor.u32 s24, s1;
	s1 =	sor.u32 s23, s16;
	v15 =	vld [tilespmem:s15+$0x0]  }
0xbc: {  	s8 =	sor.u32 s23, s6;
	v16 =	vld [tilespmem:s1+$0x0]  }
0xbd: {  	v19 =	vld [tilespmem:s8+$0x0]  }
0xbe: {  	v12 =	vadd.f32 v12, v8;
	v8 =	vld [tilespmem:s0+$0x280]  }
0xbf: {  	s1 =	sor.u32 $0x8000, s25;
	v11 =	vadd.f32 v4, v6;
	v4 =	vld [tilespmem:s0+$0x100]  }
0xc0: {  	s8 =	sor.u32 $0x8280, s25;
	s7 =	sor.u32 s23, s1;
	v6 =	vld [tilespmem:s0+$0x180]  }
0xc1: {  	s26 =	sor.u32 $0x4280, s25;
	s13 =	sor.u32 s23, s8;
	v18 =	vld [tilespmem:s7+$0x0]  }
0xc2: {  	s3 =	sor.u32 $0x4300, s25;
	s29 =	sor.u32 s24, s12;
	s7 =	sor.u32 $0x8200, s25;
	v23 =	vld [tilespmem:s13+$0x0]  }
0xc3: {  	s31 =	sor.u32 s24, s16;
	s28 =	sor.u32 s24, s26;
	s12 =	sor.u32 s23, s7;
	v11 =	vadd.f32 v11, v5;
	v5 =	vld [tilespmem:s0+$0x200];
	v13 =	vadd.f32 v9, v13  }
0xc4: {  	[dreg:$0x2] =	wrdreg s2;
	s2 =	sor.u32 s23, s26;
	s26 =	sor.u32 s24, s3;
	v22 =	vld [tilespmem:s12+$0x0]  }
0xc5: {  	s16 =	sor.u32 s24, s1;
	v10 =	vadd.f32 v10, v14;
	s12 =	sor.u32 $0xC000, s25;
	v9 =	vld [tilespmem:s0+$0x300];
	s0 =	sor.u32 s23, s3;
	v12 =	vadd.f32 v13, v12  }
0xc6: {  	s3 =	sor.u32 s24, s6;
	s6 =	sor.u32 $0x8180, s25;
	s1 =	sor.u32 s23, s12;
	v17 =	vld [tilespmem:s0+$0x0]  }
0xc7: {  	s14 =	sor.u32 $0x4180, s25;
	s10 =	sor.u32 s23, s6;
	v26 =	vld [tilespmem:s1+$0x0];
	v10 =	vadd.f32 v12, v10  }
0xc8: {  	s30 =	sor.u32 s24, s14;
	s17 =	sor.u32 s23, s14;
	v21 =	vld [tilespmem:s10+$0x0];
	s10 =	sor.u32 $0x8380, s25  }
0xc9: {  	s14 =	sor.u32 s24, s6;
	s0 =	sor.u32 $0xC080, s25;
	v7 =	vadd.f32 v7, v10;
	v10 =	vld [tilespmem:s17+$0x0];
	s17 =	sor.u32 s23, s10  }
0xca: {  	s6 =	sor.u32 s24, s8;
	s8 =	sor.u32 s24, s10;
	s10 =	sor.u32 s23, s0;
	v25 =	vld [tilespmem:s17+$0x0]  }
0xcb: {  	s17 =	sor.u32 $0xC180, s25;
	v27 =	vld [tilespmem:s10+$0x0]  }
0xcc: {  	s4 =	sor.u32 $0x4380, s25;
	v7 =	vadd.f32 v11, v7;
	v11 =	vld [tilespmem:s2+$0x0];
	s10 =	sor.u32 s23, s17  }
0xcd: {  	s19 =	sadd.s32 $0x20, s19;
	s5 =	sor.u32 s23, s4;
	v29 =	vld [tilespmem:s10+$0x0]  }
0xce: {  	[tilespmem:s19+$0x0] =	vst v7;
	v7 =	vld [tilespmem:s5+$0x0]  }
0xcf: {  	s11 =	sor.u32 s24, s9;
	v48 =	vld [tilespmem:s29+$0x0]  }
0xd0: {  	s20 =	sor.u32 s24, s25;
	[dreg:$0x3] =	wrdreg s11;
	v2 =	vadd.f32 v3, v2;
	v3 =	vadd.f32 v6, v4;
	s5 =	sor.u32 $0x8100, s25;
	v51 =	vld [tilespmem:s30+$0x0]  }
0xd1: {  	s11 =	sor.u32 s24, s4;
	s1 =	smov.u32 s18;
	v5 =	vadd.f32 v8, v5;
	v6 =	vadd.f32 v41, v9;
	s9 =	sor.u32 s23, s5;
	v54 =	vld [tilespmem:s31+$0x0]  }
0xd2: {  	s2 =	sor.u32 s24, s17;
	s4 =	sor.u32 s24, s5;
	v20 =	vld [tilespmem:s9+$0x0];
	s9 =	sor.u32 $0x8300, s25  }
0xd3: {  	v2 =	vadd.f32 v3, v2;
	v3 =	vadd.f32 v6, v5;
	s5 =	sor.u32 s24, s7;
	v5 =	vld [tilespmem:s26+$0x0];
	s7 =	sor.u32 s24, s9;
	s15 =	sor.u32 s23, s9  }
0xd4: {  	s9 =	sor.u32 s24, s12;
	s12 =	sor.u32 s24, s0;
	v24 =	vld [tilespmem:s15+$0x0];
	s15 =	sor.u32 $0xC100, s25  }
0xd5: {  	v56 =	vld [tilespmem:s16+$0x0];
	s0 =	sor.u32 $0xC200, s25;
	s13 =	sor.u32 s24, s15;
	s15 =	sor.u32 s23, s15  }
0xd6: {  	s17 =	sor.u32 s24, s0;
	s18 =	sor.u32 s23, s0;
	v28 =	vld [tilespmem:s15+$0x0];
	s15 =	sor.u32 $0xC280, s25  }
0xd7: {  	s0 =	sor.u32 $0xC300, s25;
	v30 =	vld [tilespmem:s18+$0x0];
	s25 =	sor.u32 $0xC380, s25;
	s18 =	sor.u32 s23, s15  }
0xd8: {  	s10 =	sor.u32 s24, s15;
	s15 =	sor.u32 s24, s0;
	s0 =	sor.u32 s23, s0;
	v31 =	vld [tilespmem:s18+$0x0]  }
0xd9: {  	v46 =	vadd.f32 v19, v18;
	v49 =	vadd.f32 v23, v22;
	s24 =	sor.u32 s24, s25;
	s25 =	sor.u32 s23, s25;
	v4 =	vld [tilespmem:s0+$0x0]  }
0xda: {  	v9 =	vadd.f32 v43, v42;
	v10 =	vadd.f32 v10, v15;
	v8 =	vld [tilespmem:s25+$0x0]  }
0xdb: {  	v58 =	vld [tilespmem:s3+$0x0];
	v11 =	vadd.f32 v11, v16;
	v7 =	vadd.f32 v7, v17  }
0xdc: {  	v52 =	vadd.f32 v27, v26;
	v60 =	vld [tilespmem:s5+$0x0];
	v6 =	vadd.f32 v10, v9  }
0xdd: {  	v9 =	vld [tilespmem:s11+$0x0];
	v47 =	vadd.f32 v21, v20;
	v7 =	vadd.f32 v7, v11  }
0xde: {  	v61 =	vld [tilespmem:s9+$0x0];
	s18 =	smov.u32 s1;
	s1 =	rddreg [dreg:$0x2];
	v50 =	vadd.f32 v25, v24;
	v53 =	vadd.f32 v29, v28  }
0xdf: {  	s25 =	rddreg [dreg:$0x3];
	v44 =	vld [tilespmem:s1+$0x0];
	v55 =	vadd.f32 v31, v30;
	v4 =	vadd.f32 v8, v4  }
0xe0: {  	v45 =	vld [tilespmem:s25+$0x0];
	v10 =	vadd.f32 v47, v46;
	v11 =	vadd.f32 v50, v49  }
0xe1: {  	v8 =	vld [tilespmem:s28+$0x0];
	v57 =	vadd.f32 v53, v52;
	v4 =	vadd.f32 v4, v55  }
0xe2: {  	v2 =	vadd.f32 v3, v2;
	v3 =	vadd.f32 v7, v6;
	v6 =	vld [tilespmem:s4+$0x0]  }
0xe3: {  	v7 =	vadd.f32 v11, v10;
	v10 =	vld [tilespmem:s14+$0x0];
	v4 =	vadd.f32 v4, v57  }
0xe4: {  	v59 =	vadd.f32 v51, v48;
	v62 =	vld [tilespmem:s24+$0x0]  }
0xe5: {  	v2 =	vadd.f32 v3, v2;
	v3 =	vadd.f32 v4, v7;
	v4 =	vld [tilespmem:s6+$0x0]  }
0xe6: {  	v5 =	vadd.f32 v9, v5;
	v7 =	vadd.f32 v8, v54;
	v8 =	vld [tilespmem:s7+$0x0]  }
0xe7: {  	s31 =	sand.u32 $0x780, s22;
	v11 =	vadd.f32 v45, v44;
	v2 =	vadd.f32 v3, v2;
	v3 =	vld [tilespmem:s8+$0x0]  }
0xe8: {  	v9 =	vadd.f32 v58, v56;
	s0 =	sor.u32 s23, s31;
	v6 =	vadd.f32 v10, v6;
	v10 =	vld [tilespmem:s17+$0x0]  }
0xe9: {  	v11 =	vadd.f32 v59, v11;
	v5 =	vadd.f32 v5, v7;
	[tilespmem:s0+$0x10000] =	vst v2;
	v2 =	vld [tilespmem:s12+$0x0]  }
0xea: {  	v6 =	vadd.f32 v6, v9;
	v9 =	vld [tilespmem:s2+$0x0]  }
0xeb: {  	v7 =	vadd.f32 v5, v11;
	v5 =	vld [tilespmem:s13+$0x0]  }
0xec: {  	s21 =	sadd.s32 $0x2, s21;
	v4 =	vadd.f32 v4, v60;
	v3 =	vadd.f32 v3, v8;
	v8 =	vld [tilespmem:s10+$0x0]  }
0xed: {  	p0 =	slt.u32 s21, $0x7E;
	v11 =	vld [tilespmem:s15+$0x0]  }
.Ltmp0:
0xee: {  	v12 =	vadd.f32 v2, v61;
	v3 =	vadd.f32 v3, v4;
	v2 =	vld [tilespmem:s20+$0x0];
	(pc) =	sbr.rel @p0 .LBB2_2-.Ltmp0, $4  }
0xef: {  	v4 =	vld [tilespmem:s20+$0x80]  }
0xf0: {  	v63 =	vadd.f32 v9, v5;
	v5 =	vadd.f32 v3, v6;
	v3 =	vld [tilespmem:s20+$0x100]  }
0xf1: {  	v9 =	vadd.f32 v8, v10;
	v10 =	vld [tilespmem:s20+$0x180]  }
0xf2: {  	s22 =	sadd.s32 $0x20, s22;
	v11 =	vadd.f32 v62, v11;
	v6 =	vadd.f32 v63, v12;
	v8 =	vld [tilespmem:s20+$0x200]  }
0xf3: {  	v12 =	vld [tilespmem:s20+$0x280]  }
0xf4: {  	v13 =	vld [tilespmem:s20+$0x300]  }
0xf5: {  	v14 =	vld [tilespmem:s20+$0x380];
	_ =	sdelay $0x3  }
0xf6: {  	v2 =	vadd.f32 v4, v2;
	v3 =	vadd.f32 v10, v3  }
0xf7: {  	v4 =	vadd.f32 v12, v8;
	v8 =	vadd.f32 v14, v13  }
0xf8: {  	v9 =	vadd.f32 v11, v9  }
0xf9: {  	v2 =	vadd.f32 v3, v2;
	v3 =	vadd.f32 v8, v4;
	_ =	sdelay $0x1  }
0xfa: {  	v4 =	vadd.f32 v9, v6;
	v2 =	vadd.f32 v3, v2;
	_ =	sdelay $0x1  }
0xfb: {  	v3 =	vadd.f32 v4, v5;
	v2 =	vadd.f32 v7, v2;
	_ =	sdelay $0x1  }
0xfc: {  	v2 =	vadd.f32 v3, v2  }
0xfd: {  	s0 =	sadd.s32 $0x20, s19  }
0xfe: {  	[tilespmem:s0+$0x0] =	vst v2  }
0xff: {  	v2 =	vld [tilespmem:$0x10800]  }
0x100: {  	v3 =	vld [tilespmem:$0x10880]  }
0x101: {  	v4 =	vld [tilespmem:$0x10900]  }
0x102: {  	v5 =	vld [tilespmem:$0x10980]  }
0x103: {  	v6 =	vld [tilespmem:$0x10A00]  }
0x104: {  	v7 =	vld [tilespmem:$0x10A80]  }
0x105: {  	v8 =	vld [tilespmem:$0x10B00];
	v2 =	vadd.s32 v2, v3  }
0x106: {  	v3 =	vld [tilespmem:$0x10B80];
	v2 =	vadd.s32 v4, v2  }
0x107: {  	v4 =	vld [tilespmem:$0x10C00];
	v2 =	vadd.s32 v5, v2  }
0x108: {  	v5 =	vld [tilespmem:$0x10C80];
	v2 =	vadd.s32 v6, v2  }
0x109: {  	v6 =	vld [tilespmem:$0x10D00];
	v2 =	vadd.s32 v7, v2  }
0x10a: {  	v7 =	vld [tilespmem:$0x10D80];
	v2 =	vadd.s32 v8, v2  }
0x10b: {  	v8 =	vld [tilespmem:$0x10E00];
	v2 =	vadd.s32 v3, v2  }
0x10c: {  	v3 =	vld [tilespmem:$0x10E80];
	v2 =	vadd.s32 v4, v2  }
0x10d: {  	v4 =	vld [tilespmem:$0x10F00];
	v2 =	vadd.s32 v5, v2  }
0x10e: {  	v5 =	vld [tilespmem:$0x10F80];
	v2 =	vadd.s32 v6, v2  }
0x10f: {  	v6 =	vld [tilespmem:$0x11000];
	v2 =	vadd.s32 v7, v2  }
0x110: {  	v7 =	vld [tilespmem:$0x11080];
	v2 =	vadd.s32 v8, v2  }
0x111: {  	v8 =	vld [tilespmem:$0x11100];
	v2 =	vadd.s32 v3, v2  }
0x112: {  	v3 =	vld [tilespmem:$0x11180];
	v2 =	vadd.s32 v4, v2  }
0x113: {  	v4 =	vld [tilespmem:$0x11200];
	v2 =	vadd.s32 v5, v2  }
0x114: {  	v5 =	vld [tilespmem:$0x11280];
	v2 =	vadd.s32 v6, v2  }
0x115: {  	v6 =	vld [tilespmem:$0x11300];
	v2 =	vadd.s32 v7, v2  }
0x116: {  	v7 =	vld [tilespmem:$0x11380];
	v2 =	vadd.s32 v8, v2  }
0x117: {  	v8 =	vld [tilespmem:$0x11400];
	v2 =	vadd.s32 v3, v2  }
0x118: {  	v3 =	vld [tilespmem:$0x11480];
	v2 =	vadd.s32 v4, v2  }
0x119: {  	v4 =	vld [tilespmem:$0x11500];
	v2 =	vadd.s32 v5, v2  }
0x11a: {  	v5 =	vld [tilespmem:$0x11580];
	v2 =	vadd.s32 v6, v2  }
0x11b: {  	v6 =	vld [tilespmem:$0x11600];
	v2 =	vadd.s32 v7, v2  }
0x11c: {  	v7 =	vld [tilespmem:$0x11680];
	v2 =	vadd.s32 v8, v2  }
0x11d: {  	v8 =	vld [tilespmem:$0x11700];
	v2 =	vadd.s32 v3, v2  }
0x11e: {  	v3 =	vld [tilespmem:$0x11780];
	v2 =	vadd.s32 v4, v2  }
0x11f: {  	v2 =	vadd.s32 v5, v2  }
0x120: {  	v2 =	vadd.s32 v6, v2  }
0x121: {  	v2 =	vadd.s32 v7, v2  }
0x122: {  	v2 =	vadd.s32 v8, v2  }
0x123: {  	v2 =	vadd.s32 v3, v2  }
0x124: {  	s11 =	simm.s32 $0x107F0;
	(v2sf) =	vpush v2, $0x0  }
0x125: {  	v3 =	vld [tilespmem:s11+$0x0];
	_ =	sdelay $0x2  }
0x126: {  	s12 =	simm.s32 $0x107E0;
	(v2sf) =	vpush v2, $0x1  }
0x127: {  	v4 =	vld [tilespmem:s12+$0x0]  }
0x128: {  	(xrf2) =	vadd.scan.msk.f32 $0xffff, v3;
	_ =	sdelay $0x3  }
0x129: {  	s13 =	simm.s32 $0x107D0;
	(xrf2) =	vadd.scan.msk.f32 $0xffff, v4  }
0x12a: {  	v5 =	vld [tilespmem:s13+$0x0];
	_ =	sdelay $0x3  }
0x12b: {  	s14 =	spop (v2sf)  }
0x12c: {  	v6, _, _ =	vpop (xrf2);
	(xrf2) =	vadd.scan.msk.f32 $0xffff, v5;
	s0 =	smul.u32 $0x3, s14  }
0x12d: {  	v2 =	vbroadcast v6, $0xF  }
0x12e: {  	(v2sf) =	vpush v6, $0xF;
	p0 =	sgt.s32 s0, $0x0  }
0x12f: {  	s18 =	spop (v2sf);
	v2 =	vsub.f32 v2, v6;
	s0 =	simm.s32 @!p0 $0x0  }
0x130: {  	s19 =	simm.f32 $0.0e+00;
	v7, _, _ =	vpop (xrf2);
	p0 =	slt.s32 s0, s18  }
0x131: {  	(v2sf) =	vpush v7, $0xF;
	v2 =	vadd.f32 s19, v2;
	s18 =	smov.u32 @p0 s0  }
0x132: {  	s0 =	scvt.s32.f32 s18  }
0x133: {  	v3 =	vadd.f32 v2, v3  }
0x134: {  	s1 =	simm.s32 $0x107C0;
	v2 =	vmov s0  }
0x135: {  	v8 =	vld [tilespmem:s1+$0x0];
	vm3 =	vge.f32 v3, v2  }
0x136: {  	v3 =	vnsel vm3, $0x0, v6;
	v6, _, _ =	vpop (xrf2)  }
0x137: {  	(v2sf) =	vpush v6, $0xF;
	_ =	sdelay $0x2  }
0x138: {  	(xrf2) =	vadd.scan.msk.f32 $0xffff, v8;
	_ =	sdelay $0x1  }
0x139: {  	v58 =	vbroadcast v7, $0xF  }
0x13a: {  	(xrf0) =	vmax.scan.msk.f32 $0xffff, v3;
	s15 =	spop (v2sf)  }
0x13b: {  	v9 =	vsub.f32 v58, v7;
	s2 =	sadd.f32 s15, s19  }
0x13c: {  	v3 =	vmpcnt.ones.xlane vm3;
	v60 =	vbroadcast v6, $0xF  }
0x13d: {  	s16 =	simm.s32 $0x107B0;
	s17 =	spop (v2sf);
	v9 =	vadd.f32 s2, v9  }
0x13e: {  	(v2sf) =	vpush v3, $0x0;
	v3 =	vld [tilespmem:s16+$0x0];
	v10 =	vsub.f32 v60, v6;
	s29 =	sadd.f32 s17, s2  }
0x13f: {  	v4 =	vadd.f32 v9, v4  }
0x140: {  	v59, _, _ =	vpop (xrf0);
	v62 =	vadd.f32 s29, v10  }
0x141: {  	v61, _, _ =	vpop (xrf2);
	(v2sf) =	vpush v59, $0xF;
	vm3 =	vge.f32 v4, v2  }
0x142: {  	v5 =	vadd.f32 v62, v5;
	v4 =	vnsel vm3, $0x0, v7;
	v7 =	vbroadcast v61, $0xF  }
0x143: {  	(xrf2) =	vadd.scan.msk.f32 $0xffff, v3;
	s20 =	spop (v2sf)  }
0x144: {  	(xrf0) =	vmax.scan.msk.f32 $0xffff, v4;
	vm4 =	vge.f32 v5, v2;
	v5 =	vsub.f32 v7, v61;
	s24 =	sadd.f32 s20, s29  }
0x145: {  	v6 =	vnsel vm4, $0x0, v6  }
0x146: {  	(xrf0) =	vmax.scan.msk.f32 $0xffff, v6;
	v6 =	vadd.f32 s24, v5  }
0x147: {  	(v2sf) =	vpush v61, $0xF  }
0x148: {  	s21 =	simm.s32 $0x107A0;
	v7 =	vmpcnt.ones.xlane vm3  }
0x149: {  	v4 =	vld [tilespmem:s21+$0x0]  }
0x14a: {  	(v2sf) =	vpush v7, $0x0;
	v8 =	vadd.f32 v6, v8;
	v6, _, _ =	vpop (xrf0)  }
0x14b: {  	(v2sf) =	vpush v6, $0xF  }
0x14c: {  	v7 =	vmpcnt.ones.xlane vm4;
	_ =	sdelay $0x1  }
0x14d: {  	(xrf2) =	vadd.scan.msk.f32 $0xffff, v4;
	v6, _, _ =	vpop (xrf2)  }
0x14e: {  	s0 =	simm.s32 $0x10790;
	(v2sf) =	vpush v6, $0xF  }
0x14f: {  	s22 =	spop (v2sf);
	v5 =	vld [tilespmem:s0+$0x0];
	(v2sf) =	vpush v7, $0x0;
	v7, _, _ =	vpop (xrf0)  }
0x150: {  	s28 =	simm.s32 $0x7DF;
	s3 =	spop (v2sf);
	(v2sf) =	vpush v7, $0xF  }
0x151: {  	s26 =	simm.s32 $0x7CF;
	s25 =	simm.s32 $0x7BF;
	p0 =	por $0x0, $0x0  }
0x152: {  	s23 =	simm.s32 $0x7AF;
	p2 =	por !p0, !p0;
	p1 =	sgt.s32 s22, $0x0  }
0x153: {  	s21 =	simm.s32 $0x79F;
	s20 =	simm.s32 $0x0;
	p2 =	por !p1, !p2;
	vm3 =	vge.f32 v8, v2  }
0x154: {  	s1 =	sadd.s32 $0x7EF, s22;
	p2 =	por !p2, !p2;
	s2 =	ssub.f32 s2, s3;
	v63 =	vnsel vm3, $0x0, v61;
	(xrf2) =	vadd.scan.msk.f32 $0xffff, v5;
	v8 =	vbroadcast v6, $0xF  }
0x155: {  	s22 =	simm.s32 $0x78F;
	s20 =	smov.u32 @p2 s1;
	s31 =	spop (v2sf);
	(xrf0) =	vmax.scan.msk.f32 $0xffff, v63  }
0x156: {  	s1 =	simm.s32 $0x77F;
	s30 =	sadd.f32 s31, s24;
	s19 =	smov.u32 @p2 s2;
	v7 =	vsub.f32 v8, v6  }
.LBB2_4:
0x157: {  	p2 =	sne.s32 s1, $0xFFFFFFFF;
	v8, _, _ =	vpop (xrf2)  }
0x158: {  	s0 =	sadd.s32 $0xFFFFFFF0, s0;
	p0 =	por p0, p1;
	(v2sf) =	vpush v8, $0xF;
	v7 =	vadd.f32 s30, v7;
	s2 =	spop (v2sf)  }
0x159: {  	v10 =	vmpcnt.ones.xlane vm3;
	p3 =	por !p0, !p0;
	p1 =	sgt.s32 s2, $0x0;
	s3 =	spop (v2sf)  }
0x15a: {  	s2 =	sadd.s32 s28, s2;
	v7 =	vadd.f32 v7, v3;
	p3 =	por !p1, !p3;
	s3 =	ssub.f32 s29, s3;
	v3 =	vmov v4;
	v4 =	vmov v5;
	v5 =	vld [tilespmem:s0+$0x0]  }
.Ltmp1:
0x15b: {  	s28 =	smov.u32 s26;
	(v2sf) =	vpush v10, $0x0;
	v9, _, _ =	vpop (xrf0);
	p3 =	por !p3, !p3;
	(pc) =	sbr.rel @p2 .LBB2_4-.Ltmp1, $4  }
0x15c: {  	s26 =	smov.u32 s25;
	vm3 =	vge.f32 v7, v2;
	(v2sf) =	vpush v9, $0xF;
	s20 =	smov.u32 @p3 s2;
	s19 =	smov.u32 @p3 s3  }
0x15d: {  	s25 =	smov.u32 s23;
	s23 =	smov.u32 s21;
	s21 =	smov.u32 s22;
	v7 =	vbroadcast v8, $0xF;
	v9 =	vnsel vm3, $0x0, v6;
	v6 =	vmov v8  }
0x15e: {  	s22 =	smov.u32 s1;
	s29 =	smov.u32 s24;
	s2 =	spop (v2sf);
	(xrf0) =	vmax.scan.msk.f32 $0xffff, v9  }
0x15f: {  	s1 =	sadd.s32 $0xFFFFFFF0, s1;
	s24 =	smov.u32 s30;
	v7 =	vsub.f32 v7, v6;
	(xrf2) =	vadd.scan.msk.f32 $0xffff, v5;
	s30 =	sadd.f32 s2, s30  }
0x160: {  	v8, _, _ =	vpop (xrf2)  }
0x161: {  	(v2sf) =	vpush v8, $0xF;
	_ =	sdelay $0x9  }
0x162: {  	s2 =	spop (v2sf);
	v7 =	vadd.f32 s30, v7  }
0x163: {  	s3 =	spop (v2sf);
	v9 =	vbroadcast v8, $0xF  }
0x164: {  	v3 =	vadd.f32 v7, v3;
	s0 =	spop (v2sf)  }
0x165: {  	v58 =	vsub.f32 v9, v8;
	s1 =	sadd.f32 s0, s30;
	v59, _, _ =	vpop (xrf2);
	s4 =	spop (v2sf)  }
0x166: {  	vm4 =	vge.f32 v3, v2;
	v3 =	vbroadcast v59, $0xF;
	s5 =	spop (v2sf)  }
0x167: {  	v7 =	vadd.f32 s1, v58;
	s15 =	spop (v2sf)  }
0x168: {  	v6 =	vnsel vm4, $0x0, v6;
	v3 =	vsub.f32 v3, v59;
	s0 =	sadd.f32 s15, s1  }
0x169: {  	v10 =	vmpcnt.ones.xlane vm3;
	(xrf0) =	vmax.scan.msk.f32 $0xffff, v6;
	v4 =	vadd.f32 v7, v4  }
0x16a: {  	v3 =	vadd.f32 s0, v3  }
0x16b: {  	(v2sf) =	vpush v10, $0x0;
	v60, _, _ =	vpop (xrf0);
	vm3 =	vge.f32 v4, v2  }
0x16c: {  	(v2sf) =	vpush v60, $0xF;
	v62 =	vnsel vm3, $0x0, v8;
	v3 =	vadd.f32 v3, v5  }
0x16d: {  	v61 =	vmpcnt.ones.xlane vm4;
	(xrf0) =	vmax.scan.msk.f32 $0xffff, v62  }
0x16e: {  	(v2sf) =	vpush v59, $0xF;
	vm15 =	vge.f32 v3, v2  }
0x16f: {  	(v2sf) =	vpush v61, $0x0;
	v63, _, _ =	vpop (xrf0);
	v2 =	vnsel vm15, $0x0, v59  }
0x170: {  	(v2sf) =	vpush v63, $0xF;
	(xrf0) =	vmax.scan.msk.f32 $0xffff, v2;
	v2 =	vmpcnt.ones.xlane vm3;
	_ =	sdelay $0x1  }
0x171: {  	p0 =	por p0, p1;
	(v2sf) =	vpush v2, $0x0;
	v2 =	vmpcnt.ones.xlane vm15  }
0x172: {  	p3 =	sgt.s32 s2, $0x0;
	p2 =	por !p0, !p0;
	v3, _, _ =	vpop (xrf0)  }
0x173: {  	s2 =	sadd.s32 s28, s2;
	p2 =	por !p3, !p2;
	(v2sf) =	vpush v3, $0xF  }
0x174: {  	s3 =	ssub.f32 s29, s3;
	p0 =	por p0, p3;
	p2 =	por !p2, !p2  }
0x175: {  	p5 =	por !p0, !p0;
	s20 =	smov.u32 @p2 s2;
	(v2sf) =	vpush v2, $0x0;
	v2, _, _ =	vpop (xrf0)  }
0x176: {  	s19 =	smov.u32 @p2 s3;
	p4 =	sgt.s32 s4, $0x0;
	s2 =	sadd.s32 s26, s4;
	(v2sf) =	vpush v2, $0xF  }
0x177: {  	p2 =	por !p4, !p5;
	s4 =	ssub.f32 s24, s5;
	p0 =	por p0, p4  }
0x178: {  	s6 =	simm.s32 $0x16680;
	p2 =	por !p2, !p2;
	p3 =	por !p0, !p0  }
0x179: {  	s20 =	smov.u32 @p2 s2;
	s19 =	smov.u32 @p2 s4;
	s16 =	spop (v2sf)  }
0x17a: {  	p6 =	sgt.s32 s16, $0x0;
	s3 =	sadd.s32 s25, s16;
	s17 =	spop (v2sf)  }
0x17b: {  	p4 =	por !p6, !p3;
	p0 =	por p0, p6;
	s4 =	ssub.f32 s30, s17  }
0x17c: {  	p2 =	por !p4, !p4;
	p6 =	por !p0, !p0;
	s24 =	spop (v2sf)  }
0x17d: {  	s20 =	smov.u32 @p2 s3;
	s19 =	smov.u32 @p2 s4;
	s25 =	spop (v2sf)  }
0x17e: {  	s2 =	sadd.f32 s24, s0;
	p5 =	sgt.s32 s25, $0x0;
	s26 =	spop (v2sf)  }
0x17f: {  	p3 =	por !p5, !p6;
	p0 =	por p0, p5;
	s1 =	ssub.f32 s1, s26  }
0x180: {  	s3 =	sadd.s32 s23, s25;
	p2 =	por !p3, !p3;
	p5 =	por !p0, !p0  }
0x181: {  	s19 =	smov.u32 @p2 s1;
	s1 =	simm.s32 $0x166C0;
	s28 =	spop (v2sf)  }
0x182: {  	s20 =	smov.u32 @p2 s3;
	[tilespmem:s1+$0xFFFFFFC0] =	vst v0;
	p4 =	sgt.s32 s28, $0x0;
	s29 =	spop (v2sf)  }
0x183: {  	[tilespmem:s1+$0x30] =	vst v0;
	s3 =	sadd.s32 s21, s28;
	p2 =	por !p4, !p5;
	s0 =	ssub.f32 s0, s29  }
0x184: {  	[tilespmem:s1+$0x20] =	vst v0;
	s30 =	spop (v2sf);
	p0 =	por p0, p4;
	p2 =	por !p2, !p2  }
0x185: {  	[tilespmem:s1+$0x10] =	vst v0;
	p6 =	sgt.s32 s30, $0x0;
	p0 =	por !p0, !p0;
	s31 =	spop (v2sf)  }
0x186: {  	[tilespmem:s1+$0x0] =	vst v0;
	s20 =	smov.u32 @p2 s3;
	p0 =	por !p6, !p0;
	s2 =	ssub.f32 s2, s31  }
0x187: {  	[tilespmem:s1+$0xFFFFFFF0] =	vst v0;
	s19 =	smov.u32 @p2 s0;
	s0 =	sadd.s32 s22, s30;
	p0 =	por !p0, !p0  }
0x188: {  	[tilespmem:s1+$0xFFFFFFE0] =	vst v0;
	s20 =	smov.u32 @p0 s0;
	s0 =	simm.s32 $0x0;
	s19 =	smov.u32 @p0 s2  }
.LBB2_6:
0x189: {  	s0 =	sadd.s32 $0x8, s0;
	[tilespmem:s1+$0xFFFFFFD0] =	vst v0;
	s1 =	sadd.s32 $0x80, s1  }
0x18a: {  	[tilespmem:s1+$0xFFFFFFC0] =	vst v0;
	p0 =	slt.u32 s0, $0x78  }
0x18b: {  	[tilespmem:s1+$0x30] =	vst v0  }
.Ltmp2:
0x18c: {  	[tilespmem:s1+$0x20] =	vst v0;
	(pc) =	sbr.rel @p0 .LBB2_6-.Ltmp2, $4  }
0x18d: {  	[tilespmem:s1+$0x10] =	vst v0  }
0x18e: {  	[tilespmem:s1+$0x0] =	vst v0  }
0x18f: {  	[tilespmem:s1+$0xFFFFFFF0] =	vst v0  }
0x190: {  	[tilespmem:s1+$0xFFFFFFE0] =	vst v0  }
0x191: {  	[tilespmem:s1+$0xFFFFFFD0] =	vst v0;
	s3 =	simm.s32 $0x80;
	s4 =	simm.s32 $0x400  }
0x192: {  	s5 =	simm.s32 $0x11800;
	s2 =	simm.s32 $0x1;
	[tilespmem:$0x16E80] =	vst v0;
	s0 =	rddreg [dreg:$0x6]  }
0x193: {  	[tilespmem:s5], [sflag:$0x1] =	stream.strided.gather [hbm4b:s0+s3], $0x4E80, s4, s3, $0x38;
	[tilespmem:$0x16F80] =	vst v63  }
0x194: {  	_ =	swait.ge [sflag:s2], $0x4E80  }
0x195: {  	[sflag:s2] =	ssyncset.done $0x0  }
0x196: {  	s31 =	simm.s32 $0x11840;
	[sflag:s2] =	ssyncadd.s32 $0xFFFFB180  }
0x197: {  	v3 =	vld [tilespmem:s31+$0xFFFFFFE0]  }
0x198: {  	v6 =	vld [tilespmem:s31+$0xFFFFFFC0]  }
0x199: {  	v9 =	vld [tilespmem:s31+$0xFFFFFFF0]  }
0x19a: {  	v12 =	vld [tilespmem:s31+$0x20]  }
0x19b: {  	v14 =	vld [tilespmem:s31+$0x10]  }
0x19c: {  	v5 =	vld [tilespmem:s31+$0xFFFFFFD0]  }
0x19d: {  	v2 =	vmov s20;
	v4 =	vld [tilespmem:s31+$0x30];
	v7 =	vshrl.u32 v3, $0xA;
	v8 =	vshra.s32 v6, $0x15  }
0x19e: {  	v10 =	vshrl.u32 v6, $0xA;
	v16 =	vshra.s32 v3, $0x15;
	v15 =	vshra.s32 v9, $0x15  }
0x19f: {  	v11 =	vshra.s32 v12, $0x15;
	v17 =	vshrl.u32 v12, $0xA;
	v12 =	vshrl.u32 v9, $0xA  }
0x1a0: {  	v6 =	vld [tilespmem:s31+$0x0];
	v9 =	vshrl.u32 v14, $0xA;
	v7 =	vand.u32 $0x7FF, v7;
	v3 =	vand.u32 $0x7FF, v10  }
0x1a1: {  	v10 =	vshra.s32 v5, $0x15;
	v5 =	vshrl.u32 v5, $0xA;
	v13 =	vadd.s32 $0x400, v8  }
0x1a2: {  	v16 =	vadd.s32 $0x400, v16;
	v8 =	vadd.s32 $0x400, v10;
	v10 =	vshrl.u32 v4, $0xA  }
0x1a3: {  	v5 =	vand.u32 $0x7FF, v5;
	vm3 =	veq.s32 v8, v2;
	v8 =	vshra.s32 v14, $0x15  }
0x1a4: {  	v14 =	vadd.s32 $0x400, v15;
	v15 =	vand.u32 $0x7FF, v12;
	v5 =	vnsel vm3, $0x800, v5  }
0x1a5: {  	s1 =	simm.s32 $0x118C0;
	s0 =	simm.s32 $0x0;
	vm4 =	veq.s32 v14, v2;
	v14 =	vand.u32 $0x7FF, v17;
	v12 =	vshrl.u32 v6, $0xA  }
.LBB2_8:
0x1a6: {  	v17 =	vld [tilespmem:s1+$0xFFFFFFD0];
	s0 =	sadd.s32 $0x8, s0;
	vm3 =	veq.s32 v13, v2;
	vm5 =	veq.s32 v16, v2;
	v4 =	vshra.s32 v4, $0x15  }
0x1a7: {  	v6 =	vshra.s32 v6, $0x15;
	v13 =	vld [tilespmem:s1+$0xFFFFFFE0];
	p0 =	slt.u32 s0, $0x4D8;
	v16 =	vnsel vm5, $0x800, v7;
	v7 =	vadd.s32 $0x400, v11  }
0x1a8: {  	v11 =	vnsel vm4, $0x800, v15;
	v6 =	vadd.s32 $0x400, v6;
	v4 =	vadd.s32 $0x400, v4;
	v18 =	vld [tilespmem:s1+$0xFFFFFFF0]  }
0x1a9: {  	vm4 =	veq.s32 v7, v2;
	vm5 =	veq.s32 v4, v2;
	v7 =	vand.u32 $0x7FF, v10;
	v15 =	vld [tilespmem:s1+$0xFFFFFFC0]  }
0x1aa: {  	v8 =	vadd.s32 $0x400, v8;
	v10 =	vand.u32 $0x7FF, v12;
	v12 =	vnsel vm5, $0x800, v7;
	v4 =	vld [tilespmem:s1+$0x30]  }
0x1ab: {  	vm6 =	veq.s32 v8, v2;
	vm5 =	veq.s32 v6, v2;
	v6 =	vand.u32 $0x7FF, v9;
	v19 =	vld [tilespmem:s1+$0x10]  }
0x1ac: {  	v14 =	vnsel vm4, $0x800, v14;
	v20 =	vnsel vm6, $0x800, v6;
	v7 =	vshrl.u32 v13, $0xA;
	v9 =	vld [tilespmem:s1+$0x20]  }
0x1ad: {  	v21 =	vnsel vm3, $0x800, v3;
	v22 =	vnsel vm5, $0x800, v10;
	v7 =	vand.u32 $0x7FF, v7;
	v6 =	vld [tilespmem:s1+$0x0]  }
0x1ae: {  	v23 =	vshra.s32 v13, $0x15;
	v8 =	vshra.s32 v15, $0x15;
	v3 =	vshrl.u32 v15, $0xA;
	[tilespmem:v11+s6+$0x0] =	vst.idx.add.f32.msk $0xffff, v1  }
0x1af: {  	v10 =	vshra.s32 v17, $0x15;
	v15 =	vshrl.u32 v17, $0xA;
	v3 =	vand.u32 $0x7FF, v3;
	[tilespmem:v5+s6+$0x0] =	vst.idx.add.f32.msk $0xffff, v1  }
0x1b0: {  	v17 =	vshra.s32 v18, $0x15;
	v13 =	vadd.s32 $0x400, v8;
	v5 =	vadd.s32 $0x400, v10;
	[tilespmem:v16+s6+$0x0] =	vst.idx.add.f32.msk $0xffff, v1  }
.Ltmp3:
0x1b1: {  	v10 =	vshrl.u32 v4, $0xA;
	vm3 =	veq.s32 v5, v2;
	v11 =	vshra.s32 v9, $0x15;
	[tilespmem:v12+s6+$0x0] =	vst.idx.add.f32.msk $0xffff, v1;
	(pc) =	sbr.rel @p0 .LBB2_8-.Ltmp3, $4  }
0x1b2: {  	v5 =	vand.u32 $0x7FF, v15;
	v8 =	vshra.s32 v19, $0x15;
	v24 =	vshrl.u32 v9, $0xA;
	[tilespmem:v14+s6+$0x0] =	vst.idx.add.f32.msk $0xffff, v1  }
0x1b3: {  	v5 =	vnsel vm3, $0x800, v5;
	v12 =	vshrl.u32 v18, $0xA;
	v9 =	vshrl.u32 v19, $0xA;
	[tilespmem:v21+s6+$0x0] =	vst.idx.add.f32.msk $0xffff, v1  }
0x1b4: {  	v14 =	vadd.s32 $0x400, v17;
	v15 =	vand.u32 $0x7FF, v12;
	v12 =	vshrl.u32 v6, $0xA;
	[tilespmem:v20+s6+$0x0] =	vst.idx.add.f32.msk $0xffff, v1  }
0x1b5: {  	s1 =	sadd.s32 $0x80, s1;
	v16 =	vadd.s32 $0x400, v23;
	vm4 =	veq.s32 v14, v2;
	v14 =	vand.u32 $0x7FF, v24;
	[tilespmem:v22+s6+$0x0] =	vst.idx.add.f32.msk $0xffff, v1  }
0x1b6: {  	vm3 =	veq.s32 v16, v2;
	v4 =	vshra.s32 v4, $0x15;
	v15 =	vnsel vm4, $0x800, v15  }
0x1b7: {  	vm14 =	veq.s32 v13, v2;
	v11 =	vadd.s32 $0x400, v11;
	v58 =	vand.u32 $0x7FF, v10  }
0x1b8: {  	v6 =	vshra.s32 v6, $0x15;
	v8 =	vadd.s32 $0x400, v8;
	v7 =	vnsel vm3, $0x800, v7  }
0x1b9: {  	v4 =	vadd.s32 $0x400, v4;
	vm5 =	veq.s32 v11, v2;
	v3 =	vnsel vm14, $0x800, v3  }
0x1ba: {  	v6 =	vadd.s32 $0x400, v6;
	vm3 =	veq.s32 v4, v2;
	v59 =	vnsel vm5, $0x800, v14  }
0x1bb: {  	v61 =	vand.u32 $0x7FF, v12;
	[tilespmem:v5+s6+$0x0] =	vst.idx.add.f32.msk $0xffff, v1;
	vm15 =	veq.s32 v6, v2;
	v4 =	vnsel vm3, $0x800, v58  }
0x1bc: {  	v60 =	vand.u32 $0x7FF, v9;
	vm3 =	veq.s32 v8, v2;
	v63 =	vnsel vm15, $0x800, v61;
	[tilespmem:v15+s6+$0x0] =	vst.idx.add.f32.msk $0xffff, v1  }
0x1bd: {  	v62 =	vnsel vm3, $0x800, v60;
	[tilespmem:v7+s6+$0x0] =	vst.idx.add.f32.msk $0xffff, v1  }
0x1be: {  	[tilespmem:v3+s6+$0x0] =	vst.idx.add.f32.msk $0xffff, v1  }
0x1bf: {  	[tilespmem:v59+s6+$0x0] =	vst.idx.add.f32.msk $0xffff, v1  }
0x1c0: {  	[tilespmem:v4+s6+$0x0] =	vst.idx.add.f32.msk $0xffff, v1  }
0x1c1: {  	[tilespmem:v63+s6+$0x0] =	vst.idx.add.f32.msk $0xffff, v1  }
0x1c2: {  	s0 =	simm.s32 $0x0;
	[tilespmem:v62+s6+$0x0] =	vst.idx.add.f32.msk $0xffff, v1  }
.LBB2_10:
0x1c3: {  	s1 =	sshra.s32 s0, $0x2  }
0x1c4: {  	v3 =	vld [tilespmem:s1+$0x16600];
	_ =	sdelay $0x4  }
0x1c5: {  	v4 =	vshra.s32 v3, $0x15  }
0x1c6: {  	v3 =	vshrl.u32 v3, $0xA;
	v4 =	vadd.s32 $0x400, v4  }
0x1c7: {  	v3 =	vand.u32 $0x7FF, v3;
	vm3 =	veq.s32 v4, v2  }
0x1c8: {  	p0 =	sne.s32 s0, $0x40;
	v3 =	vnsel vm3, $0x800, v3  }
.Ltmp4:
0x1c9: {  	_ = 	snop;
	(pc) =	sbr.rel @p0 .LBB2_10-.Ltmp4, $2  }
0x1ca: {  	_ =	sdelay $0x2  }
0x1cb: {  	s0 =	sadd.s32 $0x40, s0;
	[tilespmem:v3+s6+$0x0] =	vst.idx.add.f32.msk $0xffff, v1  }
0x1cc: {  	s0 =	rddreg [dreg:$0x7]  }
0x1cd: {  	[tilespmem:s5], [sflag:$0x1] =	stream.strided.gather [hbm4b:s0+s3], $0x4E80, s4, s3, $0x38;
	[tilespmem:$0x16F80] =	vst v63  }
0x1ce: {  	_ =	swait.ge [sflag:s2], $0x4E80  }
0x1cf: {  	[sflag:s2] =	ssyncset.done $0x0  }
0x1d0: {  	s31 =	simm.s32 $0x11840;
	[sflag:s2] =	ssyncadd.s32 $0xFFFFB180  }
0x1d1: {  	v3 =	vld [tilespmem:s31+$0xFFFFFFE0]  }
0x1d2: {  	v6 =	vld [tilespmem:s31+$0xFFFFFFC0]  }
0x1d3: {  	v9 =	vld [tilespmem:s31+$0xFFFFFFF0]  }
0x1d4: {  	v12 =	vld [tilespmem:s31+$0x20]  }
0x1d5: {  	v14 =	vld [tilespmem:s31+$0x10]  }
0x1d6: {  	v4 =	vld [tilespmem:s31+$0xFFFFFFD0]  }
0x1d7: {  	v5 =	vld [tilespmem:s31+$0x30];
	v7 =	vshrl.u32 v3, $0xA;
	v8 =	vshra.s32 v6, $0x15  }
0x1d8: {  	v10 =	vshrl.u32 v6, $0xA;
	v16 =	vshra.s32 v3, $0x15;
	v15 =	vshra.s32 v9, $0x15  }
0x1d9: {  	v11 =	vshra.s32 v12, $0x15;
	v17 =	vshrl.u32 v12, $0xA;
	v12 =	vshrl.u32 v9, $0xA  }
0x1da: {  	v6 =	vld [tilespmem:s31+$0x0];
	v9 =	vshrl.u32 v14, $0xA;
	v7 =	vand.u32 $0x7FF, v7;
	v3 =	vand.u32 $0x7FF, v10  }
0x1db: {  	v10 =	vshra.s32 v4, $0x15;
	v4 =	vshrl.u32 v4, $0xA;
	v13 =	vadd.s32 $0x400, v8  }
0x1dc: {  	v16 =	vadd.s32 $0x400, v16;
	v8 =	vadd.s32 $0x400, v10;
	v10 =	vshrl.u32 v5, $0xA  }
0x1dd: {  	v4 =	vand.u32 $0x7FF, v4;
	vm3 =	veq.s32 v8, v2;
	v8 =	vshra.s32 v14, $0x15  }
0x1de: {  	v14 =	vadd.s32 $0x400, v15;
	v15 =	vand.u32 $0x7FF, v12;
	v4 =	vnsel vm3, $0x800, v4  }
0x1df: {  	s1 =	simm.s32 $0x118C0;
	s0 =	simm.s32 $0x0;
	vm4 =	veq.s32 v14, v2;
	v14 =	vand.u32 $0x7FF, v17;
	v12 =	vshrl.u32 v6, $0xA  }
.LBB2_12:
0x1e0: {  	v17 =	vld [tilespmem:s1+$0xFFFFFFD0];
	s0 =	sadd.s32 $0x8, s0;
	vm3 =	veq.s32 v13, v2;
	vm5 =	veq.s32 v16, v2;
	v5 =	vshra.s32 v5, $0x15  }
0x1e1: {  	v6 =	vshra.s32 v6, $0x15;
	v13 =	vld [tilespmem:s1+$0xFFFFFFE0];
	p0 =	slt.u32 s0, $0x4D8;
	v16 =	vnsel vm5, $0x800, v7;
	v7 =	vadd.s32 $0x400, v11  }
0x1e2: {  	v11 =	vnsel vm4, $0x800, v15;
	v6 =	vadd.s32 $0x400, v6;
	v5 =	vadd.s32 $0x400, v5;
	v18 =	vld [tilespmem:s1+$0xFFFFFFF0]  }
0x1e3: {  	vm4 =	veq.s32 v7, v2;
	vm5 =	veq.s32 v5, v2;
	v7 =	vand.u32 $0x7FF, v10;
	v15 =	vld [tilespmem:s1+$0xFFFFFFC0]  }
0x1e4: {  	v8 =	vadd.s32 $0x400, v8;
	v10 =	vand.u32 $0x7FF, v12;
	v12 =	vnsel vm5, $0x800, v7;
	v5 =	vld [tilespmem:s1+$0x30]  }
0x1e5: {  	vm6 =	veq.s32 v8, v2;
	vm5 =	veq.s32 v6, v2;
	v6 =	vand.u32 $0x7FF, v9;
	v19 =	vld [tilespmem:s1+$0x10]  }
0x1e6: {  	v14 =	vnsel vm4, $0x800, v14;
	v20 =	vnsel vm6, $0x800, v6;
	v7 =	vshrl.u32 v13, $0xA;
	v9 =	vld [tilespmem:s1+$0x20]  }
0x1e7: {  	v21 =	vnsel vm3, $0x800, v3;
	v22 =	vnsel vm5, $0x800, v10;
	v7 =	vand.u32 $0x7FF, v7;
	v6 =	vld [tilespmem:s1+$0x0]  }
0x1e8: {  	v23 =	vshra.s32 v13, $0x15;
	v8 =	vshra.s32 v15, $0x15;
	v3 =	vshrl.u32 v15, $0xA;
	[tilespmem:v11+s6+$0x0] =	vst.idx.add.f32.msk $0xffff, v1  }
0x1e9: {  	v10 =	vshra.s32 v17, $0x15;
	v15 =	vshrl.u32 v17, $0xA;
	v3 =	vand.u32 $0x7FF, v3;
	[tilespmem:v4+s6+$0x0] =	vst.idx.add.f32.msk $0xffff, v1  }
0x1ea: {  	v17 =	vshra.s32 v18, $0x15;
	v13 =	vadd.s32 $0x400, v8;
	v4 =	vadd.s32 $0x400, v10;
	[tilespmem:v16+s6+$0x0] =	vst.idx.add.f32.msk $0xffff, v1  }
.Ltmp5:
0x1eb: {  	v10 =	vshrl.u32 v5, $0xA;
	vm3 =	veq.s32 v4, v2;
	v11 =	vshra.s32 v9, $0x15;
	[tilespmem:v12+s6+$0x0] =	vst.idx.add.f32.msk $0xffff, v1;
	(pc) =	sbr.rel @p0 .LBB2_12-.Ltmp5, $4  }
0x1ec: {  	v4 =	vand.u32 $0x7FF, v15;
	v8 =	vshra.s32 v19, $0x15;
	v24 =	vshrl.u32 v9, $0xA;
	[tilespmem:v14+s6+$0x0] =	vst.idx.add.f32.msk $0xffff, v1  }
0x1ed: {  	v4 =	vnsel vm3, $0x800, v4;
	v12 =	vshrl.u32 v18, $0xA;
	v9 =	vshrl.u32 v19, $0xA;
	[tilespmem:v21+s6+$0x0] =	vst.idx.add.f32.msk $0xffff, v1  }
0x1ee: {  	v14 =	vadd.s32 $0x400, v17;
	v15 =	vand.u32 $0x7FF, v12;
	v12 =	vshrl.u32 v6, $0xA;
	[tilespmem:v20+s6+$0x0] =	vst.idx.add.f32.msk $0xffff, v1  }
0x1ef: {  	s1 =	sadd.s32 $0x80, s1;
	v16 =	vadd.s32 $0x400, v23;
	vm4 =	veq.s32 v14, v2;
	v14 =	vand.u32 $0x7FF, v24;
	[tilespmem:v22+s6+$0x0] =	vst.idx.add.f32.msk $0xffff, v1  }
0x1f0: {  	vm3 =	veq.s32 v16, v2;
	v5 =	vshra.s32 v5, $0x15;
	v15 =	vnsel vm4, $0x800, v15  }
0x1f1: {  	vm14 =	veq.s32 v13, v2;
	v11 =	vadd.s32 $0x400, v11;
	v58 =	vand.u32 $0x7FF, v10  }
0x1f2: {  	v6 =	vshra.s32 v6, $0x15;
	v8 =	vadd.s32 $0x400, v8;
	v7 =	vnsel vm3, $0x800, v7  }
0x1f3: {  	v5 =	vadd.s32 $0x400, v5;
	vm5 =	veq.s32 v11, v2;
	v3 =	vnsel vm14, $0x800, v3  }
0x1f4: {  	v6 =	vadd.s32 $0x400, v6;
	vm3 =	veq.s32 v5, v2;
	v59 =	vnsel vm5, $0x800, v14  }
0x1f5: {  	v61 =	vand.u32 $0x7FF, v12;
	[tilespmem:v4+s6+$0x0] =	vst.idx.add.f32.msk $0xffff, v1;
	vm15 =	veq.s32 v6, v2;
	v5 =	vnsel vm3, $0x800, v58  }
0x1f6: {  	v60 =	vand.u32 $0x7FF, v9;
	vm3 =	veq.s32 v8, v2;
	v63 =	vnsel vm15, $0x800, v61;
	[tilespmem:v15+s6+$0x0] =	vst.idx.add.f32.msk $0xffff, v1  }
0x1f7: {  	v62 =	vnsel vm3, $0x800, v60;
	[tilespmem:v7+s6+$0x0] =	vst.idx.add.f32.msk $0xffff, v1  }
0x1f8: {  	[tilespmem:v3+s6+$0x0] =	vst.idx.add.f32.msk $0xffff, v1  }
0x1f9: {  	[tilespmem:v59+s6+$0x0] =	vst.idx.add.f32.msk $0xffff, v1  }
0x1fa: {  	[tilespmem:v5+s6+$0x0] =	vst.idx.add.f32.msk $0xffff, v1  }
0x1fb: {  	[tilespmem:v63+s6+$0x0] =	vst.idx.add.f32.msk $0xffff, v1  }
0x1fc: {  	s0 =	simm.s32 $0x0;
	[tilespmem:v62+s6+$0x0] =	vst.idx.add.f32.msk $0xffff, v1  }
.LBB2_14:
0x1fd: {  	s1 =	sshra.s32 s0, $0x2  }
0x1fe: {  	v3 =	vld [tilespmem:s1+$0x16600];
	_ =	sdelay $0x4  }
0x1ff: {  	v4 =	vshra.s32 v3, $0x15  }
0x200: {  	v3 =	vshrl.u32 v3, $0xA;
	v4 =	vadd.s32 $0x400, v4  }
0x201: {  	v3 =	vand.u32 $0x7FF, v3;
	vm3 =	veq.s32 v4, v2  }
0x202: {  	p0 =	sne.s32 s0, $0x40;
	v3 =	vnsel vm3, $0x800, v3  }
.Ltmp6:
0x203: {  	_ = 	snop;
	(pc) =	sbr.rel @p0 .LBB2_14-.Ltmp6, $2  }
0x204: {  	_ =	sdelay $0x2  }
0x205: {  	s0 =	sadd.s32 $0x40, s0;
	[tilespmem:v3+s6+$0x0] =	vst.idx.add.f32.msk $0xffff, v1  }
0x206: {  	s0 =	scvt.f32.s32 s19;
	_ =	sdelay $0x1  }
0x207: {  	v2 =	vnsel vm0, $0x0, v2;
	s0 =	ssub.s32 s18, s0  }
0x208: {  	v2 =	vsel vm1, s0, v2  }
0x209: {  	v2 =	vsel vm2, s18, v2  }
0x20a: {  	s28 =	rddreg [dreg:$0x8];
	[tilespmem:$0x16F00] =	vst v2  }
0x20b: {  	[hbm4b:s28+s3] =	stream.strided.scatter [tilespmem:s6], [sflag:$0x1], $0x880, s4, s3, $0x38;
	[tilespmem:$0x16F80] =	vst v63  }
0x20c: {  	_ =	swait.ge [sflag:s2], $0x880  }
0x20d: {  	s1 =	simm.s32 $0x16F00;
	[sflag:s2] =	ssyncset.done $0x0  }
0x20e: {  	s6 =	simm.s32 $0x0;
	s29 =	rddreg [dreg:$0x9];
	[sflag:s2] =	ssyncadd.s32 $0xFFFFF780  }
0x20f: {  	[hbm4b:s29+s6] =	stream.linear.scatter [tilespmem:s1], [sflag:$0x1], $0x80, $0x38;
	[tilespmem:$0x16F80] =	vst v63  }
0x210: {  	_ =	swait.ge [sflag:s2], $0x80  }
0x211: {  	s30 =	rddreg [dreg:$0xb]  }
0x212: {  	s31 =	rddreg [dreg:$0xa];
	s1 =	sadd.s32 $0x1, s30  }
0x213: {  	p0 =	sne.s32 s1, s31  }
.Ltmp7:
0x214: {  	_ = 	snop;
	(pc) =	sbr.rel @p0 .LBB2_1-.Ltmp7, $3  }
0x215: {  	_ =	sdelay $0x1  }
0x216: {  	[sflag:s2] =	ssyncset.done $0x0  }
0x217: {  	[sflag:s2] =	ssyncadd.s32 $0xFFFFFF80  }
0x218: {  	_ =	sfence.sel $0x180000  }
0x219: {  	[bflag:$0x0] =	sbarrier.arrive $0xFFFF  }
0x21a: {  	_ =	strace $0x9000004A  }
0x21b: {  	s0 =	stileid.u32;
	[bflag:$0x2] =	sbarrier.arrive $0xFFFF  }
0x21c: {  	p0 =	sne.s32 s0, $0x0;
	s0 =	rddreg [dreg:$0x1]  }
0x21d: {  	s0 =	sadd.s32 @!p0 $0x100000, s0  }
0x21e: {  	[sflag:s0] =	ssyncadd.tile.s32 @!p0 $0x1;
	_ =	shalt  }
.Lfunc_end2:
_tile_overlayer_lowered:
.L_overlay_start_2:
0x21f: {  	(tag) =	ssettag $0x2  }
0x220: {  	s0 =	rddreg [dreg:$0x0];
	s2 =	stileid.u32  }
0x221: {  	s1 =	rddreg [dreg:$0x1];
	p0 =	sne.s32 s2, $0x0  }
0x222: {  	s3 =	rddreg [dreg:$0x2];
	[bflag:$0x3] =	sbarrier.arrive $0xFFFF;
	s2 =	simm.s32 @!p0 $0x1C01  }
0x223: {  	[timem:s3], [sflag:s2] =	dma.local @!p0 [hbm:s0], s1  }
0x224: {  	s0 =	simm.s32 @!p0 $0x1  }
0x225: {  	_ =	swait.ge @!p0 [sflag:s0], s1  }
0x226: {  	s1 =	ssub.s32 @!p0 $0x0, s1;
	[sflag:s0] =	ssyncset.done @!p0 $0x0  }
0x227: {  	[sflag:s0] =	ssyncadd.s32 @!p0 s1  }
0x228: {  	[bflag:$0x3] =	sbarrier.arrive $0xFFFF  }
0x229: {  	_ =	shalt  }

// kernel: kernel.13.cloned.1.call-start
scs
__scs_entry_jumppad:
0x0: {  	(pc) =	sbr.rel $0x88, $3  }
0x1: {  	(tag) =	ssettag $0x0;
	lr =	simm.s32 $0x1  }
0x2: {  	[smem:$0x3F9E] =	sst lr;
	_ =	strace $0xD0000000  }
0x3: {  	_ = 	snop  }
0x4: {  	_ = 	snop  }
0x5: {  	_ = 	snop  }
0x6: {  	_ = 	snop  }
0x7: {  	_ = 	snop  }
__scs_overlays_trampoline_lowered:
0x8: {  	[smem:$0x3FAD] =	sst s0  }
0x9: {  	[smem:$0x3FAE] =	sst s1  }
0xa: {  	[smem:$0x3FAF] =	sst s2  }
0xb: {  	[smem:$0x3FB0] =	sst s3  }
0xc: {  	[smem:$0x3FB1] =	sst s4  }
0xd: {  	[smem:$0x3FB2] =	sst s5  }
0xe: {  	[smem:$0x3FB3] =	sst s6  }
0xf: {  	[smem:$0x3FB4] =	sst s7  }
0x10: {  	[smem:$0x3FB5] =	sst s8  }
0x11: {  	[smem:$0x3FB6] =	sst s9;
	s0 =	simm.s32 @!p0 $0x0  }
0x12: {  	s1 =	sld [smem:$0x3F9C];
	s0 =	simm.s32 @p0 $0x1  }
0x13: {  	[smem:$0x3FB7] =	sst s0;
	s0 =	simm.s32 @!p1 $0x0  }
0x14: {  	s2 =	sld [smem:$0x3F9B];
	s0 =	simm.s32 @p1 $0x1  }
0x15: {  	[smem:$0x3FB8] =	sst s0;
	s0 =	simm.s32 @!p2 $0x0  }
0x16: {  	s3 =	sld [smem:$0x3FDB];
	s0 =	simm.s32 @p2 $0x1  }
0x17: {  	s4 =	simm.s32 $0x1BF5;
	[smem:$0x3FBA] =	sst s0  }
0x18: {  	s0 =	sld [smem:$0x3F9D];
	_ =	swait.ge [sflag:s4], $0x0  }
0x19: {  	s7 =	sld [smem:$0x3F9E]  }
0x1a: {  	s8 =	sadd.s32 $0xFFFFE003, lr  }
0x1b: {  	s9 =	sadd.s32 $0xFFFFFEF7, lr;
	s5 =	simm.s32 $0xFFFFFFFF;
	p2 =	slt.u32 s8, $0xFFFFF086  }
0x1c: {  	p1 =	slt.u32 s9, $0xF7A;
	s5 =	simm.s32 @!p2 $0x0  }
0x1d: {  	s5 =	simm.s32 @p1 $0x1;
	p0 =	seq.s32 s7, s2  }
0x1e: {  	s7 =	smul.u32 @!p0 $0xF7A, s2;
	p2 =	seq.s32 @!p0 s5, $0x0  }
0x1f: {  	s9 =	smul.u32 $0xF7A, s1;
	s8 =	simm.s32 @!p0 $0x1BF5;
	p2 =	por !p2, p0  }
0x20: {  	[sflag:s8] =	ssyncset.s32 @!p0 $0xFFFFF086;
	s6 =	sadd.s32 @!p0 s3, s7;
	s7 =	simm.s32 @!p0 $0x108  }
0x21: {  	s3 =	sadd.s32 s3, s9;
	s6 =	sadd.s32 @!p0 $0x88, s6;
	s7 =	simm.s32 @p2 $0x1082  }
0x22: {  	[simem:s7], [sflag:s8] =	dma.local @!p0 [hbm:s6], $0xF7A  }
0x23: {  	s9 =	sor.u32 $0xD0000000, s2;
	s6 =	simm.s32 $0x108;
	_ =	swait.ge @!p0 [sflag:s8], $0x0  }
0x24: {  	s3 =	sadd.s32 $0x88, s3;
	s6 =	simm.s32 @!p1 $0x1082;
	[sflag:s4] =	ssyncset.s32 $0xFFFFF086  }
0x25: {  	[simem:s6], [sflag:s4] =	dma.local [hbm:s3], $0xF7A  }
0x26: {  	[smem:$0x3F9E] =	sst s1;
	(tag) =	ssettag s2;
	_ =	strace s9  }
0x27: {  	s1 =	sld [smem:$0x3FAE]  }
0x28: {  	s2 =	sld [smem:$0x3FAF]  }
0x29: {  	s4 =	sld [smem:$0x3FB1]  }
0x2a: {  	p0 =	seq.s32 s5, $0x0;
	s5 =	sld [smem:$0x3FB2]  }
0x2b: {  	s6 =	sld [smem:$0x3FB3]  }
0x2c: {  	s7 =	sld [smem:$0x3FB4]  }
0x2d: {  	s3 =	simm.s32 $0x108;
	s8 =	sld [smem:$0x3FB5]  }
0x2e: {  	s3 =	simm.s32 @!p0 $0x1082;
	s9 =	sld [smem:$0x3FB6]  }
0x2f: {  	lr =	sadd.s32 s0, s3;
	s0 =	sld [smem:$0x3FAD]  }
0x30: {  	s3 =	sld [smem:$0x3FB0]  }
0x31: {  	[smem:$0x3FB9] =	sst s10  }
0x32: {  	s10 =	sld [smem:$0x3FB7];
	_ =	sdelay $0x3  }
0x33: {  	p0 =	seq.s32 s10, $0x1;
	s10 =	sld [smem:$0x3FB9];
	_ =	sdelay $0x3  }
0x34: {  	[smem:$0x3FB9] =	sst s10  }
0x35: {  	s10 =	sld [smem:$0x3FB8];
	_ =	sdelay $0x3  }
0x36: {  	p1 =	seq.s32 s10, $0x1;
	s10 =	sld [smem:$0x3FB9];
	_ =	sdelay $0x3  }
0x37: {  	[smem:$0x3FB9] =	sst s10  }
0x38: {  	s10 =	sld [smem:$0x3FBA]  }
0x39: {  	_ = 	snop;
	(pc) =	sbr.ind lr, $3  }
0x3a: {  	_ = 	snop  }
0x3b: {  	_ = 	snop  }
0x3c: {  	p2 =	seq.s32 s10, $0x1;
	s10 =	sld [smem:$0x3FB9]  }
0x3d: {  	_ =	shalt  }
0x3e: {  	_ =	shalt  }
0x3f: {  	_ =	shalt  }
0x40: {  	_ =	shalt  }
0x41: {  	_ =	shalt  }
0x42: {  	_ =	shalt  }
0x43: {  	_ =	shalt  }
0x44: {  	_ =	shalt  }
0x45: {  	_ =	shalt  }
0x46: {  	_ =	shalt  }
0x47: {  	_ =	shalt  }
0x48: {  	_ =	shalt  }
0x49: {  	_ =	shalt  }
0x4a: {  	_ =	shalt  }
0x4b: {  	_ =	shalt  }
0x4c: {  	_ =	shalt  }
0x4d: {  	_ =	shalt  }
0x4e: {  	_ =	shalt  }
0x4f: {  	_ =	shalt  }
0x50: {  	_ =	shalt  }
0x51: {  	_ =	shalt  }
0x52: {  	_ =	shalt  }
0x53: {  	_ =	shalt  }
0x54: {  	_ =	shalt  }
0x55: {  	_ =	shalt  }
0x56: {  	_ =	shalt  }
0x57: {  	_ =	shalt  }
0x58: {  	_ =	shalt  }
0x59: {  	_ =	shalt  }
0x5a: {  	_ =	shalt  }
0x5b: {  	_ =	shalt  }
0x5c: {  	_ =	shalt  }
0x5d: {  	_ =	shalt  }
0x5e: {  	_ =	shalt  }
0x5f: {  	_ =	shalt  }
0x60: {  	_ =	shalt  }
0x61: {  	_ =	shalt  }
0x62: {  	_ =	shalt  }
0x63: {  	_ =	shalt  }
0x64: {  	_ =	shalt  }
0x65: {  	_ =	shalt  }
0x66: {  	_ =	shalt  }
0x67: {  	_ =	shalt  }
0x68: {  	_ =	shalt  }
0x69: {  	_ =	shalt  }
0x6a: {  	_ =	shalt  }
0x6b: {  	_ =	shalt  }
0x6c: {  	_ =	shalt  }
0x6d: {  	_ =	shalt  }
0x6e: {  	_ =	shalt  }
0x6f: {  	_ =	shalt  }
0x70: {  	_ =	shalt  }
0x71: {  	_ =	shalt  }
0x72: {  	_ =	shalt  }
0x73: {  	_ =	shalt  }
0x74: {  	_ =	shalt  }
0x75: {  	_ =	shalt  }
0x76: {  	_ =	shalt  }
0x77: {  	_ =	shalt  }
0x78: {  	_ =	shalt  }
0x79: {  	_ =	shalt  }
0x7a: {  	_ =	shalt  }
0x7b: {  	_ =	shalt  }
0x7c: {  	_ =	shalt  }
0x7d: {  	_ =	shalt  }
0x7e: {  	_ =	shalt  }
0x7f: {  	_ =	shalt  }
0x80: {  	_ =	shalt  }
0x81: {  	_ =	shalt  }
0x82: {  	_ =	shalt  }
0x83: {  	_ =	shalt  }
0x84: {  	_ =	shalt  }
0x85: {  	_ =	shalt  }
0x86: {  	_ =	shalt  }
0x87: {  	_ =	shalt  }
.Lfunc_end0:
.L_simem_size_0:
called_computation.2_lowered:
.L_overlay_start_0:
0x88: {  	s2 =	sld [smem:$0x3FD9]  }
0x89: {  	s3 =	sld [smem:$0x3FFE];
	_ =	sdelay $0x1  }
0x8a: {  	s1 =	srdreg.scid  }
0x8b: {  	s0 =	sand.u32 $0x1, s1  }
0x8c: {  	s16 =	sshll.u32 s0, $0xA;
	s2 =	sadd.s32 s3, s2  }
0x8d: {  	s2 =	sadd.s32 s2, s16  }
0x8e: {  	[smem:$0x3FC5] =	sst s2  }
0x8f: {  	_ = 	snop  }
0x90: {  	(tm) =	ssettm $0x1  }
0x91: {  	s17 =	sld [smem:$0x3FFB];
	_ =	sdelay $0x3  }
0x92: {  	_ =	strace s17  }
0x93: {  	s2 =	sld [smem:$0x3FFC];
	_ =	sdelay $0x3  }
0x94: {  	_ =	strace s2  }
0x95: {  	s2 =	sld [smem:$0x3FFD];
	_ =	sdelay $0x3  }
0x96: {  	_ =	strace s2  }
0x97: {  	_ =	strace $0x8FFFFFFF  }
0x98: {  	s18 =	sld [smem:$0x3FDB];
	_ =	sdelay $0x1  }
0x99: {  	s19 =	simm.s32 $_scs_section_size  }
0x9a: {  	s4 =	simm.s32 $_size__tile_overlayer_lowered;
	s5 =	simm.s32 $_tile_overlayer_lowered  }
0x9b: {  	s22 =	simm.s32 $0x1BFF;
	s21 =	sshll.u32 s5, $0x1;
	s2 =	sadd.s32 s19, s18  }
0x9c: {  	s6 =	simm.s32 $0x0;
	s20 =	sshll.u32 s4, $0x1;
	s4 =	sadd.s32 s21, s2  }
0x9d: {  	[timem:s6], [sflag:s22] =	dma.local [hbm:s4], s20  }
0x9e: {  	_ =	swait.ge [sflag:s22], s20  }
0x9f: {  	s3 =	ssub.s32 $0x0, s20;
	[sflag:s22] =	ssyncset.done $0x0  }
0xa0: {  	[sflag:s22] =	ssyncadd.s32 s3;
	_ =	sdelay $0x1  }
0xa1: {  	s23 =	simm.s32 $0x1B8B  }
0xa2: {  	_ =	swait.ge [sflag:s23], $0x1  }
0xa3: {  	[sflag:s23] =	ssyncset.done $0x0  }
0xa4: {  	s25 =	simm.s32 $0x1B8E;
	s24 =	sld [smem:$0x3FFE];
	[sflag:s23] =	ssyncadd.s32 $0xFFFFFFFF  }
0xa5: {  	s26 =	simm.s32 $execute0_lowered;
	[smem:$0x3FD2] =	sst s25  }
0xa6: {  	s4 =	sshll.u32 s26, $0x1;
	_ =	strace $0x8000004C;
	[dreg:$0x1] =	wrdreg $0xFFFFFFFF  }
0xa7: {  	s28 =	simm.s32 $_size_execute0_lowered;
	s2 =	sadd.s32 s2, s4;
	[dreg:$0x0] =	wrdreg $0x0  }
0xa8: {  	s4 =	sshll.u32 s28, $0x1;
	[dreg:$0x2] =	wrdreg s2  }
0xa9: {  	[dreg:$0x3] =	wrdreg s4  }
0xaa: {  	[dreg:$0x4] =	wrdreg $0xC0  }
0xab: {  	_ =	task [dreg:s6], $0x5FFFF  }
0xac: {  	[dreg:$0x1] =	wrdreg $0xFFFFFFFF  }
0xad: {  	[dreg:$0x0] =	wrdreg $0x60  }
0xae: {  	[dreg:$0x2] =	wrdreg s24  }
0xaf: {  	[dreg:$0x3] =	wrdreg $0x9  }
0xb0: {  	_ =	task.clear_ibuf [dreg:s6], $0x4FFFF;
	_ =	strace $0x9000004C  }
0xb1: {  	s29 =	simm.s32 $0x9;
	_ =	strace $0x8000004E  }
0xb2: {  	_ =	swait.ge [sflag:s29], $0x1  }
0xb3: {  	[sflag:s29] =	ssyncadd.s32 $0xFFFFFFFF  }
0xb4: {  	_ =	strace $0x9000004E  }
0xb5: {  	_ =	sfence  }
0xb6: {  	s30 =	sld [smem:$0x0];
	_ =	sdelay $0x2  }
0xb7: {  	s31 =	sshll.u32 s1, $0xD;
	s1 =	sshrl.u32 s1, $0x2  }
0xb8: {  	s3 =	sand.u32 $0x4000, s31;
	s1 =	sadd.s32 s1, s30  }
0xb9: {  	s0 =	sor.u32 s3, s0;
	s1 =	sshll.u32 s1, $0x11  }
0xba: {  	s0 =	sor.u32 s1, s0  }
0xbb: {  	s0 =	sadd.s32 $0x8F2B, s0  }
0xbc: {  	[sflag:s0] =	ssyncadd.remote.s32 $0x1  }
0xbd: {  	_ =	sfence.sel $0xFFFF  }
0xbe: {  	[dreg:$0x0] =	wrdreg $0xFFFFFFFF;
	(pc) =	sbr.abs _section_cstart, $3  }
0xbf: {  	[dreg:$0x1] =	wrdreg $0xFFFFFFFF  }
0xc0: {  	_ =	task.clear_ibuf [dreg:s6], $0x2FFFF;
	_ =	strace $0x9FFFFFFF  }
0xc1: {  	(tm) =	ssettm $0x7FFFFFFF  }
tec
execute0_lowered:
.L_overlay_start_1:
0x0: {  	(tag) =	ssettag $0x1  }
0x1: {  	s0 =	rddreg [dreg:$0x0];
	s1 =	srdreg.scid  }
0x2: {  	s5 =	stileid.u32;
	s6 =	simm.s32 $0x0;
	s1 =	sand.u32 $0x1, s1  }
0x3: {  	s2 =	sshll.u32 s5, $0x1;
	[smem:$0x7FF] =	sst s6;
	s3 =	sshrl.u32 s5, $0x1  }
0x4: {  	s7 =	sadd.s32 $0x2DE00, s0;
	s5 =	sshrl.u32 s5, $0x2;
	s25 =	sadd.s32 $0x2BC00, s0  }
0x5: {  	_ =	strace $0x8000004D;
	s3 =	smul.u32 $0x27400, s3;
	[dreg:$0x4] =	wrdreg s7  }
0x6: {  	s2 =	sor.u32 s1, s2;
	s24 =	smul.u32 $0x2400, s5;
	[dreg:$0x5] =	wrdreg s25  }
0x7: {  	s5 =	sshll.u32 s5, $0xA;
	s1 =	ssub.s32 $0x2, s1;
	s4 =	sshll.u32 s2, $0x8  }
0x8: {  	s2 =	sshll.u32 s2, $0x7;
	s26 =	sshrl.u32 s1, $0x1;
	s4 =	sand.u32 $0x300, s4  }
0x9: {  	s2 =	sand.u32 $0x380, s2;
	s1 =	ssub.s32 s1, s26;
	s3 =	sor.u32 s3, s4  }
0xa: {  	s4 =	sor.u32 s24, s2;
	s2 =	sor.u32 s5, s2;
	s3 =	sshrl.u32 s3, $0x3  }
0xb: {  	s31 =	smax.u32 s1, $0x1;
	s4 =	sshrl.u32 s4, $0x3;
	s3 =	sadd.s32 s3, s0  }
0xc: {  	s2 =	sshrl.u32 s2, $0x3;
	[dreg:$0xa] =	wrdreg s31;
	s28 =	sadd.s32 $0x4600, s3  }
0xd: {  	s4 =	sadd.s32 s4, s0;
	s29 =	sadd.s32 $0x4610, s3;
	[dreg:$0x6] =	wrdreg s28  }
0xe: {  	s0 =	sadd.s32 s2, s0;
	s30 =	sadd.s32 $0x2400, s4;
	[dreg:$0x7] =	wrdreg s29  }
0xf: {  	v0 =	vimm.f32 $0.0e+00;
	v1 =	vimm.f32 $1.000000000e+00;
	s0 =	sadd.s32 $0x3600, s0;
	[dreg:$0x8] =	wrdreg s30  }
0x10: {  	vm0 =	vcmask $0x300;
	vm1 =	vcmask $0x704;
	vm2 =	vcmask $0xB10;
	s1 =	simm.s32 $0x0;
	s3 =	simm.s32 $0x1;
	[dreg:$0x9] =	wrdreg s0  }
.LBB2_1:
0x11: {  	[dreg:$0xb] =	wrdreg s1  }
0x12: {  	s0 =	rddreg [dreg:$0x5]  }
0x13: {  	[tilespmem:s6], [sflag:$0x1] =	stream.linear.gather [hbm4b:s0+s6], $0x11000, $0x38;
	[tilespmem:$0x16C00] =	vst v63  }
0x14: {  	_ =	swait.ge [sflag:s3], $0x11000  }
0x15: {  	[sflag:s3] =	ssyncset.done $0x0  }
0x16: {  	s13 =	simm.s32 $0x11800;
	s12 =	rddreg [dreg:$0x4];
	[sflag:s3] =	ssyncadd.s32 $0xFFFEF000  }
0x17: {  	[tilespmem:s13], [sflag:$0x1] =	stream.linear.gather [hbm4b:s12+s6], $0x80, $0x38;
	[tilespmem:$0x16C00] =	vst v63  }
0x18: {  	s18 =	sand.u32 $0x60, s6;
	_ =	swait.ge [sflag:s3], $0x80  }
0x19: {  	s20 =	sand.u32 $0x3C00, s6;
	s19 =	sor.u32 $0x10, s18;
	[sflag:s3] =	ssyncset.done $0x0  }
0x1a: {  	s2 =	sor.u32 s19, s20;
	[sflag:s3] =	ssyncadd.s32 $0xFFFFFF80  }
0x1b: {  	v2 =	vld [tilespmem:s2+$0x80];
	_ =	sdelay $0x4  }
0x1c: {  	v10 =	vld [tilespmem:s2+$0x0];
	[tilespmem:$0x1FF70] =	vst v2  }
0x1d: {  	v2 =	vld [tilespmem:s2+$0x100];
	_ =	sdelay $0x4  }
0x1e: {  	[tilespmem:$0x1FF80] =	vst v2  }
0x1f: {  	v2 =	vld [tilespmem:s2+$0x200];
	_ =	sdelay $0x4  }
0x20: {  	v11 =	vld [tilespmem:s2+$0x180];
	[tilespmem:$0x1FF90] =	vst v2  }
0x21: {  	v12 =	vld [tilespmem:s2+$0x280]  }
0x22: {  	s0 =	sadd.s32 $0x4400, s20;
	v13 =	vld [tilespmem:s2+$0x300]  }
0x23: {  	s1 =	sadd.s32 $0x4480, s20;
	s14 =	sor.u32 s19, s0;
	v14 =	vld [tilespmem:s2+$0x380]  }
0x24: {  	s4 =	sor.u32 s19, s1;
	s3 =	sadd.s32 $0x4580, s20;
	v15 =	vld [tilespmem:s14+$0x0]  }
0x25: {  	s6 =	sadd.s32 $0x4700, s20;
	s15 =	sor.u32 s19, s3;
	v16 =	vld [tilespmem:s4+$0x0]  }
0x26: {  	s13 =	sadd.s32 $0x8A00, s20;
	s9 =	sor.u32 s19, s6;
	v19 =	vld [tilespmem:s15+$0x0]  }
0x27: {  	s21 =	sor.u32 s19, s13;
	v22 =	vld [tilespmem:s9+$0x0]  }
0x28: {  	s0 =	sor.u32 s18, s0;
	v34 =	vld [tilespmem:s21+$0x0]  }
0x29: {  	s1 =	sor.u32 s18, s1;
	v20 =	vld [tilespmem:s0+$0x0]  }
0x2a: {  	s3 =	sor.u32 s18, s3;
	v23 =	vld [tilespmem:s1+$0x0]  }
0x2b: {  	s6 =	sor.u32 s18, s6;
	v46 =	vld [tilespmem:s3+$0x0]  }
0x2c: {  	s13 =	sor.u32 s18, s13;
	s2 =	sadd.s32 $0x4500, s20;
	v48 =	vld [tilespmem:s6+$0x0]  }
0x2d: {  	s4 =	sadd.s32 $0x4600, s20;
	v28 =	vld [tilespmem:s13+$0x0];
	s5 =	sor.u32 s19, s2  }
0x2e: {  	s9 =	sadd.s32 $0x8880, s20;
	s7 =	sor.u32 s19, s4;
	v17 =	vld [tilespmem:s5+$0x0]  }
0x2f: {  	s14 =	sadd.s32 $0x8A80, s20;
	s12 =	sor.u32 s19, s9;
	v18 =	vld [tilespmem:s7+$0x0]  }
0x30: {  	s15 =	sadd.s32 $0x8B00, s20;
	s22 =	sor.u32 s19, s14;
	v31 =	vld [tilespmem:s12+$0x0]  }
0x31: {  	s21 =	sadd.s32 $0xCC80, s20;
	s23 =	sor.u32 s19, s15;
	v35 =	vld [tilespmem:s22+$0x0]  }
0x32: {  	s26 =	sor.u32 s19, s21;
	v36 =	vld [tilespmem:s23+$0x0]  }
0x33: {  	s2 =	sor.u32 s18, s2;
	v39 =	vld [tilespmem:s26+$0x0]  }
0x34: {  	s4 =	sor.u32 s18, s4;
	v24 =	vld [tilespmem:s2+$0x0]  }
0x35: {  	s9 =	sor.u32 s18, s9;
	v25 =	vld [tilespmem:s4+$0x0]  }
0x36: {  	s14 =	sor.u32 s18, s14;
	v51 =	vld [tilespmem:s9+$0x0]  }
0x37: {  	s15 =	sor.u32 s18, s15;
	v53 =	vld [tilespmem:s14+$0x0]  }
0x38: {  	s21 =	sor.u32 s18, s21;
	v54 =	vld [tilespmem:s15+$0x0]  }
0x39: {  	v57 =	vld [tilespmem:s21+$0x0];
	s4 =	sor.u32 s18, s20  }
0x3a: {  	v63 =	vld [tilespmem:s4+$0x0]  }
0x3b: {  	v8 =	vld [tilespmem:s4+$0x80]  }
0x3c: {  	v7 =	vld [tilespmem:s4+$0x100]  }
0x3d: {  	v6 =	vld [tilespmem:s4+$0x180]  }
0x3e: {  	v9 =	vld [tilespmem:s4+$0x200]  }
0x3f: {  	v5 =	vld [tilespmem:s4+$0x280]  }
0x40: {  	s5 =	sadd.s32 $0x4680, s20;
	v4 =	vld [tilespmem:s4+$0x300]  }
0x41: {  	s7 =	sadd.s32 $0x4780, s20;
	s8 =	sor.u32 s19, s5;
	v3 =	vld [tilespmem:s4+$0x380]  }
0x42: {  	s22 =	sadd.s32 $0xCD00, s20;
	s10 =	sor.u32 s19, s7;
	v21 =	vld [tilespmem:s8+$0x0]  }
0x43: {  	s23 =	sadd.s32 $0xCD80, s20;
	s28 =	sor.u32 s19, s22;
	v30 =	vld [tilespmem:s10+$0x0]  }
0x44: {  	s29 =	sor.u32 s19, s23;
	v40 =	vld [tilespmem:s28+$0x0]  }
0x45: {  	s5 =	sor.u32 s18, s5;
	v41 =	vld [tilespmem:s29+$0x0]  }
0x46: {  	s12 =	sadd.s32 $0xCF00, s20;
	s7 =	sor.u32 s18, s7;
	v47 =	vld [tilespmem:s5+$0x0]  }
0x47: {  	s2 =	sor.u32 s18, s12;
	v49 =	vld [tilespmem:s7+$0x0]  }
0x48: {  	s28 =	sor.u32 s19, s12;
	v61 =	vld [tilespmem:s2+$0x0]  }
0x49: {  	s8 =	sadd.s32 $0x8800, s20;
	s29 =	sor.u32 s18, s23;
	v44 =	vld [tilespmem:s28+$0x0]  }
0x4a: {  	s10 =	sadd.s32 $0x8900, s20;
	s11 =	sor.u32 s19, s8;
	v59 =	vld [tilespmem:s29+$0x0]  }
0x4b: {  	s16 =	sor.u32 s19, s10;
	v26 =	vld [tilespmem:s11+$0x0]  }
0x4c: {  	s8 =	sor.u32 s18, s8;
	s11 =	sadd.s32 $0x8980, s20;
	v32 =	vld [tilespmem:s16+$0x0]  }
0x4d: {  	v50 =	vld [tilespmem:s8+$0x0];
	s17 =	sor.u32 s19, s11  }
0x4e: {  	s21 =	simm.s32 $0x20;
	s10 =	sor.u32 s18, s10;
	v33 =	vld [tilespmem:s17+$0x0];
	s17 =	sadd.s32 $0xCC00, s20  }
0x4f: {  	s28 =	sor.u32 s18, s22;
	s16 =	sadd.s32 $0x8B80, s20;
	v27 =	vld [tilespmem:s10+$0x0];
	s25 =	sor.u32 s19, s17  }
0x50: {  	s24 =	sor.u32 s19, s16;
	s11 =	sor.u32 s18, s11;
	v38 =	vld [tilespmem:s25+$0x0];
	s25 =	sadd.s32 $0xCE80, s20  }
0x51: {  	s16 =	sor.u32 s18, s16;
	v37 =	vld [tilespmem:s24+$0x0];
	s24 =	sadd.s32 $0xCE00, s20;
	s26 =	sor.u32 s19, s25  }
0x52: {  	s30 =	sor.u32 s19, s24;
	s17 =	sor.u32 s18, s17;
	v43 =	vld [tilespmem:s26+$0x0];
	s26 =	sadd.s32 $0xCF80, s20  }
0x53: {  	v42 =	vld [tilespmem:s30+$0x0];
	s30 =	sor.u32 s18, s24;
	s20 =	sand.u32 $0x60, s21;
	s31 =	sor.u32 s19, s26  }
0x54: {  	s3 =	sor.u32 s18, s26;
	v45 =	vld [tilespmem:s31+$0x0];
	s31 =	sor.u32 s18, s25;
	s18 =	simm.s32 $0x100  }
0x55: {  	v58 =	vld [tilespmem:s28+$0x0];
	s22 =	sor.u32 $0x10, s20;
	s23 =	sand.u32 $0x3C00, s18  }
0x56: {  	v52 =	vld [tilespmem:s11+$0x0];
	s5 =	sor.u32 s22, s23  }
0x57: {  	v2 =	vld [tilespmem:s5+$0x0]  }
0x58: {  	v55 =	vld [tilespmem:s16+$0x0]  }
0x59: {  	v56 =	vld [tilespmem:s17+$0x0]  }
0x5a: {  	v29 =	vld [tilespmem:s30+$0x0]  }
0x5b: {  	v62 =	vld [tilespmem:s3+$0x0]  }
0x5c: {  	v60 =	vld [tilespmem:s31+$0x0];
	[tilespmem:$0x1FFA0] =	vst v2  }
0x5d: {  	v2 =	vld [tilespmem:s5+$0x80];
	_ =	sdelay $0x4  }
0x5e: {  	[tilespmem:$0x1FFB0] =	vst v2  }
0x5f: {  	v2 =	vld [tilespmem:s5+$0x100];
	_ =	sdelay $0x4  }
0x60: {  	[tilespmem:$0x1FFC0] =	vst v2  }
0x61: {  	v2 =	vld [tilespmem:s5+$0x180];
	_ =	sdelay $0x1  }
0x62: {  	v20 =	vadd.f32 v23, v20;
	v46 =	vadd.f32 v46, v24  }
0x63: {  	v28 =	vadd.f32 v53, v28;
	v8 =	vadd.f32 v8, v63  }
0x64: {  	v6 =	vadd.f32 v6, v7;
	v5 =	vadd.f32 v5, v9  }
0x65: {  	v3 =	vadd.f32 v3, v4;
	v25 =	vadd.f32 v47, v25;
	[tilespmem:$0x1FFD0] =	vst v2  }
0x66: {  	v48 =	vadd.f32 v49, v48;
	v20 =	vadd.f32 v46, v20;
	v2 =	vld [tilespmem:s5+$0x200]  }
0x67: {  	v6 =	vadd.f32 v6, v8;
	v3 =	vadd.f32 v3, v5  }
0x68: {  	v26 =	vadd.f32 v31, v26;
	v49 =	vadd.f32 v51, v50  }
0x69: {  	v25 =	vadd.f32 v48, v25;
	v3 =	vadd.f32 v3, v6  }
0x6a: {  	v31 =	vadd.f32 v33, v32;
	v32 =	vadd.f32 v35, v34  }
0x6b: {  	v33 =	vadd.f32 v37, v36;
	v27 =	vadd.f32 v52, v27;
	[tilespmem:$0x1FFE0] =	vst v2;
	v2 =	vld [tilespmem:$0x1FF70]  }
0x6c: {  	v51 =	vadd.f32 v55, v54;
	v55 =	vadd.f32 v59, v58  }
0x6d: {  	v27 =	vadd.f32 v27, v49;
	v53 =	vadd.f32 v57, v56  }
0x6e: {  	v58 =	vadd.f32 v62, v61;
	v29 =	vadd.f32 v60, v29  }
0x6f: {  	v28 =	vadd.f32 v51, v28;
	v9 =	vadd.f32 v55, v53  }
0x70: {  	v29 =	vadd.f32 v58, v29;
	v2 =	vadd.f32 v2, v10;
	v10 =	vld [tilespmem:$0x1FF80]  }
0x71: {  	v35 =	vadd.f32 v41, v40;
	v8 =	vadd.f32 v25, v20  }
0x72: {  	v61 =	vadd.f32 v28, v27;
	v9 =	vadd.f32 v29, v9  }
0x73: {  	v34 =	vadd.f32 v39, v38;
	v3 =	vadd.f32 v8, v3  }
0x74: {  	v36 =	vadd.f32 v43, v42;
	v9 =	vadd.f32 v9, v61  }
0x75: {  	v40 =	vadd.f32 v45, v44;
	v11 =	vadd.f32 v11, v10;
	v10 =	vld [tilespmem:s5+$0x280]  }
0x76: {  	v9 =	vadd.f32 v9, v3;
	v3 =	vld [tilespmem:$0x1FFA0]  }
0x77: {  	v43 =	vadd.f32 v35, v34;
	v44 =	vadd.f32 v40, v36;
	v29 =	vld [tilespmem:$0x1FFB0]  }
0x78: {  	v35 =	vld [tilespmem:$0x1FFC0]  }
0x79: {  	v45 =	vadd.f32 v44, v43;
	v44 =	vld [tilespmem:$0x1FFE0]  }
0x7a: {  	s0 =	sadd.s32 $0x4400, s23;
	[tilespmem:$0x1FFF0] =	vst v10;
	v10 =	vld [tilespmem:$0x1FF90]  }
0x7b: {  	v17 =	vadd.f32 v19, v17;
	s1 =	sadd.s32 $0x4480, s23;
	s6 =	sor.u32 s22, s0;
	v19 =	vld [tilespmem:s5+$0x380]  }
0x7c: {  	v30 =	vadd.f32 v30, v22;
	s11 =	sadd.s32 $0x4500, s23;
	s7 =	sor.u32 s22, s1;
	v22 =	vld [tilespmem:s6+$0x0]  }
0x7d: {  	v15 =	vadd.f32 v16, v15;
	s3 =	sadd.s32 $0x4600, s23;
	s8 =	sor.u32 s22, s11;
	v16 =	vld [tilespmem:s7+$0x0]  }
0x7e: {  	v21 =	vadd.f32 v21, v18;
	s4 =	sadd.s32 $0x4680, s23;
	s10 =	sor.u32 s22, s3;
	v18 =	vld [tilespmem:s8+$0x0]  }
0x7f: {  	s2 =	sadd.s32 $0x8980, s23;
	s12 =	sor.u32 s22, s4;
	v38 =	vld [tilespmem:s10+$0x0]  }
0x80: {  	s25 =	sor.u32 s22, s2;
	v2 =	vadd.f32 v11, v2;
	v11 =	vld [tilespmem:s12+$0x0]  }
0x81: {  	s0 =	sor.u32 s20, s0;
	s7 =	sadd.s32 $0x8800, s23;
	v24 =	vld [tilespmem:s25+$0x0]  }
0x82: {  	s12 =	sadd.s32 $0x8A00, s23;
	v62 =	vld [tilespmem:s0+$0x0];
	s15 =	sor.u32 s22, s7  }
0x83: {  	v42 =	vadd.f32 v33, v32;
	s10 =	sadd.s32 $0x8B80, s23;
	s26 =	sor.u32 s22, s12;
	v33 =	vld [tilespmem:s15+$0x0]  }
0x84: {  	s30 =	sor.u32 s22, s10;
	v32 =	vld [tilespmem:s26+$0x0]  }
0x85: {  	s16 =	sadd.s32 $0x4580, s23;
	v52 =	vld [tilespmem:s30+$0x0]  }
0x86: {  	s9 =	sor.u32 s22, s16;
	v10 =	vadd.f32 v12, v10;
	v12 =	vadd.f32 v14, v13;
	v14 =	vld [tilespmem:s5+$0x300];
	s5 =	sadd.s32 $0x4700, s23  }
0x87: {  	s6 =	sadd.s32 $0x4780, s23;
	v13 =	vld [tilespmem:s9+$0x0];
	s13 =	sor.u32 s22, s5  }
0x88: {  	s14 =	sor.u32 s22, s6;
	s9 =	sadd.s32 $0x8900, s23;
	v10 =	vadd.f32 v12, v10;
	v12 =	vadd.f32 v17, v15;
	v17 =	vld [tilespmem:s13+$0x0]  }
0x89: {  	s8 =	sadd.s32 $0x8880, s23;
	s24 =	sor.u32 s22, s9;
	v15 =	vadd.f32 v30, v21;
	v30 =	vld [tilespmem:s14+$0x0]  }
0x8a: {  	v41 =	vadd.f32 v31, v26;
	s17 =	sor.u32 s22, s8;
	v26 =	vld [tilespmem:s24+$0x0];
	s13 =	sadd.s32 $0x8A80, s23  }
0x8b: {  	s14 =	sadd.s32 $0x8B00, s23;
	s28 =	sor.u32 s22, s13;
	v2 =	vadd.f32 v10, v2;
	v10 =	vadd.f32 v15, v12;
	v12 =	vld [tilespmem:s17+$0x0]  }
0x8c: {  	s24 =	sadd.s32 $0xCC80, s23;
	s29 =	sor.u32 s22, s14;
	v23 =	vld [tilespmem:s28+$0x0]  }
0x8d: {  	s26 =	sor.u32 s22, s24;
	v50 =	vld [tilespmem:s29+$0x0]  }
0x8e: {  	s15 =	sadd.s32 $0xCD00, s23;
	v56 =	vld [tilespmem:s26+$0x0]  }
0x8f: {  	s25 =	sadd.s32 $0xCD80, s23;
	v15 =	vadd.f32 v42, v41;
	s28 =	sor.u32 s22, s15;
	v41 =	vld [tilespmem:$0x1FFD0]  }
0x90: {  	s17 =	sadd.s32 $0xCC00, s23;
	s29 =	sor.u32 s22, s25;
	v57 =	vld [tilespmem:s28+$0x0]  }
0x91: {  	s26 =	sadd.s32 $0xCE00, s23;
	s31 =	sor.u32 s22, s17;
	v59 =	vld [tilespmem:s29+$0x0]  }
0x92: {  	s30 =	sor.u32 s22, s26;
	v54 =	vld [tilespmem:s31+$0x0]  }
0x93: {  	s29 =	sadd.s32 $0xCE80, s23;
	v7 =	vld [tilespmem:s30+$0x0]  }
0x94: {  	s30 =	sadd.s32 $0xCF00, s23;
	s31 =	sor.u32 s22, s29;
	v2 =	vadd.f32 v10, v2;
	v10 =	vadd.f32 v45, v15;
	v45 =	vld [tilespmem:$0x1FFF0]  }
0x95: {  	s28 =	sadd.s32 $0xCF80, s23;
	v4 =	vld [tilespmem:s31+$0x0];
	s31 =	sor.u32 s22, s30  }
0x96: {  	v60 =	vld [tilespmem:s31+$0x0];
	s31 =	sor.u32 s22, s28  }
0x97: {  	v5 =	vld [tilespmem:s31+$0x0];
	s31 =	sor.u32 s20, s1  }
0x98: {  	s1 =	sor.u32 s20, s11;
	v6 =	vld [tilespmem:s31+$0x0]  }
0x99: {  	s11 =	sor.u32 s20, s16;
	v15 =	vld [tilespmem:s1+$0x0]  }
0x9a: {  	v3 =	vadd.f32 v29, v3;
	s16 =	sor.u32 s20, s3;
	v8 =	vld [tilespmem:s11+$0x0]  }
0x9b: {  	v16 =	vadd.f32 v16, v22;
	v11 =	vadd.f32 v11, v38;
	s3 =	sor.u32 s20, s6;
	v63 =	vld [tilespmem:s16+$0x0]  }
0x9c: {  	v14 =	vadd.f32 v19, v14;
	v13 =	vadd.f32 v13, v18;
	s6 =	sor.u32 s20, s9;
	v46 =	vld [tilespmem:s3+$0x0]  }
0x9d: {  	v17 =	vadd.f32 v30, v17;
	v24 =	vadd.f32 v24, v26;
	s9 =	sor.u32 s20, s13;
	s13 =	sor.u32 s20, s17;
	v49 =	vld [tilespmem:s6+$0x0]  }
0x9e: {  	v13 =	vadd.f32 v13, v16;
	v10 =	vadd.f32 v10, v2;
	s31 =	sor.u32 s20, s4;
	v58 =	vld [tilespmem:s13+$0x0]  }
0x9f: {  	v21 =	vadd.f32 v41, v35;
	v12 =	vadd.f32 v12, v33;
	s1 =	sor.u32 s20, s5;
	v2 =	vld [tilespmem:s31+$0x0]  }
0xa0: {  	v23 =	vadd.f32 v23, v32;
	v50 =	vadd.f32 v52, v50;
	s4 =	sor.u32 s20, s7;
	v43 =	vld [tilespmem:s1+$0x0]  }
0xa1: {  	v11 =	vadd.f32 v17, v11;
	s5 =	sor.u32 s20, s8;
	v53 =	vadd.f32 v59, v57;
	v47 =	vld [tilespmem:s4+$0x0]  }
0xa2: {  	s8 =	sor.u32 s20, s12;
	v28 =	vadd.f32 v45, v44;
	v48 =	vld [tilespmem:s5+$0x0];
	v52 =	vadd.f32 v56, v54  }
0xa3: {  	s11 =	sor.u32 s20, s14;
	v54 =	vld [tilespmem:s8+$0x0];
	v3 =	vadd.f32 v21, v3;
	v12 =	vadd.f32 v24, v12  }
0xa4: {  	s12 =	sor.u32 s20, s10;
	v55 =	vld [tilespmem:s11+$0x0];
	v57 =	vadd.f32 v50, v23;
	v4 =	vadd.f32 v4, v7  }
0xa5: {  	v56 =	vld [tilespmem:s12+$0x0];
	v14 =	vadd.f32 v14, v28;
	v59 =	vadd.f32 v53, v52  }
0xa6: {  	s7 =	sor.u32 s20, s2;
	v7 =	vld [tilespmem:s9+$0x0];
	v12 =	vadd.f32 v57, v12;
	v5 =	vadd.f32 v5, v60  }
0xa7: {  	s14 =	sor.u32 s20, s24;
	s24 =	sor.u32 s20, s26;
	s26 =	sor.u32 s20, s30;
	v51 =	vld [tilespmem:s7+$0x0];
	v3 =	vadd.f32 v14, v3;
	v6 =	vadd.f32 v6, v62  }
0xa8: {  	s16 =	sor.u32 s20, s15;
	v61 =	vld [tilespmem:s26+$0x0];
	v8 =	vadd.f32 v8, v15;
	v4 =	vadd.f32 v5, v4  }
0xa9: {  	s17 =	sor.u32 s20, s25;
	v5 =	vadd.f32 v11, v13;
	v11 =	vld [tilespmem:s16+$0x0];
	v15 =	vadd.f32 v46, v43  }
0xaa: {  	v13 =	vld [tilespmem:s17+$0x0];
	v18 =	vadd.f32 v48, v47;
	v16 =	vadd.f32 v56, v55  }
0xab: {  	v60 =	vld [tilespmem:s14+$0x0];
	v7 =	vadd.f32 v7, v54;
	v4 =	vadd.f32 v4, v59  }
0xac: {  	s25 =	sor.u32 s20, s29;
	s29 =	sor.u32 s20, s28;
	v14 =	vld [tilespmem:s24+$0x0];
	v3 =	vadd.f32 v5, v3;
	v5 =	vadd.f32 v2, v63  }
0xad: {  	s30 =	simm.s32 $0x0;
	v62 =	vld [tilespmem:s29+$0x0];
	v6 =	vadd.f32 v8, v6;
	v7 =	vadd.f32 v16, v7  }
0xae: {  	s0 =	sand.u32 $0x780, s30;
	v2 =	vld [tilespmem:$0x11800];
	v4 =	vadd.f32 v4, v12;
	v5 =	vadd.f32 v15, v5  }
0xaf: {  	s20 =	sor.u32 s20, s23;
	s0 =	sor.u32 s19, s0;
	s19 =	simm.s32 $0x11000;
	v12 =	vld [tilespmem:s25+$0x0];
	v15 =	vadd.f32 v51, v49;
	v13 =	vadd.f32 v13, v11  }
0xb0: {  	[tilespmem:s19+$0x0] =	vst v9;
	v9 =	vld [tilespmem:s20+$0x200];
	v63 =	vadd.f32 v4, v3;
	v8 =	vadd.f32 v5, v6  }
0xb1: {  	v3 =	vld [tilespmem:s20+$0x0];
	v6 =	vadd.f32 v15, v18;
	v15 =	vadd.f32 v60, v58  }
0xb2: {  	s31 =	sand.u32 $0x780, s21;
	v5 =	vld [tilespmem:s20+$0x80]  }
0xb3: {  	[tilespmem:s0+$0x11000] =	vst v10;
	s0 =	sor.u32 s22, s31;
	v11 =	vld [tilespmem:s20+$0x180];
	v6 =	vadd.f32 v7, v6;
	v7 =	vadd.f32 v13, v15  }
0xb4: {  	s21 =	simm.s32 $0x2;
	s22 =	simm.s32 $0x40;
	v4 =	vld [tilespmem:s20+$0x100];
	[tilespmem:s0+$0x11000] =	vst v63;
	v10 =	vadd.f32 v12, v14;
	v12 =	vadd.f32 v62, v61  }
.LBB2_2:
0xb5: {  	s24 =	sand.u32 $0x60, s22;
	v13 =	vld [tilespmem:s20+$0x280];
	s18 =	sadd.s32 $0x100, s18  }
0xb6: {  	v14 =	vld [tilespmem:s20+$0x300];
	s25 =	sand.u32 $0x3C00, s18;
	s23 =	sor.u32 $0x10, s24  }
0xb7: {  	s0 =	sor.u32 s23, s25;
	v15 =	vadd.f32 v5, v3;
	v5 =	vadd.f32 v12, v10;
	v10 =	vld [tilespmem:s20+$0x380]  }
0xb8: {  	s1 =	sadd.s32 $0x4400, s25;
	s12 =	sadd.s32 $0x4500, s25;
	v3 =	vld [tilespmem:s0+$0x0]  }
0xb9: {  	s16 =	sadd.s32 $0x4600, s25;
	s6 =	sadd.s32 $0x8880, s25;
	s15 =	sor.u32 s23, s12;
	v11 =	vadd.f32 v11, v4;
	v4 =	vld [tilespmem:s0+$0x80]  }
0xba: {  	s2 =	sor.u32 s24, s1;
	s10 =	sor.u32 s23, s1;
	s1 =	sor.u32 s23, s16;
	v16 =	vld [tilespmem:s15+$0x0]  }
0xbb: {  	s8 =	sor.u32 s23, s6;
	v17 =	vld [tilespmem:s1+$0x0]  }
0xbc: {  	v20 =	vld [tilespmem:s8+$0x0]  }
0xbd: {  	v13 =	vadd.f32 v13, v9;
	v9 =	vld [tilespmem:s0+$0x280]  }
0xbe: {  	v12 =	vadd.f32 v5, v7;
	v5 =	vld [tilespmem:s0+$0x100]  }
0xbf: {  	s1 =	sadd.s32 $0x8800, s25;
	v7 =	vld [tilespmem:s0+$0x180]  }
0xc0: {  	s7 =	sor.u32 s23, s1;
	v11 =	vadd.f32 v11, v15;
	v15 =	vld [tilespmem:s10+$0x0]  }
0xc1: {  	v19 =	vld [tilespmem:s7+$0x0];
	s7 =	sadd.s32 $0x8A00, s25  }
0xc2: {  	s29 =	sor.u32 s24, s12;
	s12 =	sor.u32 s23, s7;
	v12 =	vadd.f32 v12, v6;
	v6 =	vld [tilespmem:s0+$0x200]  }
0xc3: {  	s9 =	sadd.s32 $0x4480, s25;
	s26 =	sadd.s32 $0x4680, s25;
	v23 =	vld [tilespmem:s12+$0x0];
	s12 =	sadd.s32 $0xCC00, s25  }
0xc4: {  	s31 =	sor.u32 s24, s16;
	s16 =	sor.u32 s24, s1;
	v14 =	vadd.f32 v10, v14;
	v10 =	vld [tilespmem:s0+$0x300];
	s1 =	sor.u32 s23, s12  }
0xc5: {  	s3 =	sadd.s32 $0x4700, s25;
	s13 =	sor.u32 s23, s9;
	s28 =	sor.u32 s24, s26;
	v27 =	vld [tilespmem:s1+$0x0]  }
0xc6: {  	[dreg:$0x2] =	wrdreg s2;
	s2 =	sor.u32 s23, s26;
	v13 =	vadd.f32 v14, v13;
	v14 =	vld [tilespmem:s0+$0x380];
	s0 =	sor.u32 s23, s3  }
0xc7: {  	s26 =	sor.u32 s24, s3;
	s3 =	sor.u32 s24, s6;
	s6 =	sadd.s32 $0x8980, s25;
	v18 =	vld [tilespmem:s0+$0x0]  }
0xc8: {  	s8 =	sadd.s32 $0x8A80, s25;
	s10 =	sor.u32 s23, s6;
	v11 =	vadd.f32 v13, v11;
	v13 =	vld [tilespmem:s13+$0x0]  }
0xc9: {  	s14 =	sadd.s32 $0x4580, s25;
	v22 =	vld [tilespmem:s10+$0x0];
	s13 =	sor.u32 s23, s8  }
0xca: {  	s30 =	sor.u32 s24, s14;
	s17 =	sor.u32 s23, s14;
	s10 =	sadd.s32 $0x8B80, s25;
	v24 =	vld [tilespmem:s13+$0x0]  }
0xcb: {  	s14 =	sor.u32 s24, s6;
	s0 =	sadd.s32 $0xCC80, s25;
	v8 =	vadd.f32 v8, v11;
	v11 =	vld [tilespmem:s17+$0x0];
	s17 =	sor.u32 s23, s10  }
0xcc: {  	s6 =	sor.u32 s24, s8;
	s8 =	sor.u32 s24, s10;
	s10 =	sor.u32 s23, s0;
	v26 =	vld [tilespmem:s17+$0x0]  }
0xcd: {  	s17 =	sadd.s32 $0xCD80, s25;
	v28 =	vld [tilespmem:s10+$0x0]  }
0xce: {  	s4 =	sadd.s32 $0x4780, s25;
	v8 =	vadd.f32 v12, v8;
	v12 =	vld [tilespmem:s2+$0x0];
	s10 =	sor.u32 s23, s17  }
0xcf: {  	s19 =	sadd.s32 $0x20, s19;
	s5 =	sor.u32 s23, s4;
	v30 =	vld [tilespmem:s10+$0x0]  }
0xd0: {  	s11 =	sor.u32 s24, s9;
	[tilespmem:s19+$0x0] =	vst v8;
	v8 =	vld [tilespmem:s5+$0x0]  }
0xd1: {  	s20 =	sor.u32 s24, s25;
	[dreg:$0x3] =	wrdreg s11;
	s5 =	sadd.s32 $0x8900, s25;
	v54 =	vld [tilespmem:s29+$0x0]  }
0xd2: {  	s11 =	sor.u32 s24, s4;
	s1 =	smov.u32 s18;
	s9 =	sor.u32 s23, s5;
	v57 =	vld [tilespmem:s30+$0x0]  }
0xd3: {  	v3 =	vadd.f32 v4, v3;
	v4 =	vadd.f32 v7, v5;
	s2 =	sor.u32 s24, s17;
	s4 =	sor.u32 s24, s5;
	v21 =	vld [tilespmem:s9+$0x0];
	s9 =	sadd.s32 $0x8B00, s25  }
0xd4: {  	v6 =	vadd.f32 v9, v6;
	v7 =	vadd.f32 v14, v10;
	s5 =	sor.u32 s24, s7;
	v60 =	vld [tilespmem:s31+$0x0];
	s7 =	sor.u32 s24, s9;
	s15 =	sor.u32 s23, s9  }
0xd5: {  	s9 =	sor.u32 s24, s12;
	s12 =	sor.u32 s24, s0;
	v25 =	vld [tilespmem:s15+$0x0];
	s15 =	sadd.s32 $0xCD00, s25  }
0xd6: {  	v3 =	vadd.f32 v4, v3;
	v4 =	vadd.f32 v7, v6;
	v6 =	vld [tilespmem:s26+$0x0];
	s0 =	sadd.s32 $0xCE00, s25;
	s13 =	sor.u32 s24, s15;
	s15 =	sor.u32 s23, s15  }
0xd7: {  	s17 =	sor.u32 s24, s0;
	s18 =	sor.u32 s23, s0;
	v29 =	vld [tilespmem:s15+$0x0];
	s15 =	sadd.s32 $0xCE80, s25  }
0xd8: {  	v10 =	vadd.f32 v13, v15;
	s0 =	sadd.s32 $0xCF00, s25;
	v31 =	vld [tilespmem:s18+$0x0];
	s25 =	sadd.s32 $0xCF80, s25;
	s18 =	sor.u32 s23, s15  }
0xd9: {  	v15 =	vadd.f32 v20, v19;
	v55 =	vadd.f32 v24, v23;
	s10 =	sor.u32 s24, s15;
	s15 =	sor.u32 s24, s0;
	s0 =	sor.u32 s23, s0;
	v32 =	vld [tilespmem:s18+$0x0]  }
0xda: {  	v11 =	vadd.f32 v11, v16;
	v3 =	vadd.f32 v4, v3;
	s24 =	sor.u32 s24, s25;
	s25 =	sor.u32 s23, s25;
	v5 =	vld [tilespmem:s0+$0x0]  }
0xdb: {  	v12 =	vadd.f32 v12, v17;
	v8 =	vadd.f32 v8, v18;
	s18 =	smov.u32 s1;
	v9 =	vld [tilespmem:s25+$0x0];
	s1 =	rddreg [dreg:$0x2]  }
0xdc: {  	v7 =	vadd.f32 v11, v10;
	v53 =	vadd.f32 v22, v21;
	s25 =	rddreg [dreg:$0x3];
	v13 =	vld [tilespmem:s1+$0x0]  }
0xdd: {  	v8 =	vadd.f32 v8, v12;
	v14 =	vld [tilespmem:s25+$0x0];
	v56 =	vadd.f32 v26, v25  }
0xde: {  	v63 =	vld [tilespmem:s3+$0x0];
	v58 =	vadd.f32 v28, v27;
	v11 =	vadd.f32 v53, v15  }
0xdf: {  	v10 =	vld [tilespmem:s11+$0x0];
	v4 =	vadd.f32 v8, v7;
	v12 =	vadd.f32 v56, v55  }
0xe0: {  	v7 =	vld [tilespmem:s4+$0x0];
	v59 =	vadd.f32 v30, v29;
	v61 =	vadd.f32 v32, v31  }
0xe1: {  	v5 =	vadd.f32 v9, v5;
	v8 =	vadd.f32 v12, v11;
	v11 =	vld [tilespmem:s14+$0x0]  }
0xe2: {  	v15 =	vld [tilespmem:s16+$0x0];
	v62 =	vadd.f32 v59, v58;
	v12 =	vadd.f32 v14, v13  }
0xe3: {  	v9 =	vld [tilespmem:s28+$0x0];
	v13 =	vadd.f32 v57, v54;
	v5 =	vadd.f32 v5, v61  }
0xe4: {  	v14 =	vld [tilespmem:s5+$0x0]  }
0xe5: {  	v12 =	vadd.f32 v13, v12;
	v13 =	vld [tilespmem:s9+$0x0];
	v5 =	vadd.f32 v5, v62  }
0xe6: {  	v6 =	vadd.f32 v10, v6;
	v7 =	vadd.f32 v11, v7;
	v11 =	vld [tilespmem:s17+$0x0]  }
0xe7: {  	v3 =	vadd.f32 v4, v3;
	v4 =	vadd.f32 v5, v8;
	v5 =	vld [tilespmem:s6+$0x0]  }
0xe8: {  	v10 =	vadd.f32 v63, v15;
	v8 =	vadd.f32 v9, v60;
	v9 =	vld [tilespmem:s7+$0x0]  }
0xe9: {  	s31 =	sand.u32 $0x780, s22;
	v3 =	vadd.f32 v4, v3;
	v4 =	vld [tilespmem:s8+$0x0]  }
0xea: {  	s0 =	sor.u32 s23, s31;
	v7 =	vadd.f32 v7, v10;
	v10 =	vld [tilespmem:s2+$0x0];
	v6 =	vadd.f32 v6, v8  }
0xeb: {  	[tilespmem:s0+$0x11000] =	vst v3;
	v3 =	vld [tilespmem:s12+$0x0]  }
0xec: {  	v8 =	vadd.f32 v6, v12;
	v6 =	vld [tilespmem:s13+$0x0]  }
0xed: {  	v12 =	vld [tilespmem:s15+$0x0]  }
0xee: {  	s21 =	sadd.s32 $0x2, s21;
	v5 =	vadd.f32 v5, v14;
	v4 =	vadd.f32 v4, v9;
	v9 =	vld [tilespmem:s10+$0x0]  }
0xef: {  	p0 =	slt.u32 s21, $0x7E;
	v14 =	vld [tilespmem:s24+$0x0]  }
.Ltmp0:
0xf0: {  	v13 =	vadd.f32 v3, v13;
	v4 =	vadd.f32 v4, v5;
	v3 =	vld [tilespmem:s20+$0x0];
	(pc) =	sbr.rel @p0 .LBB2_2-.Ltmp0, $4  }
0xf1: {  	v5 =	vld [tilespmem:s20+$0x80]  }
0xf2: {  	v15 =	vadd.f32 v10, v6;
	v6 =	vadd.f32 v4, v7;
	v4 =	vld [tilespmem:s20+$0x100]  }
0xf3: {  	v10 =	vadd.f32 v9, v11;
	v11 =	vld [tilespmem:s20+$0x180]  }
0xf4: {  	s22 =	sadd.s32 $0x20, s22;
	v12 =	vadd.f32 v14, v12;
	v7 =	vadd.f32 v15, v13;
	v9 =	vld [tilespmem:s20+$0x200]  }
0xf5: {  	v13 =	vld [tilespmem:s20+$0x280]  }
0xf6: {  	v14 =	vld [tilespmem:s20+$0x300]  }
0xf7: {  	v15 =	vld [tilespmem:s20+$0x380];
	_ =	sdelay $0x3  }
0xf8: {  	v3 =	vadd.f32 v5, v3;
	v4 =	vadd.f32 v11, v4  }
0xf9: {  	v5 =	vadd.f32 v13, v9;
	v9 =	vadd.f32 v15, v14  }
0xfa: {  	v10 =	vadd.f32 v12, v10  }
0xfb: {  	v3 =	vadd.f32 v4, v3;
	v4 =	vadd.f32 v9, v5;
	_ =	sdelay $0x1  }
0xfc: {  	v5 =	vadd.f32 v10, v7;
	v3 =	vadd.f32 v4, v3;
	_ =	sdelay $0x1  }
0xfd: {  	v4 =	vadd.f32 v5, v6;
	v3 =	vadd.f32 v8, v3;
	_ =	sdelay $0x1  }
0xfe: {  	v3 =	vadd.f32 v4, v3  }
0xff: {  	s0 =	sadd.s32 $0x20, s19  }
0x100: {  	s11 =	simm.s32 $0x117F0;
	[tilespmem:s0+$0x0] =	vst v3  }
0x101: {  	v3 =	vld [tilespmem:s11+$0x0];
	_ =	sdelay $0x3  }
0x102: {  	s12 =	simm.s32 $0x117E0  }
0x103: {  	v5 =	vld [tilespmem:s12+$0x0];
	(xrf2) =	vadd.scan.msk.f32 $0xffff, v3;
	_ =	sdelay $0x1  }
0x104: {  	(v2sf) =	vpush v2, $0x1;
	_ =	sdelay $0x2  }
0x105: {  	s13 =	simm.s32 $0x117D0;
	(xrf2) =	vadd.scan.msk.f32 $0xffff, v5  }
0x106: {  	v6 =	vld [tilespmem:s13+$0x0];
	_ =	sdelay $0x3  }
0x107: {  	v4, _, _ =	vpop (xrf2)  }
0x108: {  	(xrf2) =	vadd.scan.msk.f32 $0xffff, v6;
	v7 =	vbroadcast v4, $0xF;
	_ =	sdelay $0x1  }
0x109: {  	(v2sf) =	vpush v4, $0xF;
	v7 =	vsub.f32 v7, v4  }
0x10a: {  	s18 =	simm.f32 $0.0e+00  }
0x10b: {  	v8, _, _ =	vpop (xrf2);
	v7 =	vadd.f32 s18, v7  }
0x10c: {  	(v2sf) =	vpush v8, $0xF  }
0x10d: {  	s19 =	spop (v2sf);
	v7 =	vadd.f32 v7, v3  }
0x10e: {  	s15 =	scvt.s32.f32 s19  }
0x10f: {  	s14 =	simm.s32 $0x117C0  }
0x110: {  	v9 =	vld [tilespmem:s14+$0x0];
	v3 =	vmov s15  }
0x111: {  	vm3 =	vge.f32 v7, v3;
	v7, _, _ =	vpop (xrf2)  }
0x112: {  	v4 =	vnsel vm3, $0x0, v4;
	(v2sf) =	vpush v7, $0xF  }
0x113: {  	(xrf0) =	vmax.scan.msk.f32 $0xffff, v4;
	_ =	sdelay $0x1  }
0x114: {  	(xrf2) =	vadd.scan.msk.f32 $0xffff, v9;
	_ =	sdelay $0x1  }
0x115: {  	v10 =	vbroadcast v8, $0xF;
	v4 =	vmpcnt.ones.xlane vm3  }
0x116: {  	s16 =	spop (v2sf)  }
0x117: {  	v10 =	vsub.f32 v10, v8;
	(v2sf) =	vpush v4, $0x0;
	v11, _, _ =	vpop (xrf0);
	s2 =	sadd.f32 s16, s18  }
0x118: {  	(v2sf) =	vpush v11, $0xF;
	v11 =	vbroadcast v7, $0xF  }
0x119: {  	s1 =	simm.s32 $0x117B0;
	s17 =	spop (v2sf);
	v10 =	vadd.f32 s2, v10  }
0x11a: {  	v4 =	vld [tilespmem:s1+$0x0];
	s29 =	sadd.f32 s17, s2;
	v11 =	vsub.f32 v11, v7  }
0x11b: {  	v5 =	vadd.f32 v10, v5  }
0x11c: {  	v10 =	vadd.f32 s29, v11  }
0x11d: {  	v63, _, _ =	vpop (xrf2);
	vm3 =	vge.f32 v5, v3  }
0x11e: {  	v5 =	vnsel vm3, $0x0, v8;
	v6 =	vadd.f32 v10, v6;
	v8 =	vbroadcast v63, $0xF  }
0x11f: {  	(xrf2) =	vadd.scan.msk.f32 $0xffff, v4;
	s20 =	spop (v2sf)  }
0x120: {  	(xrf0) =	vmax.scan.msk.f32 $0xffff, v5;
	vm4 =	vge.f32 v6, v3;
	v6 =	vsub.f32 v8, v63;
	s24 =	sadd.f32 s20, s29  }
0x121: {  	v7 =	vnsel vm4, $0x0, v7  }
0x122: {  	(xrf0) =	vmax.scan.msk.f32 $0xffff, v7;
	v7 =	vadd.f32 s24, v6  }
0x123: {  	(v2sf) =	vpush v63, $0xF  }
0x124: {  	s21 =	simm.s32 $0x117A0;
	v8 =	vmpcnt.ones.xlane vm3  }
0x125: {  	v5 =	vld [tilespmem:s21+$0x0]  }
0x126: {  	(v2sf) =	vpush v8, $0x0;
	v9 =	vadd.f32 v7, v9;
	v7, _, _ =	vpop (xrf0)  }
0x127: {  	(v2sf) =	vpush v7, $0xF  }
0x128: {  	v8 =	vmpcnt.ones.xlane vm4;
	_ =	sdelay $0x1  }
0x129: {  	(xrf2) =	vadd.scan.msk.f32 $0xffff, v5;
	v7, _, _ =	vpop (xrf2)  }
0x12a: {  	s0 =	simm.s32 $0x11790;
	(v2sf) =	vpush v7, $0xF  }
0x12b: {  	s22 =	spop (v2sf);
	v6 =	vld [tilespmem:s0+$0x0];
	(v2sf) =	vpush v8, $0x0;
	v8, _, _ =	vpop (xrf0)  }
0x12c: {  	p0 =	por $0x0, $0x0;
	s3 =	spop (v2sf);
	(v2sf) =	vpush v8, $0xF  }
0x12d: {  	s28 =	simm.s32 $0x7DF;
	s26 =	simm.s32 $0x7CF;
	s25 =	simm.s32 $0x7BF  }
0x12e: {  	s23 =	simm.s32 $0x7AF;
	p2 =	por !p0, !p0;
	p1 =	sgt.s32 s22, $0x0  }
0x12f: {  	s21 =	simm.s32 $0x79F;
	s20 =	simm.s32 $0x0;
	p2 =	por !p1, !p2;
	vm3 =	vge.f32 v9, v3  }
0x130: {  	s1 =	sadd.s32 $0x7EF, s22;
	p2 =	por !p2, !p2;
	s2 =	ssub.f32 s2, s3;
	v10 =	vnsel vm3, $0x0, v63;
	(xrf2) =	vadd.scan.msk.f32 $0xffff, v6;
	v9 =	vbroadcast v7, $0xF  }
0x131: {  	s22 =	simm.s32 $0x78F;
	s20 =	smov.u32 @p2 s1;
	s31 =	spop (v2sf);
	(xrf0) =	vmax.scan.msk.f32 $0xffff, v10  }
0x132: {  	s1 =	simm.s32 $0x77F;
	s30 =	sadd.f32 s31, s24;
	s18 =	smov.u32 @p2 s2;
	v8 =	vsub.f32 v9, v7  }
.LBB2_4:
0x133: {  	p2 =	sne.s32 s1, $0xFFFFFFFF;
	v9, _, _ =	vpop (xrf2)  }
0x134: {  	s0 =	sadd.s32 $0xFFFFFFF0, s0;
	p0 =	por p0, p1;
	(v2sf) =	vpush v9, $0xF;
	v8 =	vadd.f32 s30, v8;
	s2 =	spop (v2sf)  }
0x135: {  	v11 =	vmpcnt.ones.xlane vm3;
	p3 =	por !p0, !p0;
	p1 =	sgt.s32 s2, $0x0;
	s3 =	spop (v2sf)  }
0x136: {  	s2 =	sadd.s32 s28, s2;
	v8 =	vadd.f32 v8, v4;
	p3 =	por !p1, !p3;
	s3 =	ssub.f32 s29, s3;
	v4 =	vmov v5;
	v5 =	vmov v6;
	v6 =	vld [tilespmem:s0+$0x0]  }
.Ltmp1:
0x137: {  	s28 =	smov.u32 s26;
	(v2sf) =	vpush v11, $0x0;
	v10, _, _ =	vpop (xrf0);
	p3 =	por !p3, !p3;
	(pc) =	sbr.rel @p2 .LBB2_4-.Ltmp1, $4  }
0x138: {  	s26 =	smov.u32 s25;
	vm3 =	vge.f32 v8, v3;
	(v2sf) =	vpush v10, $0xF;
	s20 =	smov.u32 @p3 s2;
	s18 =	smov.u32 @p3 s3  }
0x139: {  	s25 =	smov.u32 s23;
	s23 =	smov.u32 s21;
	s21 =	smov.u32 s22;
	v8 =	vbroadcast v9, $0xF;
	v10 =	vnsel vm3, $0x0, v7;
	v7 =	vmov v9  }
0x13a: {  	s22 =	smov.u32 s1;
	s29 =	smov.u32 s24;
	s2 =	spop (v2sf);
	(xrf0) =	vmax.scan.msk.f32 $0xffff, v10  }
0x13b: {  	s1 =	sadd.s32 $0xFFFFFFF0, s1;
	s24 =	smov.u32 s30;
	v8 =	vsub.f32 v8, v7;
	(xrf2) =	vadd.scan.msk.f32 $0xffff, v6;
	s30 =	sadd.f32 s2, s30  }
0x13c: {  	v9, _, _ =	vpop (xrf2)  }
0x13d: {  	(v2sf) =	vpush v9, $0xF;
	_ =	sdelay $0x9  }
0x13e: {  	s2 =	spop (v2sf)  }
0x13f: {  	v8 =	vadd.f32 s30, v8;
	s3 =	spop (v2sf);
	v10 =	vbroadcast v9, $0xF  }
0x140: {  	s0 =	spop (v2sf)  }
0x141: {  	v4 =	vadd.f32 v8, v4;
	v56 =	vsub.f32 v10, v9;
	s1 =	sadd.f32 s0, s30;
	v57, _, _ =	vpop (xrf2);
	s4 =	spop (v2sf)  }
0x142: {  	v58 =	vbroadcast v57, $0xF;
	s5 =	spop (v2sf)  }
0x143: {  	vm4 =	vge.f32 v4, v3;
	v8 =	vadd.f32 s1, v56;
	s15 =	spop (v2sf)  }
0x144: {  	v7 =	vnsel vm4, $0x0, v7;
	v4 =	vsub.f32 v58, v57;
	s0 =	sadd.f32 s15, s1  }
0x145: {  	v11 =	vmpcnt.ones.xlane vm3;
	(xrf0) =	vmax.scan.msk.f32 $0xffff, v7;
	v5 =	vadd.f32 v8, v5  }
0x146: {  	v4 =	vadd.f32 s0, v4  }
0x147: {  	(v2sf) =	vpush v11, $0x0;
	v59, _, _ =	vpop (xrf0);
	vm3 =	vge.f32 v5, v3  }
0x148: {  	(v2sf) =	vpush v59, $0xF;
	v61 =	vnsel vm3, $0x0, v9;
	v4 =	vadd.f32 v4, v6  }
0x149: {  	v60 =	vmpcnt.ones.xlane vm4;
	(xrf0) =	vmax.scan.msk.f32 $0xffff, v61  }
0x14a: {  	(v2sf) =	vpush v57, $0xF;
	vm15 =	vge.f32 v4, v3  }
0x14b: {  	(v2sf) =	vpush v60, $0x0;
	v62, _, _ =	vpop (xrf0);
	v3 =	vnsel vm15, $0x0, v57  }
0x14c: {  	(v2sf) =	vpush v62, $0xF;
	(xrf0) =	vmax.scan.msk.f32 $0xffff, v3;
	v3 =	vmpcnt.ones.xlane vm3;
	_ =	sdelay $0x1  }
0x14d: {  	p0 =	por p0, p1;
	(v2sf) =	vpush v3, $0x0;
	v3 =	vmpcnt.ones.xlane vm15  }
0x14e: {  	p3 =	sgt.s32 s2, $0x0;
	p2 =	por !p0, !p0;
	v63, _, _ =	vpop (xrf0)  }
0x14f: {  	s2 =	sadd.s32 s28, s2;
	p2 =	por !p3, !p2;
	(v2sf) =	vpush v63, $0xF  }
0x150: {  	s3 =	ssub.f32 s29, s3;
	p0 =	por p0, p3;
	p2 =	por !p2, !p2  }
0x151: {  	s6 =	simm.s32 $0x11880;
	p5 =	por !p0, !p0;
	s20 =	smov.u32 @p2 s2;
	(v2sf) =	vpush v3, $0x0;
	v3, _, _ =	vpop (xrf0)  }
0x152: {  	s18 =	smov.u32 @p2 s3;
	p4 =	sgt.s32 s4, $0x0;
	s2 =	sadd.s32 s26, s4;
	(v2sf) =	vpush v3, $0xF  }
0x153: {  	p2 =	por !p4, !p5;
	s4 =	ssub.f32 s24, s5;
	p0 =	por p0, p4  }
0x154: {  	s7 =	simm.s32 $0x16700;
	p2 =	por !p2, !p2;
	p3 =	por !p0, !p0  }
0x155: {  	s20 =	smov.u32 @p2 s2;
	s18 =	smov.u32 @p2 s4;
	s16 =	spop (v2sf)  }
0x156: {  	p6 =	sgt.s32 s16, $0x0;
	s3 =	sadd.s32 s25, s16;
	s17 =	spop (v2sf)  }
0x157: {  	p4 =	por !p6, !p3;
	p0 =	por p0, p6;
	s4 =	ssub.f32 s30, s17  }
0x158: {  	p2 =	por !p4, !p4;
	p6 =	por !p0, !p0;
	s24 =	spop (v2sf)  }
0x159: {  	s20 =	smov.u32 @p2 s3;
	s18 =	smov.u32 @p2 s4;
	s25 =	spop (v2sf)  }
0x15a: {  	s2 =	sadd.f32 s24, s0;
	p5 =	sgt.s32 s25, $0x0;
	s26 =	spop (v2sf)  }
0x15b: {  	p3 =	por !p5, !p6;
	p0 =	por p0, p5;
	s1 =	ssub.f32 s1, s26  }
0x15c: {  	s3 =	sadd.s32 s23, s25;
	p2 =	por !p3, !p3;
	p5 =	por !p0, !p0  }
0x15d: {  	s18 =	smov.u32 @p2 s1;
	s1 =	simm.s32 $0x16740;
	s28 =	spop (v2sf)  }
0x15e: {  	s20 =	smov.u32 @p2 s3;
	[tilespmem:s1+$0xFFFFFFC0] =	vst v0;
	p4 =	sgt.s32 s28, $0x0;
	s29 =	spop (v2sf)  }
0x15f: {  	[tilespmem:s1+$0x30] =	vst v0;
	s3 =	sadd.s32 s21, s28;
	p2 =	por !p4, !p5;
	s0 =	ssub.f32 s0, s29  }
0x160: {  	[tilespmem:s1+$0x20] =	vst v0;
	s30 =	spop (v2sf);
	p0 =	por p0, p4;
	p2 =	por !p2, !p2  }
0x161: {  	[tilespmem:s1+$0x10] =	vst v0;
	p6 =	sgt.s32 s30, $0x0;
	p0 =	por !p0, !p0;
	s31 =	spop (v2sf)  }
0x162: {  	[tilespmem:s1+$0x0] =	vst v0;
	s20 =	smov.u32 @p2 s3;
	p0 =	por !p6, !p0;
	s2 =	ssub.f32 s2, s31  }
0x163: {  	[tilespmem:s1+$0xFFFFFFF0] =	vst v0;
	s18 =	smov.u32 @p2 s0;
	s0 =	sadd.s32 s22, s30;
	p0 =	por !p0, !p0  }
0x164: {  	[tilespmem:s1+$0xFFFFFFE0] =	vst v0;
	s20 =	smov.u32 @p0 s0;
	s0 =	simm.s32 $0x0;
	s18 =	smov.u32 @p0 s2  }
.LBB2_6:
0x165: {  	s0 =	sadd.s32 $0x8, s0;
	[tilespmem:s1+$0xFFFFFFD0] =	vst v0;
	s1 =	sadd.s32 $0x80, s1  }
0x166: {  	[tilespmem:s1+$0xFFFFFFC0] =	vst v0;
	p0 =	slt.u32 s0, $0x38  }
0x167: {  	[tilespmem:s1+$0x30] =	vst v0  }
.Ltmp2:
0x168: {  	[tilespmem:s1+$0x20] =	vst v0;
	(pc) =	sbr.rel @p0 .LBB2_6-.Ltmp2, $4  }
0x169: {  	[tilespmem:s1+$0x10] =	vst v0  }
0x16a: {  	[tilespmem:s1+$0x0] =	vst v0  }
0x16b: {  	[tilespmem:s1+$0xFFFFFFF0] =	vst v0  }
0x16c: {  	[tilespmem:s1+$0xFFFFFFE0] =	vst v0  }
0x16d: {  	(v2sf) =	vpush v2, $0x0;
	_ =	sdelay $0xb  }
0x16e: {  	[tilespmem:s1+$0xFFFFFFD0] =	vst v0  }
0x16f: {  	s4 =	simm.s32 $0x80;
	s5 =	simm.s32 $0x400;
	[tilespmem:$0x16B00] =	vst v0;
	s1 =	rddreg [dreg:$0x6]  }
0x170: {  	[tilespmem:s6], [sflag:$0x1] =	stream.strided.gather [hbm4b:s1+s4], $0x4E80, s5, s4, $0x38;
	[tilespmem:$0x16C00] =	vst v63  }
0x171: {  	s3 =	simm.s32 $0x1;
	s0 =	spop (v2sf)  }
0x172: {  	_ =	swait.ge [sflag:s3], $0x4E80  }
0x173: {  	[sflag:s3] =	ssyncset.done $0x0  }
0x174: {  	s31 =	simm.s32 $0x118C0;
	[sflag:s3] =	ssyncadd.s32 $0xFFFFB180  }
0x175: {  	v4 =	vld [tilespmem:s31+$0x30]  }
0x176: {  	v5 =	vld [tilespmem:s31+$0xFFFFFFD0]  }
0x177: {  	s0 =	sshll.u32 s0, $0xB;
	v8 =	vld [tilespmem:s31+$0x0]  }
0x178: {  	s0 =	sadd.s32 s20, s0;
	v6 =	vld [tilespmem:s31+$0xFFFFFFE0]  }
0x179: {  	s0 =	sadd.s32 $0xFFE00000, s0;
	v7 =	vld [tilespmem:s31+$0xFFFFFFF0]  }
0x17a: {  	v3 =	vmov s0;
	v12 =	vld [tilespmem:s31+$0x20];
	v10 =	vshra.s32 v4, $0xA  }
0x17b: {  	v9 =	vld [tilespmem:s31+$0x10];
	v11 =	vshra.s32 v5, $0xA;
	v4 =	vand.u32 $0x3FF, v4;
	v5 =	vand.u32 $0x3FF, v5  }
0x17c: {  	v13 =	vand.u32 $0x3FF, v8;
	vm3 =	veq.s32 v10, v3;
	vm4 =	veq.s32 v11, v3  }
0x17d: {  	v10 =	vld [tilespmem:s31+$0xFFFFFFC0];
	v11 =	vshra.s32 v6, $0xA;
	v6 =	vand.u32 $0x3FF, v6;
	v4 =	vnsel vm3, $0x400, v4  }
0x17e: {  	vm5 =	veq.s32 v11, v3;
	v11 =	vshra.s32 v7, $0xA;
	v7 =	vand.u32 $0x3FF, v7  }
0x17f: {  	vm6 =	veq.s32 v11, v3;
	v11 =	vshra.s32 v8, $0xA;
	v8 =	vshra.s32 v12, $0xA  }
0x180: {  	v6 =	vnsel vm5, $0x400, v6;
	vm7 =	veq.s32 v11, v3;
	v11 =	vshra.s32 v9, $0xA  }
0x181: {  	vm3 =	veq.s32 v8, v3;
	v8 =	vnsel vm4, $0x400, v5;
	v7 =	vnsel vm6, $0x400, v7  }
0x182: {  	vm8 =	veq.s32 v11, v3;
	v5 =	vnsel vm7, $0x400, v13;
	v11 =	vshra.s32 v10, $0xA  }
0x183: {  	v14 =	vand.u32 $0x3FF, v10;
	vm9 =	veq.s32 v11, v3;
	v11 =	vand.u32 $0x3FF, v9  }
0x184: {  	s1 =	simm.s32 $0x11940;
	s0 =	simm.s32 $0x0;
	v10 =	vand.u32 $0x3FF, v12;
	[tilespmem:v4+s7+$0x0] =	vst.idx.add.f32.msk $0xffff, v1;
	v9 =	vnsel vm9, $0x400, v14;
	v4 =	vnsel vm8, $0x400, v11  }
.LBB2_8:
0x185: {  	v11 =	vld [tilespmem:s1+$0x30];
	s0 =	sadd.s32 $0x8, s0;
	v12 =	vnsel vm3, $0x400, v10  }
0x186: {  	v10 =	vld [tilespmem:s1+$0xFFFFFFD0];
	p0 =	slt.u32 s0, $0x4D8  }
0x187: {  	v13 =	vld [tilespmem:s1+$0xFFFFFFE0]  }
0x188: {  	v14 =	vld [tilespmem:s1+$0xFFFFFFF0]  }
0x189: {  	v15 =	vld [tilespmem:s1+$0x0]  }
0x18a: {  	v16 =	vld [tilespmem:s1+$0x10];
	v17 =	vshra.s32 v11, $0xA  }
0x18b: {  	v11 =	vand.u32 $0x3FF, v11;
	v18 =	vshra.s32 v10, $0xA;
	v19 =	vld [tilespmem:s1+$0x20];
	vm3 =	veq.s32 v17, v3  }
0x18c: {  	v17 =	vld [tilespmem:s1+$0xFFFFFFC0];
	vm4 =	veq.s32 v18, v3;
	v18 =	vshra.s32 v13, $0xA;
	v11 =	vnsel vm3, $0x400, v11  }
0x18d: {  	v20 =	vand.u32 $0x3FF, v10;
	vm5 =	veq.s32 v18, v3;
	v10 =	vshra.s32 v14, $0xA;
	[tilespmem:v9+s7+$0x0] =	vst.idx.add.f32.msk $0xffff, v1  }
0x18e: {  	v13 =	vand.u32 $0x3FF, v13;
	vm6 =	veq.s32 v10, v3;
	v9 =	vshra.s32 v15, $0xA;
	[tilespmem:v8+s7+$0x0] =	vst.idx.add.f32.msk $0xffff, v1  }
0x18f: {  	v14 =	vand.u32 $0x3FF, v14;
	vm7 =	veq.s32 v9, v3;
	v8 =	vshra.s32 v16, $0xA;
	[tilespmem:v6+s7+$0x0] =	vst.idx.add.f32.msk $0xffff, v1  }
.Ltmp3:
0x190: {  	v15 =	vand.u32 $0x3FF, v15;
	vm8 =	veq.s32 v8, v3;
	v6 =	vshra.s32 v19, $0xA;
	[tilespmem:v7+s7+$0x0] =	vst.idx.add.f32.msk $0xffff, v1;
	(pc) =	sbr.rel @p0 .LBB2_8-.Ltmp3, $4  }
0x191: {  	s2 =	simm.s32 $0x0;
	v7 =	vshra.s32 v17, $0xA;
	v8 =	vand.u32 $0x3FF, v17;
	vm3 =	veq.s32 v6, v3;
	[tilespmem:v11+s7+$0x0] =	vst.idx.add.f32.msk $0xffff, v1  }
0x192: {  	v10 =	vand.u32 $0x3FF, v19;
	v11 =	vand.u32 $0x3FF, v16;
	vm9 =	veq.s32 v7, v3;
	[tilespmem:v5+s7+$0x0] =	vst.idx.add.f32.msk $0xffff, v1  }
0x193: {  	v6 =	vnsel vm5, $0x400, v13;
	v9 =	vnsel vm9, $0x400, v8;
	v8 =	vnsel vm4, $0x400, v20;
	[tilespmem:v4+s7+$0x0] =	vst.idx.add.f32.msk $0xffff, v1  }
0x194: {  	s1 =	sadd.s32 $0x80, s1;
	v7 =	vnsel vm6, $0x400, v14;
	v5 =	vnsel vm7, $0x400, v15;
	v4 =	vnsel vm8, $0x400, v11;
	[tilespmem:v12+s7+$0x0] =	vst.idx.add.f32.msk $0xffff, v1  }
0x195: {  	_ =	sdelay $0x3  }
0x196: {  	[tilespmem:v9+s7+$0x0] =	vst.idx.add.f32.msk $0xffff, v1  }
0x197: {  	v63 =	vnsel vm3, $0x400, v10;
	[tilespmem:v8+s7+$0x0] =	vst.idx.add.f32.msk $0xffff, v1  }
0x198: {  	[tilespmem:v6+s7+$0x0] =	vst.idx.add.f32.msk $0xffff, v1  }
0x199: {  	[tilespmem:v7+s7+$0x0] =	vst.idx.add.f32.msk $0xffff, v1  }
0x19a: {  	[tilespmem:v5+s7+$0x0] =	vst.idx.add.f32.msk $0xffff, v1  }
0x19b: {  	[tilespmem:v4+s7+$0x0] =	vst.idx.add.f32.msk $0xffff, v1  }
0x19c: {  	[tilespmem:v63+s7+$0x0] =	vst.idx.add.f32.msk $0xffff, v1  }
.LBB2_10:
0x19d: {  	s0 =	sshra.s32 s2, $0x2  }
0x19e: {  	v4 =	vld [tilespmem:s0+$0x16680];
	_ =	sdelay $0x4  }
0x19f: {  	v5 =	vshra.s32 v4, $0xA  }
0x1a0: {  	v4 =	vand.u32 $0x3FF, v4;
	vm3 =	veq.s32 v5, v3  }
0x1a1: {  	p0 =	sne.s32 s2, $0x40;
	v4 =	vnsel vm3, $0x400, v4  }
.Ltmp4:
0x1a2: {  	_ = 	snop;
	(pc) =	sbr.rel @p0 .LBB2_10-.Ltmp4, $2  }
0x1a3: {  	_ =	sdelay $0x2  }
0x1a4: {  	s2 =	sadd.s32 $0x40, s2;
	[tilespmem:v4+s7+$0x0] =	vst.idx.add.f32.msk $0xffff, v1  }
0x1a5: {  	s0 =	rddreg [dreg:$0x7]  }
0x1a6: {  	[tilespmem:s6], [sflag:$0x1] =	stream.strided.gather [hbm4b:s0+s4], $0x4E80, s5, s4, $0x38;
	[tilespmem:$0x16C00] =	vst v63  }
0x1a7: {  	_ =	swait.ge [sflag:s3], $0x4E80  }
0x1a8: {  	[sflag:s3] =	ssyncset.done $0x0  }
0x1a9: {  	s31 =	simm.s32 $0x118C0;
	[sflag:s3] =	ssyncadd.s32 $0xFFFFB180  }
0x1aa: {  	v4 =	vld [tilespmem:s31+$0x30]  }
0x1ab: {  	v5 =	vld [tilespmem:s31+$0xFFFFFFD0]  }
0x1ac: {  	v8 =	vld [tilespmem:s31+$0x0]  }
0x1ad: {  	v6 =	vld [tilespmem:s31+$0xFFFFFFE0]  }
0x1ae: {  	v7 =	vld [tilespmem:s31+$0xFFFFFFF0]  }
0x1af: {  	v12 =	vld [tilespmem:s31+$0x20];
	v10 =	vshra.s32 v4, $0xA  }
0x1b0: {  	v9 =	vld [tilespmem:s31+$0x10];
	v11 =	vshra.s32 v5, $0xA;
	v4 =	vand.u32 $0x3FF, v4;
	v5 =	vand.u32 $0x3FF, v5  }
0x1b1: {  	v13 =	vand.u32 $0x3FF, v8;
	vm3 =	veq.s32 v10, v3;
	vm4 =	veq.s32 v11, v3  }
0x1b2: {  	v10 =	vld [tilespmem:s31+$0xFFFFFFC0];
	v11 =	vshra.s32 v6, $0xA;
	v6 =	vand.u32 $0x3FF, v6;
	v4 =	vnsel vm3, $0x400, v4  }
0x1b3: {  	vm5 =	veq.s32 v11, v3;
	v11 =	vshra.s32 v7, $0xA;
	v7 =	vand.u32 $0x3FF, v7  }
0x1b4: {  	vm6 =	veq.s32 v11, v3;
	v11 =	vshra.s32 v8, $0xA;
	v8 =	vshra.s32 v12, $0xA  }
0x1b5: {  	v6 =	vnsel vm5, $0x400, v6;
	vm7 =	veq.s32 v11, v3;
	v11 =	vshra.s32 v9, $0xA  }
0x1b6: {  	vm3 =	veq.s32 v8, v3;
	v8 =	vnsel vm4, $0x400, v5;
	v7 =	vnsel vm6, $0x400, v7  }
0x1b7: {  	vm8 =	veq.s32 v11, v3;
	v5 =	vnsel vm7, $0x400, v13;
	v11 =	vshra.s32 v10, $0xA  }
0x1b8: {  	v14 =	vand.u32 $0x3FF, v10;
	vm9 =	veq.s32 v11, v3;
	v11 =	vand.u32 $0x3FF, v9  }
0x1b9: {  	s1 =	simm.s32 $0x11940;
	s0 =	simm.s32 $0x0;
	v10 =	vand.u32 $0x3FF, v12;
	[tilespmem:v4+s7+$0x0] =	vst.idx.add.f32.msk $0xffff, v1;
	v9 =	vnsel vm9, $0x400, v14;
	v4 =	vnsel vm8, $0x400, v11  }
.LBB2_12:
0x1ba: {  	v11 =	vld [tilespmem:s1+$0x30];
	s0 =	sadd.s32 $0x8, s0;
	v12 =	vnsel vm3, $0x400, v10  }
0x1bb: {  	v10 =	vld [tilespmem:s1+$0xFFFFFFD0];
	p0 =	slt.u32 s0, $0x4D8  }
0x1bc: {  	v13 =	vld [tilespmem:s1+$0xFFFFFFE0]  }
0x1bd: {  	v14 =	vld [tilespmem:s1+$0xFFFFFFF0]  }
0x1be: {  	v15 =	vld [tilespmem:s1+$0x0]  }
0x1bf: {  	v16 =	vld [tilespmem:s1+$0x10];
	v17 =	vshra.s32 v11, $0xA  }
0x1c0: {  	v11 =	vand.u32 $0x3FF, v11;
	v18 =	vshra.s32 v10, $0xA;
	v19 =	vld [tilespmem:s1+$0x20];
	vm3 =	veq.s32 v17, v3  }
0x1c1: {  	v17 =	vld [tilespmem:s1+$0xFFFFFFC0];
	vm4 =	veq.s32 v18, v3;
	v18 =	vshra.s32 v13, $0xA;
	v11 =	vnsel vm3, $0x400, v11  }
0x1c2: {  	v20 =	vand.u32 $0x3FF, v10;
	vm5 =	veq.s32 v18, v3;
	v10 =	vshra.s32 v14, $0xA;
	[tilespmem:v9+s7+$0x0] =	vst.idx.add.f32.msk $0xffff, v1  }
0x1c3: {  	v13 =	vand.u32 $0x3FF, v13;
	vm6 =	veq.s32 v10, v3;
	v9 =	vshra.s32 v15, $0xA;
	[tilespmem:v8+s7+$0x0] =	vst.idx.add.f32.msk $0xffff, v1  }
0x1c4: {  	v14 =	vand.u32 $0x3FF, v14;
	vm7 =	veq.s32 v9, v3;
	v8 =	vshra.s32 v16, $0xA;
	[tilespmem:v6+s7+$0x0] =	vst.idx.add.f32.msk $0xffff, v1  }
.Ltmp5:
0x1c5: {  	v15 =	vand.u32 $0x3FF, v15;
	vm8 =	veq.s32 v8, v3;
	v6 =	vshra.s32 v19, $0xA;
	[tilespmem:v7+s7+$0x0] =	vst.idx.add.f32.msk $0xffff, v1;
	(pc) =	sbr.rel @p0 .LBB2_12-.Ltmp5, $4  }
0x1c6: {  	s2 =	simm.s32 $0x0;
	v7 =	vshra.s32 v17, $0xA;
	v8 =	vand.u32 $0x3FF, v17;
	vm3 =	veq.s32 v6, v3;
	[tilespmem:v11+s7+$0x0] =	vst.idx.add.f32.msk $0xffff, v1  }
0x1c7: {  	v10 =	vand.u32 $0x3FF, v19;
	v11 =	vand.u32 $0x3FF, v16;
	vm9 =	veq.s32 v7, v3;
	[tilespmem:v5+s7+$0x0] =	vst.idx.add.f32.msk $0xffff, v1  }
0x1c8: {  	v6 =	vnsel vm5, $0x400, v13;
	v9 =	vnsel vm9, $0x400, v8;
	v8 =	vnsel vm4, $0x400, v20;
	[tilespmem:v4+s7+$0x0] =	vst.idx.add.f32.msk $0xffff, v1  }
0x1c9: {  	s1 =	sadd.s32 $0x80, s1;
	v7 =	vnsel vm6, $0x400, v14;
	v5 =	vnsel vm7, $0x400, v15;
	v4 =	vnsel vm8, $0x400, v11;
	[tilespmem:v12+s7+$0x0] =	vst.idx.add.f32.msk $0xffff, v1  }
0x1ca: {  	_ =	sdelay $0x3  }
0x1cb: {  	[tilespmem:v9+s7+$0x0] =	vst.idx.add.f32.msk $0xffff, v1  }
0x1cc: {  	v63 =	vnsel vm3, $0x400, v10;
	[tilespmem:v8+s7+$0x0] =	vst.idx.add.f32.msk $0xffff, v1  }
0x1cd: {  	[tilespmem:v6+s7+$0x0] =	vst.idx.add.f32.msk $0xffff, v1  }
0x1ce: {  	[tilespmem:v7+s7+$0x0] =	vst.idx.add.f32.msk $0xffff, v1  }
0x1cf: {  	[tilespmem:v5+s7+$0x0] =	vst.idx.add.f32.msk $0xffff, v1  }
0x1d0: {  	[tilespmem:v4+s7+$0x0] =	vst.idx.add.f32.msk $0xffff, v1  }
0x1d1: {  	[tilespmem:v63+s7+$0x0] =	vst.idx.add.f32.msk $0xffff, v1  }
.LBB2_14:
0x1d2: {  	s0 =	sshra.s32 s2, $0x2  }
0x1d3: {  	v4 =	vld [tilespmem:s0+$0x16680];
	_ =	sdelay $0x4  }
0x1d4: {  	v5 =	vshra.s32 v4, $0xA  }
0x1d5: {  	v4 =	vand.u32 $0x3FF, v4;
	vm3 =	veq.s32 v5, v3  }
0x1d6: {  	p0 =	sne.s32 s2, $0x40;
	v4 =	vnsel vm3, $0x400, v4  }
.Ltmp6:
0x1d7: {  	_ = 	snop;
	(pc) =	sbr.rel @p0 .LBB2_14-.Ltmp6, $2  }
0x1d8: {  	_ =	sdelay $0x2  }
0x1d9: {  	s2 =	sadd.s32 $0x40, s2;
	[tilespmem:v4+s7+$0x0] =	vst.idx.add.f32.msk $0xffff, v1  }
0x1da: {  	s0 =	scvt.f32.s32 s18;
	_ =	sdelay $0x1  }
0x1db: {  	v3 =	vnsel vm0, $0x0, v3;
	s0 =	ssub.s32 s19, s0  }
0x1dc: {  	v3 =	vsel vm1, s0, v3  }
0x1dd: {  	v2 =	vsel vm2, v3, v2  }
0x1de: {  	s28 =	rddreg [dreg:$0x8];
	[tilespmem:$0x16B80] =	vst v2  }
0x1df: {  	[hbm4b:s28+s4] =	stream.strided.scatter [tilespmem:s7], [sflag:$0x1], $0x480, s5, s4, $0x38;
	[tilespmem:$0x16C00] =	vst v63  }
0x1e0: {  	_ =	swait.ge [sflag:s3], $0x480  }
0x1e1: {  	s6 =	simm.s32 $0x0;
	[sflag:s3] =	ssyncset.done $0x0  }
0x1e2: {  	s1 =	simm.s32 $0x16B80;
	s29 =	rddreg [dreg:$0x9];
	[sflag:s3] =	ssyncadd.s32 $0xFFFFFB80  }
0x1e3: {  	[hbm4b:s29+s6] =	stream.linear.scatter [tilespmem:s1], [sflag:$0x1], $0x80, $0x38;
	[tilespmem:$0x16C00] =	vst v63  }
0x1e4: {  	_ =	swait.ge [sflag:s3], $0x80  }
0x1e5: {  	s30 =	rddreg [dreg:$0xb]  }
0x1e6: {  	s31 =	rddreg [dreg:$0xa];
	s1 =	sadd.s32 $0x1, s30  }
0x1e7: {  	p0 =	sne.s32 s1, s31  }
.Ltmp7:
0x1e8: {  	_ = 	snop;
	(pc) =	sbr.rel @p0 .LBB2_1-.Ltmp7, $3  }
0x1e9: {  	_ =	sdelay $0x1  }
0x1ea: {  	[sflag:s3] =	ssyncset.done $0x0  }
0x1eb: {  	[sflag:s3] =	ssyncadd.s32 $0xFFFFFF80  }
0x1ec: {  	_ =	sfence.sel $0x180000  }
0x1ed: {  	[bflag:$0x0] =	sbarrier.arrive $0xFFFF  }
0x1ee: {  	_ =	strace $0x9000004D  }
0x1ef: {  	s0 =	stileid.u32;
	[bflag:$0x2] =	sbarrier.arrive $0xFFFF  }
0x1f0: {  	p0 =	sne.s32 s0, $0x0;
	s0 =	rddreg [dreg:$0x1]  }
0x1f1: {  	s0 =	sadd.s32 @!p0 $0x100000, s0  }
0x1f2: {  	[sflag:s0] =	ssyncadd.tile.s32 @!p0 $0x1;
	_ =	shalt  }
.Lfunc_end2:
_tile_overlayer_lowered:
.L_overlay_start_2:
0x1f3: {  	(tag) =	ssettag $0x2  }
0x1f4: {  	s0 =	rddreg [dreg:$0x0];
	s2 =	stileid.u32  }
0x1f5: {  	s1 =	rddreg [dreg:$0x1];
	p0 =	sne.s32 s2, $0x0  }
0x1f6: {  	s3 =	rddreg [dreg:$0x2];
	[bflag:$0x3] =	sbarrier.arrive $0xFFFF;
	s2 =	simm.s32 @!p0 $0x1C01  }
0x1f7: {  	[timem:s3], [sflag:s2] =	dma.local @!p0 [hbm:s0], s1  }
0x1f8: {  	s0 =	simm.s32 @!p0 $0x1  }
0x1f9: {  	_ =	swait.ge @!p0 [sflag:s0], s1  }
0x1fa: {  	s1 =	ssub.s32 @!p0 $0x0, s1;
	[sflag:s0] =	ssyncset.done @!p0 $0x0  }
0x1fb: {  	[sflag:s0] =	ssyncadd.s32 @!p0 s1  }
0x1fc: {  	[bflag:$0x3] =	sbarrier.arrive $0xFFFF  }
0x1fd: {  	_ =	shalt  }

// kernel: kernel.16.cloned.1.call-start
scs
__scs_entry_jumppad:
0x0: {  	(pc) =	sbr.rel $0x88, $3  }
0x1: {  	(tag) =	ssettag $0x0;
	lr =	simm.s32 $0x1  }
0x2: {  	[smem:$0x3F9E] =	sst lr;
	_ =	strace $0xD0000000  }
0x3: {  	_ = 	snop  }
0x4: {  	_ = 	snop  }
0x5: {  	_ = 	snop  }
0x6: {  	_ = 	snop  }
0x7: {  	_ = 	snop  }
__scs_overlays_trampoline_lowered:
0x8: {  	[smem:$0x3FAD] =	sst s0  }
0x9: {  	[smem:$0x3FAE] =	sst s1  }
0xa: {  	[smem:$0x3FAF] =	sst s2  }
0xb: {  	[smem:$0x3FB0] =	sst s3  }
0xc: {  	[smem:$0x3FB1] =	sst s4  }
0xd: {  	[smem:$0x3FB2] =	sst s5  }
0xe: {  	[smem:$0x3FB3] =	sst s6  }
0xf: {  	[smem:$0x3FB4] =	sst s7  }
0x10: {  	[smem:$0x3FB5] =	sst s8  }
0x11: {  	[smem:$0x3FB6] =	sst s9;
	s0 =	simm.s32 @!p0 $0x0  }
0x12: {  	s1 =	sld [smem:$0x3F9C];
	s0 =	simm.s32 @p0 $0x1  }
0x13: {  	[smem:$0x3FB7] =	sst s0;
	s0 =	simm.s32 @!p1 $0x0  }
0x14: {  	s2 =	sld [smem:$0x3F9B];
	s0 =	simm.s32 @p1 $0x1  }
0x15: {  	[smem:$0x3FB8] =	sst s0;
	s0 =	simm.s32 @!p2 $0x0  }
0x16: {  	s3 =	sld [smem:$0x3FDB];
	s0 =	simm.s32 @p2 $0x1  }
0x17: {  	s4 =	simm.s32 $0x1BF5;
	[smem:$0x3FBA] =	sst s0  }
0x18: {  	s0 =	sld [smem:$0x3F9D];
	_ =	swait.ge [sflag:s4], $0x0  }
0x19: {  	s7 =	sld [smem:$0x3F9E]  }
0x1a: {  	s8 =	sadd.s32 $0xFFFFE003, lr  }
0x1b: {  	s9 =	sadd.s32 $0xFFFFFEF7, lr;
	s5 =	simm.s32 $0xFFFFFFFF;
	p2 =	slt.u32 s8, $0xFFFFF086  }
0x1c: {  	p1 =	slt.u32 s9, $0xF7A;
	s5 =	simm.s32 @!p2 $0x0  }
0x1d: {  	s5 =	simm.s32 @p1 $0x1;
	p0 =	seq.s32 s7, s2  }
0x1e: {  	s7 =	smul.u32 @!p0 $0xF7A, s2;
	p2 =	seq.s32 @!p0 s5, $0x0  }
0x1f: {  	s9 =	smul.u32 $0xF7A, s1;
	s8 =	simm.s32 @!p0 $0x1BF5;
	p2 =	por !p2, p0  }
0x20: {  	[sflag:s8] =	ssyncset.s32 @!p0 $0xFFFFF086;
	s6 =	sadd.s32 @!p0 s3, s7;
	s7 =	simm.s32 @!p0 $0x108  }
0x21: {  	s3 =	sadd.s32 s3, s9;
	s6 =	sadd.s32 @!p0 $0x88, s6;
	s7 =	simm.s32 @p2 $0x1082  }
0x22: {  	[simem:s7], [sflag:s8] =	dma.local @!p0 [hbm:s6], $0xF7A  }
0x23: {  	s9 =	sor.u32 $0xD0000000, s2;
	s6 =	simm.s32 $0x108;
	_ =	swait.ge @!p0 [sflag:s8], $0x0  }
0x24: {  	s3 =	sadd.s32 $0x88, s3;
	s6 =	simm.s32 @!p1 $0x1082;
	[sflag:s4] =	ssyncset.s32 $0xFFFFF086  }
0x25: {  	[simem:s6], [sflag:s4] =	dma.local [hbm:s3], $0xF7A  }
0x26: {  	[smem:$0x3F9E] =	sst s1;
	(tag) =	ssettag s2;
	_ =	strace s9  }
0x27: {  	s1 =	sld [smem:$0x3FAE]  }
0x28: {  	s2 =	sld [smem:$0x3FAF]  }
0x29: {  	s4 =	sld [smem:$0x3FB1]  }
0x2a: {  	p0 =	seq.s32 s5, $0x0;
	s5 =	sld [smem:$0x3FB2]  }
0x2b: {  	s6 =	sld [smem:$0x3FB3]  }
0x2c: {  	s7 =	sld [smem:$0x3FB4]  }
0x2d: {  	s3 =	simm.s32 $0x108;
	s8 =	sld [smem:$0x3FB5]  }
0x2e: {  	s3 =	simm.s32 @!p0 $0x1082;
	s9 =	sld [smem:$0x3FB6]  }
0x2f: {  	lr =	sadd.s32 s0, s3;
	s0 =	sld [smem:$0x3FAD]  }
0x30: {  	s3 =	sld [smem:$0x3FB0]  }
0x31: {  	[smem:$0x3FB9] =	sst s10  }
0x32: {  	s10 =	sld [smem:$0x3FB7];
	_ =	sdelay $0x3  }
0x33: {  	p0 =	seq.s32 s10, $0x1;
	s10 =	sld [smem:$0x3FB9];
	_ =	sdelay $0x3  }
0x34: {  	[smem:$0x3FB9] =	sst s10  }
0x35: {  	s10 =	sld [smem:$0x3FB8];
	_ =	sdelay $0x3  }
0x36: {  	p1 =	seq.s32 s10, $0x1;
	s10 =	sld [smem:$0x3FB9];
	_ =	sdelay $0x3  }
0x37: {  	[smem:$0x3FB9] =	sst s10  }
0x38: {  	s10 =	sld [smem:$0x3FBA]  }
0x39: {  	_ = 	snop;
	(pc) =	sbr.ind lr, $3  }
0x3a: {  	_ = 	snop  }
0x3b: {  	_ = 	snop  }
0x3c: {  	p2 =	seq.s32 s10, $0x1;
	s10 =	sld [smem:$0x3FB9]  }
0x3d: {  	_ =	shalt  }
0x3e: {  	_ =	shalt  }
0x3f: {  	_ =	shalt  }
0x40: {  	_ =	shalt  }
0x41: {  	_ =	shalt  }
0x42: {  	_ =	shalt  }
0x43: {  	_ =	shalt  }
0x44: {  	_ =	shalt  }
0x45: {  	_ =	shalt  }
0x46: {  	_ =	shalt  }
0x47: {  	_ =	shalt  }
0x48: {  	_ =	shalt  }
0x49: {  	_ =	shalt  }
0x4a: {  	_ =	shalt  }
0x4b: {  	_ =	shalt  }
0x4c: {  	_ =	shalt  }
0x4d: {  	_ =	shalt  }
0x4e: {  	_ =	shalt  }
0x4f: {  	_ =	shalt  }
0x50: {  	_ =	shalt  }
0x51: {  	_ =	shalt  }
0x52: {  	_ =	shalt  }
0x53: {  	_ =	shalt  }
0x54: {  	_ =	shalt  }
0x55: {  	_ =	shalt  }
0x56: {  	_ =	shalt  }
0x57: {  	_ =	shalt  }
0x58: {  	_ =	shalt  }
0x59: {  	_ =	shalt  }
0x5a: {  	_ =	shalt  }
0x5b: {  	_ =	shalt  }
0x5c: {  	_ =	shalt  }
0x5d: {  	_ =	shalt  }
0x5e: {  	_ =	shalt  }
0x5f: {  	_ =	shalt  }
0x60: {  	_ =	shalt  }
0x61: {  	_ =	shalt  }
0x62: {  	_ =	shalt  }
0x63: {  	_ =	shalt  }
0x64: {  	_ =	shalt  }
0x65: {  	_ =	shalt  }
0x66: {  	_ =	shalt  }
0x67: {  	_ =	shalt  }
0x68: {  	_ =	shalt  }
0x69: {  	_ =	shalt  }
0x6a: {  	_ =	shalt  }
0x6b: {  	_ =	shalt  }
0x6c: {  	_ =	shalt  }
0x6d: {  	_ =	shalt  }
0x6e: {  	_ =	shalt  }
0x6f: {  	_ =	shalt  }
0x70: {  	_ =	shalt  }
0x71: {  	_ =	shalt  }
0x72: {  	_ =	shalt  }
0x73: {  	_ =	shalt  }
0x74: {  	_ =	shalt  }
0x75: {  	_ =	shalt  }
0x76: {  	_ =	shalt  }
0x77: {  	_ =	shalt  }
0x78: {  	_ =	shalt  }
0x79: {  	_ =	shalt  }
0x7a: {  	_ =	shalt  }
0x7b: {  	_ =	shalt  }
0x7c: {  	_ =	shalt  }
0x7d: {  	_ =	shalt  }
0x7e: {  	_ =	shalt  }
0x7f: {  	_ =	shalt  }
0x80: {  	_ =	shalt  }
0x81: {  	_ =	shalt  }
0x82: {  	_ =	shalt  }
0x83: {  	_ =	shalt  }
0x84: {  	_ =	shalt  }
0x85: {  	_ =	shalt  }
0x86: {  	_ =	shalt  }
0x87: {  	_ =	shalt  }
.Lfunc_end0:
.L_simem_size_0:
called_computation.3_lowered:
.L_overlay_start_0:
0x88: {  	s2 =	sld [smem:$0x3FD9]  }
0x89: {  	s3 =	sld [smem:$0x3FFE];
	_ =	sdelay $0x1  }
0x8a: {  	s1 =	srdreg.scid  }
0x8b: {  	s0 =	sand.u32 $0x1, s1  }
0x8c: {  	s16 =	sshll.u32 s0, $0xA;
	s2 =	sadd.s32 s3, s2  }
0x8d: {  	s2 =	sadd.s32 s2, s16  }
0x8e: {  	[smem:$0x3FC5] =	sst s2  }
0x8f: {  	_ = 	snop  }
0x90: {  	(tm) =	ssettm $0x1  }
0x91: {  	s17 =	sld [smem:$0x3FFB];
	_ =	sdelay $0x3  }
0x92: {  	_ =	strace s17  }
0x93: {  	s2 =	sld [smem:$0x3FFC];
	_ =	sdelay $0x3  }
0x94: {  	_ =	strace s2  }
0x95: {  	s2 =	sld [smem:$0x3FFD];
	_ =	sdelay $0x3  }
0x96: {  	_ =	strace s2  }
0x97: {  	_ =	strace $0x8FFFFFFF  }
0x98: {  	s18 =	sld [smem:$0x3FDB];
	_ =	sdelay $0x1  }
0x99: {  	s19 =	simm.s32 $_scs_section_size  }
0x9a: {  	s4 =	simm.s32 $_size__tile_overlayer_lowered;
	s5 =	simm.s32 $_tile_overlayer_lowered  }
0x9b: {  	s22 =	simm.s32 $0x1BFF;
	s21 =	sshll.u32 s5, $0x1;
	s2 =	sadd.s32 s19, s18  }
0x9c: {  	s6 =	simm.s32 $0x0;
	s20 =	sshll.u32 s4, $0x1;
	s4 =	sadd.s32 s21, s2  }
0x9d: {  	[timem:s6], [sflag:s22] =	dma.local [hbm:s4], s20  }
0x9e: {  	_ =	swait.ge [sflag:s22], s20  }
0x9f: {  	s3 =	ssub.s32 $0x0, s20;
	[sflag:s22] =	ssyncset.done $0x0  }
0xa0: {  	[sflag:s22] =	ssyncadd.s32 s3;
	_ =	sdelay $0x1  }
0xa1: {  	s23 =	simm.s32 $0x1B8B  }
0xa2: {  	_ =	swait.ge [sflag:s23], $0x1  }
0xa3: {  	[sflag:s23] =	ssyncset.done $0x0  }
0xa4: {  	s25 =	simm.s32 $0x1B8E;
	s24 =	sld [smem:$0x3FFE];
	[sflag:s23] =	ssyncadd.s32 $0xFFFFFFFF  }
0xa5: {  	s26 =	simm.s32 $execute0_lowered;
	[smem:$0x3FD2] =	sst s25  }
0xa6: {  	s4 =	sshll.u32 s26, $0x1;
	_ =	strace $0x8000004F;
	[dreg:$0x1] =	wrdreg $0xFFFFFFFF  }
0xa7: {  	s28 =	simm.s32 $_size_execute0_lowered;
	s2 =	sadd.s32 s2, s4;
	[dreg:$0x0] =	wrdreg $0x0  }
0xa8: {  	s4 =	sshll.u32 s28, $0x1;
	[dreg:$0x2] =	wrdreg s2  }
0xa9: {  	[dreg:$0x3] =	wrdreg s4  }
0xaa: {  	[dreg:$0x4] =	wrdreg $0xC0  }
0xab: {  	_ =	task [dreg:s6], $0x5FFFF  }
0xac: {  	[dreg:$0x1] =	wrdreg $0xFFFFFFFF  }
0xad: {  	[dreg:$0x0] =	wrdreg $0x60  }
0xae: {  	[dreg:$0x2] =	wrdreg s24  }
0xaf: {  	[dreg:$0x3] =	wrdreg $0x9  }
0xb0: {  	_ =	task.clear_ibuf [dreg:s6], $0x4FFFF;
	_ =	strace $0x9000004F  }
0xb1: {  	s29 =	simm.s32 $0x9;
	_ =	strace $0x80000051  }
0xb2: {  	_ =	swait.ge [sflag:s29], $0x1  }
0xb3: {  	[sflag:s29] =	ssyncadd.s32 $0xFFFFFFFF  }
0xb4: {  	_ =	strace $0x90000051  }
0xb5: {  	_ =	sfence  }
0xb6: {  	s30 =	sld [smem:$0x0];
	_ =	sdelay $0x2  }
0xb7: {  	s31 =	sshll.u32 s1, $0xD;
	s1 =	sshrl.u32 s1, $0x2  }
0xb8: {  	s3 =	sand.u32 $0x4000, s31;
	s1 =	sadd.s32 s1, s30  }
0xb9: {  	s0 =	sor.u32 s3, s0;
	s1 =	sshll.u32 s1, $0x11  }
0xba: {  	s0 =	sor.u32 s1, s0  }
0xbb: {  	s0 =	sadd.s32 $0x8F2B, s0  }
0xbc: {  	[sflag:s0] =	ssyncadd.remote.s32 $0x1  }
0xbd: {  	_ =	sfence.sel $0xFFFF  }
0xbe: {  	[dreg:$0x0] =	wrdreg $0xFFFFFFFF;
	(pc) =	sbr.abs _section_cstart, $3  }
0xbf: {  	[dreg:$0x1] =	wrdreg $0xFFFFFFFF  }
0xc0: {  	_ =	task.clear_ibuf [dreg:s6], $0x2FFFF;
	_ =	strace $0x9FFFFFFF  }
0xc1: {  	(tm) =	ssettm $0x7FFFFFFF  }
tec
execute0_lowered:
.L_overlay_start_1:
0x0: {  	(tag) =	ssettag $0x1  }
0x1: {  	s0 =	srdreg.scid  }
0x2: {  	s3 =	stileid.u32;
	s1 =	rddreg [dreg:$0x0]  }
0x3: {  	s5 =	simm.s32 $0x0;
	s0 =	sand.u32 $0x1, s0;
	s2 =	sshll.u32 s3, $0x1  }
0x4: {  	s3 =	sshrl.u32 s3, $0x1;
	[smem:$0x7FF] =	sst s5;
	s2 =	sor.u32 s0, s2  }
0x5: {  	s6 =	sadd.s32 $0x3600, s1;
	s3 =	smul.u32 $0x27400, s3;
	s4 =	sshll.u32 s2, $0x8  }
0x6: {  	s26 =	sadd.s32 $0x2400, s1;
	s0 =	ssub.s32 $0x2, s0;
	s4 =	sand.u32 $0x300, s4  }
0x7: {  	_ =	strace $0x80000050;
	s28 =	sshrl.u32 s0, $0x1;
	s3 =	sor.u32 s3, s4  }
0x8: {  	[dreg:$0x4] =	wrdreg s6;
	s0 =	ssub.s32 s0, s28;
	s3 =	sshrl.u32 s3, $0x3  }
0x9: {  	[dreg:$0x5] =	wrdreg s26;
	s0 =	smax.u32 s0, $0x1;
	s3 =	sadd.s32 s3, s1  }
0xa: {  	s2 =	sshll.u32 s2, $0x4;
	[dreg:$0xa] =	wrdreg s0;
	s29 =	sadd.s32 $0x4600, s3  }
0xb: {  	s1 =	sadd.s32 s2, s1;
	s30 =	sadd.s32 $0x4610, s3;
	[dreg:$0x6] =	wrdreg s29  }
0xc: {  	s31 =	sadd.s32 $0x3800, s1;
	[dreg:$0x7] =	wrdreg s30  }
0xd: {  	v0 =	vimm.s32 $0x0;
	vm0 =	vmmov $0x1;
	vm1 =	vcmask $0x308;
	s1 =	sadd.s32 $0x3A00, s1;
	[dreg:$0x8] =	wrdreg s31  }
0xe: {  	s12 =	simm.s32 $0x1;
	vm2 =	vcmask $0x300;
	vm3 =	vcmask $0x704;
	vm4 =	vcmask $0xB10;
	[dreg:$0x9] =	wrdreg s1;
	s1 =	simm.s32 $0x0  }
.LBB2_1:
0xf: {  	[dreg:$0xb] =	wrdreg s1  }
0x10: {  	s0 =	rddreg [dreg:$0x5]  }
0x11: {  	[tilespmem:s5], [sflag:$0x1] =	stream.linear.gather [hbm4b:s0+s5], $0x9000, $0x38;
	[tilespmem:$0xE400] =	vst v63  }
0x12: {  	_ =	swait.ge [sflag:s12], $0x9000  }
0x13: {  	[sflag:s12] =	ssyncset.done $0x0  }
0x14: {  	s11 =	simm.s32 $0x9400;
	s10 =	rddreg [dreg:$0x4];
	[sflag:s12] =	ssyncadd.s32 $0xFFFF7000  }
0x15: {  	[tilespmem:s11], [sflag:$0x1] =	stream.linear.gather [hbm4b:s10+s5], $0x80, $0x38;
	[tilespmem:$0xE400] =	vst v63  }
0x16: {  	s18 =	sand.u32 $0x60, s5;
	_ =	swait.ge [sflag:s12], $0x80  }
0x17: {  	s20 =	sand.u32 $0x1C00, s5;
	s19 =	sor.u32 $0x10, s18;
	[sflag:s12] =	ssyncset.done $0x0  }
0x18: {  	s2 =	sor.u32 s19, s20;
	[sflag:s12] =	ssyncadd.s32 $0xFFFFFF80  }
0x19: {  	v1 =	vld [tilespmem:s2+$0x0];
	_ =	sdelay $0x4  }
0x1a: {  	[tilespmem:$0x1FF70] =	vst v1  }
0x1b: {  	v1 =	vld [tilespmem:s2+$0x80];
	_ =	sdelay $0x4  }
0x1c: {  	[tilespmem:$0x1FF80] =	vst v1  }
0x1d: {  	v1 =	vld [tilespmem:s2+$0x100];
	_ =	sdelay $0x4  }
0x1e: {  	[tilespmem:$0x1FF90] =	vst v1  }
0x1f: {  	v10 =	vld [tilespmem:s2+$0x180]  }
0x20: {  	v9 =	vld [tilespmem:s2+$0x200]  }
0x21: {  	v11 =	vld [tilespmem:s2+$0x280]  }
0x22: {  	s0 =	sadd.s32 $0x2400, s20;
	v12 =	vld [tilespmem:s2+$0x300]  }
0x23: {  	s1 =	sadd.s32 $0x2480, s20;
	s3 =	sor.u32 s19, s0;
	v13 =	vld [tilespmem:s2+$0x380]  }
0x24: {  	s4 =	sor.u32 s19, s1;
	s5 =	sadd.s32 $0x2680, s20;
	v14 =	vld [tilespmem:s3+$0x0]  }
0x25: {  	s8 =	sor.u32 s19, s5;
	v15 =	vld [tilespmem:s4+$0x0]  }
0x26: {  	s0 =	sor.u32 s18, s0;
	v20 =	vld [tilespmem:s8+$0x0]  }
0x27: {  	s1 =	sor.u32 s18, s1;
	v19 =	vld [tilespmem:s0+$0x0]  }
0x28: {  	s5 =	sor.u32 s18, s5;
	s2 =	sadd.s32 $0x2500, s20;
	v22 =	vld [tilespmem:s1+$0x0]  }
0x29: {  	s3 =	sadd.s32 $0x2580, s20;
	v46 =	vld [tilespmem:s5+$0x0];
	s13 =	sor.u32 s19, s2  }
0x2a: {  	s4 =	sadd.s32 $0x2600, s20;
	s6 =	sor.u32 s19, s3;
	v16 =	vld [tilespmem:s13+$0x0]  }
0x2b: {  	s8 =	sadd.s32 $0x4800, s20;
	s7 =	sor.u32 s19, s4;
	v18 =	vld [tilespmem:s6+$0x0]  }
0x2c: {  	s11 =	sor.u32 s19, s8;
	v17 =	vld [tilespmem:s7+$0x0]  }
0x2d: {  	s2 =	sor.u32 s18, s2;
	v25 =	vld [tilespmem:s11+$0x0]  }
0x2e: {  	s3 =	sor.u32 s18, s3;
	v23 =	vld [tilespmem:s2+$0x0]  }
0x2f: {  	s4 =	sor.u32 s18, s4;
	v45 =	vld [tilespmem:s3+$0x0]  }
0x30: {  	s8 =	sor.u32 s18, s8;
	v24 =	vld [tilespmem:s4+$0x0]  }
0x31: {  	v49 =	vld [tilespmem:s8+$0x0];
	s2 =	sor.u32 s18, s20  }
0x32: {  	v62 =	vld [tilespmem:s2+$0x0]  }
0x33: {  	v63 =	vld [tilespmem:s2+$0x80]  }
0x34: {  	v5 =	vld [tilespmem:s2+$0x100]  }
0x35: {  	v3 =	vld [tilespmem:s2+$0x180]  }
0x36: {  	v6 =	vld [tilespmem:s2+$0x200]  }
0x37: {  	v4 =	vld [tilespmem:s2+$0x280]  }
0x38: {  	s6 =	sadd.s32 $0x2700, s20;
	v2 =	vld [tilespmem:s2+$0x300]  }
0x39: {  	s7 =	sadd.s32 $0x2780, s20;
	s9 =	sor.u32 s19, s6;
	v1 =	vld [tilespmem:s2+$0x380]  }
0x3a: {  	s11 =	sadd.s32 $0x4980, s20;
	s10 =	sor.u32 s19, s7;
	v21 =	vld [tilespmem:s9+$0x0]  }
0x3b: {  	s13 =	sadd.s32 $0x4A00, s20;
	s16 =	sor.u32 s19, s11;
	v29 =	vld [tilespmem:s10+$0x0]  }
0x3c: {  	s17 =	sor.u32 s19, s13;
	v32 =	vld [tilespmem:s16+$0x0]  }
0x3d: {  	s6 =	sor.u32 s18, s6;
	v33 =	vld [tilespmem:s17+$0x0]  }
0x3e: {  	s7 =	sor.u32 s18, s7;
	v47 =	vld [tilespmem:s6+$0x0]  }
0x3f: {  	s11 =	sor.u32 s18, s11;
	v48 =	vld [tilespmem:s7+$0x0]  }
0x40: {  	s13 =	sor.u32 s18, s13;
	s9 =	sadd.s32 $0x4880, s20;
	v51 =	vld [tilespmem:s11+$0x0]  }
0x41: {  	s10 =	sadd.s32 $0x4900, s20;
	v27 =	vld [tilespmem:s13+$0x0];
	s14 =	sor.u32 s19, s9  }
0x42: {  	s16 =	sadd.s32 $0x4B80, s20;
	s15 =	sor.u32 s19, s10;
	v30 =	vld [tilespmem:s14+$0x0]  }
0x43: {  	s17 =	sadd.s32 $0x6C00, s20;
	s23 =	sor.u32 s19, s16;
	v31 =	vld [tilespmem:s15+$0x0]  }
0x44: {  	s24 =	sor.u32 s19, s17;
	v36 =	vld [tilespmem:s23+$0x0]  }
0x45: {  	s9 =	sor.u32 s18, s9;
	v37 =	vld [tilespmem:s24+$0x0]  }
0x46: {  	s10 =	sor.u32 s18, s10;
	v50 =	vld [tilespmem:s9+$0x0]  }
0x47: {  	s16 =	sor.u32 s18, s16;
	v26 =	vld [tilespmem:s10+$0x0]  }
0x48: {  	s17 =	sor.u32 s18, s17;
	s14 =	sadd.s32 $0x4A80, s20;
	v54 =	vld [tilespmem:s16+$0x0]  }
0x49: {  	s15 =	sadd.s32 $0x4B00, s20;
	v55 =	vld [tilespmem:s17+$0x0];
	s21 =	sor.u32 s19, s14  }
0x4a: {  	s23 =	sadd.s32 $0x6D80, s20;
	s22 =	sor.u32 s19, s15;
	v34 =	vld [tilespmem:s21+$0x0]  }
0x4b: {  	s24 =	sadd.s32 $0x6E00, s20;
	s28 =	sor.u32 s19, s23;
	v35 =	vld [tilespmem:s22+$0x0]  }
0x4c: {  	s29 =	sor.u32 s19, s24;
	v40 =	vld [tilespmem:s28+$0x0]  }
0x4d: {  	s30 =	sadd.s32 $0x6F00, s20;
	s23 =	sor.u32 s18, s23;
	v41 =	vld [tilespmem:s29+$0x0]  }
0x4e: {  	s21 =	sadd.s32 $0x6C80, s20;
	s28 =	sor.u32 s19, s30;
	v58 =	vld [tilespmem:s23+$0x0]  }
0x4f: {  	s14 =	sor.u32 s18, s14;
	s22 =	sadd.s32 $0x6D00, s20;
	s25 =	sor.u32 s19, s21;
	v43 =	vld [tilespmem:s28+$0x0]  }
0x50: {  	s15 =	sor.u32 s18, s15;
	s26 =	sor.u32 s19, s22;
	v38 =	vld [tilespmem:s25+$0x0];
	s25 =	sadd.s32 $0x6E80, s20  }
0x51: {  	s30 =	sor.u32 s18, s30;
	s21 =	sor.u32 s18, s21;
	v39 =	vld [tilespmem:s26+$0x0];
	s26 =	sor.u32 s19, s25  }
0x52: {  	s22 =	sor.u32 s18, s22;
	s28 =	sor.u32 s18, s24;
	v42 =	vld [tilespmem:s26+$0x0];
	s26 =	sadd.s32 $0x6F80, s20  }
0x53: {  	v56 =	vld [tilespmem:s21+$0x0];
	s21 =	simm.s32 $0x20;
	s29 =	sor.u32 s18, s25;
	s31 =	sor.u32 s19, s26  }
0x54: {  	s20 =	sand.u32 $0x60, s21;
	v44 =	vld [tilespmem:s31+$0x0];
	s31 =	sor.u32 s18, s26;
	s18 =	simm.s32 $0x100  }
0x55: {  	v57 =	vld [tilespmem:s22+$0x0];
	s22 =	sor.u32 $0x10, s20;
	s23 =	sand.u32 $0x1C00, s18  }
0x56: {  	v52 =	vld [tilespmem:s14+$0x0];
	s3 =	sor.u32 s22, s23  }
0x57: {  	v7 =	vld [tilespmem:s3+$0x0]  }
0x58: {  	v53 =	vld [tilespmem:s15+$0x0]  }
0x59: {  	v60 =	vld [tilespmem:s30+$0x0]  }
0x5a: {  	v28 =	vld [tilespmem:s28+$0x0]  }
0x5b: {  	v59 =	vld [tilespmem:s29+$0x0]  }
0x5c: {  	v61 =	vld [tilespmem:s31+$0x0];
	[tilespmem:$0x1FFA0] =	vst v7  }
0x5d: {  	v7 =	vld [tilespmem:s3+$0x80];
	_ =	sdelay $0x4  }
0x5e: {  	[tilespmem:$0x1FFB0] =	vst v7  }
0x5f: {  	v7 =	vld [tilespmem:s3+$0x100];
	_ =	sdelay $0x4  }
0x60: {  	[tilespmem:$0x1FFC0] =	vst v7  }
0x61: {  	v7 =	vld [tilespmem:s3+$0x180];
	_ =	sdelay $0x4  }
0x62: {  	[tilespmem:$0x1FFD0] =	vst v7  }
0x63: {  	v7 =	vld [tilespmem:s3+$0x200];
	_ =	sdelay $0x3  }
0x64: {  	v8 =	vld [tilespmem:$0x1FF80]  }
0x65: {  	[tilespmem:$0x1FFE0] =	vst v7;
	v7 =	vld [tilespmem:$0x1FF70];
	_ =	sdelay $0x2  }
0x66: {  	v9 =	vadd.f32 v11, v9;
	v14 =	vadd.f32 v15, v14  }
0x67: {  	v19 =	vadd.f32 v22, v19;
	v15 =	vadd.f32 v18, v16  }
0x68: {  	v20 =	vadd.f32 v20, v17;
	v7 =	vadd.f32 v8, v7;
	v8 =	vld [tilespmem:$0x1FF90]  }
0x69: {  	v4 =	vadd.f32 v4, v6;
	v1 =	vadd.f32 v1, v2  }
0x6a: {  	v24 =	vadd.f32 v46, v24;
	v3 =	vadd.f32 v3, v5  }
0x6b: {  	v21 =	vadd.f32 v29, v21;
	v1 =	vadd.f32 v1, v4  }
0x6c: {  	v25 =	vadd.f32 v30, v25;
	v29 =	vadd.f32 v32, v31  }
0x6d: {  	v26 =	vadd.f32 v51, v26;
	v8 =	vadd.f32 v10, v8;
	v10 =	vld [tilespmem:s3+$0x280]  }
0x6e: {  	v30 =	vadd.f32 v34, v33;
	v31 =	vadd.f32 v36, v35  }
0x6f: {  	v42 =	vadd.f32 v42, v41;
	v44 =	vadd.f32 v44, v43  }
0x70: {  	v27 =	vadd.f32 v52, v27;
	v52 =	vadd.f32 v61, v60;
	v60 =	vld [tilespmem:$0x1FFB0]  }
0x71: {  	v41 =	vadd.f32 v44, v42;
	v42 =	vadd.f32 v45, v23;
	v61 =	vld [tilespmem:$0x1FFC0]  }
0x72: {  	v45 =	vadd.f32 v54, v53;
	v54 =	vadd.f32 v63, v62;
	v62 =	vld [tilespmem:$0x1FFD0];
	[tilespmem:$0x1FFF0] =	vst v10  }
0x73: {  	v32 =	vadd.f32 v38, v37;
	s0 =	sadd.s32 $0x2400, s23;
	v10 =	vadd.f32 v13, v12;
	v13 =	vld [tilespmem:s3+$0x300]  }
0x74: {  	v40 =	vadd.f32 v40, v39;
	v37 =	vadd.f32 v21, v20;
	s1 =	sadd.s32 $0x2480, s23;
	s4 =	sor.u32 s22, s0;
	v18 =	vld [tilespmem:s3+$0x380]  }
0x75: {  	v38 =	vadd.f32 v29, v25;
	s11 =	sadd.s32 $0x2500, s23;
	s5 =	sor.u32 s22, s1;
	v43 =	vadd.f32 v48, v47;
	v17 =	vld [tilespmem:s4+$0x0]  }
0x76: {  	s15 =	sadd.s32 $0x2580, s23;
	s6 =	sor.u32 s22, s11;
	v28 =	vadd.f32 v59, v28;
	v47 =	vadd.f32 v56, v55;
	v16 =	vld [tilespmem:s5+$0x0]  }
0x77: {  	s12 =	sadd.s32 $0x2600, s23;
	s7 =	sor.u32 s22, s15;
	v44 =	vadd.f32 v50, v49;
	v24 =	vadd.f32 v43, v24;
	v11 =	vld [tilespmem:s6+$0x0]  }
0x78: {  	s2 =	sadd.s32 $0x4B00, s23;
	s8 =	sor.u32 s22, s12;
	v49 =	vadd.f32 v58, v57;
	v28 =	vadd.f32 v52, v28;
	v12 =	vld [tilespmem:s7+$0x0]  }
0x79: {  	s29 =	sor.u32 s22, s2;
	v26 =	vadd.f32 v26, v44;
	v27 =	vadd.f32 v45, v27;
	v36 =	vld [tilespmem:s8+$0x0]  }
0x7a: {  	s0 =	sor.u32 s20, s0;
	v19 =	vadd.f32 v42, v19;
	v3 =	vadd.f32 v3, v54;
	v29 =	vld [tilespmem:s29+$0x0]  }
0x7b: {  	s1 =	sor.u32 s20, s1;
	v6 =	vadd.f32 v49, v47;
	v56 =	vadd.f32 v27, v26;
	v26 =	vld [tilespmem:s0+$0x0]  }
0x7c: {  	v40 =	vadd.f32 v40, v32;
	s11 =	sor.u32 s20, s11;
	v1 =	vadd.f32 v1, v3;
	v3 =	vld [tilespmem:s1+$0x0]  }
0x7d: {  	s15 =	sor.u32 s20, s15;
	v19 =	vadd.f32 v24, v19;
	v6 =	vadd.f32 v28, v6;
	v57 =	vld [tilespmem:s11+$0x0]  }
0x7e: {  	v39 =	vadd.f32 v31, v30;
	s13 =	sadd.s32 $0x2680, s23;
	v20 =	vadd.f32 v41, v40;
	v58 =	vld [tilespmem:s15+$0x0]  }
0x7f: {  	s9 =	sor.u32 s22, s13;
	v6 =	vadd.f32 v6, v56;
	v1 =	vadd.f32 v19, v1;
	v41 =	vld [tilespmem:$0x1FFF0]  }
0x80: {  	v7 =	vadd.f32 v8, v7;
	s1 =	sor.u32 s20, s13;
	v8 =	vadd.f32 v10, v9;
	v9 =	vld [tilespmem:s9+$0x0]  }
0x81: {  	v6 =	vadd.f32 v6, v1;
	s3 =	sadd.s32 $0x2700, s23;
	v1 =	vld [tilespmem:s1+$0x0]  }
0x82: {  	s4 =	sadd.s32 $0x2780, s23;
	s10 =	sor.u32 s22, s3;
	v10 =	vadd.f32 v15, v14;
	v14 =	vadd.f32 v39, v38;
	v39 =	vld [tilespmem:$0x1FFE0]  }
0x83: {  	s5 =	sadd.s32 $0x4800, s23;
	s14 =	sor.u32 s22, s4;
	v15 =	vld [tilespmem:s10+$0x0]  }
0x84: {  	s7 =	sadd.s32 $0x4900, s23;
	s16 =	sor.u32 s22, s5;
	v25 =	vld [tilespmem:s14+$0x0]  }
0x85: {  	s8 =	sadd.s32 $0x4980, s23;
	s24 =	sor.u32 s22, s7;
	v31 =	vld [tilespmem:s16+$0x0]  }
0x86: {  	s25 =	sor.u32 s22, s8;
	v21 =	vld [tilespmem:s24+$0x0]  }
0x87: {  	s3 =	sor.u32 s20, s3;
	v23 =	vld [tilespmem:s25+$0x0]  }
0x88: {  	s4 =	sor.u32 s20, s4;
	v63 =	vld [tilespmem:s3+$0x0]  }
0x89: {  	s6 =	sadd.s32 $0x4880, s23;
	s5 =	sor.u32 s20, s5;
	v42 =	vld [tilespmem:s4+$0x0]  }
0x8a: {  	s17 =	sor.u32 s22, s6;
	s6 =	sor.u32 s20, s6;
	v43 =	vld [tilespmem:s5+$0x0]  }
0x8b: {  	s7 =	sor.u32 s20, s7;
	v44 =	vld [tilespmem:s6+$0x0]  }
0x8c: {  	s8 =	sor.u32 s20, s8;
	v45 =	vld [tilespmem:s7+$0x0]  }
0x8d: {  	s9 =	sadd.s32 $0x4A00, s23;
	v47 =	vld [tilespmem:s8+$0x0]  }
0x8e: {  	s14 =	sadd.s32 $0x4A80, s23;
	s26 =	sor.u32 s22, s9;
	v7 =	vadd.f32 v8, v7;
	v8 =	vadd.f32 v37, v10;
	v10 =	vld [tilespmem:s17+$0x0]  }
0x8f: {  	s16 =	sadd.s32 $0x4B80, s23;
	v30 =	vld [tilespmem:s26+$0x0];
	s28 =	sor.u32 s22, s14  }
0x90: {  	s24 =	sadd.s32 $0x6C80, s23;
	s30 =	sor.u32 s22, s16;
	v22 =	vld [tilespmem:s28+$0x0]  }
0x91: {  	s25 =	sadd.s32 $0x6D80, s23;
	s26 =	sor.u32 s22, s24;
	v46 =	vld [tilespmem:s30+$0x0]  }
0x92: {  	s29 =	sor.u32 s22, s25;
	v50 =	vld [tilespmem:s26+$0x0]  }
0x93: {  	v24 =	vadd.f32 v62, v61;
	s13 =	sor.u32 s20, s16;
	v53 =	vld [tilespmem:s29+$0x0];
	v7 =	vadd.f32 v8, v7  }
0x94: {  	s17 =	sadd.s32 $0x6C00, s23;
	s15 =	sor.u32 s20, s24;
	v52 =	vld [tilespmem:s13+$0x0];
	v8 =	vadd.f32 v20, v14;
	v13 =	vadd.f32 v18, v13  }
0x95: {  	s10 =	sadd.s32 $0x6D00, s23;
	s31 =	sor.u32 s22, s17;
	v56 =	vld [tilespmem:s15+$0x0];
	v16 =	vadd.f32 v16, v17;
	v11 =	vadd.f32 v12, v11  }
0x96: {  	s28 =	sor.u32 s22, s10;
	s26 =	sadd.s32 $0x6E00, s23;
	v48 =	vld [tilespmem:s31+$0x0];
	v3 =	vadd.f32 v3, v26;
	v57 =	vadd.f32 v58, v57  }
0x97: {  	s29 =	sadd.s32 $0x6E80, s23;
	v51 =	vld [tilespmem:s28+$0x0];
	s30 =	sor.u32 s22, s26;
	v28 =	vadd.f32 v41, v39;
	v9 =	vadd.f32 v9, v36  }
0x98: {  	s31 =	sor.u32 s22, s29;
	v5 =	vld [tilespmem:s30+$0x0];
	v8 =	vadd.f32 v8, v7;
	v15 =	vadd.f32 v25, v15  }
0x99: {  	s30 =	sadd.s32 $0x6F00, s23;
	v2 =	vld [tilespmem:s31+$0x0];
	v21 =	vadd.f32 v23, v21;
	v11 =	vadd.f32 v11, v16  }
0x9a: {  	s28 =	sadd.s32 $0x6F80, s23;
	s31 =	sor.u32 s22, s30;
	v7 =	vld [tilespmem:$0x1FFA0];
	v12 =	vadd.f32 v44, v43;
	v3 =	vadd.f32 v57, v3  }
0x9b: {  	v61 =	vadd.f32 v47, v45;
	v55 =	vld [tilespmem:s31+$0x0];
	s31 =	sor.u32 s22, s28;
	v10 =	vadd.f32 v10, v31  }
0x9c: {  	s11 =	sor.u32 s20, s14;
	s14 =	sor.u32 s20, s17;
	v13 =	vadd.f32 v13, v28;
	v4 =	vld [tilespmem:s31+$0x0];
	v22 =	vadd.f32 v22, v30  }
0x9d: {  	v54 =	vld [tilespmem:s14+$0x0];
	s31 =	sor.u32 s20, s12;
	v46 =	vadd.f32 v46, v29;
	s12 =	sor.u32 s20, s2;
	v9 =	vadd.f32 v15, v9  }
0x9e: {  	s9 =	sor.u32 s20, s9;
	v48 =	vadd.f32 v50, v48;
	v49 =	vadd.f32 v53, v51;
	v51 =	vld [tilespmem:s12+$0x0]  }
0x9f: {  	v50 =	vld [tilespmem:s9+$0x0];
	v10 =	vadd.f32 v21, v10;
	v53 =	vadd.f32 v46, v22  }
0xa0: {  	v2 =	vadd.f32 v2, v5;
	v5 =	vld [tilespmem:s11+$0x0];
	v7 =	vadd.f32 v60, v7  }
0xa1: {  	s24 =	sor.u32 s20, s26;
	v59 =	vld [tilespmem:s31+$0x0];
	v10 =	vadd.f32 v53, v10;
	v4 =	vadd.f32 v4, v55  }
0xa2: {  	s17 =	sor.u32 s20, s25;
	s25 =	sor.u32 s20, s29;
	v58 =	vld [tilespmem:s24+$0x0];
	s29 =	sor.u32 s20, s28;
	v7 =	vadd.f32 v24, v7;
	v55 =	vadd.f32 v49, v48  }
0xa3: {  	s16 =	sor.u32 s20, s10;
	v62 =	vld [tilespmem:s29+$0x0];
	v15 =	vadd.f32 v52, v51;
	v2 =	vadd.f32 v4, v2  }
0xa4: {  	v4 =	vadd.f32 v13, v7;
	v7 =	vadd.f32 v9, v11;
	v9 =	vld [tilespmem:s16+$0x0]  }
0xa5: {  	s26 =	sor.u32 s20, s30;
	v11 =	vld [tilespmem:s17+$0x0];
	v5 =	vadd.f32 v5, v50;
	v2 =	vadd.f32 v2, v55  }
0xa6: {  	v60 =	vld [tilespmem:s26+$0x0];
	v4 =	vadd.f32 v7, v4;
	v7 =	vadd.f32 v1, v59  }
0xa7: {  	s30 =	simm.s32 $0x0;
	v59 =	vadd.f32 v42, v63;
	v1 =	vld [tilespmem:$0x9400];
	v2 =	vadd.f32 v2, v10  }
0xa8: {  	s0 =	sand.u32 $0x380, s30;
	s20 =	sor.u32 s20, s23;
	v12 =	vadd.f32 v61, v12;
	v5 =	vadd.f32 v15, v5;
	v10 =	vld [tilespmem:s25+$0x0]  }
0xa9: {  	s0 =	sor.u32 s19, s0;
	v7 =	vadd.f32 v59, v7;
	v63 =	vadd.f32 v2, v4;
	v2 =	vld [tilespmem:s20+$0x0]  }
0xaa: {  	[tilespmem:s0+$0x9000] =	vst v8;
	v8 =	vadd.f32 v56, v54;
	v11 =	vadd.f32 v11, v9;
	v4 =	vld [tilespmem:s20+$0x80]  }
0xab: {  	s19 =	simm.s32 $0x9000;
	s31 =	sand.u32 $0x380, s21;
	v7 =	vadd.f32 v7, v3;
	v3 =	vld [tilespmem:s20+$0x100]  }
0xac: {  	[tilespmem:s19+$0x0] =	vst v6;
	s0 =	sor.u32 s22, s31;
	v5 =	vadd.f32 v5, v12;
	v6 =	vadd.f32 v11, v8;
	v8 =	vld [tilespmem:s20+$0x200]  }
0xad: {  	s21 =	simm.s32 $0x2;
	s22 =	simm.s32 $0x40;
	v11 =	vadd.f32 v62, v60;
	[tilespmem:s0+$0x9000] =	vst v63;
	v9 =	vadd.f32 v10, v58;
	v10 =	vld [tilespmem:s20+$0x180]  }
.LBB2_2:
0xae: {  	s24 =	sand.u32 $0x60, s22;
	s18 =	sadd.s32 $0x100, s18  }
0xaf: {  	v12 =	vld [tilespmem:s20+$0x280];
	s25 =	sand.u32 $0x1C00, s18;
	s23 =	sor.u32 $0x10, s24  }
0xb0: {  	v13 =	vld [tilespmem:s20+$0x300];
	s0 =	sor.u32 s23, s25  }
0xb1: {  	v41 =	vld [tilespmem:s0+$0x380]  }
0xb2: {  	v14 =	vadd.f32 v4, v2;
	v4 =	vadd.f32 v11, v9;
	v9 =	vld [tilespmem:s20+$0x380]  }
0xb3: {  	s1 =	sadd.s32 $0x2400, s25;
	v2 =	vld [tilespmem:s0+$0x0]  }
0xb4: {  	s16 =	sadd.s32 $0x2480, s25;
	s17 =	sor.u32 s23, s1;
	v10 =	vadd.f32 v10, v3;
	v3 =	vld [tilespmem:s0+$0x80]  }
0xb5: {  	s28 =	sadd.s32 $0x2500, s25;
	s30 =	sor.u32 s23, s16;
	v42 =	vld [tilespmem:s17+$0x0]  }
0xb6: {  	s3 =	sadd.s32 $0x2600, s25;
	s2 =	sor.u32 s24, s1;
	s1 =	sor.u32 s23, s28;
	v43 =	vld [tilespmem:s30+$0x0]  }
0xb7: {  	s8 =	sadd.s32 $0x4800, s25;
	s6 =	sor.u32 s23, s3;
	v15 =	vld [tilespmem:s1+$0x0]  }
0xb8: {  	s10 =	sadd.s32 $0x4880, s25;
	s12 =	sor.u32 s23, s8;
	v16 =	vld [tilespmem:s6+$0x0]  }
0xb9: {  	s31 =	sadd.s32 $0x2580, s25;
	s5 =	sadd.s32 $0x2680, s25;
	s14 =	sor.u32 s23, s10;
	v18 =	vld [tilespmem:s12+$0x0]  }
0xba: {  	s26 =	sor.u32 s24, s16;
	s29 =	sor.u32 s24, s28;
	s4 =	sor.u32 s23, s31;
	v19 =	vld [tilespmem:s14+$0x0]  }
0xbb: {  	s28 =	sor.u32 s24, s5;
	s15 =	sor.u32 s24, s8;
	[dreg:$0x2] =	wrdreg s2;
	v12 =	vadd.f32 v12, v8;
	v8 =	vld [tilespmem:s0+$0x280]  }
0xbc: {  	s30 =	sor.u32 s24, s31;
	s31 =	sor.u32 s24, s3;
	s3 =	sadd.s32 $0x2700, s25;
	v11 =	vadd.f32 v4, v6;
	v4 =	vld [tilespmem:s0+$0x100]  }
0xbd: {  	[dreg:$0x3] =	wrdreg s26;
	s17 =	sadd.s32 $0x4980, s25;
	s7 =	sor.u32 s23, s3;
	v6 =	vld [tilespmem:s0+$0x180]  }
0xbe: {  	s2 =	sor.u32 s23, s5;
	s6 =	sadd.s32 $0x4A80, s25;
	s5 =	sor.u32 s23, s17;
	v17 =	vld [tilespmem:s7+$0x0]  }
0xbf: {  	s1 =	sadd.s32 $0x4A00, s25;
	s26 =	sor.u32 s24, s3;
	s8 =	sor.u32 s23, s6;
	v21 =	vld [tilespmem:s5+$0x0]  }
0xc0: {  	s3 =	sor.u32 s24, s6;
	s6 =	sadd.s32 $0x4B80, s25;
	s7 =	sor.u32 s23, s1;
	v23 =	vld [tilespmem:s8+$0x0];
	v13 =	vadd.f32 v9, v13  }
0xc1: {  	s16 =	sor.u32 s24, s10;
	s10 =	sor.u32 s23, s6;
	v22 =	vld [tilespmem:s7+$0x0]  }
0xc2: {  	v10 =	vadd.f32 v10, v14;
	v25 =	vld [tilespmem:s10+$0x0];
	v12 =	vadd.f32 v13, v12  }
0xc3: {  	s13 =	sadd.s32 $0x4900, s25;
	v11 =	vadd.f32 v11, v5;
	v5 =	vld [tilespmem:s0+$0x200]  }
0xc4: {  	s12 =	sor.u32 s24, s13;
	s7 =	sadd.s32 $0x6C00, s25;
	v9 =	vld [tilespmem:s0+$0x300];
	s0 =	sor.u32 s23, s13;
	v10 =	vadd.f32 v12, v10  }
0xc5: {  	s8 =	sadd.s32 $0x6C80, s25;
	s13 =	sor.u32 s24, s17;
	s17 =	sor.u32 s23, s7;
	v20 =	vld [tilespmem:s0+$0x0]  }
0xc6: {  	v26 =	vld [tilespmem:s17+$0x0];
	s0 =	sor.u32 s23, s8;
	v7 =	vadd.f32 v7, v10  }
0xc7: {  	v27 =	vld [tilespmem:s0+$0x0]  }
0xc8: {  	v10 =	vld [tilespmem:s4+$0x0];
	s4 =	sadd.s32 $0x2780, s25;
	v7 =	vadd.f32 v11, v7  }
0xc9: {  	s19 =	sadd.s32 $0x20, s19;
	s5 =	sadd.s32 $0x4B00, s25;
	s9 =	sor.u32 s23, s4;
	v11 =	vld [tilespmem:s2+$0x0]  }
0xca: {  	[tilespmem:s19+$0x0] =	vst v7;
	v7 =	vld [tilespmem:s9+$0x0];
	s9 =	sor.u32 s23, s5  }
0xcb: {  	v24 =	vld [tilespmem:s9+$0x0]  }
0xcc: {  	v2 =	vadd.f32 v3, v2;
	v3 =	vadd.f32 v6, v4;
	v48 =	vld [tilespmem:s29+$0x0]  }
0xcd: {  	s20 =	sor.u32 s24, s25;
	s14 =	sor.u32 s24, s1;
	s10 =	sadd.s32 $0x6D80, s25;
	v5 =	vadd.f32 v8, v5;
	v6 =	vadd.f32 v41, v9;
	v51 =	vld [tilespmem:s30+$0x0]  }
0xce: {  	s17 =	sadd.s32 $0x6E00, s25;
	s0 =	sadd.s32 $0x6F00, s25;
	s11 =	sor.u32 s24, s4;
	v54 =	vld [tilespmem:s31+$0x0]  }
0xcf: {  	v2 =	vadd.f32 v3, v2;
	s4 =	sor.u32 s24, s5;
	v3 =	vadd.f32 v6, v5;
	s5 =	sor.u32 s24, s6;
	s9 =	sadd.s32 $0x6D00, s25;
	v5 =	vld [tilespmem:s26+$0x0]  }
0xd0: {  	s6 =	sor.u32 s24, s7;
	s7 =	sor.u32 s24, s8;
	v56 =	vld [tilespmem:s15+$0x0];
	s1 =	sor.u32 s23, s9  }
0xd1: {  	s8 =	sor.u32 s24, s9;
	s9 =	sor.u32 s24, s10;
	s10 =	sor.u32 s23, s10;
	v28 =	vld [tilespmem:s1+$0x0]  }
0xd2: {  	s1 =	smov.u32 s18;
	s18 =	sadd.s32 $0x6E80, s25;
	v29 =	vld [tilespmem:s10+$0x0];
	s10 =	sor.u32 s23, s17  }
0xd3: {  	s2 =	sor.u32 s24, s17;
	s17 =	sor.u32 s24, s18;
	v30 =	vld [tilespmem:s10+$0x0];
	s18 =	sor.u32 s23, s18  }
0xd4: {  	s25 =	sadd.s32 $0x6F80, s25;
	s10 =	sor.u32 s24, s0;
	s0 =	sor.u32 s23, s0;
	v31 =	vld [tilespmem:s18+$0x0]  }
0xd5: {  	v46 =	vadd.f32 v19, v18;
	v49 =	vadd.f32 v23, v22;
	s24 =	sor.u32 s24, s25;
	s25 =	sor.u32 s23, s25;
	v4 =	vld [tilespmem:s0+$0x0]  }
0xd6: {  	v9 =	vadd.f32 v43, v42;
	v10 =	vadd.f32 v10, v15;
	v8 =	vld [tilespmem:s25+$0x0]  }
0xd7: {  	v47 =	vadd.f32 v21, v20;
	v52 =	vadd.f32 v27, v26;
	v58 =	vld [tilespmem:s16+$0x0]  }
0xd8: {  	v60 =	vld [tilespmem:s14+$0x0];
	v11 =	vadd.f32 v11, v16;
	v6 =	vadd.f32 v10, v9  }
0xd9: {  	v61 =	vld [tilespmem:s6+$0x0];
	v10 =	vadd.f32 v47, v46;
	v7 =	vadd.f32 v7, v17  }
0xda: {  	v9 =	vld [tilespmem:s11+$0x0];
	s18 =	smov.u32 s1;
	s1 =	rddreg [dreg:$0x2];
	v50 =	vadd.f32 v25, v24;
	v53 =	vadd.f32 v29, v28  }
0xdb: {  	s25 =	rddreg [dreg:$0x3];
	v44 =	vld [tilespmem:s1+$0x0];
	v55 =	vadd.f32 v31, v30;
	v4 =	vadd.f32 v8, v4  }
0xdc: {  	v45 =	vld [tilespmem:s25+$0x0];
	v7 =	vadd.f32 v7, v11;
	v11 =	vadd.f32 v50, v49  }
0xdd: {  	v8 =	vld [tilespmem:s28+$0x0];
	v57 =	vadd.f32 v53, v52;
	v4 =	vadd.f32 v4, v55  }
0xde: {  	v2 =	vadd.f32 v3, v2;
	v3 =	vadd.f32 v7, v6;
	v6 =	vld [tilespmem:s12+$0x0]  }
0xdf: {  	v7 =	vadd.f32 v11, v10;
	v10 =	vld [tilespmem:s13+$0x0];
	v4 =	vadd.f32 v4, v57  }
0xe0: {  	v62 =	vld [tilespmem:s24+$0x0];
	v59 =	vadd.f32 v51, v48  }
0xe1: {  	v2 =	vadd.f32 v3, v2;
	v3 =	vadd.f32 v4, v7;
	v4 =	vld [tilespmem:s3+$0x0]  }
0xe2: {  	v5 =	vadd.f32 v9, v5;
	v7 =	vadd.f32 v8, v54;
	v8 =	vld [tilespmem:s4+$0x0]  }
0xe3: {  	s31 =	sand.u32 $0x380, s22;
	v11 =	vadd.f32 v45, v44;
	v2 =	vadd.f32 v3, v2;
	v3 =	vld [tilespmem:s5+$0x0]  }
0xe4: {  	s0 =	sor.u32 s23, s31;
	v9 =	vadd.f32 v58, v56;
	v6 =	vadd.f32 v10, v6;
	v10 =	vld [tilespmem:s2+$0x0]  }
0xe5: {  	v11 =	vadd.f32 v59, v11;
	v5 =	vadd.f32 v5, v7;
	[tilespmem:s0+$0x9000] =	vst v2;
	v2 =	vld [tilespmem:s7+$0x0]  }
0xe6: {  	v6 =	vadd.f32 v6, v9;
	v9 =	vld [tilespmem:s9+$0x0]  }
0xe7: {  	v7 =	vadd.f32 v5, v11;
	v5 =	vld [tilespmem:s8+$0x0]  }
0xe8: {  	s21 =	sadd.s32 $0x2, s21;
	v4 =	vadd.f32 v4, v60;
	v3 =	vadd.f32 v3, v8;
	v8 =	vld [tilespmem:s17+$0x0]  }
0xe9: {  	p0 =	slt.u32 s21, $0x3E;
	v11 =	vld [tilespmem:s10+$0x0]  }
.Ltmp0:
0xea: {  	v12 =	vadd.f32 v2, v61;
	v3 =	vadd.f32 v3, v4;
	v2 =	vld [tilespmem:s20+$0x0];
	(pc) =	sbr.rel @p0 .LBB2_2-.Ltmp0, $4  }
0xeb: {  	v4 =	vld [tilespmem:s20+$0x80]  }
0xec: {  	v63 =	vadd.f32 v9, v5;
	v5 =	vadd.f32 v3, v6;
	v3 =	vld [tilespmem:s20+$0x100]  }
0xed: {  	v9 =	vadd.f32 v8, v10;
	v10 =	vld [tilespmem:s20+$0x180]  }
0xee: {  	s22 =	sadd.s32 $0x20, s22;
	v11 =	vadd.f32 v62, v11;
	v6 =	vadd.f32 v63, v12;
	v8 =	vld [tilespmem:s20+$0x200]  }
0xef: {  	v12 =	vld [tilespmem:s20+$0x280]  }
0xf0: {  	v13 =	vld [tilespmem:s20+$0x300]  }
0xf1: {  	v14 =	vld [tilespmem:s20+$0x380];
	_ =	sdelay $0x3  }
0xf2: {  	v2 =	vadd.f32 v4, v2;
	v3 =	vadd.f32 v10, v3  }
0xf3: {  	v4 =	vadd.f32 v12, v8;
	v8 =	vadd.f32 v14, v13  }
0xf4: {  	v9 =	vadd.f32 v11, v9  }
0xf5: {  	v2 =	vadd.f32 v3, v2;
	v3 =	vadd.f32 v8, v4;
	_ =	sdelay $0x1  }
0xf6: {  	v4 =	vadd.f32 v9, v6;
	v2 =	vadd.f32 v3, v2;
	_ =	sdelay $0x1  }
0xf7: {  	v3 =	vadd.f32 v4, v5;
	v2 =	vadd.f32 v7, v2;
	_ =	sdelay $0x1  }
0xf8: {  	v2 =	vadd.f32 v3, v2  }
0xf9: {  	s0 =	sadd.s32 $0x20, s19  }
0xfa: {  	s11 =	simm.s32 $0x93F0;
	[tilespmem:s0+$0x0] =	vst v2  }
0xfb: {  	v2 =	vld [tilespmem:s11+$0x0];
	_ =	sdelay $0x3  }
0xfc: {  	s12 =	simm.s32 $0x93E0  }
0xfd: {  	v4 =	vld [tilespmem:s12+$0x0];
	(xrf2) =	vadd.scan.msk.f32 $0xffff, v2;
	_ =	sdelay $0x1  }
0xfe: {  	(v2sf) =	vpush v1, $0x1;
	_ =	sdelay $0x2  }
0xff: {  	s13 =	simm.s32 $0x93D0;
	(xrf2) =	vadd.scan.msk.f32 $0xffff, v4  }
0x100: {  	v5 =	vld [tilespmem:s13+$0x0];
	_ =	sdelay $0x3  }
0x101: {  	v3, _, _ =	vpop (xrf2)  }
0x102: {  	(xrf2) =	vadd.scan.msk.f32 $0xffff, v5;
	v6 =	vbroadcast v3, $0xF;
	_ =	sdelay $0x1  }
0x103: {  	(v2sf) =	vpush v3, $0xF;
	v6 =	vsub.f32 v6, v3  }
0x104: {  	s19 =	simm.f32 $0.0e+00  }
0x105: {  	v7, _, _ =	vpop (xrf2);
	v6 =	vadd.f32 s19, v6  }
0x106: {  	(v2sf) =	vpush v7, $0xF  }
0x107: {  	s18 =	spop (v2sf);
	v6 =	vadd.f32 v6, v2  }
0x108: {  	s15 =	scvt.s32.f32 s18  }
0x109: {  	s14 =	simm.s32 $0x93C0  }
0x10a: {  	v8 =	vld [tilespmem:s14+$0x0];
	v2 =	vmov s15  }
0x10b: {  	vm5 =	vge.f32 v6, v2;
	v6, _, _ =	vpop (xrf2)  }
0x10c: {  	(v2sf) =	vpush v6, $0xF;
	_ =	sdelay $0x2  }
0x10d: {  	(xrf2) =	vadd.scan.msk.f32 $0xffff, v8;
	_ =	sdelay $0x1  }
0x10e: {  	v58 =	vbroadcast v7, $0xF;
	v3 =	vnsel vm5, $0x0, v3  }
0x10f: {  	(xrf0) =	vmax.scan.msk.f32 $0xffff, v3;
	s16 =	spop (v2sf)  }
0x110: {  	v9 =	vsub.f32 v58, v7;
	s2 =	sadd.f32 s16, s19  }
0x111: {  	v3 =	vmpcnt.ones.xlane vm5;
	v60 =	vbroadcast v6, $0xF  }
0x112: {  	s1 =	simm.s32 $0x93B0;
	s17 =	spop (v2sf);
	v9 =	vadd.f32 s2, v9  }
0x113: {  	(v2sf) =	vpush v3, $0x0;
	v3 =	vld [tilespmem:s1+$0x0];
	v10 =	vsub.f32 v60, v6;
	s28 =	sadd.f32 s17, s2  }
0x114: {  	v4 =	vadd.f32 v9, v4  }
0x115: {  	v59, _, _ =	vpop (xrf0);
	v62 =	vadd.f32 s28, v10  }
0x116: {  	v61, _, _ =	vpop (xrf2);
	(v2sf) =	vpush v59, $0xF;
	vm5 =	vge.f32 v4, v2  }
0x117: {  	v5 =	vadd.f32 v62, v5;
	v4 =	vnsel vm5, $0x0, v7;
	v7 =	vbroadcast v61, $0xF  }
0x118: {  	(xrf2) =	vadd.scan.msk.f32 $0xffff, v3;
	s20 =	spop (v2sf)  }
0x119: {  	(xrf0) =	vmax.scan.msk.f32 $0xffff, v4;
	vm6 =	vge.f32 v5, v2;
	v5 =	vsub.f32 v7, v61;
	s24 =	sadd.f32 s20, s28  }
0x11a: {  	v6 =	vnsel vm6, $0x0, v6  }
0x11b: {  	(xrf0) =	vmax.scan.msk.f32 $0xffff, v6;
	v6 =	vadd.f32 s24, v5  }
0x11c: {  	(v2sf) =	vpush v61, $0xF  }
0x11d: {  	s21 =	simm.s32 $0x93A0;
	v7 =	vmpcnt.ones.xlane vm5  }
0x11e: {  	v4 =	vld [tilespmem:s21+$0x0]  }
0x11f: {  	(v2sf) =	vpush v7, $0x0;
	v8 =	vadd.f32 v6, v8;
	v6, _, _ =	vpop (xrf0)  }
0x120: {  	(v2sf) =	vpush v6, $0xF  }
0x121: {  	v7 =	vmpcnt.ones.xlane vm6;
	_ =	sdelay $0x1  }
0x122: {  	(xrf2) =	vadd.scan.msk.f32 $0xffff, v4;
	v6, _, _ =	vpop (xrf2)  }
0x123: {  	s0 =	simm.s32 $0x9390;
	(v2sf) =	vpush v6, $0xF  }
0x124: {  	p0 =	por $0x0, $0x0;
	s29 =	simm.s32 $0x3DF;
	s22 =	spop (v2sf);
	v5 =	vld [tilespmem:s0+$0x0];
	(v2sf) =	vpush v7, $0x0;
	v7, _, _ =	vpop (xrf0)  }
0x125: {  	s26 =	simm.s32 $0x3CF;
	s25 =	simm.s32 $0x3BF;
	s3 =	spop (v2sf);
	(v2sf) =	vpush v7, $0xF  }
0x126: {  	s23 =	simm.s32 $0x3AF;
	p2 =	por !p0, !p0;
	s13 =	simm.s32 $0x80  }
0x127: {  	s14 =	simm.s32 $0x400;
	s15 =	simm.s32 $0x9480;
	p1 =	sgt.s32 s22, $0x0  }
0x128: {  	s21 =	simm.s32 $0x39F;
	s20 =	simm.s32 $0x0;
	p2 =	por !p1, !p2;
	vm5 =	vge.f32 v8, v2  }
0x129: {  	s1 =	sadd.s32 $0x3EF, s22;
	p2 =	por !p2, !p2;
	s2 =	ssub.f32 s2, s3;
	v63 =	vnsel vm5, $0x0, v61;
	(xrf2) =	vadd.scan.msk.f32 $0xffff, v5;
	v8 =	vbroadcast v6, $0xF  }
0x12a: {  	s22 =	simm.s32 $0x38F;
	s20 =	smov.u32 @p2 s1;
	s31 =	spop (v2sf);
	(xrf0) =	vmax.scan.msk.f32 $0xffff, v63  }
0x12b: {  	s1 =	simm.s32 $0x37F;
	s30 =	sadd.f32 s31, s24;
	s19 =	smov.u32 @p2 s2;
	v7 =	vsub.f32 v8, v6  }
.LBB2_4:
0x12c: {  	p2 =	sne.s32 s1, $0xFFFFFFFF;
	v8, _, _ =	vpop (xrf2)  }
0x12d: {  	s0 =	sadd.s32 $0xFFFFFFF0, s0;
	p0 =	por p0, p1;
	(v2sf) =	vpush v8, $0xF;
	v7 =	vadd.f32 s30, v7;
	s2 =	spop (v2sf)  }
0x12e: {  	v10 =	vmpcnt.ones.xlane vm5;
	p3 =	por !p0, !p0;
	p1 =	sgt.s32 s2, $0x0;
	s3 =	spop (v2sf)  }
0x12f: {  	s2 =	sadd.s32 s29, s2;
	v7 =	vadd.f32 v7, v3;
	p3 =	por !p1, !p3;
	s3 =	ssub.f32 s28, s3;
	v3 =	vmov v4;
	v4 =	vmov v5;
	v5 =	vld [tilespmem:s0+$0x0]  }
.Ltmp1:
0x130: {  	s29 =	smov.u32 s26;
	(v2sf) =	vpush v10, $0x0;
	v9, _, _ =	vpop (xrf0);
	p3 =	por !p3, !p3;
	(pc) =	sbr.rel @p2 .LBB2_4-.Ltmp1, $4  }
0x131: {  	s26 =	smov.u32 s25;
	vm5 =	vge.f32 v7, v2;
	(v2sf) =	vpush v9, $0xF;
	s20 =	smov.u32 @p3 s2;
	s19 =	smov.u32 @p3 s3  }
0x132: {  	s25 =	smov.u32 s23;
	s23 =	smov.u32 s21;
	s21 =	smov.u32 s22;
	v7 =	vbroadcast v8, $0xF;
	v9 =	vnsel vm5, $0x0, v6;
	v6 =	vmov v8  }
0x133: {  	s22 =	smov.u32 s1;
	s28 =	smov.u32 s24;
	s2 =	spop (v2sf);
	(xrf0) =	vmax.scan.msk.f32 $0xffff, v9  }
0x134: {  	s1 =	sadd.s32 $0xFFFFFFF0, s1;
	s24 =	smov.u32 s30;
	v7 =	vsub.f32 v7, v6;
	(xrf2) =	vadd.scan.msk.f32 $0xffff, v5;
	s30 =	sadd.f32 s2, s30  }
0x135: {  	v8, _, _ =	vpop (xrf2)  }
0x136: {  	(v2sf) =	vpush v8, $0xF;
	_ =	sdelay $0x9  }
0x137: {  	s2 =	spop (v2sf)  }
0x138: {  	s3 =	spop (v2sf);
	v7 =	vadd.f32 s30, v7  }
0x139: {  	v9 =	vbroadcast v8, $0xF;
	s0 =	spop (v2sf)  }
0x13a: {  	v3 =	vadd.f32 v7, v3;
	v10, _, _ =	vpop (xrf2);
	s4 =	spop (v2sf)  }
0x13b: {  	v9 =	vsub.f32 v9, v8;
	s0 =	sadd.f32 s0, s30;
	v11 =	vbroadcast v10, $0xF;
	s5 =	spop (v2sf)  }
0x13c: {  	vm6 =	vge.f32 v3, v2;
	s1 =	spop (v2sf)  }
0x13d: {  	v3 =	vmpcnt.ones.xlane vm5;
	v9 =	vadd.f32 s0, v9;
	v7 =	vsub.f32 v11, v10;
	s1 =	sadd.f32 s1, s0;
	_ =	sdelay $0x1  }
0x13e: {  	v4 =	vadd.f32 v9, v4;
	v7 =	vadd.f32 s1, v7  }
0x13f: {  	v6 =	vnsel vm6, $0x0, v6  }
0x140: {  	(v2sf) =	vpush v3, $0x0;
	v3, _, _ =	vpop (xrf0);
	(xrf0) =	vmax.scan.msk.f32 $0xffff, v6;
	vm5 =	vge.f32 v4, v2;
	v4 =	vadd.f32 v7, v5  }
0x141: {  	v5 =	vnsel vm5, $0x0, v8  }
0x142: {  	(v2sf) =	vpush v3, $0xF;
	v3 =	vmpcnt.ones.xlane vm6;
	(xrf0) =	vmax.scan.msk.f32 $0xffff, v5;
	vm6 =	vge.f32 v4, v2  }
0x143: {  	v2 =	vnsel vm6, $0x0, v10  }
0x144: {  	(xrf0) =	vmax.scan.msk.f32 $0xffff, v2  }
0x145: {  	(v2sf) =	vpush v10, $0xF  }
0x146: {  	(v2sf) =	vpush v3, $0x0;
	v3 =	vmpcnt.ones.xlane vm5;
	v2, _, _ =	vpop (xrf0)  }
0x147: {  	(v2sf) =	vpush v2, $0xF  }
0x148: {  	v2, _, _ =	vpop (xrf0);
	(v2sf) =	vpush v3, $0x0;
	v3 =	vmpcnt.ones.xlane vm6  }
0x149: {  	(v2sf) =	vpush v2, $0xF  }
0x14a: {  	(v2sf) =	vpush v3, $0x0;
	v2, _, _ =	vpop (xrf0)  }
0x14b: {  	p0 =	por p0, p1;
	(v2sf) =	vpush v2, $0xF  }
0x14c: {  	s12 =	rddreg [dreg:$0x6];
	p6 =	sgt.s32 s2, $0x0;
	p2 =	por !p0, !p0;
	(v2sf) =	vpush v1, $0x0  }
0x14d: {  	[tilespmem:s15], [sflag:$0x1] =	stream.strided.gather [hbm4b:s12+s13], $0x4E80, s14, s13, $0x38;
	[tilespmem:$0xE400] =	vst v63  }
0x14e: {  	s2 =	sadd.s32 s29, s2;
	s12 =	simm.s32 $0x1;
	p2 =	por !p6, !p2  }
0x14f: {  	s3 =	ssub.f32 s28, s3;
	p0 =	por p0, p6;
	p2 =	por !p2, !p2  }
0x150: {  	p4 =	por !p0, !p0;
	s20 =	smov.u32 @p2 s2;
	p3 =	sgt.s32 s4, $0x0  }
0x151: {  	s19 =	smov.u32 @p2 s3;
	s4 =	sadd.s32 s26, s4;
	p2 =	por !p3, !p4  }
0x152: {  	s5 =	ssub.f32 s24, s5;
	p3 =	por p0, p3;
	s6 =	spop (v2sf)  }
0x153: {  	p0 =	por !p2, !p2;
	p1 =	por !p3, !p3;
	s16 =	spop (v2sf)  }
0x154: {  	s20 =	smov.u32 @p0 s4;
	p5 =	sgt.s32 s6, $0x0;
	s17 =	spop (v2sf)  }
0x155: {  	s4 =	sadd.s32 s25, s6;
	p1 =	por !p5, !p1;
	s7 =	spop (v2sf)  }
0x156: {  	p3 =	por p3, p5;
	p1 =	por !p1, !p1;
	s28 =	spop (v2sf)  }
0x157: {  	p2 =	por !p3, !p3;
	s2 =	ssub.f32 s30, s16;
	s29 =	spop (v2sf)  }
0x158: {  	s20 =	smov.u32 @p1 s4;
	s30 =	simm.s32 $0x94C0;
	s8 =	spop (v2sf)  }
0x159: {  	p4 =	sgt.s32 s7, $0x0;
	s7 =	sadd.s32 s23, s7;
	s9 =	spop (v2sf)  }
0x15a: {  	p2 =	por !p4, !p2;
	p3 =	por p3, p4;
	s10 =	spop (v2sf)  }
0x15b: {  	p2 =	por !p2, !p2;
	p5 =	por !p3, !p3;
	s11 =	spop (v2sf)  }
0x15c: {  	s20 =	smov.u32 @p2 s7;
	p6 =	sgt.s32 s29, $0x0;
	_ =	swait.ge [sflag:s12], $0x4E80  }
0x15d: {  	p5 =	por !p6, !p5;
	p3 =	por p3, p6;
	[sflag:s12] =	ssyncset.done $0x0  }
0x15e: {  	p6 =	sgt.s32 s9, $0x0;
	p3 =	por !p3, !p3;
	[sflag:s12] =	ssyncadd.s32 $0xFFFFB180  }
0x15f: {  	s4 =	sadd.s32 s21, s29;
	p4 =	por !p5, !p5;
	p3 =	por !p6, !p3;
	v5 =	vld [tilespmem:s30+$0xFFFFFFC0]  }
0x160: {  	s20 =	smov.u32 @p4 s4;
	s4 =	sadd.s32 s22, s9;
	p3 =	por !p3, !p3;
	v6 =	vld [tilespmem:s30+$0xFFFFFFD0]  }
0x161: {  	s3 =	sadd.f32 s17, s1;
	s31 =	sshll.u32 s11, $0xA;
	s20 =	smov.u32 @p3 s4;
	v7 =	vld [tilespmem:s30+$0xFFFFFFE0]  }
0x162: {  	s19 =	smov.u32 @p0 s5;
	s0 =	ssub.f32 s0, s28;
	s4 =	sor.u32 s31, s20;
	v3 =	vld [tilespmem:s30+$0xFFFFFFF0]  }
0x163: {  	s19 =	smov.u32 @p1 s2;
	s1 =	ssub.f32 s1, s8;
	v2 =	vmov s4;
	v4 =	vld [tilespmem:s30+$0x0]  }
0x164: {  	s19 =	smov.u32 @p2 s0;
	s0 =	ssub.f32 s3, s10;
	vm5 =	veq.s32 v5, v2;
	v5 =	vld [tilespmem:s30+$0x10]  }
0x165: {  	v8 =	vimm.s32 $0x0;
	s19 =	smov.u32 @p4 s1;
	v9 =	vsel vm5, $0x1, v0;
	vm5 =	veq.s32 v6, v2;
	v6 =	vld [tilespmem:s30+$0x20]  }
0x166: {  	s1 =	simm.s32 $0x9540;
	s19 =	smov.u32 @p3 s0;
	s0 =	simm.s32 $0x0;
	v8 =	vadd.s32 v9, v8;
	v9 =	vsel vm5, $0x1, v0;
	vm5 =	veq.s32 v7, v2;
	v7 =	vld [tilespmem:s30+$0x30]  }
.LBB2_6:
0x167: {  	v10 =	vld [tilespmem:s1+$0xFFFFFFC0];
	s0 =	sadd.s32 $0x8, s0;
	v8 =	vadd.s32 v9, v8;
	v9 =	vsel vm5, $0x1, v0;
	vm5 =	veq.s32 v3, v2  }
0x168: {  	v11 =	vld [tilespmem:s1+$0xFFFFFFD0];
	p0 =	slt.u32 s0, $0x4D8;
	v3 =	vadd.s32 v9, v8;
	v8 =	vsel vm5, $0x1, v0;
	vm5 =	veq.s32 v4, v2  }
0x169: {  	v12 =	vld [tilespmem:s1+$0xFFFFFFE0];
	v4 =	vadd.s32 v8, v3;
	v8 =	vsel vm5, $0x1, v0;
	vm5 =	veq.s32 v5, v2  }
.Ltmp2:
0x16a: {  	v3 =	vld [tilespmem:s1+$0xFFFFFFF0];
	v5 =	vadd.s32 v8, v4;
	v8 =	vsel vm5, $0x1, v0;
	vm5 =	veq.s32 v6, v2;
	(pc) =	sbr.rel @p0 .LBB2_6-.Ltmp2, $4  }
0x16b: {  	v4 =	vld [tilespmem:s1+$0x0];
	v6 =	vadd.s32 v8, v5;
	v8 =	vsel vm5, $0x1, v0;
	vm5 =	veq.s32 v7, v2  }
0x16c: {  	vm6 =	veq.s32 v10, v2;
	v5 =	vld [tilespmem:s1+$0x10];
	v7 =	vadd.s32 v8, v6;
	v8 =	vsel vm5, $0x1, v0  }
0x16d: {  	v9 =	vsel vm6, $0x1, v0;
	vm5 =	veq.s32 v11, v2;
	v6 =	vld [tilespmem:s1+$0x20];
	v7 =	vadd.s32 v8, v7  }
0x16e: {  	v8 =	vadd.s32 v9, v7;
	v9 =	vsel vm5, $0x1, v0;
	vm5 =	veq.s32 v12, v2;
	v7 =	vld [tilespmem:s1+$0x30];
	s1 =	sadd.s32 $0x80, s1  }
0x16f: {  	v8 =	vadd.s32 v9, v8;
	v62 =	vsel vm5, $0x1, v0;
	vm5 =	veq.s32 v3, v2  }
0x170: {  	v3 =	vadd.s32 v62, v8;
	v63 =	vsel vm5, $0x1, v0;
	vm5 =	veq.s32 v4, v2  }
0x171: {  	v3 =	vadd.s32 v63, v3;
	v4 =	vsel vm5, $0x1, v0;
	vm5 =	veq.s32 v5, v2  }
0x172: {  	v3 =	vadd.s32 v4, v3;
	v4 =	vsel vm5, $0x1, v0;
	vm5 =	veq.s32 v6, v2  }
0x173: {  	v3 =	vadd.s32 v4, v3;
	v4 =	vsel vm5, $0x1, v0;
	vm5 =	veq.s32 v7, v2  }
0x174: {  	v3 =	vadd.s32 v4, v3;
	v4 =	vsel vm5, $0x1, v0  }
0x175: {  	s0 =	simm.s32 $0x0;
	v3 =	vadd.s32 v4, v3  }
.LBB2_8:
0x176: {  	s1 =	sshra.s32 s0, $0x2  }
0x177: {  	v4 =	vld [tilespmem:s1+$0xE280];
	_ =	sdelay $0x1  }
0x178: {  	p0 =	sne.s32 s0, $0x40  }
.Ltmp3:
0x179: {  	_ = 	snop;
	(pc) =	sbr.rel @p0 .LBB2_8-.Ltmp3, $4  }
0x17a: {  	_ = 	snop  }
0x17b: {  	vm5 =	veq.s32 v4, v2  }
0x17c: {  	v4 =	vsel vm5, $0x1, v0  }
0x17d: {  	s0 =	sadd.s32 $0x40, s0;
	v3 =	vadd.s32 v4, v3  }
0x17e: {  	s0 =	rddreg [dreg:$0x7]  }
0x17f: {  	[tilespmem:s15], [sflag:$0x1] =	stream.strided.gather [hbm4b:s0+s13], $0x4E80, s14, s13, $0x38;
	[tilespmem:$0xE400] =	vst v63  }
0x180: {  	_ =	swait.ge [sflag:s12], $0x4E80  }
0x181: {  	[sflag:s12] =	ssyncset.done $0x0  }
0x182: {  	s1 =	simm.s32 $0x94C0;
	[sflag:s12] =	ssyncadd.s32 $0xFFFFB180  }
0x183: {  	v5 =	vld [tilespmem:s1+$0xFFFFFFC0]  }
0x184: {  	v6 =	vld [tilespmem:s1+$0xFFFFFFD0]  }
0x185: {  	v8 =	vld [tilespmem:s1+$0xFFFFFFE0]  }
0x186: {  	v7 =	vld [tilespmem:s1+$0xFFFFFFF0]  }
0x187: {  	v4 =	vld [tilespmem:s1+$0x0]  }
0x188: {  	vm5 =	veq.s32 v5, v2;
	v5 =	vld [tilespmem:s1+$0x10]  }
0x189: {  	v9 =	vimm.s32 $0x0;
	v10 =	vsel vm5, $0x1, v0;
	vm5 =	veq.s32 v6, v2;
	v6 =	vld [tilespmem:s1+$0x20]  }
0x18a: {  	s0 =	simm.s32 $0x0;
	v9 =	vadd.s32 v10, v9;
	v10 =	vsel vm5, $0x1, v0;
	vm5 =	veq.s32 v8, v2;
	v8 =	vld [tilespmem:s1+$0x30];
	s1 =	simm.s32 $0x9540  }
.LBB2_10:
0x18b: {  	v11 =	vld [tilespmem:s1+$0xFFFFFFC0];
	s0 =	sadd.s32 $0x8, s0;
	v9 =	vadd.s32 v10, v9;
	v10 =	vsel vm5, $0x1, v0;
	vm5 =	veq.s32 v7, v2  }
0x18c: {  	v12 =	vld [tilespmem:s1+$0xFFFFFFD0];
	p0 =	slt.u32 s0, $0x4D8;
	v7 =	vadd.s32 v10, v9;
	v9 =	vsel vm5, $0x1, v0;
	vm5 =	veq.s32 v4, v2  }
0x18d: {  	v13 =	vld [tilespmem:s1+$0xFFFFFFE0];
	v4 =	vadd.s32 v9, v7;
	v9 =	vsel vm5, $0x1, v0;
	vm5 =	veq.s32 v5, v2  }
.Ltmp4:
0x18e: {  	v7 =	vld [tilespmem:s1+$0xFFFFFFF0];
	v5 =	vadd.s32 v9, v4;
	v9 =	vsel vm5, $0x1, v0;
	vm5 =	veq.s32 v6, v2;
	(pc) =	sbr.rel @p0 .LBB2_10-.Ltmp4, $4  }
0x18f: {  	v4 =	vld [tilespmem:s1+$0x0];
	v6 =	vadd.s32 v9, v5;
	v9 =	vsel vm5, $0x1, v0;
	vm5 =	veq.s32 v8, v2  }
0x190: {  	vm6 =	veq.s32 v11, v2;
	v5 =	vld [tilespmem:s1+$0x10];
	v8 =	vadd.s32 v9, v6;
	v9 =	vsel vm5, $0x1, v0  }
0x191: {  	v10 =	vsel vm6, $0x1, v0;
	vm5 =	veq.s32 v12, v2;
	v6 =	vld [tilespmem:s1+$0x20];
	v8 =	vadd.s32 v9, v8  }
0x192: {  	v9 =	vadd.s32 v10, v8;
	v10 =	vsel vm5, $0x1, v0;
	vm5 =	veq.s32 v13, v2;
	v8 =	vld [tilespmem:s1+$0x30];
	s1 =	sadd.s32 $0x80, s1  }
0x193: {  	v9 =	vadd.s32 v10, v9;
	v62 =	vsel vm5, $0x1, v0;
	vm5 =	veq.s32 v7, v2  }
0x194: {  	v7 =	vadd.s32 v62, v9;
	v63 =	vsel vm5, $0x1, v0;
	vm5 =	veq.s32 v4, v2  }
0x195: {  	v4 =	vadd.s32 v63, v7;
	v7 =	vsel vm5, $0x1, v0;
	vm5 =	veq.s32 v5, v2  }
0x196: {  	v4 =	vadd.s32 v7, v4;
	v5 =	vsel vm5, $0x1, v0;
	vm5 =	veq.s32 v6, v2  }
0x197: {  	v4 =	vadd.s32 v5, v4;
	v5 =	vsel vm5, $0x1, v0;
	vm5 =	veq.s32 v8, v2  }
0x198: {  	v4 =	vadd.s32 v5, v4;
	v5 =	vsel vm5, $0x1, v0  }
0x199: {  	s0 =	simm.s32 $0x0;
	v4 =	vadd.s32 v5, v4  }
.LBB2_12:
0x19a: {  	s1 =	sshra.s32 s0, $0x2  }
0x19b: {  	v5 =	vld [tilespmem:s1+$0xE280];
	_ =	sdelay $0x1  }
0x19c: {  	p0 =	sne.s32 s0, $0x40  }
.Ltmp5:
0x19d: {  	_ = 	snop;
	(pc) =	sbr.rel @p0 .LBB2_12-.Ltmp5, $4  }
0x19e: {  	_ = 	snop  }
0x19f: {  	vm5 =	veq.s32 v5, v2  }
0x1a0: {  	v5 =	vsel vm5, $0x1, v0  }
0x1a1: {  	s0 =	sadd.s32 $0x40, s0;
	v4 =	vadd.s32 v5, v4  }
0x1a2: {  	(xrf0) =	vadd.scan.msk.s32 $0xffff, v3  }
0x1a3: {  	(xrf0) =	vadd.scan.msk.s32 $0xffff, v4;
	_ =	sdelay $0x3  }
0x1a4: {  	s0 =	scvt.f32.s32 s19  }
0x1a5: {  	v3, _, _ =	vpop (xrf0)  }
0x1a6: {  	v2 =	vnsel vm2, $0x0, v2;
	s0 =	ssub.s32 s18, s0;
	v4, _, _ =	vpop (xrf0);
	v3 =	vbroadcast v3, $0xF  }
0x1a7: {  	v2 =	vsel vm3, s0, v2;
	v4 =	vbroadcast v4, $0xF  }
0x1a8: {  	v1 =	vsel vm4, v2, v1;
	v3 =	vnsel vm0, $0x0, v3  }
0x1a9: {  	[tilespmem:$0xE380] =	vst v1;
	v3 =	vsel vm1, v3, v4  }
0x1aa: {  	s5 =	simm.s32 $0x0;
	s26 =	rddreg [dreg:$0x8];
	s1 =	simm.s32 $0xE300;
	[tilespmem:$0xE300] =	vst v3  }
0x1ab: {  	[hbm4b:s26+s5] =	stream.linear.scatter [tilespmem:s1], [sflag:$0x1], $0x80, $0x38;
	[tilespmem:$0xE400] =	vst v63  }
0x1ac: {  	_ =	swait.ge [sflag:s12], $0x80  }
0x1ad: {  	[sflag:s12] =	ssyncset.done $0x0  }
0x1ae: {  	s29 =	simm.s32 $0xE380;
	s28 =	rddreg [dreg:$0x9];
	[sflag:s12] =	ssyncadd.s32 $0xFFFFFF80  }
0x1af: {  	[hbm4b:s28+s5] =	stream.linear.scatter [tilespmem:s29], [sflag:$0x1], $0x80, $0x38;
	[tilespmem:$0xE400] =	vst v63  }
0x1b0: {  	_ =	swait.ge [sflag:s12], $0x80  }
0x1b1: {  	s30 =	rddreg [dreg:$0xb]  }
0x1b2: {  	s31 =	rddreg [dreg:$0xa];
	s1 =	sadd.s32 $0x1, s30  }
0x1b3: {  	p0 =	sne.s32 s1, s31  }
.Ltmp6:
0x1b4: {  	_ = 	snop;
	(pc) =	sbr.rel @p0 .LBB2_1-.Ltmp6, $3  }
0x1b5: {  	_ =	sdelay $0x1  }
0x1b6: {  	[sflag:s12] =	ssyncset.done $0x0  }
0x1b7: {  	[sflag:s12] =	ssyncadd.s32 $0xFFFFFF80  }
0x1b8: {  	_ =	sfence.sel $0x180000  }
0x1b9: {  	[bflag:$0x0] =	sbarrier.arrive $0xFFFF  }
0x1ba: {  	_ =	strace $0x90000050  }
0x1bb: {  	s0 =	stileid.u32;
	[bflag:$0x2] =	sbarrier.arrive $0xFFFF  }
0x1bc: {  	p0 =	sne.s32 s0, $0x0;
	s0 =	rddreg [dreg:$0x1]  }
0x1bd: {  	s0 =	sadd.s32 @!p0 $0x100000, s0  }
0x1be: {  	[sflag:s0] =	ssyncadd.tile.s32 @!p0 $0x1;
	_ =	shalt  }
.Lfunc_end2:
_tile_overlayer_lowered:
.L_overlay_start_2:
0x1bf: {  	(tag) =	ssettag $0x2  }
0x1c0: {  	s0 =	rddreg [dreg:$0x0];
	s2 =	stileid.u32  }
0x1c1: {  	s1 =	rddreg [dreg:$0x1];
	p0 =	sne.s32 s2, $0x0  }
0x1c2: {  	s3 =	rddreg [dreg:$0x2];
	[bflag:$0x3] =	sbarrier.arrive $0xFFFF;
	s2 =	simm.s32 @!p0 $0x1C01  }
0x1c3: {  	[timem:s3], [sflag:s2] =	dma.local @!p0 [hbm:s0], s1  }
0x1c4: {  	s0 =	simm.s32 @!p0 $0x1  }
0x1c5: {  	_ =	swait.ge @!p0 [sflag:s0], s1  }
0x1c6: {  	s1 =	ssub.s32 @!p0 $0x0, s1;
	[sflag:s0] =	ssyncset.done @!p0 $0x0  }
0x1c7: {  	[sflag:s0] =	ssyncadd.s32 @!p0 s1  }
0x1c8: {  	[bflag:$0x3] =	sbarrier.arrive $0xFFFF  }
0x1c9: {  	_ =	shalt  }

// kernel: kernel.19.cloned.1.call-start
scs
__scs_entry_jumppad:
0x0: {  	(pc) =	sbr.rel $0x88, $3  }
0x1: {  	(tag) =	ssettag $0x0;
	lr =	simm.s32 $0x1  }
0x2: {  	[smem:$0x3F9E] =	sst lr;
	_ =	strace $0xD0000000  }
0x3: {  	_ = 	snop  }
0x4: {  	_ = 	snop  }
0x5: {  	_ = 	snop  }
0x6: {  	_ = 	snop  }
0x7: {  	_ = 	snop  }
__scs_overlays_trampoline_lowered:
0x8: {  	[smem:$0x3FAD] =	sst s0  }
0x9: {  	[smem:$0x3FAE] =	sst s1  }
0xa: {  	[smem:$0x3FAF] =	sst s2  }
0xb: {  	[smem:$0x3FB0] =	sst s3  }
0xc: {  	[smem:$0x3FB1] =	sst s4  }
0xd: {  	[smem:$0x3FB2] =	sst s5  }
0xe: {  	[smem:$0x3FB3] =	sst s6  }
0xf: {  	[smem:$0x3FB4] =	sst s7  }
0x10: {  	[smem:$0x3FB5] =	sst s8  }
0x11: {  	[smem:$0x3FB6] =	sst s9;
	s0 =	simm.s32 @!p0 $0x0  }
0x12: {  	s1 =	sld [smem:$0x3F9C];
	s0 =	simm.s32 @p0 $0x1  }
0x13: {  	[smem:$0x3FB7] =	sst s0;
	s0 =	simm.s32 @!p1 $0x0  }
0x14: {  	s2 =	sld [smem:$0x3F9B];
	s0 =	simm.s32 @p1 $0x1  }
0x15: {  	[smem:$0x3FB8] =	sst s0;
	s0 =	simm.s32 @!p2 $0x0  }
0x16: {  	s3 =	sld [smem:$0x3FDB];
	s0 =	simm.s32 @p2 $0x1  }
0x17: {  	s4 =	simm.s32 $0x1BF5;
	[smem:$0x3FBA] =	sst s0  }
0x18: {  	s0 =	sld [smem:$0x3F9D];
	_ =	swait.ge [sflag:s4], $0x0  }
0x19: {  	s7 =	sld [smem:$0x3F9E]  }
0x1a: {  	s8 =	sadd.s32 $0xFFFFE003, lr  }
0x1b: {  	s9 =	sadd.s32 $0xFFFFFEF7, lr;
	s5 =	simm.s32 $0xFFFFFFFF;
	p2 =	slt.u32 s8, $0xFFFFF086  }
0x1c: {  	p1 =	slt.u32 s9, $0xF7A;
	s5 =	simm.s32 @!p2 $0x0  }
0x1d: {  	s5 =	simm.s32 @p1 $0x1;
	p0 =	seq.s32 s7, s2  }
0x1e: {  	s7 =	smul.u32 @!p0 $0xF7A, s2;
	p2 =	seq.s32 @!p0 s5, $0x0  }
0x1f: {  	s9 =	smul.u32 $0xF7A, s1;
	s8 =	simm.s32 @!p0 $0x1BF5;
	p2 =	por !p2, p0  }
0x20: {  	[sflag:s8] =	ssyncset.s32 @!p0 $0xFFFFF086;
	s6 =	sadd.s32 @!p0 s3, s7;
	s7 =	simm.s32 @!p0 $0x108  }
0x21: {  	s3 =	sadd.s32 s3, s9;
	s6 =	sadd.s32 @!p0 $0x88, s6;
	s7 =	simm.s32 @p2 $0x1082  }
0x22: {  	[simem:s7], [sflag:s8] =	dma.local @!p0 [hbm:s6], $0xF7A  }
0x23: {  	s9 =	sor.u32 $0xD0000000, s2;
	s6 =	simm.s32 $0x108;
	_ =	swait.ge @!p0 [sflag:s8], $0x0  }
0x24: {  	s3 =	sadd.s32 $0x88, s3;
	s6 =	simm.s32 @!p1 $0x1082;
	[sflag:s4] =	ssyncset.s32 $0xFFFFF086  }
0x25: {  	[simem:s6], [sflag:s4] =	dma.local [hbm:s3], $0xF7A  }
0x26: {  	[smem:$0x3F9E] =	sst s1;
	(tag) =	ssettag s2;
	_ =	strace s9  }
0x27: {  	s1 =	sld [smem:$0x3FAE]  }
0x28: {  	s2 =	sld [smem:$0x3FAF]  }
0x29: {  	s4 =	sld [smem:$0x3FB1]  }
0x2a: {  	p0 =	seq.s32 s5, $0x0;
	s5 =	sld [smem:$0x3FB2]  }
0x2b: {  	s6 =	sld [smem:$0x3FB3]  }
0x2c: {  	s7 =	sld [smem:$0x3FB4]  }
0x2d: {  	s3 =	simm.s32 $0x108;
	s8 =	sld [smem:$0x3FB5]  }
0x2e: {  	s3 =	simm.s32 @!p0 $0x1082;
	s9 =	sld [smem:$0x3FB6]  }
0x2f: {  	lr =	sadd.s32 s0, s3;
	s0 =	sld [smem:$0x3FAD]  }
0x30: {  	s3 =	sld [smem:$0x3FB0]  }
0x31: {  	[smem:$0x3FB9] =	sst s10  }
0x32: {  	s10 =	sld [smem:$0x3FB7];
	_ =	sdelay $0x3  }
0x33: {  	p0 =	seq.s32 s10, $0x1;
	s10 =	sld [smem:$0x3FB9];
	_ =	sdelay $0x3  }
0x34: {  	[smem:$0x3FB9] =	sst s10  }
0x35: {  	s10 =	sld [smem:$0x3FB8];
	_ =	sdelay $0x3  }
0x36: {  	p1 =	seq.s32 s10, $0x1;
	s10 =	sld [smem:$0x3FB9];
	_ =	sdelay $0x3  }
0x37: {  	[smem:$0x3FB9] =	sst s10  }
0x38: {  	s10 =	sld [smem:$0x3FBA]  }
0x39: {  	_ = 	snop;
	(pc) =	sbr.ind lr, $3  }
0x3a: {  	_ = 	snop  }
0x3b: {  	_ = 	snop  }
0x3c: {  	p2 =	seq.s32 s10, $0x1;
	s10 =	sld [smem:$0x3FB9]  }
0x3d: {  	_ =	shalt  }
0x3e: {  	_ =	shalt  }
0x3f: {  	_ =	shalt  }
0x40: {  	_ =	shalt  }
0x41: {  	_ =	shalt  }
0x42: {  	_ =	shalt  }
0x43: {  	_ =	shalt  }
0x44: {  	_ =	shalt  }
0x45: {  	_ =	shalt  }
0x46: {  	_ =	shalt  }
0x47: {  	_ =	shalt  }
0x48: {  	_ =	shalt  }
0x49: {  	_ =	shalt  }
0x4a: {  	_ =	shalt  }
0x4b: {  	_ =	shalt  }
0x4c: {  	_ =	shalt  }
0x4d: {  	_ =	shalt  }
0x4e: {  	_ =	shalt  }
0x4f: {  	_ =	shalt  }
0x50: {  	_ =	shalt  }
0x51: {  	_ =	shalt  }
0x52: {  	_ =	shalt  }
0x53: {  	_ =	shalt  }
0x54: {  	_ =	shalt  }
0x55: {  	_ =	shalt  }
0x56: {  	_ =	shalt  }
0x57: {  	_ =	shalt  }
0x58: {  	_ =	shalt  }
0x59: {  	_ =	shalt  }
0x5a: {  	_ =	shalt  }
0x5b: {  	_ =	shalt  }
0x5c: {  	_ =	shalt  }
0x5d: {  	_ =	shalt  }
0x5e: {  	_ =	shalt  }
0x5f: {  	_ =	shalt  }
0x60: {  	_ =	shalt  }
0x61: {  	_ =	shalt  }
0x62: {  	_ =	shalt  }
0x63: {  	_ =	shalt  }
0x64: {  	_ =	shalt  }
0x65: {  	_ =	shalt  }
0x66: {  	_ =	shalt  }
0x67: {  	_ =	shalt  }
0x68: {  	_ =	shalt  }
0x69: {  	_ =	shalt  }
0x6a: {  	_ =	shalt  }
0x6b: {  	_ =	shalt  }
0x6c: {  	_ =	shalt  }
0x6d: {  	_ =	shalt  }
0x6e: {  	_ =	shalt  }
0x6f: {  	_ =	shalt  }
0x70: {  	_ =	shalt  }
0x71: {  	_ =	shalt  }
0x72: {  	_ =	shalt  }
0x73: {  	_ =	shalt  }
0x74: {  	_ =	shalt  }
0x75: {  	_ =	shalt  }
0x76: {  	_ =	shalt  }
0x77: {  	_ =	shalt  }
0x78: {  	_ =	shalt  }
0x79: {  	_ =	shalt  }
0x7a: {  	_ =	shalt  }
0x7b: {  	_ =	shalt  }
0x7c: {  	_ =	shalt  }
0x7d: {  	_ =	shalt  }
0x7e: {  	_ =	shalt  }
0x7f: {  	_ =	shalt  }
0x80: {  	_ =	shalt  }
0x81: {  	_ =	shalt  }
0x82: {  	_ =	shalt  }
0x83: {  	_ =	shalt  }
0x84: {  	_ =	shalt  }
0x85: {  	_ =	shalt  }
0x86: {  	_ =	shalt  }
0x87: {  	_ =	shalt  }
.Lfunc_end0:
.L_simem_size_0:
called_computation.4_lowered:
.L_overlay_start_0:
0x88: {  	s2 =	sld [smem:$0x3FD9]  }
0x89: {  	s3 =	sld [smem:$0x3FFE];
	_ =	sdelay $0x1  }
0x8a: {  	s1 =	srdreg.scid  }
0x8b: {  	s0 =	sand.u32 $0x1, s1  }
0x8c: {  	s17 =	sshll.u32 s0, $0xA;
	s2 =	sadd.s32 s3, s2  }
0x8d: {  	s2 =	sadd.s32 s2, s17  }
0x8e: {  	[smem:$0x3FC5] =	sst s2  }
0x8f: {  	_ = 	snop  }
0x90: {  	s2 =	sld [smem:$0x3FC9];
	(tm) =	ssettm $0x1  }
0x91: {  	s18 =	sld [smem:$0x3FFB];
	_ =	sdelay $0x3  }
0x92: {  	_ =	strace s18  }
0x93: {  	s3 =	sld [smem:$0x3FFC];
	_ =	sdelay $0x3  }
0x94: {  	_ =	strace s3  }
0x95: {  	s3 =	sld [smem:$0x3FFD];
	_ =	sdelay $0x3  }
0x96: {  	_ =	strace s3  }
0x97: {  	_ =	strace $0x8FFFFFFF  }
0x98: {  	s19 =	sld [smem:$0x3FDB];
	_ =	sdelay $0x1  }
0x99: {  	s4 =	simm.s32 $_scs_section_size  }
0x9a: {  	s5 =	simm.s32 $_size__tile_overlayer_lowered;
	s6 =	simm.s32 $_tile_overlayer_lowered  }
0x9b: {  	s22 =	simm.s32 $0x1BFF;
	s21 =	sshll.u32 s6, $0x1;
	s3 =	sadd.s32 s4, s19  }
0x9c: {  	s7 =	simm.s32 $0x0;
	s20 =	sshll.u32 s5, $0x1;
	s5 =	sadd.s32 s21, s3  }
0x9d: {  	[timem:s7], [sflag:s22] =	dma.local [hbm:s5], s20  }
0x9e: {  	_ =	swait.ge [sflag:s22], s20  }
0x9f: {  	s4 =	ssub.s32 $0x0, s20;
	[sflag:s22] =	ssyncset.done $0x0  }
0xa0: {  	[sflag:s22] =	ssyncadd.s32 s4;
	_ =	sdelay $0x1  }
0xa1: {  	s23 =	simm.s32 $0x1B8B  }
0xa2: {  	_ =	swait.ge [sflag:s23], $0x1  }
0xa3: {  	[sflag:s23] =	ssyncset.done $0x0  }
0xa4: {  	s25 =	simm.s32 $0x1B8E;
	s24 =	sld [smem:$0x3FFE];
	[sflag:s23] =	ssyncadd.s32 $0xFFFFFFFF  }
0xa5: {  	s26 =	simm.s32 $execute0_lowered;
	[smem:$0x3FD2] =	sst s25  }
0xa6: {  	s5 =	sshll.u32 s26, $0x1;
	_ =	strace $0x80000052;
	[dreg:$0x1] =	wrdreg $0xFFFFFFFF  }
0xa7: {  	s28 =	simm.s32 $_size_execute0_lowered;
	s3 =	sadd.s32 s3, s5;
	[dreg:$0x0] =	wrdreg $0x0  }
0xa8: {  	s5 =	sshll.u32 s28, $0x1;
	[dreg:$0x2] =	wrdreg s3  }
0xa9: {  	[dreg:$0x3] =	wrdreg s5  }
0xaa: {  	[dreg:$0x4] =	wrdreg $0xC0  }
0xab: {  	_ =	task [dreg:s7], $0x5FFFF  }
0xac: {  	[dreg:$0x1] =	wrdreg $0xFFFFFFFF  }
0xad: {  	[dreg:$0x0] =	wrdreg $0x60  }
0xae: {  	[dreg:$0x2] =	wrdreg s24  }
0xaf: {  	[dreg:$0x3] =	wrdreg s2  }
0xb0: {  	[dreg:$0x4] =	wrdreg $0x9  }
0xb1: {  	_ =	task.clear_ibuf [dreg:s7], $0x5FFFF;
	_ =	strace $0x90000052  }
0xb2: {  	s29 =	simm.s32 $0x9;
	_ =	strace $0x80000054  }
0xb3: {  	_ =	swait.ge [sflag:s29], $0x1  }
0xb4: {  	[sflag:s29] =	ssyncadd.s32 $0xFFFFFFFF  }
0xb5: {  	_ =	strace $0x90000054  }
0xb6: {  	_ =	sfence  }
0xb7: {  	s30 =	sld [smem:$0x0];
	_ =	sdelay $0x2  }
0xb8: {  	s31 =	sshll.u32 s1, $0xD;
	s1 =	sshrl.u32 s1, $0x2  }
0xb9: {  	s3 =	sand.u32 $0x4000, s31;
	s1 =	sadd.s32 s1, s30  }
0xba: {  	s0 =	sor.u32 s3, s0;
	s1 =	sshll.u32 s1, $0x11  }
0xbb: {  	s0 =	sor.u32 s1, s0  }
0xbc: {  	s0 =	sadd.s32 $0x8F2B, s0  }
0xbd: {  	[sflag:s0] =	ssyncadd.remote.s32 $0x1  }
0xbe: {  	_ =	sfence.sel $0xFFFF  }
0xbf: {  	[dreg:$0x0] =	wrdreg $0xFFFFFFFF;
	(pc) =	sbr.abs _section_cstart, $3  }
0xc0: {  	[dreg:$0x1] =	wrdreg $0xFFFFFFFF  }
0xc1: {  	_ =	task.clear_ibuf [dreg:s7], $0x2FFFF;
	_ =	strace $0x9FFFFFFF  }
0xc2: {  	(tm) =	ssettm $0x7FFFFFFF  }
0xc3: {  	_ =	shalt  }
tec
execute0_lowered:
.L_overlay_start_1:
0x0: {  	(tag) =	ssettag $0x1  }
0x1: {  	s6 =	rddreg [dreg:$0x0]  }
0x2: {  	s10 =	rddreg [dreg:$0x1];
	s1 =	simm.s32 $0x0;
	s5 =	srdreg.scid  }
0x3: {  	s0 =	stileid.u32;
	s14 =	simm.s32 $0x1000;
	s15 =	simm.s32 $0x1080  }
0x4: {  	s17 =	simm.s32 $0x80;
	s18 =	simm.s32 $0x400;
	s19 =	simm.s32 $0x1100  }
0x5: {  	s20 =	simm.s32 $0x5F80;
	s21 =	simm.s32 $0xAE00;
	s22 =	simm.s32 $0x0  }
0x6: {  	s31 =	simm.s32 $0x20;
	[smem:$0x7FF] =	sst s1;
	s3 =	sadd.s32 $0x3A00, s6  }
0x7: {  	s4 =	sadd.s32 $0x3800, s6;
	s7 =	sand.u32 $0x1, s5;
	s29 =	sshll.u32 s0, $0x1  }
0x8: {  	s9 =	sadd.s32 $0x4600, s6;
	s8 =	sshrl.u32 s0, $0x1;
	_ =	strace $0x80000053  }
0x9: {  	s5 =	sor.u32 s7, s29;
	s7 =	ssub.s32 $0x2, s7;
	s8 =	smul.u32 $0x27400, s8  }
0xa: {  	s11 =	sshll.u32 s5, $0x8;
	s12 =	sshll.u32 s5, $0x4;
	s13 =	sshrl.u32 s7, $0x1  }
0xb: {  	s16 =	sshll.u32 s5, $0x9;
	p0 =	seq.s32 s5, $0x0;
	s11 =	sand.u32 $0x300, s11  }
.Ltmp0:
0xc: {  	s12 =	sadd.s32 s12, s6;
	s30 =	sor.u32 s8, s11;
	(pc) =	sbr.rel .LBB2_1-.Ltmp0, $4  }
0xd: {  	s13 =	ssub.s32 s7, s13;
	s16 =	sshrl.u32 s16, $0x2;
	s11 =	sshrl.u32 s30, $0x3  }
0xe: {  	s7 =	sadd.s32 s9, s11;
	s8 =	sadd.s32 s10, s11;
	s11 =	sor.u32 $0x10, s11  }
0xf: {  	v0 =	vimm.s32 $0x0;
	s6 =	sadd.s32 $0x2BA00, s12;
	s9 =	sadd.s32 s9, s11;
	s10 =	sadd.s32 s10, s11  }
0x10: {  	vm0 =	vcmask $0x300;
	vm1 =	vcmask $0x704;
	vm2 =	vmxor vm2, vm2;
	s11 =	sadd.s32 $0x3C00, s12;
	s12 =	smax.u32 s13, $0x1;
	s13 =	simm.s32 $0x1  }
.LBB2_21:
0x11: {  	(xrf2) =	vadd.scan.msk.f32 $0xffff, v3;
	_ =	sdelay $0x9  }
0x12: {  	(v2sf) =	vpush v1, $0x1;
	v1, _, _ =	vpop (xrf2)  }
0x13: {  	(v2sf) =	vpush v1, $0xF;
	_ =	sdelay $0xd  }
0x14: {  	s2 =	sadd.f32 s23, s28;
	s0 =	spop (v2sf)  }
0x15: {  	s30 =	spop (v2sf)  }
0x16: {  	v1 =	vmov s2;
	s0 =	sadd.f32 s30, s0  }
0x17: {  	s22 =	sadd.s32 $0x1, s22;
	v1 =	vnsel vm0, $0x0, v1  }
0x18: {  	p1 =	sne.s32 s22, s12;
	v1 =	vsel vm1, s0, v1  }
.Ltmp1:
0x19: {  	[tilespmem:$0xAE00] =	vst v1;
	(pc) =	sbr.rel @!p1 .LBB2_22-.Ltmp1, $4  }
0x1a: {  	[hbm4b:s11+s1] =	stream.linear.scatter [tilespmem:s21], [sflag:$0x1], $0x80, $0x38;
	[tilespmem:$0xAE80] =	vst v63  }
0x1b: {  	_ =	swait.ge [sflag:s13], $0x80  }
0x1c: {  	[sflag:s13] =	ssyncset.done $0x0  }
0x1d: {  	[sflag:s13] =	ssyncadd.s32 $0xFFFFFF80  }
.LBB2_1:
0x1e: {  	[tilespmem:s1], [sflag:$0x1] =	stream.linear.gather [hbm4b:s4+s1], $0x1000, $0x38;
	[tilespmem:$0xAE80] =	vst v63  }
0x1f: {  	_ =	swait.ge [sflag:s13], $0x1000  }
0x20: {  	[sflag:s13] =	ssyncset.done $0x0  }
0x21: {  	[sflag:s13] =	ssyncadd.s32 $0xFFFFF000  }
0x22: {  	[tilespmem:s14], [sflag:$0x1] =	stream.linear.gather [hbm4b:s3+s1], $0x80, $0x38;
	[tilespmem:$0xAE80] =	vst v63  }
0x23: {  	_ =	swait.ge [sflag:s13], $0x80  }
0x24: {  	[sflag:s13] =	ssyncset.done $0x0  }
0x25: {  	[sflag:s13] =	ssyncadd.s32 $0xFFFFFF80  }
0x26: {  	[tilespmem:s15], [sflag:$0x1] =	stream.linear.gather [hbm4b:s6+s1], $0x80, $0x38;
	[tilespmem:$0xAE80] =	vst v63  }
0x27: {  	_ =	swait.ge [sflag:s13], $0x80  }
0x28: {  	[sflag:s13] =	ssyncset.done $0x0  }
0x29: {  	[sflag:s13] =	ssyncadd.s32 $0xFFFFFF80  }
0x2a: {  	v2 =	vld [tilespmem:$0x1000];
	_ =	sdelay $0x4  }
0x2b: {  	(v2sf) =	vpush v2, $0x1;
	_ =	sdelay $0xa  }
.Ltmp2:
0x2c: {  	_ = 	snop;
	(pc) =	sbr.rel @p0 .LBB2_5-.Ltmp2, $2  }
0x2d: {  	_ =	sdelay $0x2  }
0x2e: {  	v1 =	vimm.s32 $0x0;
	s23 =	spop (v2sf)  }
0x2f: {  	p1 =	sne.s32 s5, $0x1  }
.Ltmp3:
0x30: {  	_ = 	snop;
	(pc) =	sbr.rel @!p1 .LBB2_4-.Ltmp3, $2  }
0x31: {  	_ =	sdelay $0x2  }
0x32: {  	s24 =	sadd.s32 $0xFFFFFFFF, s5;
	v3 =	vld [tilespmem:s1+$0x0];
	v1 =	vimm.s32 $0x0;
	s25 =	simm.s32 $0x0  }
.LBB2_3:
0x33: {  	p1 =	sne.s32 s24, $0x1  }
.Ltmp4:
0x34: {  	_ = 	snop;
	(pc) =	sbr.rel @p1 .LBB2_3-.Ltmp4, $3  }
0x35: {  	_ =	sdelay $0x1  }
0x36: {  	s24 =	sadd.s32 $0xFFFFFFFF, s24;
	s25 =	sadd.s32 $0x80, s25;
	v1 =	vadd.s32 v1, v3  }
0x37: {  	v3 =	vld [tilespmem:s25+$0x0]  }
.LBB2_4:
0x38: {  	_ =	sdelay $0x3  }
0x39: {  	v1 =	vadd.s32 v1, v3  }
.LBB2_5:
0x3a: {  	v3 =	vld [tilespmem:s16+$0x0];
	(v2sf) =	vpush v1, $0x0  }
0x3b: {  	(v2sf) =	vpush v1, $0x1;
	_ =	sdelay $0x3  }
0x3c: {  	(v2sf) =	vpush v3, $0x0;
	_ =	sdelay $0x1  }
0x3d: {  	(v2sf) =	vpush v3, $0x1;
	_ =	sdelay $0x6  }
0x3e: {  	v1 =	vld [tilespmem:$0x1080];
	[tilespmem:s19], [sflag:$0x1] =	stream.strided.gather [hbm4b:s7+s17], $0x4E80, s18, s17, $0x38  }
0x3f: {  	s24 =	spop (v2sf)  }
0x40: {  	s26 =	spop (v2sf)  }
0x41: {  	s26 =	sadd.s32 s26, s24  }
0x42: {  	s29 =	ssub.s32 s23, s26  }
0x43: {  	p1 =	sgt.s32 s29, $0x0  }
0x44: {  	s25 =	spop (v2sf);
	s29 =	simm.s32 @!p1 $0x0  }
0x45: {  	p1 =	slt.s32 s25, s29;
	s28 =	smov.u32 s29  }
0x46: {  	s24 =	spop (v2sf);
	s28 =	smov.u32 @p1 s25;
	p1 =	sge.s32 s29, s25  }
0x47: {  	_ =	swait.ge [sflag:s13], $0x4E80;
	p2 =	sgt.s32 @!p1 s28, $0x0  }
0x48: {  	[sflag:s13] =	ssyncset.done $0x0;
	p1 =	por p1, !p2  }
.Ltmp5:
0x49: {  	[sflag:s13] =	ssyncadd.s32 $0xFFFFB180;
	(pc) =	sbr.rel @p1 .LBB2_6-.Ltmp5, $4  }
0x4a: {  	[tilespmem:s20], [sflag:$0x1] =	stream.strided.gather [hbm4b:s8+s17], $0x4E80, s18, s17, $0x38;
	[tilespmem:$0xAE80] =	vst v63  }
0x4b: {  	_ =	swait.ge [sflag:s13], $0x4E80  }
0x4c: {  	v2 =	vbroadcast v2, $0x0;
	[sflag:s13] =	ssyncset.done $0x0  }
0x4d: {  	[sflag:s13] =	ssyncadd.s32 $0xFFFFB180  }
0x4e: {  	s29 =	simm.s32 $0x0  }
0x4f: {  	v7 =	vld [tilespmem:s29+$0x1100];
	_ =	sdelay $0x4  }
0x50: {  	vm3 =	veq.s32 v7, v2  }
0x51: {  	s30 =	simm.s32 $0x10;
	v3 =	vsel vm3, $0x1, v0  }
0x52: {  	v10 =	vld [tilespmem:s30+$0x1100];
	(xrf0) =	vadd.scan.msk.s32 $0xffff, v3  }
0x53: {  	v6 =	vld [tilespmem:s31+$0x1100];
	_ =	sdelay $0x3  }
0x54: {  	vm4 =	veq.s32 v10, v2  }
0x55: {  	vm5 =	veq.s32 v6, v2;
	v3 =	vsel vm4, $0x1, v0;
	v8, _, _ =	vpop (xrf0)  }
0x56: {  	(xrf0) =	vadd.scan.msk.s32 $0xffff, v3;
	v3 =	vsel vm5, $0x1, v0;
	(v2sf) =	vpush v8, $0xF  }
0x57: {  	(xrf0) =	vadd.scan.msk.s32 $0xffff, v3;
	_ =	sdelay $0x1  }
0x58: {  	s0 =	simm.s32 $0x30  }
0x59: {  	v4 =	vld [tilespmem:s0+$0x1100];
	vm3 =	vmmov vm3  }
0x5a: {  	vm3 =	vmmov vm3  }
0x5b: {  	vm3 =	vmmov vm3;
	v14, _, _ =	vpop (xrf0)  }
0x5c: {  	vm6 =	vmmov vm3;
	(v2sf) =	vpush v14, $0xF;
	v13, _, _ =	vpop (xrf0)  }
0x5d: {  	s2 =	simm.s32 $0x0;
	v5 =	vsel vm6, $0xFFFFFFFF, v0;
	(v2sf) =	vpush v13, $0xF  }
0x5e: {  	vm7 =	veq.s32 v4, v2;
	vm3 =	vmmov vm4;
	v9 =	vadd.s32 s2, v5;
	s2 =	simm.s32 $0x40  }
0x5f: {  	v17 =	vsel vm7, $0x1, v0;
	vm3 =	vmmov vm3;
	v5 =	vld [tilespmem:s2+$0x1100]  }
0x60: {  	v16 =	vld [tilespmem:s29+$0x5F80];
	vm4 =	vmmov vm5;
	vm8 =	vmmov vm3;
	vm3 =	vmmov vm7;
	(xrf0) =	vadd.scan.msk.s32 $0xffff, v17  }
0x61: {  	vm7 =	vgt.s32 v7, v2;
	v7 =	vld [tilespmem:s2+$0x5F80];
	v3 =	vmov s28;
	v8 =	vadd.s32 v8, v9  }
0x62: {  	vm5 =	vmmov vm4;
	vm4 =	vlt.s32 v8, v3;
	v8 =	vld [tilespmem:s0+$0x5F80]  }
0x63: {  	v12 =	vimm.f32 $0.0e+00;
	v11 =	vld [tilespmem:s31+$0x5F80];
	vm6 =	vmand vm6, vm4  }
0x64: {  	v15 =	vld [tilespmem:s30+$0x5F80];
	s28 =	simm.s32 $0x50;
	vm4 =	veq.s32 v5, v2;
	vm7 =	vmor vm7, vm6;
	vm6 =	vmmov vm8;
	s2 =	spop (v2sf)  }
0x65: {  	s30 =	simm.s32 $0x180;
	v9 =	vld [tilespmem:s28+$0x1100];
	v18 =	vsel vm4, $0x1, v0;
	v16 =	vnsel vm7, $0x0, v16;
	v17 =	vsel vm6, $0xFFFFFFFF, v0;
	s29 =	sadd.s32 $0x0, s2  }
.LBB2_11:
0x66: {  	(xrf0) =	vadd.scan.msk.s32 $0xffff, v18;
	v18, _, _ =	vpop (xrf0)  }
0x67: {  	p1 =	seq.s32 s30, $0x13840;
	v17 =	vadd.s32 s29, v17;
	v12 =	vadd.f32 v16, v12;
	v19 =	vmovc v8;
	v8 =	vmovc v7;
	v7 =	vld [tilespmem:s28+$0x5F80];
	vm7 =	vmmov vm5;
	s0 =	smov.u32 s30;
	s30 =	sadd.s32 $0x40, s30  }
.Ltmp6:
0x68: {  	vm5 =	vmmov vm3;
	(v2sf) =	vpush v18, $0xF;
	v16 =	vadd.s32 v14, v17;
	v14 =	vmovc v13;
	v13 =	vmovc v18;
	(pc) =	sbr.rel @!p1 .LBB2_11-.Ltmp6, $4  }
0x69: {  	vm3 =	vmmov vm4;
	vm8 =	vlt.s32 v16, v3  }
0x6a: {  	vm9 =	vgt.s32 v10, v2;
	v10 =	vmovc v6;
	v6 =	vmovc v4;
	v4 =	vmov v5;
	vm6 =	vmand vm6, vm8  }
0x6b: {  	s28 =	sshra.s32 s0, $0x2;
	vm4 =	veq.s32 v9, v2;
	vm8 =	vmor vm9, vm6;
	s0 =	spop (v2sf);
	v5 =	vmovc v9;
	vm6 =	vmmov vm7  }
0x6c: {  	v9 =	vld [tilespmem:s28+$0x1100];
	v18 =	vsel vm4, $0x1, v0;
	v17 =	vsel vm6, $0xFFFFFFFF, v0;
	v16 =	vnsel vm8, $0x0, v15;
	s29 =	sadd.s32 s29, s0;
	v15 =	vmovc v11;
	v11 =	vmovc v19  }
0x6d: {  	(xrf0) =	vadd.scan.msk.s32 $0xffff, v18;
	_ =	sdelay $0x3  }
0x6e: {  	v56, _, _ =	vpop (xrf0)  }
0x6f: {  	(v2sf) =	vpush v56, $0xF  }
0x70: {  	vm7 =	veq.s32 v9, v2;
	v19, _, _ =	vpop (xrf0)  }
0x71: {  	v20 =	vsel vm7, $0x1, v0;
	(v2sf) =	vpush v19, $0xF  }
0x72: {  	(xrf0) =	vadd.scan.msk.s32 $0xffff, v20  }
0x73: {  	v17 =	vadd.s32 s29, v17  }
0x74: {  	vm5 =	vmmov vm5;
	vm13 =	vgt.s32 v10, v2;
	v57 =	vadd.f32 v16, v12  }
0x75: {  	vm3 =	vmmov vm3;
	vm4 =	vmmov vm4;
	vm15 =	vgt.s32 v6, v2  }
0x76: {  	v14 =	vadd.s32 v14, v17;
	vm5 =	vmmov vm5;
	vm3 =	vmmov vm3  }
0x77: {  	s0 =	spop (v2sf);
	vm4 =	vmmov vm4;
	vm8 =	vlt.s32 v14, v3;
	v58 =	vsel vm5, $0xFFFFFFFF, v0  }
0x78: {  	s0 =	sadd.s32 s29, s0;
	vm3 =	vmmov vm3;
	vm4 =	vmmov vm4;
	vm6 =	vmand vm6, vm8;
	v60, _, _ =	vpop (xrf0)  }
0x79: {  	v12 =	vadd.s32 s0, v58;
	v61 =	vsel vm3, $0xFFFFFFFF, v0;
	(v2sf) =	vpush v60, $0xF  }
0x7a: {  	vm4 =	vmmov vm4;
	vm6 =	vmor vm13, vm6;
	v12 =	vadd.s32 v13, v12  }
0x7b: {  	vm13 =	vgt.s32 v4, v2;
	v4 =	vsel vm4, $0xFFFFFFFF, v0;
	vm14 =	vlt.s32 v12, v3;
	s2 =	spop (v2sf)  }
0x7c: {  	v59 =	vnsel vm6, $0x0, v15;
	vm10 =	vmmov vm7;
	vm5 =	vmand vm5, vm14;
	s0 =	sadd.s32 s0, s2  }
0x7d: {  	v10 =	vadd.f32 v59, v57;
	vm5 =	vmor vm15, vm5;
	v6 =	vadd.s32 s0, v61  }
0x7e: {  	vm11 =	vmmov vm10;
	v11 =	vnsel vm5, $0x0, v11;
	v6 =	vadd.s32 v56, v6;
	s30 =	spop (v2sf)  }
0x7f: {  	vm5 =	vmmov vm11;
	v10 =	vadd.f32 v11, v10;
	vm12 =	vlt.s32 v6, v3;
	s0 =	sadd.s32 s0, s30  }
0x80: {  	vm5 =	vmmov vm5;
	vm3 =	vmand vm3, vm12;
	v4 =	vadd.s32 s0, v4;
	s29 =	spop (v2sf)  }
0x81: {  	v62 =	vsel vm5, $0xFFFFFFFF, v0;
	vm3 =	vmor vm13, vm3;
	v4 =	vadd.s32 v19, v4;
	s0 =	sadd.s32 s0, s29  }
0x82: {  	v63 =	vld [tilespmem:s28+$0x5F80];
	v8 =	vnsel vm3, $0x0, v8;
	vm3 =	vlt.s32 v4, v3;
	v4 =	vadd.s32 s0, v62  }
0x83: {  	vm14 =	vgt.s32 v5, v2;
	vm3 =	vmand vm4, vm3;
	v4 =	vadd.s32 v60, v4  }
.Ltmp7:
0x84: {  	v5 =	vadd.f32 v8, v10;
	vm3 =	vmor vm14, vm3;
	vm15 =	vlt.s32 v4, v3;
	(pc) =	sbr.rel .LBB2_13-.Ltmp7, $4  }
0x85: {  	v3 =	vnsel vm3, $0x0, v7;
	vm3 =	vgt.s32 v9, v2;
	vm4 =	vmand vm5, vm15  }
0x86: {  	v3 =	vadd.f32 v3, v5;
	vm3 =	vmor vm3, vm4  }
0x87: {  	v4 =	vnsel vm3, $0x0, v63  }
0x88: {  	s30 =	spop (v2sf);
	v3 =	vadd.f32 v4, v3  }
.LBB2_6:
0x89: {  	s29 =	simm.s32 $0x1140  }
0x8a: {  	v4 =	vld [tilespmem:s29+$0xFFFFFFC0];
	_ =	sdelay $0x1  }
0x8b: {  	p1 =	sgt.s32 s28, $0x0;
	s28 =	simm.s32 $0x5FC0;
	v5 =	vld [tilespmem:s29+$0xFFFFFFD0]  }
0x8c: {  	v6 =	vld [tilespmem:s28+$0xFFFFFFC0]  }
0x8d: {  	vm3 =	vmmov vm2;
	v7 =	vld [tilespmem:s29+$0xFFFFFFE0]  }
0x8e: {  	vm3 =	vmneg @p1 vm3;
	v8 =	vld [tilespmem:s28+$0xFFFFFFD0];
	vm4 =	veq.s32 v4, v2  }
0x8f: {  	vm5 =	vgt.s32 v4, v2;
	v4 =	vld [tilespmem:s29+$0xFFFFFFF0];
	vm4 =	vmand vm3, vm4  }
0x90: {  	v3 =	vimm.f32 $0.0e+00;
	v9 =	vld [tilespmem:s28+$0xFFFFFFE0];
	vm4 =	vmor vm5, vm4;
	vm5 =	veq.s32 v5, v2  }
0x91: {  	v6 =	vnsel vm4, $0x0, v6;
	vm4 =	vgt.s32 v5, v2;
	vm5 =	vmand vm3, vm5;
	v5 =	vld [tilespmem:s29+$0x0]  }
0x92: {  	v10 =	vld [tilespmem:s28+$0xFFFFFFF0];
	v6 =	vadd.f32 v6, v3;
	vm4 =	vmor vm4, vm5;
	vm5 =	veq.s32 v7, v2  }
0x93: {  	v3 =	vld [tilespmem:s29+$0x10];
	v8 =	vnsel vm4, $0x0, v8;
	vm4 =	vgt.s32 v7, v2;
	vm5 =	vmand vm3, vm5  }
0x94: {  	v7 =	vadd.f32 v8, v6;
	vm4 =	vmor vm4, vm5;
	vm5 =	veq.s32 v4, v2;
	v6 =	vld [tilespmem:s28+$0x0]  }
0x95: {  	v8 =	vnsel vm4, $0x0, v9;
	vm4 =	vgt.s32 v4, v2;
	vm5 =	vmand vm3, vm5;
	v4 =	vld [tilespmem:s29+$0x20]  }
0x96: {  	v8 =	vadd.f32 v8, v7;
	vm4 =	vmor vm4, vm5;
	vm5 =	veq.s32 v5, v2;
	v7 =	vld [tilespmem:s28+$0x10]  }
0x97: {  	v9 =	vnsel vm4, $0x0, v10;
	vm4 =	vgt.s32 v5, v2;
	vm5 =	vmand vm3, vm5;
	v5 =	vld [tilespmem:s29+$0x30]  }
0x98: {  	s30 =	simm.s32 $0x11C0;
	s29 =	simm.s32 $0x0;
	v9 =	vadd.f32 v9, v8;
	vm5 =	vmor vm4, vm5;
	vm4 =	veq.s32 v3, v2;
	v8 =	vld [tilespmem:s28+$0x20]  }
.LBB2_7:
0x99: {  	v10 =	vld [tilespmem:s30+$0xFFFFFFC0];
	s29 =	sadd.s32 $0x8, s29;
	v6 =	vnsel vm5, $0x0, v6;
	vm5 =	vgt.s32 v3, v2;
	vm4 =	vmand vm3, vm4  }
0x9a: {  	p1 =	slt.u32 s29, $0x4D8;
	v3 =	vadd.f32 v6, v9;
	vm4 =	vmor vm5, vm4;
	vm5 =	veq.s32 v4, v2;
	v6 =	vld [tilespmem:s28+$0x30]  }
0x9b: {  	s28 =	sadd.s32 $0x80, s28;
	v9 =	vld [tilespmem:s30+$0xFFFFFFD0];
	v7 =	vnsel vm4, $0x0, v7;
	vm4 =	vgt.s32 v4, v2;
	vm5 =	vmand vm3, vm5  }
0x9c: {  	v4 =	vld [tilespmem:s28+$0xFFFFFFC0];
	v3 =	vadd.f32 v7, v3;
	vm4 =	vmor vm4, vm5;
	vm5 =	veq.s32 v5, v2  }
0x9d: {  	v7 =	vld [tilespmem:s30+$0xFFFFFFE0];
	v8 =	vnsel vm4, $0x0, v8;
	vm4 =	vgt.s32 v5, v2;
	vm5 =	vmand vm3, vm5  }
0x9e: {  	vm6 =	veq.s32 v10, v2;
	v5 =	vld [tilespmem:s28+$0xFFFFFFD0];
	v3 =	vadd.f32 v8, v3;
	vm4 =	vmor vm4, vm5  }
0x9f: {  	vm5 =	vgt.s32 v10, v2;
	vm6 =	vmand vm3, vm6;
	v8 =	vld [tilespmem:s30+$0xFFFFFFF0];
	v6 =	vnsel vm4, $0x0, v6  }
0xa0: {  	vm4 =	vmor vm5, vm6;
	vm5 =	veq.s32 v9, v2;
	v10 =	vld [tilespmem:s28+$0xFFFFFFE0];
	v3 =	vadd.f32 v6, v3  }
0xa1: {  	v4 =	vnsel vm4, $0x0, v4;
	vm4 =	vgt.s32 v9, v2;
	vm5 =	vmand vm3, vm5;
	v9 =	vld [tilespmem:s30+$0x0]  }
0xa2: {  	v4 =	vadd.f32 v4, v3;
	vm4 =	vmor vm4, vm5;
	vm5 =	veq.s32 v7, v2;
	v11 =	vld [tilespmem:s28+$0xFFFFFFF0]  }
0xa3: {  	v5 =	vnsel vm4, $0x0, v5;
	vm4 =	vgt.s32 v7, v2;
	vm5 =	vmand vm3, vm5;
	v3 =	vld [tilespmem:s30+$0x10]  }
.Ltmp8:
0xa4: {  	v5 =	vadd.f32 v5, v4;
	vm4 =	vmor vm4, vm5;
	vm5 =	veq.s32 v8, v2;
	v6 =	vld [tilespmem:s28+$0x0];
	(pc) =	sbr.rel @p1 .LBB2_7-.Ltmp8, $4  }
0xa5: {  	v7 =	vnsel vm4, $0x0, v10;
	vm4 =	vgt.s32 v8, v2;
	vm5 =	vmand vm3, vm5;
	v4 =	vld [tilespmem:s30+$0x20]  }
0xa6: {  	v8 =	vadd.f32 v7, v5;
	vm4 =	vmor vm4, vm5;
	vm5 =	veq.s32 v9, v2;
	v7 =	vld [tilespmem:s28+$0x10]  }
0xa7: {  	v10 =	vnsel vm4, $0x0, v11;
	vm4 =	vgt.s32 v9, v2;
	vm5 =	vmand vm3, vm5;
	v5 =	vld [tilespmem:s30+$0x30]  }
0xa8: {  	s30 =	sadd.s32 $0x80, s30;
	v9 =	vadd.f32 v10, v8;
	vm5 =	vmor vm4, vm5;
	vm4 =	veq.s32 v3, v2;
	v8 =	vld [tilespmem:s28+$0x20]  }
0xa9: {  	v6 =	vnsel vm5, $0x0, v6;
	vm5 =	vgt.s32 v3, v2;
	vm4 =	vmand vm3, vm4  }
0xaa: {  	v63 =	vld [tilespmem:s28+$0x30];
	v3 =	vadd.f32 v6, v9;
	vm4 =	vmor vm5, vm4;
	vm5 =	veq.s32 v4, v2  }
0xab: {  	v7 =	vnsel vm4, $0x0, v7;
	vm4 =	vgt.s32 v4, v2;
	vm5 =	vmand vm3, vm5  }
0xac: {  	v3 =	vadd.f32 v7, v3;
	vm4 =	vmor vm4, vm5;
	vm5 =	veq.s32 v5, v2  }
0xad: {  	v4 =	vnsel vm4, $0x0, v8;
	vm4 =	vgt.s32 v5, v2;
	vm5 =	vmand vm3, vm5  }
0xae: {  	v3 =	vadd.f32 v4, v3;
	vm4 =	vmor vm4, vm5  }
0xaf: {  	v4 =	vnsel vm4, $0x0, v63  }
0xb0: {  	s28 =	simm.s32 $0x0;
	v3 =	vadd.f32 v4, v3  }
.LBB2_9:
0xb1: {  	s0 =	sshra.s32 s28, $0x2  }
0xb2: {  	v4 =	vld [tilespmem:s0+$0x5F00];
	_ =	sdelay $0x2  }
0xb3: {  	v5 =	vld [tilespmem:s0+$0xAD80]  }
0xb4: {  	p1 =	sne.s32 s28, $0x40  }
.Ltmp9:
0xb5: {  	vm4 =	veq.s32 v4, v2;
	(pc) =	sbr.rel @p1 .LBB2_9-.Ltmp9, $4  }
0xb6: {  	vm5 =	vgt.s32 v4, v2;
	vm4 =	vmand vm3, vm4  }
0xb7: {  	vm4 =	vmor vm5, vm4  }
0xb8: {  	v4 =	vnsel vm4, $0x0, v5  }
0xb9: {  	s28 =	sadd.s32 $0x40, s28;
	v3 =	vadd.f32 v4, v3  }
.LBB2_13:
0xba: {  	_ = 	snop  }
0xbb: {  	(xrf2) =	vadd.scan.msk.f32 $0xffff, v3;
	_ =	sdelay $0x9  }
0xbc: {  	(v2sf) =	vpush v1, $0x0;
	v3, _, _ =	vpop (xrf2)  }
0xbd: {  	(v2sf) =	vpush v3, $0xF;
	_ =	sdelay $0x8  }
0xbe: {  	s0 =	sadd.s32 s25, s26  }
0xbf: {  	[tilespmem:s19], [sflag:$0x1] =	stream.strided.gather [hbm4b:s9+s17], $0x4E80, s18, s17, $0x38;
	[tilespmem:$0xAE80] =	vst v63  }
0xc0: {  	s0 =	ssub.s32 s23, s0  }
0xc1: {  	p1 =	sgt.s32 s0, $0x0  }
0xc2: {  	s0 =	simm.s32 @!p1 $0x0  }
0xc3: {  	p1 =	slt.s32 s24, s0;
	s25 =	smov.u32 s0;
	s28 =	spop (v2sf)  }
0xc4: {  	s25 =	smov.u32 @p1 s24;
	p1 =	sge.s32 s0, s24;
	s23 =	spop (v2sf)  }
0xc5: {  	p2 =	sgt.s32 @!p1 s25, $0x0;
	_ =	swait.ge [sflag:s13], $0x4E80  }
0xc6: {  	p1 =	por p1, !p2;
	[sflag:s13] =	ssyncset.done $0x0  }
.Ltmp10:
0xc7: {  	[sflag:s13] =	ssyncadd.s32 $0xFFFFB180;
	(pc) =	sbr.rel @p1 .LBB2_14-.Ltmp10, $4  }
0xc8: {  	[tilespmem:s20], [sflag:$0x1] =	stream.strided.gather [hbm4b:s10+s17], $0x4E80, s18, s17, $0x38;
	[tilespmem:$0xAE80] =	vst v63  }
0xc9: {  	_ =	swait.ge [sflag:s13], $0x4E80  }
0xca: {  	[sflag:s13] =	ssyncset.done $0x0  }
0xcb: {  	[sflag:s13] =	ssyncadd.s32 $0xFFFFB180  }
0xcc: {  	s0 =	simm.s32 $0x0  }
0xcd: {  	v7 =	vld [tilespmem:s0+$0x1100];
	_ =	sdelay $0x4  }
0xce: {  	vm3 =	veq.s32 v7, v2  }
0xcf: {  	s2 =	simm.s32 $0x10;
	v3 =	vsel vm3, $0x1, v0  }
0xd0: {  	s24 =	simm.s32 $0x20;
	v10 =	vld [tilespmem:s2+$0x1100];
	(xrf0) =	vadd.scan.msk.s32 $0xffff, v3  }
0xd1: {  	v6 =	vld [tilespmem:s24+$0x1100];
	_ =	sdelay $0x3  }
0xd2: {  	vm4 =	veq.s32 v10, v2  }
0xd3: {  	vm5 =	veq.s32 v6, v2;
	v3 =	vsel vm4, $0x1, v0;
	v8, _, _ =	vpop (xrf0)  }
0xd4: {  	(xrf0) =	vadd.scan.msk.s32 $0xffff, v3;
	v3 =	vsel vm5, $0x1, v0;
	(v2sf) =	vpush v8, $0xF  }
0xd5: {  	(xrf0) =	vadd.scan.msk.s32 $0xffff, v3;
	_ =	sdelay $0x1  }
0xd6: {  	s26 =	simm.s32 $0x30  }
0xd7: {  	v4 =	vld [tilespmem:s26+$0x1100];
	vm3 =	vmmov vm3  }
0xd8: {  	vm3 =	vmmov vm3  }
0xd9: {  	vm3 =	vmmov vm3;
	v14, _, _ =	vpop (xrf0)  }
0xda: {  	vm6 =	vmmov vm3;
	(v2sf) =	vpush v14, $0xF;
	v13, _, _ =	vpop (xrf0)  }
0xdb: {  	s29 =	simm.s32 $0x0;
	v5 =	vsel vm6, $0xFFFFFFFF, v0;
	(v2sf) =	vpush v13, $0xF  }
0xdc: {  	vm7 =	veq.s32 v4, v2;
	vm3 =	vmmov vm4;
	v9 =	vadd.s32 s29, v5;
	s29 =	simm.s32 $0x40  }
0xdd: {  	v17 =	vsel vm7, $0x1, v0;
	vm3 =	vmmov vm3;
	v5 =	vld [tilespmem:s29+$0x1100]  }
0xde: {  	v16 =	vld [tilespmem:s0+$0x5F80];
	vm4 =	vmmov vm5;
	vm8 =	vmmov vm3;
	vm3 =	vmmov vm7;
	(xrf0) =	vadd.scan.msk.s32 $0xffff, v17  }
0xdf: {  	vm7 =	vgt.s32 v7, v2;
	v7 =	vld [tilespmem:s29+$0x5F80];
	v3 =	vmov s25;
	v8 =	vadd.s32 v8, v9  }
0xe0: {  	vm5 =	vmmov vm4;
	vm4 =	vlt.s32 v8, v3;
	v8 =	vld [tilespmem:s26+$0x5F80]  }
0xe1: {  	v12 =	vimm.f32 $0.0e+00;
	v15 =	vld [tilespmem:s2+$0x5F80];
	vm6 =	vmand vm6, vm4  }
0xe2: {  	v11 =	vld [tilespmem:s24+$0x5F80];
	s24 =	simm.s32 $0x50;
	vm4 =	veq.s32 v5, v2;
	vm7 =	vmor vm7, vm6;
	vm6 =	vmmov vm8;
	s30 =	spop (v2sf)  }
0xe3: {  	v9 =	vld [tilespmem:s24+$0x1100];
	s26 =	simm.s32 $0x180;
	v18 =	vsel vm4, $0x1, v0;
	v16 =	vnsel vm7, $0x0, v16;
	v17 =	vsel vm6, $0xFFFFFFFF, v0;
	s25 =	sadd.s32 $0x0, s30  }
.LBB2_19:
0xe4: {  	(xrf0) =	vadd.scan.msk.s32 $0xffff, v18;
	v18, _, _ =	vpop (xrf0)  }
0xe5: {  	p1 =	seq.s32 s26, $0x13840;
	v17 =	vadd.s32 s25, v17;
	v12 =	vadd.f32 v16, v12;
	v19 =	vmovc v8;
	v8 =	vmovc v7;
	v7 =	vld [tilespmem:s24+$0x5F80];
	vm7 =	vmmov vm5;
	s0 =	smov.u32 s26;
	s26 =	sadd.s32 $0x40, s26  }
.Ltmp11:
0xe6: {  	vm5 =	vmmov vm3;
	(v2sf) =	vpush v18, $0xF;
	v16 =	vadd.s32 v14, v17;
	v14 =	vmovc v13;
	v13 =	vmovc v18;
	(pc) =	sbr.rel @!p1 .LBB2_19-.Ltmp11, $4  }
0xe7: {  	vm3 =	vmmov vm4;
	vm8 =	vlt.s32 v16, v3  }
0xe8: {  	vm9 =	vgt.s32 v10, v2;
	v10 =	vmovc v6;
	v6 =	vmovc v4;
	v4 =	vmov v5;
	vm6 =	vmand vm6, vm8  }
0xe9: {  	s24 =	sshra.s32 s0, $0x2;
	vm4 =	veq.s32 v9, v2;
	vm8 =	vmor vm9, vm6;
	s0 =	spop (v2sf);
	v5 =	vmovc v9;
	vm6 =	vmmov vm7  }
0xea: {  	v9 =	vld [tilespmem:s24+$0x1100];
	v18 =	vsel vm4, $0x1, v0;
	v17 =	vsel vm6, $0xFFFFFFFF, v0;
	v16 =	vnsel vm8, $0x0, v15;
	s25 =	sadd.s32 s25, s0;
	v15 =	vmovc v11;
	v11 =	vmovc v19  }
0xeb: {  	(xrf0) =	vadd.scan.msk.s32 $0xffff, v18;
	_ =	sdelay $0x3  }
0xec: {  	v56, _, _ =	vpop (xrf0)  }
0xed: {  	(v2sf) =	vpush v56, $0xF  }
0xee: {  	v19, _, _ =	vpop (xrf0)  }
0xef: {  	vm7 =	veq.s32 v9, v2;
	(v2sf) =	vpush v19, $0xF  }
0xf0: {  	v20 =	vsel vm7, $0x1, v0  }
0xf1: {  	v17 =	vadd.s32 s25, v17;
	(xrf0) =	vadd.scan.msk.s32 $0xffff, v20  }
0xf2: {  	vm5 =	vmmov vm5;
	vm13 =	vgt.s32 v10, v2;
	v57 =	vadd.f32 v16, v12  }
0xf3: {  	vm3 =	vmmov vm3;
	vm4 =	vmmov vm4;
	vm15 =	vgt.s32 v6, v2  }
0xf4: {  	v14 =	vadd.s32 v14, v17;
	vm5 =	vmmov vm5;
	vm3 =	vmmov vm3  }
0xf5: {  	s0 =	spop (v2sf);
	vm4 =	vmmov vm4;
	vm8 =	vlt.s32 v14, v3;
	v58 =	vsel vm5, $0xFFFFFFFF, v0  }
0xf6: {  	s0 =	sadd.s32 s25, s0;
	vm3 =	vmmov vm3;
	vm4 =	vmmov vm4;
	vm6 =	vmand vm6, vm8  }
0xf7: {  	v12 =	vadd.s32 s0, v58;
	v61 =	vsel vm3, $0xFFFFFFFF, v0;
	vm4 =	vmmov vm4;
	v60, _, _ =	vpop (xrf0)  }
0xf8: {  	vm6 =	vmor vm13, vm6;
	v12 =	vadd.s32 v13, v12;
	(v2sf) =	vpush v60, $0xF  }
0xf9: {  	vm13 =	vgt.s32 v4, v2;
	v4 =	vsel vm4, $0xFFFFFFFF, v0;
	vm14 =	vlt.s32 v12, v3;
	s2 =	spop (v2sf)  }
0xfa: {  	v59 =	vnsel vm6, $0x0, v15;
	vm10 =	vmmov vm7;
	vm5 =	vmand vm5, vm14;
	s0 =	sadd.s32 s0, s2  }
0xfb: {  	v10 =	vadd.f32 v59, v57;
	vm5 =	vmor vm15, vm5;
	v6 =	vadd.s32 s0, v61  }
0xfc: {  	vm11 =	vmmov vm10;
	v11 =	vnsel vm5, $0x0, v11;
	v6 =	vadd.s32 v56, v6;
	s26 =	spop (v2sf)  }
0xfd: {  	vm5 =	vmmov vm11;
	v10 =	vadd.f32 v11, v10;
	vm12 =	vlt.s32 v6, v3;
	s0 =	sadd.s32 s0, s26  }
0xfe: {  	vm5 =	vmmov vm5;
	vm3 =	vmand vm3, vm12;
	v4 =	vadd.s32 s0, v4;
	s29 =	spop (v2sf)  }
0xff: {  	v62 =	vsel vm5, $0xFFFFFFFF, v0;
	vm3 =	vmor vm13, vm3;
	v4 =	vadd.s32 v19, v4;
	s0 =	sadd.s32 s0, s29  }
0x100: {  	v63 =	vld [tilespmem:s24+$0x5F80];
	v8 =	vnsel vm3, $0x0, v8;
	vm3 =	vlt.s32 v4, v3;
	v4 =	vadd.s32 s0, v62  }
0x101: {  	vm14 =	vgt.s32 v5, v2;
	vm3 =	vmand vm4, vm3;
	v4 =	vadd.s32 v60, v4  }
0x102: {  	v5 =	vadd.f32 v8, v10;
	vm3 =	vmor vm14, vm3;
	vm15 =	vlt.s32 v4, v3  }
.Ltmp12:
0x103: {  	v3 =	vnsel vm3, $0x0, v7;
	vm3 =	vgt.s32 v9, v2;
	vm4 =	vmand vm5, vm15;
	(pc) =	sbr.rel .LBB2_21-.Ltmp12, $4  }
0x104: {  	v2 =	vadd.f32 v3, v5;
	vm3 =	vmor vm3, vm4  }
0x105: {  	v3 =	vnsel vm3, $0x0, v63  }
0x106: {  	v3 =	vadd.f32 v3, v2  }
0x107: {  	s30 =	spop (v2sf)  }
.LBB2_14:
0x108: {  	s30 =	simm.s32 $0x1140  }
0x109: {  	v4 =	vld [tilespmem:s30+$0xFFFFFFC0];
	_ =	sdelay $0x1  }
0x10a: {  	s24 =	simm.s32 $0x5FC0;
	v5 =	vld [tilespmem:s30+$0xFFFFFFD0]  }
0x10b: {  	v6 =	vld [tilespmem:s24+$0xFFFFFFC0]  }
0x10c: {  	p1 =	sgt.s32 s25, $0x0;
	vm3 =	vmmov vm2;
	v7 =	vld [tilespmem:s30+$0xFFFFFFE0]  }
0x10d: {  	vm3 =	vmneg @p1 vm3;
	v8 =	vld [tilespmem:s24+$0xFFFFFFD0];
	vm4 =	veq.s32 v4, v2  }
0x10e: {  	vm5 =	vgt.s32 v4, v2;
	v4 =	vld [tilespmem:s30+$0xFFFFFFF0];
	vm4 =	vmand vm3, vm4  }
0x10f: {  	v3 =	vimm.f32 $0.0e+00;
	v9 =	vld [tilespmem:s24+$0xFFFFFFE0];
	vm4 =	vmor vm5, vm4;
	vm5 =	veq.s32 v5, v2  }
0x110: {  	v6 =	vnsel vm4, $0x0, v6;
	vm4 =	vgt.s32 v5, v2;
	vm5 =	vmand vm3, vm5;
	v5 =	vld [tilespmem:s30+$0x0]  }
0x111: {  	v10 =	vld [tilespmem:s24+$0xFFFFFFF0];
	v6 =	vadd.f32 v6, v3;
	vm4 =	vmor vm4, vm5;
	vm5 =	veq.s32 v7, v2  }
0x112: {  	v3 =	vld [tilespmem:s30+$0x10];
	v8 =	vnsel vm4, $0x0, v8;
	vm4 =	vgt.s32 v7, v2;
	vm5 =	vmand vm3, vm5  }
0x113: {  	v7 =	vadd.f32 v8, v6;
	vm4 =	vmor vm4, vm5;
	vm5 =	veq.s32 v4, v2;
	v6 =	vld [tilespmem:s24+$0x0]  }
0x114: {  	v8 =	vnsel vm4, $0x0, v9;
	vm4 =	vgt.s32 v4, v2;
	vm5 =	vmand vm3, vm5;
	v4 =	vld [tilespmem:s30+$0x20]  }
0x115: {  	v8 =	vadd.f32 v8, v7;
	vm4 =	vmor vm4, vm5;
	vm5 =	veq.s32 v5, v2;
	v7 =	vld [tilespmem:s24+$0x10]  }
0x116: {  	v9 =	vnsel vm4, $0x0, v10;
	vm4 =	vgt.s32 v5, v2;
	vm5 =	vmand vm3, vm5;
	v5 =	vld [tilespmem:s30+$0x30]  }
0x117: {  	s25 =	simm.s32 $0x0;
	s26 =	simm.s32 $0x11C0;
	v9 =	vadd.f32 v9, v8;
	vm5 =	vmor vm4, vm5;
	vm4 =	veq.s32 v3, v2;
	v8 =	vld [tilespmem:s24+$0x20]  }
.LBB2_15:
0x118: {  	v10 =	vld [tilespmem:s26+$0xFFFFFFC0];
	s25 =	sadd.s32 $0x8, s25;
	v6 =	vnsel vm5, $0x0, v6;
	vm5 =	vgt.s32 v3, v2;
	vm4 =	vmand vm3, vm4  }
0x119: {  	p1 =	slt.u32 s25, $0x4D8;
	v3 =	vadd.f32 v6, v9;
	vm4 =	vmor vm5, vm4;
	vm5 =	veq.s32 v4, v2;
	v6 =	vld [tilespmem:s24+$0x30]  }
0x11a: {  	s24 =	sadd.s32 $0x80, s24;
	v9 =	vld [tilespmem:s26+$0xFFFFFFD0];
	v7 =	vnsel vm4, $0x0, v7;
	vm4 =	vgt.s32 v4, v2;
	vm5 =	vmand vm3, vm5  }
0x11b: {  	v4 =	vld [tilespmem:s24+$0xFFFFFFC0];
	v3 =	vadd.f32 v7, v3;
	vm4 =	vmor vm4, vm5;
	vm5 =	veq.s32 v5, v2  }
0x11c: {  	v7 =	vld [tilespmem:s26+$0xFFFFFFE0];
	v8 =	vnsel vm4, $0x0, v8;
	vm4 =	vgt.s32 v5, v2;
	vm5 =	vmand vm3, vm5  }
0x11d: {  	vm6 =	veq.s32 v10, v2;
	v5 =	vld [tilespmem:s24+$0xFFFFFFD0];
	v3 =	vadd.f32 v8, v3;
	vm4 =	vmor vm4, vm5  }
0x11e: {  	vm5 =	vgt.s32 v10, v2;
	vm6 =	vmand vm3, vm6;
	v8 =	vld [tilespmem:s26+$0xFFFFFFF0];
	v6 =	vnsel vm4, $0x0, v6  }
0x11f: {  	vm4 =	vmor vm5, vm6;
	vm5 =	veq.s32 v9, v2;
	v10 =	vld [tilespmem:s24+$0xFFFFFFE0];
	v3 =	vadd.f32 v6, v3  }
0x120: {  	v4 =	vnsel vm4, $0x0, v4;
	vm4 =	vgt.s32 v9, v2;
	vm5 =	vmand vm3, vm5;
	v9 =	vld [tilespmem:s26+$0x0]  }
0x121: {  	v4 =	vadd.f32 v4, v3;
	vm4 =	vmor vm4, vm5;
	vm5 =	veq.s32 v7, v2;
	v11 =	vld [tilespmem:s24+$0xFFFFFFF0]  }
0x122: {  	v5 =	vnsel vm4, $0x0, v5;
	vm4 =	vgt.s32 v7, v2;
	vm5 =	vmand vm3, vm5;
	v3 =	vld [tilespmem:s26+$0x10]  }
.Ltmp13:
0x123: {  	v5 =	vadd.f32 v5, v4;
	vm4 =	vmor vm4, vm5;
	vm5 =	veq.s32 v8, v2;
	v6 =	vld [tilespmem:s24+$0x0];
	(pc) =	sbr.rel @p1 .LBB2_15-.Ltmp13, $4  }
0x124: {  	v7 =	vnsel vm4, $0x0, v10;
	vm4 =	vgt.s32 v8, v2;
	vm5 =	vmand vm3, vm5;
	v4 =	vld [tilespmem:s26+$0x20]  }
0x125: {  	v8 =	vadd.f32 v7, v5;
	vm4 =	vmor vm4, vm5;
	vm5 =	veq.s32 v9, v2;
	v7 =	vld [tilespmem:s24+$0x10]  }
0x126: {  	v10 =	vnsel vm4, $0x0, v11;
	vm4 =	vgt.s32 v9, v2;
	vm5 =	vmand vm3, vm5;
	v5 =	vld [tilespmem:s26+$0x30]  }
0x127: {  	s26 =	sadd.s32 $0x80, s26;
	v9 =	vadd.f32 v10, v8;
	vm5 =	vmor vm4, vm5;
	vm4 =	veq.s32 v3, v2;
	v8 =	vld [tilespmem:s24+$0x20]  }
0x128: {  	v6 =	vnsel vm5, $0x0, v6;
	vm5 =	vgt.s32 v3, v2;
	vm4 =	vmand vm3, vm4  }
0x129: {  	v63 =	vld [tilespmem:s24+$0x30];
	v3 =	vadd.f32 v6, v9;
	vm4 =	vmor vm5, vm4;
	vm5 =	veq.s32 v4, v2  }
0x12a: {  	v7 =	vnsel vm4, $0x0, v7;
	vm4 =	vgt.s32 v4, v2;
	vm5 =	vmand vm3, vm5  }
0x12b: {  	v3 =	vadd.f32 v7, v3;
	vm4 =	vmor vm4, vm5;
	vm5 =	veq.s32 v5, v2  }
0x12c: {  	v4 =	vnsel vm4, $0x0, v8;
	vm4 =	vgt.s32 v5, v2;
	vm5 =	vmand vm3, vm5  }
0x12d: {  	v3 =	vadd.f32 v4, v3;
	vm4 =	vmor vm4, vm5  }
0x12e: {  	v4 =	vnsel vm4, $0x0, v63  }
0x12f: {  	s24 =	simm.s32 $0x0;
	v3 =	vadd.f32 v4, v3  }
.LBB2_17:
0x130: {  	s0 =	sshra.s32 s24, $0x2  }
0x131: {  	v4 =	vld [tilespmem:s0+$0x5F00];
	_ =	sdelay $0x2  }
0x132: {  	v5 =	vld [tilespmem:s0+$0xAD80]  }
0x133: {  	p1 =	sne.s32 s24, $0x40  }
.Ltmp14:
0x134: {  	vm4 =	veq.s32 v4, v2;
	(pc) =	sbr.rel @p1 .LBB2_17-.Ltmp14, $4  }
0x135: {  	vm5 =	vgt.s32 v4, v2;
	vm4 =	vmand vm3, vm4  }
0x136: {  	vm4 =	vmor vm5, vm4  }
0x137: {  	v4 =	vnsel vm4, $0x0, v5  }
0x138: {  	s24 =	sadd.s32 $0x40, s24;
	v3 =	vadd.f32 v4, v3  }
.Ltmp15:
0x139: {  	_ = 	snop;
	(pc) =	sbr.rel .LBB2_21-.Ltmp15, $1  }
0x13a: {  	_ =	sdelay $0x3  }
.LBB2_22:
0x13b: {  	_ =	sfence.sel $0x180000  }
0x13c: {  	[bflag:$0x0] =	sbarrier.arrive $0xFFFF  }
0x13d: {  	_ =	strace $0x90000053  }
0x13e: {  	s0 =	stileid.u32;
	[bflag:$0x2] =	sbarrier.arrive $0xFFFF  }
0x13f: {  	p0 =	sne.s32 s0, $0x0;
	s0 =	rddreg [dreg:$0x2]  }
0x140: {  	s0 =	sadd.s32 @!p0 $0x100000, s0  }
0x141: {  	[sflag:s0] =	ssyncadd.tile.s32 @!p0 $0x1;
	_ =	shalt  }
.Lfunc_end2:
_tile_overlayer_lowered:
.L_overlay_start_2:
0x142: {  	(tag) =	ssettag $0x2  }
0x143: {  	s0 =	rddreg [dreg:$0x0];
	s2 =	stileid.u32  }
0x144: {  	s1 =	rddreg [dreg:$0x1];
	p0 =	sne.s32 s2, $0x0  }
0x145: {  	s3 =	rddreg [dreg:$0x2];
	[bflag:$0x3] =	sbarrier.arrive $0xFFFF;
	s2 =	simm.s32 @!p0 $0x1C01  }
0x146: {  	[timem:s3], [sflag:s2] =	dma.local @!p0 [hbm:s0], s1  }
0x147: {  	s0 =	simm.s32 @!p0 $0x1  }
0x148: {  	_ =	swait.ge @!p0 [sflag:s0], s1  }
0x149: {  	s1 =	ssub.s32 @!p0 $0x0, s1;
	[sflag:s0] =	ssyncset.done @!p0 $0x0  }
0x14a: {  	[sflag:s0] =	ssyncadd.s32 @!p0 s1  }
0x14b: {  	[bflag:$0x3] =	sbarrier.arrive $0xFFFF  }
0x14c: {  	_ =	shalt  }

// kernel: kernel.7.cloned.1.call-start
scs
__scs_entry_jumppad:
0x0: {  	(pc) =	sbr.rel $0x88, $3  }
0x1: {  	(tag) =	ssettag $0x0;
	lr =	simm.s32 $0x1  }
0x2: {  	[smem:$0x3F9E] =	sst lr;
	_ =	strace $0xD0000000  }
0x3: {  	_ = 	snop  }
0x4: {  	_ = 	snop  }
0x5: {  	_ = 	snop  }
0x6: {  	_ = 	snop  }
0x7: {  	_ = 	snop  }
__scs_overlays_trampoline_lowered:
0x8: {  	[smem:$0x3FAD] =	sst s0  }
0x9: {  	[smem:$0x3FAE] =	sst s1  }
0xa: {  	[smem:$0x3FAF] =	sst s2  }
0xb: {  	[smem:$0x3FB0] =	sst s3  }
0xc: {  	[smem:$0x3FB1] =	sst s4  }
0xd: {  	[smem:$0x3FB2] =	sst s5  }
0xe: {  	[smem:$0x3FB3] =	sst s6  }
0xf: {  	[smem:$0x3FB4] =	sst s7  }
0x10: {  	[smem:$0x3FB5] =	sst s8  }
0x11: {  	[smem:$0x3FB6] =	sst s9;
	s0 =	simm.s32 @!p0 $0x0  }
0x12: {  	s1 =	sld [smem:$0x3F9C];
	s0 =	simm.s32 @p0 $0x1  }
0x13: {  	[smem:$0x3FB7] =	sst s0;
	s0 =	simm.s32 @!p1 $0x0  }
0x14: {  	s2 =	sld [smem:$0x3F9B];
	s0 =	simm.s32 @p1 $0x1  }
0x15: {  	[smem:$0x3FB8] =	sst s0;
	s0 =	simm.s32 @!p2 $0x0  }
0x16: {  	s3 =	sld [smem:$0x3FDB];
	s0 =	simm.s32 @p2 $0x1  }
0x17: {  	s4 =	simm.s32 $0x1BF5;
	[smem:$0x3FBA] =	sst s0  }
0x18: {  	s0 =	sld [smem:$0x3F9D];
	_ =	swait.ge [sflag:s4], $0x0  }
0x19: {  	s7 =	sld [smem:$0x3F9E]  }
0x1a: {  	s8 =	sadd.s32 $0xFFFFE003, lr  }
0x1b: {  	s9 =	sadd.s32 $0xFFFFFEF7, lr;
	s5 =	simm.s32 $0xFFFFFFFF;
	p2 =	slt.u32 s8, $0xFFFFF086  }
0x1c: {  	p1 =	slt.u32 s9, $0xF7A;
	s5 =	simm.s32 @!p2 $0x0  }
0x1d: {  	s5 =	simm.s32 @p1 $0x1;
	p0 =	seq.s32 s7, s2  }
0x1e: {  	s7 =	smul.u32 @!p0 $0xF7A, s2;
	p2 =	seq.s32 @!p0 s5, $0x0  }
0x1f: {  	s9 =	smul.u32 $0xF7A, s1;
	s8 =	simm.s32 @!p0 $0x1BF5;
	p2 =	por !p2, p0  }
0x20: {  	[sflag:s8] =	ssyncset.s32 @!p0 $0xFFFFF086;
	s6 =	sadd.s32 @!p0 s3, s7;
	s7 =	simm.s32 @!p0 $0x108  }
0x21: {  	s3 =	sadd.s32 s3, s9;
	s6 =	sadd.s32 @!p0 $0x88, s6;
	s7 =	simm.s32 @p2 $0x1082  }
0x22: {  	[simem:s7], [sflag:s8] =	dma.local @!p0 [hbm:s6], $0xF7A  }
0x23: {  	s9 =	sor.u32 $0xD0000000, s2;
	s6 =	simm.s32 $0x108;
	_ =	swait.ge @!p0 [sflag:s8], $0x0  }
0x24: {  	s3 =	sadd.s32 $0x88, s3;
	s6 =	simm.s32 @!p1 $0x1082;
	[sflag:s4] =	ssyncset.s32 $0xFFFFF086  }
0x25: {  	[simem:s6], [sflag:s4] =	dma.local [hbm:s3], $0xF7A  }
0x26: {  	[smem:$0x3F9E] =	sst s1;
	(tag) =	ssettag s2;
	_ =	strace s9  }
0x27: {  	s1 =	sld [smem:$0x3FAE]  }
0x28: {  	s2 =	sld [smem:$0x3FAF]  }
0x29: {  	s4 =	sld [smem:$0x3FB1]  }
0x2a: {  	p0 =	seq.s32 s5, $0x0;
	s5 =	sld [smem:$0x3FB2]  }
0x2b: {  	s6 =	sld [smem:$0x3FB3]  }
0x2c: {  	s7 =	sld [smem:$0x3FB4]  }
0x2d: {  	s3 =	simm.s32 $0x108;
	s8 =	sld [smem:$0x3FB5]  }
0x2e: {  	s3 =	simm.s32 @!p0 $0x1082;
	s9 =	sld [smem:$0x3FB6]  }
0x2f: {  	lr =	sadd.s32 s0, s3;
	s0 =	sld [smem:$0x3FAD]  }
0x30: {  	s3 =	sld [smem:$0x3FB0]  }
0x31: {  	[smem:$0x3FB9] =	sst s10  }
0x32: {  	s10 =	sld [smem:$0x3FB7];
	_ =	sdelay $0x3  }
0x33: {  	p0 =	seq.s32 s10, $0x1;
	s10 =	sld [smem:$0x3FB9];
	_ =	sdelay $0x3  }
0x34: {  	[smem:$0x3FB9] =	sst s10  }
0x35: {  	s10 =	sld [smem:$0x3FB8];
	_ =	sdelay $0x3  }
0x36: {  	p1 =	seq.s32 s10, $0x1;
	s10 =	sld [smem:$0x3FB9];
	_ =	sdelay $0x3  }
0x37: {  	[smem:$0x3FB9] =	sst s10  }
0x38: {  	s10 =	sld [smem:$0x3FBA]  }
0x39: {  	_ = 	snop;
	(pc) =	sbr.ind lr, $3  }
0x3a: {  	_ = 	snop  }
0x3b: {  	_ = 	snop  }
0x3c: {  	p2 =	seq.s32 s10, $0x1;
	s10 =	sld [smem:$0x3FB9]  }
0x3d: {  	_ =	shalt  }
0x3e: {  	_ =	shalt  }
0x3f: {  	_ =	shalt  }
0x40: {  	_ =	shalt  }
0x41: {  	_ =	shalt  }
0x42: {  	_ =	shalt  }
0x43: {  	_ =	shalt  }
0x44: {  	_ =	shalt  }
0x45: {  	_ =	shalt  }
0x46: {  	_ =	shalt  }
0x47: {  	_ =	shalt  }
0x48: {  	_ =	shalt  }
0x49: {  	_ =	shalt  }
0x4a: {  	_ =	shalt  }
0x4b: {  	_ =	shalt  }
0x4c: {  	_ =	shalt  }
0x4d: {  	_ =	shalt  }
0x4e: {  	_ =	shalt  }
0x4f: {  	_ =	shalt  }
0x50: {  	_ =	shalt  }
0x51: {  	_ =	shalt  }
0x52: {  	_ =	shalt  }
0x53: {  	_ =	shalt  }
0x54: {  	_ =	shalt  }
0x55: {  	_ =	shalt  }
0x56: {  	_ =	shalt  }
0x57: {  	_ =	shalt  }
0x58: {  	_ =	shalt  }
0x59: {  	_ =	shalt  }
0x5a: {  	_ =	shalt  }
0x5b: {  	_ =	shalt  }
0x5c: {  	_ =	shalt  }
0x5d: {  	_ =	shalt  }
0x5e: {  	_ =	shalt  }
0x5f: {  	_ =	shalt  }
0x60: {  	_ =	shalt  }
0x61: {  	_ =	shalt  }
0x62: {  	_ =	shalt  }
0x63: {  	_ =	shalt  }
0x64: {  	_ =	shalt  }
0x65: {  	_ =	shalt  }
0x66: {  	_ =	shalt  }
0x67: {  	_ =	shalt  }
0x68: {  	_ =	shalt  }
0x69: {  	_ =	shalt  }
0x6a: {  	_ =	shalt  }
0x6b: {  	_ =	shalt  }
0x6c: {  	_ =	shalt  }
0x6d: {  	_ =	shalt  }
0x6e: {  	_ =	shalt  }
0x6f: {  	_ =	shalt  }
0x70: {  	_ =	shalt  }
0x71: {  	_ =	shalt  }
0x72: {  	_ =	shalt  }
0x73: {  	_ =	shalt  }
0x74: {  	_ =	shalt  }
0x75: {  	_ =	shalt  }
0x76: {  	_ =	shalt  }
0x77: {  	_ =	shalt  }
0x78: {  	_ =	shalt  }
0x79: {  	_ =	shalt  }
0x7a: {  	_ =	shalt  }
0x7b: {  	_ =	shalt  }
0x7c: {  	_ =	shalt  }
0x7d: {  	_ =	shalt  }
0x7e: {  	_ =	shalt  }
0x7f: {  	_ =	shalt  }
0x80: {  	_ =	shalt  }
0x81: {  	_ =	shalt  }
0x82: {  	_ =	shalt  }
0x83: {  	_ =	shalt  }
0x84: {  	_ =	shalt  }
0x85: {  	_ =	shalt  }
0x86: {  	_ =	shalt  }
0x87: {  	_ =	shalt  }
.Lfunc_end0:
.L_simem_size_0:
called_computation_lowered:
.L_overlay_start_0:
0x88: {  	s2 =	sld [smem:$0x3FD9]  }
0x89: {  	s3 =	sld [smem:$0x3FFE];
	_ =	sdelay $0x1  }
0x8a: {  	s1 =	srdreg.scid  }
0x8b: {  	s0 =	sand.u32 $0x1, s1  }
0x8c: {  	s17 =	sshll.u32 s0, $0xA;
	s2 =	sadd.s32 s3, s2  }
0x8d: {  	s2 =	sadd.s32 s2, s17  }
0x8e: {  	[smem:$0x3FC5] =	sst s2  }
0x8f: {  	_ = 	snop  }
0x90: {  	s2 =	sld [smem:$0x3FC9]  }
0x91: {  	s18 =	sld [smem:$0x3FC8]  }
0x92: {  	s4 =	sld [smem:$0x3FC7];
	(tm) =	ssettm $0x1  }
0x93: {  	s5 =	sld [smem:$0x3FFB];
	_ =	sdelay $0x3  }
0x94: {  	_ =	strace s5  }
0x95: {  	s5 =	sld [smem:$0x3FFC];
	_ =	sdelay $0x3  }
0x96: {  	_ =	strace s5  }
0x97: {  	s5 =	sld [smem:$0x3FFD];
	_ =	sdelay $0x3  }
0x98: {  	_ =	strace s5  }
0x99: {  	_ =	strace $0x8FFFFFFF  }
0x9a: {  	s19 =	sld [smem:$0x3FDB];
	_ =	sdelay $0x1  }
0x9b: {  	s6 =	simm.s32 $_scs_section_size  }
0x9c: {  	s7 =	simm.s32 $_size__tile_overlayer_lowered;
	s8 =	simm.s32 $_tile_overlayer_lowered  }
0x9d: {  	s22 =	simm.s32 $0x1BFF;
	s21 =	sshll.u32 s8, $0x1;
	s5 =	sadd.s32 s6, s19  }
0x9e: {  	s9 =	simm.s32 $0x0;
	s20 =	sshll.u32 s7, $0x1;
	s7 =	sadd.s32 s21, s5  }
0x9f: {  	[timem:s9], [sflag:s22] =	dma.local [hbm:s7], s20  }
0xa0: {  	_ =	swait.ge [sflag:s22], s20  }
0xa1: {  	s6 =	ssub.s32 $0x0, s20;
	[sflag:s22] =	ssyncset.done $0x0  }
0xa2: {  	[sflag:s22] =	ssyncadd.s32 s6;
	_ =	sdelay $0x1  }
0xa3: {  	s23 =	simm.s32 $0x1B8B  }
0xa4: {  	_ =	swait.ge [sflag:s23], $0x1  }
0xa5: {  	[sflag:s23] =	ssyncset.done $0x0  }
0xa6: {  	s25 =	simm.s32 $0x1B8E;
	s24 =	sld [smem:$0x3FFE];
	[sflag:s23] =	ssyncadd.s32 $0xFFFFFFFF  }
0xa7: {  	s26 =	simm.s32 $execute0_lowered;
	[smem:$0x3FD2] =	sst s25  }
0xa8: {  	s7 =	sshll.u32 s26, $0x1;
	_ =	strace $0x80000046;
	[dreg:$0x1] =	wrdreg $0xFFFFFFFF  }
0xa9: {  	s28 =	simm.s32 $_size_execute0_lowered;
	s5 =	sadd.s32 s5, s7;
	[dreg:$0x0] =	wrdreg $0x0  }
0xaa: {  	s7 =	sshll.u32 s28, $0x1;
	[dreg:$0x2] =	wrdreg s5  }
0xab: {  	[dreg:$0x3] =	wrdreg s7  }
0xac: {  	[dreg:$0x4] =	wrdreg $0xC0  }
0xad: {  	_ =	task [dreg:s9], $0x5FFFF  }
0xae: {  	[dreg:$0x1] =	wrdreg $0xFFFFFFFF  }
0xaf: {  	[dreg:$0x0] =	wrdreg $0x60  }
0xb0: {  	[dreg:$0x2] =	wrdreg s2  }
0xb1: {  	[dreg:$0x3] =	wrdreg s18  }
0xb2: {  	[dreg:$0x4] =	wrdreg s4  }
0xb3: {  	[dreg:$0x5] =	wrdreg s24  }
0xb4: {  	[dreg:$0x6] =	wrdreg $0x9  }
0xb5: {  	_ =	task.clear_ibuf [dreg:s9], $0x7FFFF;
	_ =	strace $0x90000046  }
0xb6: {  	s29 =	simm.s32 $0x9;
	_ =	strace $0x80000048  }
0xb7: {  	_ =	swait.ge [sflag:s29], $0x1  }
0xb8: {  	[sflag:s29] =	ssyncadd.s32 $0xFFFFFFFF  }
0xb9: {  	_ =	strace $0x90000048  }
0xba: {  	_ =	sfence  }
0xbb: {  	s30 =	sld [smem:$0x0];
	_ =	sdelay $0x2  }
0xbc: {  	s31 =	sshll.u32 s1, $0xD;
	s1 =	sshrl.u32 s1, $0x2  }
0xbd: {  	s3 =	sand.u32 $0x4000, s31;
	s1 =	sadd.s32 s1, s30  }
0xbe: {  	s0 =	sor.u32 s3, s0;
	s1 =	sshll.u32 s1, $0x11  }
0xbf: {  	s0 =	sor.u32 s1, s0  }
0xc0: {  	s0 =	sadd.s32 $0x8F2B, s0  }
0xc1: {  	[sflag:s0] =	ssyncadd.remote.s32 $0x1  }
0xc2: {  	_ =	sfence.sel $0xFFFF  }
0xc3: {  	[dreg:$0x0] =	wrdreg $0xFFFFFFFF;
	(pc) =	sbr.abs _section_cstart, $3  }
0xc4: {  	[dreg:$0x1] =	wrdreg $0xFFFFFFFF  }
0xc5: {  	_ =	task.clear_ibuf [dreg:s9], $0x2FFFF;
	_ =	strace $0x9FFFFFFF  }
0xc6: {  	(tm) =	ssettm $0x7FFFFFFF  }
0xc7: {  	_ =	shalt  }
tec
execute0_lowered:
.L_overlay_start_1:
0x0: {  	(tag) =	ssettag $0x1  }
0x1: {  	s7 =	rddreg [dreg:$0x0]  }
0x2: {  	s8 =	rddreg [dreg:$0x1]  }
0x3: {  	s9 =	rddreg [dreg:$0x2]  }
0x4: {  	s1 =	srdreg.scid;
	s0 =	stileid.u32  }
0x5: {  	s3 =	rddreg [dreg:$0x3];
	s2 =	simm.s32 $0x0;
	s16 =	simm.s32 $0x400  }
0x6: {  	s17 =	simm.s32 $0x1;
	s18 =	simm.s32 $0x4E80;
	s19 =	simm.s32 $0x9D00  }
0x7: {  	s20 =	simm.s32 $0xEB80;
	s21 =	simm.s32 $0xF380;
	s22 =	simm.s32 $0xF400  }
0x8: {  	s23 =	simm.s32 $0x0;
	s4 =	sand.u32 $0x1, s1;
	s1 =	rddreg [dreg:$0x4]  }
0x9: {  	s5 =	sshll.u32 s0, $0x1;
	[smem:$0x7FF] =	sst s2;
	s6 =	sshrl.u32 s0, $0x2  }
0xa: {  	s12 =	sadd.s32 $0x4600, s3;
	s13 =	sshrl.u32 s0, $0x1;
	s5 =	sor.u32 s4, s5  }
0xb: {  	_ =	strace $0x80000047;
	s11 =	sshll.u32 s6, $0xA;
	s13 =	smul.u32 $0x27400, s13  }
0xc: {  	s6 =	sshll.u32 s6, $0xE;
	s4 =	ssub.s32 $0x2, s4;
	s10 =	sshll.u32 s5, $0x7  }
0xd: {  	s5 =	sshll.u32 s5, $0x8;
	s28 =	sshrl.u32 s4, $0x1;
	s10 =	sand.u32 $0x380, s10  }
0xe: {  	s5 =	sand.u32 $0x300, s5;
	s15 =	ssub.s32 s4, s28;
	s11 =	sor.u32 s11, s10  }
0xf: {  	s6 =	sor.u32 s6, s10;
	s5 =	sor.u32 s13, s5;
	s11 =	sshrl.u32 s11, $0x3  }
0x10: {  	s6 =	sshrl.u32 s6, $0x3;
	s29 =	sshrl.u32 s5, $0x3;
	s14 =	sadd.s32 s11, s3  }
0x11: {  	s30 =	sadd.s32 s6, s3;
	s3 =	sadd.s32 s7, s29;
	s4 =	sadd.s32 s8, s29  }
0x12: {  	s5 =	sadd.s32 s9, s29;
	s31 =	sor.u32 $0x10, s29;
	s6 =	sadd.s32 s12, s29  }
0x13: {  	vm0 =	vmmov $0x1;
	v3 =	vimm.s32 $0x0;
	s7 =	sadd.s32 s7, s31;
	s8 =	sadd.s32 s8, s31;
	s9 =	sadd.s32 s9, s31  }
0x14: {  	v3 =	vsel vm0, $0xFFFFFFFF, v3;
	s10 =	sadd.s32 s12, s31;
	s11 =	sadd.s32 $0x2BA00, s14;
	s12 =	sadd.s32 $0x2400, s14  }
0x15: {  	v0 =	vimm.f32 $0.0e+00;
	v1 =	vimm.s32 $0x0;
	v2 =	vimm.f32 $1.000000000e+00;
	[tilespmem:$0x1FFF0] =	vst v3;
	s13 =	sadd.s32 $0x2600, s30;
	s14 =	smax.u32 s15, $0x1;
	s15 =	simm.s32 $0x80  }
.LBB2_1:
0x16: {  	s24 =	simm.s32 $0xEBC0  }
0x17: {  	[tilespmem:s24+$0xFFFFFFC0] =	vst v0  }
0x18: {  	[tilespmem:s24+$0x30] =	vst v0  }
0x19: {  	[tilespmem:s24+$0x20] =	vst v0  }
0x1a: {  	[tilespmem:s24+$0x10] =	vst v0  }
0x1b: {  	[tilespmem:s24+$0x0] =	vst v0  }
0x1c: {  	[tilespmem:s24+$0xFFFFFFF0] =	vst v0  }
0x1d: {  	s25 =	simm.s32 $0x0;
	[tilespmem:s24+$0xFFFFFFE0] =	vst v0  }
.LBB2_2:
0x1e: {  	s25 =	sadd.s32 $0x8, s25;
	[tilespmem:s24+$0xFFFFFFD0] =	vst v0;
	s24 =	sadd.s32 $0x80, s24  }
0x1f: {  	[tilespmem:s24+$0xFFFFFFC0] =	vst v0;
	p0 =	slt.u32 s25, $0x78  }
0x20: {  	[tilespmem:s24+$0x30] =	vst v0  }
.Ltmp0:
0x21: {  	[tilespmem:s24+$0x20] =	vst v0;
	(pc) =	sbr.rel @p0 .LBB2_2-.Ltmp0, $4  }
0x22: {  	[tilespmem:s24+$0x10] =	vst v0  }
0x23: {  	[tilespmem:s24+$0x0] =	vst v0  }
0x24: {  	[tilespmem:s24+$0xFFFFFFF0] =	vst v0  }
0x25: {  	[tilespmem:s24+$0xFFFFFFE0] =	vst v0  }
0x26: {  	[tilespmem:s24+$0xFFFFFFD0] =	vst v0  }
0x27: {  	[tilespmem:s2], [sflag:$0x1] =	stream.strided.gather [hbm4b:s3+s15], $0x4E80, s16, s15, $0x38;
	[tilespmem:$0xF480] =	vst v63  }
0x28: {  	_ =	swait.ge [sflag:s17], $0x4E80  }
0x29: {  	[sflag:s17] =	ssyncset.done $0x0  }
0x2a: {  	[sflag:s17] =	ssyncadd.s32 $0xFFFFB180  }
0x2b: {  	[tilespmem:s18], [sflag:$0x1] =	stream.strided.gather [hbm4b:s4+s15], $0x4E80, s16, s15, $0x38;
	[tilespmem:$0xF480] =	vst v63  }
0x2c: {  	_ =	swait.ge [sflag:s17], $0x4E80  }
0x2d: {  	[sflag:s17] =	ssyncset.done $0x0  }
0x2e: {  	[sflag:s17] =	ssyncadd.s32 $0xFFFFB180  }
0x2f: {  	[tilespmem:s19], [sflag:$0x1] =	stream.strided.gather [hbm4b:s5+s15], $0x4E80, s16, s15, $0x38;
	[tilespmem:$0xF480] =	vst v63  }
0x30: {  	_ =	swait.ge [sflag:s17], $0x4E80  }
0x31: {  	[sflag:s17] =	ssyncset.done $0x0  }
0x32: {  	s24 =	simm.s32 $0x40;
	[sflag:s17] =	ssyncadd.s32 $0xFFFFB180  }
0x33: {  	v19 =	vld [tilespmem:s24+$0x0]  }
0x34: {  	v18 =	vld [tilespmem:s24+$0x10]  }
0x35: {  	s25 =	simm.s32 $0x9D40;
	v15 =	vld [tilespmem:s24+$0x30]  }
0x36: {  	v3 =	vld [tilespmem:s25+$0xFFFFFFE0]  }
0x37: {  	v4 =	vld [tilespmem:s25+$0xFFFFFFF0]  }
0x38: {  	v5 =	vld [tilespmem:s25+$0x0]  }
0x39: {  	v6 =	vld [tilespmem:s25+$0x10]  }
0x3a: {  	v7 =	vld [tilespmem:s25+$0x20]  }
0x3b: {  	v8 =	vld [tilespmem:s25+$0x30]  }
0x3c: {  	v9 =	vld [tilespmem:s25+$0xFFFFFFD0]  }
0x3d: {  	v10 =	vld [tilespmem:s25+$0xFFFFFFC0]  }
0x3e: {  	s26 =	simm.s32 $0x4EC0;
	v20 =	vld [tilespmem:s24+$0xFFFFFFE0]  }
0x3f: {  	v31 =	vld [tilespmem:s26+$0xFFFFFFC0]  }
0x40: {  	v21 =	vld [tilespmem:s26+$0xFFFFFFD0]  }
0x41: {  	v23 =	vld [tilespmem:s24+$0xFFFFFFF0];
	v3 =	vcvt.s32.f32 v3;
	v4 =	vcvt.s32.f32 v4  }
0x42: {  	v24 =	vld [tilespmem:s24+$0x20];
	v5 =	vcvt.s32.f32 v5;
	v6 =	vcvt.s32.f32 v6  }
0x43: {  	v22 =	vld [tilespmem:s24+$0xFFFFFFD0];
	v7 =	vcvt.s32.f32 v7;
	v8 =	vcvt.s32.f32 v8  }
0x44: {  	v26 =	vld [tilespmem:s24+$0xFFFFFFC0];
	v14 =	vcvt.s32.f32 v10;
	v16 =	vcvt.s32.f32 v9  }
0x45: {  	v29 =	vcvt.s32.f32 v31;
	v34 =	vcvt.s32.f32 v21  }
0x46: {  	v13 =	vmul.f32 v3, v20;
	v12 =	vmul.f32 v4, v23  }
0x47: {  	v11 =	vmul.f32 v5, v19;
	v10 =	vmul.f32 v6, v18  }
0x48: {  	v9 =	vmul.f32 v7, v24;
	v8 =	vmul.f32 v8, v15  }
0x49: {  	v38 =	vimm.s32 $0x0;
	v17 =	vmul.f32 v14, v26;
	v16 =	vmul.f32 v16, v22  }
0x4a: {  	v26 =	vmul.f32 v29, v26;
	v29 =	vimm.f32 $0.0e+00;
	v34 =	vmul.f32 v34, v22  }
0x4b: {  	vm4 =	vlt.f32 v8, $0.0e+00;
	vm5 =	vgt.f32 v8, $0.0e+00;
	vm6 =	vlt.f32 v10, $0.0e+00  }
0x4c: {  	v5 =	vld [tilespmem:s26+$0x30];
	vm7 =	vlt.f32 v9, $0.0e+00;
	vm8 =	vgt.f32 v9, $0.0e+00;
	vm9 =	vlt.f32 v11, $0.0e+00  }
0x4d: {  	v3 =	vld [tilespmem:s26+$0x20];
	vm10 =	vgt.f32 v11, $0.0e+00;
	vm11 =	vgt.f32 v10, $0.0e+00;
	vm12 =	vlt.f32 v13, $0.0e+00  }
0x4e: {  	v6 =	vld [tilespmem:s26+$0x10];
	vm13 =	vlt.f32 v12, $0.0e+00;
	vm14 =	vgt.f32 v12, $0.0e+00;
	vm1 =	vlt.f32 v16, $0.0e+00  }
0x4f: {  	v4 =	vld [tilespmem:s26+$0x0];
	v26 =	vadd.f32 v26, v29;
	vm2 =	vlt.s32 v13, $0x0;
	vm3 =	vlt.s32 v12, $0x0  }
0x50: {  	v14 =	vld [tilespmem:s26+$0xFFFFFFE0];
	vm15 =	vmor vm8, vm7;
	vm4 =	vmor vm5, vm4;
	vm5 =	vgt.f32 v13, $0.0e+00  }
0x51: {  	v7 =	vld [tilespmem:s26+$0xFFFFFFF0];
	vm8 =	vmor vm14, vm13;
	vm13 =	vlt.f32 v17, $0.0e+00;
	vm9 =	vmor vm10, vm9  }
0x52: {  	vm10 =	vgt.f32 v17, $0.0e+00;
	vm7 =	vmor vm11, vm6;
	vm6 =	vgt.f32 v16, $0.0e+00  }
0x53: {  	vm1 =	vmor vm6, vm1;
	vm5 =	vmor vm5, vm12;
	v28 =	vcvt.s32.f32 v5  }
0x54: {  	vm6 =	vmor vm10, vm13;
	v30 =	vcvt.s32.f32 v6;
	v32 =	vcvt.s32.f32 v3  }
0x55: {  	v27 =	vsel vm9, $0x1, v1;
	v35 =	vcvt.s32.f32 v4;
	v37 =	vcvt.s32.f32 v14  }
0x56: {  	v25 =	vsel vm15, $0x1, v1;
	v36 =	vcvt.s32.f32 v7;
	v22 =	vmul.f32 v30, v18  }
0x57: {  	v18 =	vmul.f32 v32, v24;
	v20 =	vmul.f32 v37, v20;
	v24 =	vadd.f32 v34, v26  }
0x58: {  	v33 =	vsel vm6, $0x1, v1;
	v15 =	vmul.f32 v28, v15;
	v28 =	vmul.f32 v35, v19  }
0x59: {  	v29 =	vmul.f32 v36, v23;
	v23 =	vxor.u32 $0x7FFFFFFF, v13;
	v20 =	vadd.f32 v20, v24  }
0x5a: {  	v26 =	vsel vm5, $0x1, v1;
	v19 =	vsel vm1, $0x1, v1;
	v30 =	vadd.s32 v33, v38  }
0x5b: {  	s28 =	simm.s32 $0x0;
	s29 =	simm.s32 $0x4F40;
	s26 =	simm.s32 $0x9D40;
	v24 =	vxor.u32 $0x7FFFFFFF, v12;
	v29 =	vadd.f32 v29, v20;
	v20 =	vadd.s32 v38, v31  }
.LBB2_4:
0x5c: {  	v19 =	vadd.s32 v19, v30;
	v20 =	vadd.s32 v21, v20  }
0x5d: {  	v31 =	vld [tilespmem:s29+$0x30];
	vm1 =	vlt.s32 v17, $0x0;
	vm9 =	vlt.s32 v9, $0x0;
	v32 =	vxor.u32 $0x7FFFFFFF, v8  }
0x5e: {  	vm10 =	vlt.s32 v8, $0x0;
	v13 =	vsel vm2, v23, v13;
	v21 =	vadd.f32 v28, v29;
	v28 =	vld [tilespmem:s29+$0x20]  }
0x5f: {  	s24 =	sadd.s32 $0x80, s24;
	v12 =	vsel vm3, v24, v12;
	v19 =	vadd.s32 v26, v19;
	v14 =	vadd.s32 v14, v20;
	v29 =	vld [tilespmem:s29+$0x10]  }
0x60: {  	v20 =	vsel vm8, $0x1, v1;
	v26 =	vld [tilespmem:s24+$0x0];
	vm8 =	vlt.s32 v10, $0x0;
	v8 =	vsel vm10, v32, v8  }
0x61: {  	s25 =	sadd.s32 $0x80, s25;
	v30 =	vld [tilespmem:s24+$0x30];
	v19 =	vadd.s32 v20, v19;
	v7 =	vadd.s32 v7, v14;
	v20 =	vsel vm7, $0x1, v1  }
0x62: {  	v33 =	vld [tilespmem:s25+$0x10];
	vm7 =	vlt.s32 v11, $0x0;
	v14 =	vadd.f32 v22, v21;
	v19 =	vadd.s32 v27, v19  }
0x63: {  	v7 =	vadd.s32 v4, v7;
	v4 =	vld [tilespmem:s29+$0x0];
	v22 =	vsel vm4, $0x1, v1;
	v19 =	vadd.s32 v20, v19  }
0x64: {  	v27 =	vld [tilespmem:s24+$0x10];
	v6 =	vadd.s32 v6, v7;
	v7 =	vadd.f32 v18, v14;
	v14 =	vadd.s32 v25, v19  }
0x65: {  	vm4 =	vlt.s32 v16, $0x0;
	v21 =	vadd.s32 v3, v6;
	v19 =	vadd.s32 v22, v14;
	v22 =	vld [tilespmem:s25+$0xFFFFFFF0]  }
0x66: {  	v18 =	vxor.u32 $0x7FFFFFFF, v16;
	v20 =	vadd.s32 v5, v21;
	v5 =	vmovc v31;
	v14 =	vxor.u32 $0x7FFFFFFF, v17;
	v31 =	vld [tilespmem:s25+$0x0]  }
0x67: {  	v3 =	vmovc v28;
	v21 =	vxor.u32 $0x7FFFFFFF, v11;
	v28 =	vxor.u32 $0x7FFFFFFF, v10;
	v16 =	vsel vm4, v18, v16;
	v18 =	vld [tilespmem:s25+$0x30]  }
0x68: {  	v25 =	vadd.f32 v15, v7;
	v15 =	vld [tilespmem:s25+$0xFFFFFFE0];
	v6 =	vmovc v29;
	v29 =	vxor.u32 $0x7FFFFFFF, v9;
	v14 =	vsel vm1, v14, v17  }
0x69: {  	v7 =	vld [tilespmem:s29+$0xFFFFFFF0];
	v11 =	vsel vm7, v21, v11;
	v10 =	vsel vm8, v28, v10;
	[tilespmem:s26+$0xFFFFFFD0] =	vst v16;
	v16 =	vshra.s32 v16, $0x15  }
0x6a: {  	v17 =	vld [tilespmem:s25+$0x20];
	[tilespmem:s26+$0xFFFFFFE0] =	vst v13;
	v13 =	vshra.s32 v13, $0x15;
	v28 =	vshra.s32 v12, $0x15;
	v57 =	vcvt.s32.f32 v5  }
0x6b: {  	[tilespmem:s26+$0xFFFFFFF0] =	vst v12;
	v36 =	vcvt.s32.f32 v3;
	v23 =	vshra.s32 v14, $0x15;
	v9 =	vsel vm9, v29, v9;
	v24 =	vld [tilespmem:s25+$0xFFFFFFD0]  }
0x6c: {  	[tilespmem:s26+$0xFFFFFFC0] =	vst v14;
	v12 =	vshra.s32 v11, $0x15;
	v34 =	vshra.s32 v10, $0x15;
	v14 =	vld [tilespmem:s29+$0xFFFFFFE0];
	v38 =	vcvt.s32.f32 v4  }
0x6d: {  	v35 =	vcvt.s32.f32 v6;
	v21 =	vld [tilespmem:s29+$0xFFFFFFD0];
	[tilespmem:s26+$0x10] =	vst v10;
	v10 =	vshra.s32 v8, $0x15;
	v16 =	vadd.s32 $0x400, v16  }
0x6e: {  	[tilespmem:s26+$0x0] =	vst v11;
	v43 =	vld [tilespmem:s24+$0xFFFFFFE0];
	v45 =	vadd.s32 $0x400, v28;
	v28 =	vmul.f32 v38, v26;
	v41 =	vcvt.s32.f32 v22  }
0x6f: {  	v44 =	vld [tilespmem:s24+$0xFFFFFFF0];
	v11 =	vshra.s32 v9, $0x15;
	[tilespmem:s26+$0x20] =	vst v9;
	v9 =	vcvt.s32.f32 v31;
	v31 =	vcvt.s32.f32 v33  }
0x70: {  	v50 =	vld [tilespmem:s24+$0xFFFFFFD0];
	v42 =	vadd.s32 $0x400, v23;
	v22 =	vmul.f32 v35, v27;
	v37 =	vcvt.s32.f32 v15  }
0x71: {  	[tilespmem:s26+$0x30] =	vst v8;
	v29 =	vld [tilespmem:s25+$0xFFFFFFC0];
	v23 =	vadd.s32 $0x400, v13;
	v40 =	vcvt.s32.f32 v7;
	v8 =	vcvt.s32.f32 v17  }
0x72: {  	v39 =	vld [tilespmem:s29+$0xFFFFFFC0];
	v48 =	vadd.s32 $0x400, v12;
	v17 =	vcvt.s32.f32 v18;
	v15 =	vmul.f32 v57, v30  }
0x73: {  	v59 =	vadd.s32 $0x400, v34;
	v58 =	vld [tilespmem:s24+$0x20];
	v24 =	vcvt.s32.f32 v24;
	v46 =	vcvt.s32.f32 v21  }
0x74: {  	v62 =	vadd.s32 $0x400, v10;
	v47 =	vcvt.s32.f32 v14;
	v12 =	vmul.f32 v41, v44  }
0x75: {  	v61 =	vadd.s32 $0x400, v11;
	v11 =	vmul.f32 v9, v26;
	v10 =	vmul.f32 v31, v27  }
0x76: {  	v60 =	vld [tilespmem:s24+$0xFFFFFFC0];
	v9 =	vimm.s32 $0x0;
	v29 =	vcvt.s32.f32 v29;
	v13 =	vmul.f32 v37, v43  }
0x77: {  	v49 =	vcvt.s32.f32 v39;
	v63 =	vmul.f32 v40, v44;
	v20 =	vadd.s32 v20, v39  }
0x78: {  	[tilespmem:v16+s20+$0x0] =	vst.idx.add.f32.msk $0xffff, v2;
	v18 =	vmul.f32 v36, v58;
	v16 =	vmul.f32 v24, v50;
	vm0 =	vlt.s32 v13, $0x0  }
0x79: {  	v24 =	vxor.u32 $0x7FFFFFFF, v12;
	v26 =	vmul.f32 v46, v50;
	v9 =	vsel vm0, $0xFFFFFFFF, v9  }
0x7a: {  	v27 =	vmul.f32 v47, v43;
	vm0 =	vlt.s32 v12, $0x0;
	[tilespmem:$0x1FFE0] =	vst v9;
	v9 =	vmul.f32 v8, v58  }
0x7b: {  	v8 =	vmul.f32 v17, v30;
	v17 =	vmul.f32 v29, v60;
	v29 =	vimm.s32 $0x0  }
0x7c: {  	[tilespmem:v23+s20+$0x0] =	vst.idx.add.f32.msk $0xffff, v2;
	vm7 =	vlt.f32 v10, $0.0e+00;
	vm10 =	vlt.f32 v11, $0.0e+00;
	v29 =	vsel vm0, $0xFFFFFFFF, v29  }
0x7d: {  	vm11 =	vgt.f32 v11, $0.0e+00;
	vm12 =	vgt.f32 v10, $0.0e+00;
	vm14 =	vlt.f32 v12, $0.0e+00;
	[tilespmem:$0x1FFD0] =	vst v29  }
0x7e: {  	vm15 =	vgt.f32 v12, $0.0e+00;
	v23 =	vxor.u32 $0x7FFFFFFF, v13;
	vm13 =	vlt.f32 v13, $0.0e+00;
	v31 =	vld [tilespmem:$0x1FFD0]  }
0x7f: {  	vm3 =	vgt.f32 v13, $0.0e+00;
	vm7 =	vmor vm12, vm7;
	v29 =	vmul.f32 v49, v60  }
0x80: {  	vm2 =	vlt.f32 v16, $0.0e+00;
	vm6 =	vgt.f32 v16, $0.0e+00;
	vm3 =	vmor vm3, vm13  }
0x81: {  	vm2 =	vmor vm6, vm2;
	vm1 =	vlt.f32 v8, $0.0e+00;
	v25 =	vadd.f32 v29, v25  }
0x82: {  	s28 =	sadd.s32 $0x8, s28;
	[tilespmem:v45+s20+$0x0] =	vst.idx.add.f32.msk $0xffff, v2;
	vm4 =	vgt.f32 v8, $0.0e+00;
	vm8 =	vlt.f32 v9, $0.0e+00;
	vm9 =	vgt.f32 v9, $0.0e+00  }
0x83: {  	p0 =	slt.u32 s28, $0x4D8;
	v25 =	vadd.f32 v26, v25;
	v26 =	vsel vm3, $0x1, v1;
	vm3 =	vnez.u8 v31;
	v31 =	vld [tilespmem:$0x1FFE0]  }
.Ltmp1:
0x84: {  	[tilespmem:v48+s20+$0x0] =	vst.idx.add.f32.msk $0xffff, v2;
	vm0 =	vlt.f32 v17, $0.0e+00;
	vm5 =	vgt.f32 v17, $0.0e+00;
	vm9 =	vmor vm9, vm8;
	(pc) =	sbr.rel @p0 .LBB2_4-.Ltmp1, $4  }
0x85: {  	[tilespmem:v42+s20+$0x0] =	vst.idx.add.f32.msk $0xffff, v2;
	vm4 =	vmor vm4, vm1;
	vm8 =	vmor vm15, vm14;
	vm0 =	vmor vm5, vm0  }
0x86: {  	[tilespmem:v59+s20+$0x0] =	vst.idx.add.f32.msk $0xffff, v2;
	vm1 =	vmor vm11, vm10;
	v30 =	vsel vm0, $0x1, v1;
	v29 =	vadd.f32 v27, v25  }
0x87: {  	[tilespmem:v62+s20+$0x0] =	vst.idx.add.f32.msk $0xffff, v2;
	v30 =	vadd.s32 v30, v19;
	v19 =	vsel vm2, $0x1, v1;
	v27 =	vsel vm1, $0x1, v1  }
0x88: {  	s26 =	smov.u32 s25;
	s29 =	sadd.s32 $0x80, s29;
	[tilespmem:v61+s20+$0x0] =	vst.idx.add.f32.msk $0xffff, v2;
	v25 =	vsel vm9, $0x1, v1;
	v29 =	vadd.f32 v63, v29;
	vm2 =	vnez.u8 v31  }
0x89: {  	v19 =	vadd.s32 v19, v30;
	v20 =	vadd.s32 v21, v20;
	v51 =	vxor.u32 $0x7FFFFFFF, v17  }
0x8a: {  	vm0 =	vlt.s32 v17, $0x0;
	v52 =	vxor.u32 $0x7FFFFFFF, v16;
	vm1 =	vlt.s32 v16, $0x0  }
0x8b: {  	v53 =	vxor.u32 $0x7FFFFFFF, v11;
	vm12 =	vlt.s32 v11, $0x0;
	v54 =	vxor.u32 $0x7FFFFFFF, v10  }
0x8c: {  	vm13 =	vlt.s32 v10, $0x0;
	v13 =	vsel vm2, v23, v13;
	v55 =	vxor.u32 $0x7FFFFFFF, v9  }
0x8d: {  	vm14 =	vlt.s32 v9, $0x0;
	v12 =	vsel vm3, v24, v12;
	v56 =	vxor.u32 $0x7FFFFFFF, v8  }
0x8e: {  	vm15 =	vlt.s32 v8, $0x0;
	v60 =	vsel vm8, $0x1, v1;
	v50 =	vadd.f32 v28, v29;
	[tilespmem:s26+$0xFFFFFFE0] =	vst v13  }
0x8f: {  	v19 =	vadd.s32 v26, v19;
	v17 =	vsel vm0, v51, v17;
	v16 =	vsel vm1, v52, v16;
	[tilespmem:s26+$0xFFFFFFF0] =	vst v12  }
0x90: {  	v11 =	vsel vm12, v53, v11;
	v13 =	vshra.s32 v13, $0x15;
	v10 =	vsel vm13, v54, v10;
	[tilespmem:s26+$0xFFFFFFC0] =	vst v17  }
0x91: {  	v9 =	vsel vm14, v55, v9;
	v12 =	vshra.s32 v12, $0x15;
	[tilespmem:s26+$0xFFFFFFD0] =	vst v16;
	v57 =	vadd.s32 $0x400, v13  }
0x92: {  	v8 =	vsel vm15, v56, v8;
	v16 =	vshra.s32 v16, $0x15;
	[tilespmem:s26+$0x0] =	vst v11;
	v12 =	vadd.s32 $0x400, v12  }
0x93: {  	v14 =	vadd.s32 v14, v20;
	v26 =	vshra.s32 v11, $0x15;
	[tilespmem:s26+$0x10] =	vst v10;
	v16 =	vadd.s32 $0x400, v16  }
0x94: {  	v58 =	vshra.s32 v17, $0x15;
	[tilespmem:s26+$0x20] =	vst v9;
	v10 =	vshra.s32 v10, $0x15;
	v59 =	vadd.s32 $0x400, v26  }
0x95: {  	[tilespmem:s26+$0x30] =	vst v8;
	v8 =	vshra.s32 v8, $0x15;
	v61 =	vadd.s32 v60, v19;
	v13 =	vadd.s32 $0x400, v58  }
0x96: {  	v9 =	vshra.s32 v9, $0x15;
	v7 =	vadd.s32 v7, v14;
	v10 =	vadd.s32 $0x400, v10;
	[tilespmem:v57+s20+$0x0] =	vst.idx.add.f32.msk $0xffff, v2  }
0x97: {  	v8 =	vadd.s32 $0x400, v8;
	v62 =	vadd.f32 v22, v50;
	v9 =	vadd.s32 $0x400, v9;
	[tilespmem:v12+s20+$0x0] =	vst.idx.add.f32.msk $0xffff, v2  }
0x98: {  	v63 =	vadd.s32 v27, v61;
	v4 =	vadd.s32 v4, v7;
	v7 =	vsel vm7, $0x1, v1;
	[tilespmem:v16+s20+$0x0] =	vst.idx.add.f32.msk $0xffff, v2  }
0x99: {  	v7 =	vadd.s32 v7, v63;
	[tilespmem:v59+s20+$0x0] =	vst.idx.add.f32.msk $0xffff, v2  }
0x9a: {  	v4 =	vadd.s32 v6, v4;
	v11 =	vadd.f32 v18, v62;
	[tilespmem:v13+s20+$0x0] =	vst.idx.add.f32.msk $0xffff, v2  }
0x9b: {  	v6 =	vadd.s32 v25, v7;
	v7 =	vadd.s32 v3, v4;
	v4 =	vsel vm4, $0x1, v1;
	[tilespmem:v10+s20+$0x0] =	vst.idx.add.f32.msk $0xffff, v2  }
0x9c: {  	v4 =	vadd.s32 v4, v6;
	[tilespmem:v8+s20+$0x0] =	vst.idx.add.f32.msk $0xffff, v2  }
0x9d: {  	s24 =	simm.s32 $0x0;
	v5 =	vadd.s32 v5, v7;
	v3 =	vadd.f32 v15, v11;
	[tilespmem:v9+s20+$0x0] =	vst.idx.add.f32.msk $0xffff, v2  }
.LBB2_6:
0x9e: {  	s25 =	sshra.s32 s24, $0x2  }
0x9f: {  	v6 =	vld [tilespmem:s25+$0xEB00];
	_ =	sdelay $0x1  }
0xa0: {  	v7 =	vld [tilespmem:s25+$0x4E00];
	_ =	sdelay $0x2  }
0xa1: {  	v6 =	vcvt.s32.f32 v6;
	_ =	sdelay $0x1  }
0xa2: {  	v6 =	vmul.f32 v6, v7  }
0xa3: {  	v8 =	vld [tilespmem:s25+$0x9C80]  }
0xa4: {  	v9 =	vxor.u32 $0x7FFFFFFF, v6;
	vm0 =	vlt.s32 v6, $0x0  }
0xa5: {  	v9 =	vsel vm0, v9, v6  }
0xa6: {  	v10 =	vshra.s32 v9, $0x15  }
0xa7: {  	p0 =	sne.s32 s24, $0x40;
	v10 =	vadd.s32 $0x400, v10  }
.Ltmp2:
0xa8: {  	v11 =	vcvt.s32.f32 v8;
	(pc) =	sbr.rel @p0 .LBB2_6-.Ltmp2, $4  }
0xa9: {  	vm15 =	vlt.f32 v6, $0.0e+00;
	vm1 =	vgt.f32 v6, $0.0e+00  }
0xaa: {  	v7 =	vmul.f32 v11, v7;
	vm0 =	vmor vm1, vm15  }
0xab: {  	v5 =	vadd.s32 v5, v8;
	[tilespmem:s25+$0xEB00] =	vst v9;
	v6 =	vsel vm0, $0x1, v1  }
0xac: {  	s24 =	sadd.s32 $0x40, s24;
	v3 =	vadd.f32 v7, v3;
	v4 =	vadd.s32 v6, v4;
	[tilespmem:v10+s20+$0x0] =	vst.idx.add.f32.msk $0xffff, v2  }
0xad: {  	[hbm4b:s6+s15] =	stream.strided.scatter [tilespmem:s19], [sflag:$0x1], $0x4E80, s16, s15, $0x38;
	[tilespmem:$0xF480] =	vst v63  }
0xae: {  	_ =	swait.ge [sflag:s17], $0x4E80  }
0xaf: {  	[sflag:s17] =	ssyncset.done $0x0  }
0xb0: {  	[sflag:s17] =	ssyncadd.s32 $0xFFFFB180  }
0xb1: {  	[tilespmem:s2], [sflag:$0x1] =	stream.strided.gather [hbm4b:s7+s15], $0x4E80, s16, s15, $0x38;
	[tilespmem:$0xF480] =	vst v63  }
0xb2: {  	_ =	swait.ge [sflag:s17], $0x4E80  }
0xb3: {  	[sflag:s17] =	ssyncset.done $0x0  }
0xb4: {  	[sflag:s17] =	ssyncadd.s32 $0xFFFFB180  }
0xb5: {  	[tilespmem:s18], [sflag:$0x1] =	stream.strided.gather [hbm4b:s8+s15], $0x4E80, s16, s15, $0x38;
	[tilespmem:$0xF480] =	vst v63  }
0xb6: {  	_ =	swait.ge [sflag:s17], $0x4E80  }
0xb7: {  	[sflag:s17] =	ssyncset.done $0x0  }
0xb8: {  	[sflag:s17] =	ssyncadd.s32 $0xFFFFB180  }
0xb9: {  	[tilespmem:s19], [sflag:$0x1] =	stream.strided.gather [hbm4b:s9+s15], $0x4E80, s16, s15, $0x38;
	[tilespmem:$0xF480] =	vst v63  }
0xba: {  	_ =	swait.ge [sflag:s17], $0x4E80  }
0xbb: {  	[sflag:s17] =	ssyncset.done $0x0  }
0xbc: {  	s24 =	simm.s32 $0x40;
	[sflag:s17] =	ssyncadd.s32 $0xFFFFB180  }
0xbd: {  	v22 =	vld [tilespmem:s24+$0x0]  }
0xbe: {  	v21 =	vld [tilespmem:s24+$0x10]  }
0xbf: {  	s25 =	simm.s32 $0x9D40;
	v18 =	vld [tilespmem:s24+$0x30]  }
0xc0: {  	v6 =	vld [tilespmem:s25+$0xFFFFFFE0]  }
0xc1: {  	v7 =	vld [tilespmem:s25+$0xFFFFFFF0]  }
0xc2: {  	v8 =	vld [tilespmem:s25+$0x0]  }
0xc3: {  	v9 =	vld [tilespmem:s25+$0x10]  }
0xc4: {  	v10 =	vld [tilespmem:s25+$0x20]  }
0xc5: {  	v11 =	vld [tilespmem:s25+$0x30]  }
0xc6: {  	v12 =	vld [tilespmem:s25+$0xFFFFFFD0]  }
0xc7: {  	v13 =	vld [tilespmem:s25+$0xFFFFFFC0]  }
0xc8: {  	s26 =	simm.s32 $0x4EC0;
	v23 =	vld [tilespmem:s24+$0xFFFFFFE0]  }
0xc9: {  	v34 =	vld [tilespmem:s26+$0xFFFFFFC0]  }
0xca: {  	v24 =	vld [tilespmem:s26+$0xFFFFFFD0]  }
0xcb: {  	v26 =	vld [tilespmem:s24+$0xFFFFFFF0];
	v6 =	vcvt.s32.f32 v6;
	v7 =	vcvt.s32.f32 v7  }
0xcc: {  	v27 =	vld [tilespmem:s24+$0x20];
	v8 =	vcvt.s32.f32 v8;
	v9 =	vcvt.s32.f32 v9  }
0xcd: {  	v25 =	vld [tilespmem:s24+$0xFFFFFFD0];
	v10 =	vcvt.s32.f32 v10;
	v11 =	vcvt.s32.f32 v11  }
0xce: {  	v29 =	vld [tilespmem:s24+$0xFFFFFFC0];
	v17 =	vcvt.s32.f32 v13;
	v19 =	vcvt.s32.f32 v12  }
0xcf: {  	v32 =	vcvt.s32.f32 v34;
	v37 =	vcvt.s32.f32 v24  }
0xd0: {  	v16 =	vmul.f32 v6, v23;
	v15 =	vmul.f32 v7, v26  }
0xd1: {  	v14 =	vmul.f32 v8, v22;
	v13 =	vmul.f32 v9, v21  }
0xd2: {  	v12 =	vmul.f32 v10, v27;
	v11 =	vmul.f32 v11, v18  }
0xd3: {  	v62 =	vimm.f32 $0.0e+00;
	v20 =	vmul.f32 v17, v29;
	v19 =	vmul.f32 v19, v25  }
0xd4: {  	v41 =	vimm.s32 $0x0;
	v29 =	vmul.f32 v32, v29;
	v37 =	vmul.f32 v37, v25  }
0xd5: {  	vm0 =	vlt.f32 v11, $0.0e+00;
	vm1 =	vgt.f32 v11, $0.0e+00;
	vm2 =	vlt.f32 v13, $0.0e+00  }
0xd6: {  	v6 =	vld [tilespmem:s26+$0x30];
	vm3 =	vlt.f32 v12, $0.0e+00;
	vm4 =	vgt.f32 v12, $0.0e+00;
	vm5 =	vlt.f32 v14, $0.0e+00  }
0xd7: {  	v7 =	vld [tilespmem:s26+$0x20];
	vm6 =	vgt.f32 v14, $0.0e+00;
	vm7 =	vgt.f32 v13, $0.0e+00;
	vm9 =	vlt.f32 v16, $0.0e+00  }
0xd8: {  	v9 =	vld [tilespmem:s26+$0x10];
	vm8 =	vlt.f32 v15, $0.0e+00;
	vm10 =	vgt.f32 v15, $0.0e+00;
	vm11 =	vlt.f32 v19, $0.0e+00  }
0xd9: {  	v8 =	vld [tilespmem:s26+$0x0];
	vm13 =	vgt.f32 v16, $0.0e+00;
	vm14 =	vlt.f32 v20, $0.0e+00;
	vm15 =	vgt.f32 v19, $0.0e+00  }
0xda: {  	v17 =	vld [tilespmem:s26+$0xFFFFFFE0];
	v29 =	vadd.f32 v29, v62;
	vm3 =	vmor vm4, vm3;
	vm4 =	vmor vm1, vm0  }
0xdb: {  	v10 =	vld [tilespmem:s26+$0xFFFFFFF0];
	vm8 =	vmor vm10, vm8;
	vm5 =	vmor vm6, vm5;
	vm6 =	vgt.f32 v20, $0.0e+00  }
0xdc: {  	vm7 =	vmor vm7, vm2;
	vm2 =	vmor vm15, vm11;
	vm0 =	vmor vm13, vm9  }
0xdd: {  	vm1 =	vmor vm6, vm14;
	v30 =	vsel vm5, $0x1, v1;
	v31 =	vcvt.s32.f32 v6  }
0xde: {  	v28 =	vsel vm3, $0x1, v1;
	v33 =	vcvt.s32.f32 v9;
	v35 =	vcvt.s32.f32 v7  }
0xdf: {  	vm5 =	vlt.s32 v16, $0x0;
	v38 =	vcvt.s32.f32 v8;
	v40 =	vcvt.s32.f32 v17  }
0xe0: {  	vm6 =	vlt.s32 v15, $0x0;
	v39 =	vcvt.s32.f32 v10;
	v25 =	vmul.f32 v33, v21  }
0xe1: {  	v21 =	vmul.f32 v35, v27;
	v23 =	vmul.f32 v40, v23;
	v27 =	vadd.f32 v37, v29  }
0xe2: {  	v36 =	vsel vm1, $0x1, v1;
	v18 =	vmul.f32 v31, v18;
	v31 =	vmul.f32 v38, v22  }
0xe3: {  	v63 =	vmul.f32 v39, v26;
	v26 =	vxor.u32 $0x7FFFFFFF, v16;
	v23 =	vadd.f32 v23, v27  }
0xe4: {  	v29 =	vsel vm0, $0x1, v1;
	v22 =	vsel vm2, $0x1, v1;
	v33 =	vadd.s32 v36, v41  }
0xe5: {  	s28 =	simm.s32 $0x0;
	s29 =	simm.s32 $0x4F40;
	s26 =	simm.s32 $0x9D40;
	v27 =	vxor.u32 $0x7FFFFFFF, v15;
	v32 =	vadd.f32 v63, v23;
	v23 =	vadd.s32 v41, v34  }
.LBB2_8:
0xe6: {  	v22 =	vadd.s32 v22, v33;
	v23 =	vadd.s32 v24, v23  }
0xe7: {  	vm0 =	vlt.s32 v20, $0x0;
	vm1 =	vlt.s32 v19, $0x0;
	vm2 =	vlt.s32 v14, $0x0  }
0xe8: {  	v34 =	vld [tilespmem:s29+$0x30];
	vm3 =	vlt.s32 v13, $0x0;
	v58 =	vxor.u32 $0x7FFFFFFF, v12;
	v35 =	vxor.u32 $0x7FFFFFFF, v11  }
0xe9: {  	v57 =	vld [tilespmem:s29+$0x10];
	v16 =	vsel vm5, v26, v16;
	v15 =	vsel vm6, v27, v15;
	v24 =	vadd.f32 v31, v32  }
0xea: {  	s24 =	sadd.s32 $0x80, s24;
	v31 =	vld [tilespmem:s29+$0x20];
	v22 =	vadd.s32 v29, v22;
	v17 =	vadd.s32 v17, v23;
	v23 =	vsel vm8, $0x1, v1  }
0xeb: {  	v29 =	vld [tilespmem:s24+$0x0];
	v22 =	vadd.s32 v23, v22;
	v10 =	vadd.s32 v10, v17;
	v23 =	vsel vm7, $0x1, v1  }
0xec: {  	s25 =	sadd.s32 $0x80, s25;
	v33 =	vld [tilespmem:s24+$0x30];
	vm7 =	vlt.s32 v11, $0x0;
	v17 =	vadd.f32 v25, v24;
	v22 =	vadd.s32 v30, v22  }
0xed: {  	v36 =	vld [tilespmem:s25+$0x10];
	v10 =	vadd.s32 v8, v10;
	v25 =	vsel vm4, $0x1, v1;
	vm4 =	vlt.s32 v12, $0x0  }
0xee: {  	v59 =	vld [tilespmem:s25+$0x0];
	v11 =	vsel vm7, v35, v11;
	v22 =	vadd.s32 v23, v22;
	v9 =	vadd.s32 v9, v10  }
0xef: {  	v8 =	vld [tilespmem:s29+$0x0];
	v12 =	vsel vm4, v58, v12;
	v10 =	vadd.f32 v21, v17;
	v17 =	vadd.s32 v28, v22  }
0xf0: {  	v30 =	vld [tilespmem:s24+$0x10];
	v24 =	vadd.s32 v7, v9;
	v21 =	vxor.u32 $0x7FFFFFFF, v19;
	v22 =	vadd.s32 v25, v17  }
0xf1: {  	v23 =	vadd.s32 v6, v24;
	v17 =	vxor.u32 $0x7FFFFFFF, v20;
	v25 =	vld [tilespmem:s25+$0xFFFFFFF0];
	v19 =	vsel vm1, v21, v19  }
0xf2: {  	v7 =	vmovc v31;
	v24 =	vxor.u32 $0x7FFFFFFF, v14;
	v31 =	vxor.u32 $0x7FFFFFFF, v13;
	v21 =	vld [tilespmem:s25+$0x30];
	v62 =	vcvt.s32.f32 v36;
	[tilespmem:s26+$0xFFFFFFD0] =	vst v19  }
0xf3: {  	v28 =	vadd.f32 v18, v10;
	v18 =	vld [tilespmem:s25+$0xFFFFFFE0];
	v17 =	vsel vm0, v17, v20;
	v14 =	vsel vm2, v24, v14;
	[tilespmem:s26+$0xFFFFFFE0] =	vst v16  }
0xf4: {  	v6 =	vmovc v34;
	v10 =	vld [tilespmem:s29+$0xFFFFFFF0];
	v13 =	vsel vm3, v31, v13;
	v19 =	vshra.s32 v19, $0x15;
	v16 =	vshra.s32 v16, $0x15;
	[tilespmem:s26+$0xFFFFFFF0] =	vst v15  }
0xf5: {  	v20 =	vld [tilespmem:s25+$0x20];
	v31 =	vshra.s32 v15, $0x15;
	v61 =	vcvt.s32.f32 v6;
	v39 =	vcvt.s32.f32 v7;
	[tilespmem:s26+$0x20] =	vst v12  }
0xf6: {  	v9 =	vmovc v57;
	[tilespmem:s26+$0xFFFFFFC0] =	vst v17;
	v26 =	vshra.s32 v17, $0x15;
	v27 =	vld [tilespmem:s25+$0xFFFFFFD0];
	v15 =	vshra.s32 v14, $0x15;
	v37 =	vshra.s32 v13, $0x15  }
0xf7: {  	v17 =	vld [tilespmem:s29+$0xFFFFFFE0];
	v38 =	vcvt.s32.f32 v9;
	[tilespmem:s26+$0x0] =	vst v14;
	v14 =	vshra.s32 v12, $0x15;
	v41 =	vcvt.s32.f32 v8  }
0xf8: {  	v24 =	vld [tilespmem:s29+$0xFFFFFFD0];
	[tilespmem:s26+$0x10] =	vst v13;
	v13 =	vshra.s32 v11, $0x15;
	v12 =	vcvt.s32.f32 v59;
	v19 =	vadd.s32 $0x400, v19  }
0xf9: {  	v63 =	vld [tilespmem:s24+$0x20];
	v48 =	vadd.s32 $0x400, v31;
	v45 =	vadd.s32 $0x400, v26;
	v26 =	vadd.s32 $0x400, v16  }
0xfa: {  	v46 =	vld [tilespmem:s24+$0xFFFFFFE0];
	v58 =	vadd.s32 $0x400, v13;
	v13 =	vmul.f32 v62, v30;
	v31 =	vmul.f32 v41, v29  }
0xfb: {  	v47 =	vld [tilespmem:s24+$0xFFFFFFF0];
	v57 =	vadd.s32 $0x400, v14;
	v14 =	vmul.f32 v12, v29;
	v44 =	vcvt.s32.f32 v25  }
0xfc: {  	v60 =	vld [tilespmem:s25+$0xFFFFFFC0];
	v51 =	vadd.s32 $0x400, v15;
	v25 =	vmul.f32 v38, v30;
	v40 =	vcvt.s32.f32 v18  }
0xfd: {  	[tilespmem:s26+$0x30] =	vst v11;
	v42 =	vld [tilespmem:s29+$0xFFFFFFC0];
	v55 =	vadd.s32 $0x400, v37;
	v43 =	vcvt.s32.f32 v10;
	v11 =	vcvt.s32.f32 v20  }
0xfe: {  	v53 =	vld [tilespmem:s24+$0xFFFFFFD0];
	v12 =	vimm.s32 $0x0;
	v20 =	vcvt.s32.f32 v21;
	v18 =	vmul.f32 v61, v33  }
0xff: {  	v56 =	vld [tilespmem:s24+$0xFFFFFFC0];
	vm2 =	vlt.f32 v13, $0.0e+00;
	v27 =	vcvt.s32.f32 v27;
	v49 =	vcvt.s32.f32 v24  }
0x100: {  	vm10 =	vgt.f32 v13, $0.0e+00;
	v50 =	vcvt.s32.f32 v17;
	v21 =	vmul.f32 v39, v63  }
0x101: {  	vm7 =	vlt.f32 v14, $0.0e+00;
	v15 =	vmul.f32 v44, v47;
	v16 =	vmul.f32 v40, v46  }
0x102: {  	vm9 =	vgt.f32 v14, $0.0e+00;
	v32 =	vcvt.s32.f32 v60;
	v52 =	vcvt.s32.f32 v42  }
0x103: {  	v59 =	vmul.f32 v43, v47;
	v60 =	vimm.s32 $0x0;
	vm14 =	vlt.s32 v16, $0x0  }
0x104: {  	v29 =	vmul.f32 v49, v53;
	v61 =	vmul.f32 v52, v56;
	v12 =	vsel vm14, $0xFFFFFFFF, v12  }
0x105: {  	vm15 =	vlt.s32 v15, $0x0;
	[tilespmem:$0x1FFC0] =	vst v12;
	v12 =	vmul.f32 v11, v63;
	v11 =	vmul.f32 v20, v33  }
0x106: {  	[tilespmem:v19+s20+$0x0] =	vst.idx.add.f32.msk $0xffff, v2;
	v20 =	vmul.f32 v32, v56;
	v32 =	vsel vm15, $0xFFFFFFFF, v60;
	v28 =	vadd.f32 v61, v28  }
0x107: {  	v23 =	vadd.s32 v23, v42;
	v19 =	vmul.f32 v27, v53;
	v27 =	vxor.u32 $0x7FFFFFFF, v15;
	[tilespmem:$0x1FFB0] =	vst v32  }
0x108: {  	v30 =	vmul.f32 v50, v46;
	vm8 =	vlt.f32 v15, $0.0e+00;
	v28 =	vadd.f32 v29, v28;
	v29 =	vld [tilespmem:$0x1FFB0]  }
0x109: {  	[tilespmem:v26+s20+$0x0] =	vst.idx.add.f32.msk $0xffff, v2;
	vm12 =	vgt.f32 v15, $0.0e+00;
	v26 =	vxor.u32 $0x7FFFFFFF, v16;
	vm11 =	vlt.f32 v16, $0.0e+00  }
0x10a: {  	vm8 =	vmor vm12, vm8;
	vm12 =	vmor vm9, vm7;
	vm7 =	vmor vm10, vm2  }
0x10b: {  	vm13 =	vlt.f32 v19, $0.0e+00;
	vm14 =	vgt.f32 v16, $0.0e+00;
	vm6 =	vgt.f32 v19, $0.0e+00  }
0x10c: {  	s28 =	sadd.s32 $0x8, s28;
	[tilespmem:v48+s20+$0x0] =	vst.idx.add.f32.msk $0xffff, v2;
	vm13 =	vmor vm6, vm13;
	vm14 =	vmor vm14, vm11;
	vm0 =	vlt.f32 v11, $0.0e+00  }
0x10d: {  	p0 =	slt.u32 s28, $0x4D8;
	vm1 =	vgt.f32 v11, $0.0e+00;
	vm3 =	vlt.f32 v12, $0.0e+00;
	vm6 =	vnez.u8 v29;
	v29 =	vld [tilespmem:$0x1FFC0]  }
.Ltmp3:
0x10e: {  	[tilespmem:v51+s20+$0x0] =	vst.idx.add.f32.msk $0xffff, v2;
	vm4 =	vgt.f32 v12, $0.0e+00;
	vm15 =	vlt.f32 v20, $0.0e+00;
	vm5 =	vgt.f32 v20, $0.0e+00;
	(pc) =	sbr.rel @p0 .LBB2_8-.Ltmp3, $4  }
0x10f: {  	[tilespmem:v45+s20+$0x0] =	vst.idx.add.f32.msk $0xffff, v2;
	vm3 =	vmor vm4, vm3;
	vm4 =	vmor vm1, vm0;
	vm5 =	vmor vm5, vm15  }
0x110: {  	[tilespmem:v55+s20+$0x0] =	vst.idx.add.f32.msk $0xffff, v2;
	v62 =	vadd.f32 v30, v28;
	v30 =	vsel vm12, $0x1, v1;
	v63 =	vsel vm5, $0x1, v1  }
0x111: {  	[tilespmem:v58+s20+$0x0] =	vst.idx.add.f32.msk $0xffff, v2;
	v28 =	vsel vm3, $0x1, v1;
	v33 =	vadd.s32 v63, v22;
	v22 =	vsel vm13, $0x1, v1  }
0x112: {  	s26 =	smov.u32 s25;
	s29 =	sadd.s32 $0x80, s29;
	[tilespmem:v57+s20+$0x0] =	vst.idx.add.f32.msk $0xffff, v2;
	v32 =	vadd.f32 v59, v62;
	vm5 =	vnez.u8 v29;
	v29 =	vsel vm14, $0x1, v1  }
0x113: {  	v22 =	vadd.s32 v22, v33;
	v23 =	vadd.s32 v24, v23;
	v51 =	vxor.u32 $0x7FFFFFFF, v20  }
0x114: {  	vm0 =	vlt.s32 v20, $0x0;
	v52 =	vxor.u32 $0x7FFFFFFF, v19;
	vm1 =	vlt.s32 v19, $0x0  }
0x115: {  	v53 =	vxor.u32 $0x7FFFFFFF, v14;
	vm14 =	vlt.s32 v14, $0x0;
	v54 =	vxor.u32 $0x7FFFFFFF, v13  }
0x116: {  	vm15 =	vlt.s32 v13, $0x0;
	v16 =	vsel vm5, v26, v16;
	v55 =	vxor.u32 $0x7FFFFFFF, v12  }
0x117: {  	vm2 =	vlt.s32 v12, $0x0;
	v15 =	vsel vm6, v27, v15;
	v56 =	vxor.u32 $0x7FFFFFFF, v11  }
0x118: {  	vm3 =	vlt.s32 v11, $0x0;
	v60 =	vsel vm8, $0x1, v1;
	v50 =	vadd.f32 v31, v32;
	[tilespmem:s26+$0xFFFFFFE0] =	vst v16  }
0x119: {  	v22 =	vadd.s32 v29, v22;
	v20 =	vsel vm0, v51, v20;
	v19 =	vsel vm1, v52, v19;
	[tilespmem:s26+$0xFFFFFFF0] =	vst v15  }
0x11a: {  	v14 =	vsel vm14, v53, v14;
	v16 =	vshra.s32 v16, $0x15;
	v13 =	vsel vm15, v54, v13;
	[tilespmem:s26+$0xFFFFFFC0] =	vst v20  }
0x11b: {  	v12 =	vsel vm2, v55, v12;
	v15 =	vshra.s32 v15, $0x15;
	[tilespmem:s26+$0xFFFFFFD0] =	vst v19;
	v57 =	vadd.s32 $0x400, v16  }
0x11c: {  	v11 =	vsel vm3, v56, v11;
	v19 =	vshra.s32 v19, $0x15;
	[tilespmem:s26+$0x0] =	vst v14;
	v15 =	vadd.s32 $0x400, v15  }
0x11d: {  	v17 =	vadd.s32 v17, v23;
	v29 =	vshra.s32 v14, $0x15;
	[tilespmem:s26+$0x10] =	vst v13;
	v19 =	vadd.s32 $0x400, v19  }
0x11e: {  	v58 =	vshra.s32 v20, $0x15;
	[tilespmem:s26+$0x20] =	vst v12;
	v13 =	vshra.s32 v13, $0x15;
	v59 =	vadd.s32 $0x400, v29  }
0x11f: {  	[tilespmem:s26+$0x30] =	vst v11;
	v11 =	vshra.s32 v11, $0x15;
	v61 =	vadd.s32 v60, v22;
	v16 =	vadd.s32 $0x400, v58  }
0x120: {  	v12 =	vshra.s32 v12, $0x15;
	v10 =	vadd.s32 v10, v17;
	v13 =	vadd.s32 $0x400, v13;
	[tilespmem:v57+s20+$0x0] =	vst.idx.add.f32.msk $0xffff, v2  }
0x121: {  	v11 =	vadd.s32 $0x400, v11;
	v62 =	vadd.f32 v25, v50;
	v12 =	vadd.s32 $0x400, v12;
	[tilespmem:v15+s20+$0x0] =	vst.idx.add.f32.msk $0xffff, v2  }
0x122: {  	v63 =	vadd.s32 v30, v61;
	v8 =	vadd.s32 v8, v10;
	v10 =	vsel vm7, $0x1, v1;
	[tilespmem:v19+s20+$0x0] =	vst.idx.add.f32.msk $0xffff, v2  }
0x123: {  	v10 =	vadd.s32 v10, v63;
	[tilespmem:v59+s20+$0x0] =	vst.idx.add.f32.msk $0xffff, v2  }
0x124: {  	v8 =	vadd.s32 v9, v8;
	v14 =	vadd.f32 v21, v62;
	[tilespmem:v16+s20+$0x0] =	vst.idx.add.f32.msk $0xffff, v2  }
0x125: {  	v9 =	vadd.s32 v28, v10;
	v10 =	vadd.s32 v7, v8;
	v8 =	vsel vm4, $0x1, v1;
	[tilespmem:v13+s20+$0x0] =	vst.idx.add.f32.msk $0xffff, v2  }
0x126: {  	v8 =	vadd.s32 v8, v9;
	[tilespmem:v11+s20+$0x0] =	vst.idx.add.f32.msk $0xffff, v2  }
0x127: {  	s24 =	simm.s32 $0x0;
	v6 =	vadd.s32 v6, v10;
	v7 =	vadd.f32 v18, v14;
	[tilespmem:v12+s20+$0x0] =	vst.idx.add.f32.msk $0xffff, v2  }
.LBB2_10:
0x128: {  	s25 =	sshra.s32 s24, $0x2  }
0x129: {  	v9 =	vld [tilespmem:s25+$0xEB00];
	_ =	sdelay $0x1  }
0x12a: {  	v10 =	vld [tilespmem:s25+$0x4E00];
	_ =	sdelay $0x2  }
0x12b: {  	v9 =	vcvt.s32.f32 v9;
	_ =	sdelay $0x1  }
0x12c: {  	v9 =	vmul.f32 v9, v10  }
0x12d: {  	v11 =	vld [tilespmem:s25+$0x9C80]  }
0x12e: {  	v12 =	vxor.u32 $0x7FFFFFFF, v9;
	vm0 =	vlt.s32 v9, $0x0  }
0x12f: {  	v12 =	vsel vm0, v12, v9  }
0x130: {  	v13 =	vshra.s32 v12, $0x15  }
0x131: {  	p0 =	sne.s32 s24, $0x40;
	v13 =	vadd.s32 $0x400, v13  }
.Ltmp4:
0x132: {  	v14 =	vcvt.s32.f32 v11;
	(pc) =	sbr.rel @p0 .LBB2_10-.Ltmp4, $4  }
0x133: {  	vm15 =	vlt.f32 v9, $0.0e+00;
	vm1 =	vgt.f32 v9, $0.0e+00  }
0x134: {  	v10 =	vmul.f32 v14, v10;
	vm0 =	vmor vm1, vm15  }
0x135: {  	v6 =	vadd.s32 v6, v11;
	[tilespmem:s25+$0xEB00] =	vst v12;
	v9 =	vsel vm0, $0x1, v1  }
0x136: {  	s24 =	sadd.s32 $0x40, s24;
	v7 =	vadd.f32 v10, v7;
	v8 =	vadd.s32 v9, v8;
	[tilespmem:v13+s20+$0x0] =	vst.idx.add.f32.msk $0xffff, v2  }
0x137: {  	(xrf0) =	vadd.scan.msk.s32 $0xffff, v5  }
0x138: {  	(xrf0) =	vadd.scan.msk.s32 $0xffff, v4;
	_ =	sdelay $0x4  }
0x139: {  	v56, _, _ =	vpop (xrf0)  }
0x13a: {  	(v2sf) =	vpush v56, $0xF;
	v57, _, _ =	vpop (xrf0)  }
0x13b: {  	(v2sf) =	vpush v57, $0xF;
	_ =	sdelay $0x4  }
0x13c: {  	(xrf2) =	vadd.scan.msk.f32 $0xffff, v3;
	_ =	sdelay $0x7  }
0x13d: {  	[hbm4b:s10+s15] =	stream.strided.scatter [tilespmem:s19], [sflag:$0x1], $0x4E80, s16, s15, $0x38;
	[tilespmem:$0xF480] =	vst v63  }
0x13e: {  	s24 =	spop (v2sf)  }
0x13f: {  	v3, _, _ =	vpop (xrf2);
	s25 =	spop (v2sf)  }
0x140: {  	_ =	swait.ge [sflag:s17], $0x4E80  }
0x141: {  	(xrf0) =	vadd.scan.msk.s32 $0xffff, v6;
	_ =	sdelay $0x1  }
0x142: {  	(xrf0) =	vadd.scan.msk.s32 $0xffff, v8;
	_ =	sdelay $0x3  }
0x143: {  	v58, _, _ =	vpop (xrf0)  }
0x144: {  	(v2sf) =	vpush v58, $0xF  }
0x145: {  	v59, _, _ =	vpop (xrf0)  }
0x146: {  	(v2sf) =	vpush v59, $0xF;
	_ =	sdelay $0x2  }
0x147: {  	(xrf2) =	vadd.scan.msk.f32 $0xffff, v7;
	_ =	sdelay $0x5  }
0x148: {  	v61 =	vld [tilespmem:$0x1FFF0];
	_ =	sdelay $0x3  }
0x149: {  	v3 =	vbroadcast v3, $0xF;
	v60, _, _ =	vpop (xrf2);
	s26 =	spop (v2sf)  }
0x14a: {  	vm13 =	vcmask $0x308;
	vm0 =	vnez.u8 v61;
	v4 =	vbroadcast v60, $0xF;
	s24 =	sadd.s32 s24, s26  }
0x14b: {  	vm14 =	vcmask $0x300;
	[sflag:s17] =	ssyncset.done $0x0;
	v3 =	vnsel vm0, $0x0, v3;
	s30 =	spop (v2sf);
	v62 =	vmov s24  }
0x14c: {  	vm15 =	vcmask $0x704;
	[sflag:s17] =	ssyncadd.s32 $0xFFFFB180;
	v3 =	vsel vm13, v3, v4;
	s31 =	sadd.s32 s25, s30;
	v63 =	vnsel vm14, $0x0, v62  }
0x14d: {  	[tilespmem:$0xF380] =	vst v3;
	v3 =	vsel vm15, s31, v63  }
0x14e: {  	[tilespmem:$0xF400] =	vst v3  }
0x14f: {  	[hbm4b:s11+s2] =	stream.linear.scatter [tilespmem:s21], [sflag:$0x1], $0x80, $0x38;
	[tilespmem:$0xF480] =	vst v63  }
0x150: {  	_ =	swait.ge [sflag:s17], $0x80  }
0x151: {  	[sflag:s17] =	ssyncset.done $0x0  }
0x152: {  	[sflag:s17] =	ssyncadd.s32 $0xFFFFFF80  }
0x153: {  	[hbm4b:s12+s2] =	stream.linear.scatter [tilespmem:s22], [sflag:$0x1], $0x80, $0x38;
	[tilespmem:$0xF480] =	vst v63  }
0x154: {  	s23 =	sadd.s32 $0x1, s23;
	_ =	swait.ge [sflag:s17], $0x80  }
0x155: {  	p0 =	sne.s32 s23, s14;
	[sflag:s17] =	ssyncset.done $0x0  }
.Ltmp5:
0x156: {  	[sflag:s17] =	ssyncadd.s32 $0xFFFFFF80;
	(pc) =	sbr.rel @p0 .LBB2_1-.Ltmp5, $4  }
0x157: {  	[hbm4b:s13+s15] =	stream.strided.scatter [tilespmem:s20], [sflag:$0x1], $0x800, s16, s15, $0x38;
	[tilespmem:$0xF480] =	vst v63  }
0x158: {  	_ =	swait.ge [sflag:s17], $0x800  }
0x159: {  	[sflag:s17] =	ssyncset.done $0x0  }
0x15a: {  	[sflag:s17] =	ssyncadd.s32 $0xFFFFF800  }
0x15b: {  	_ =	sfence.sel $0x180000  }
0x15c: {  	[bflag:$0x0] =	sbarrier.arrive $0xFFFF  }
0x15d: {  	p0 =	sne.s32 s0, $0x0;
	_ =	strace $0x90000047  }
0x15e: {  	s0 =	sadd.s32 @!p0 $0x100000, s1;
	[bflag:$0x2] =	sbarrier.arrive $0xFFFF  }
0x15f: {  	[sflag:s0] =	ssyncadd.tile.s32 @!p0 $0x1;
	_ =	shalt  }
.Lfunc_end2:
_tile_overlayer_lowered:
.L_overlay_start_2:
0x160: {  	(tag) =	ssettag $0x2  }
0x161: {  	s0 =	rddreg [dreg:$0x0];
	s2 =	stileid.u32  }
0x162: {  	s1 =	rddreg [dreg:$0x1];
	p0 =	sne.s32 s2, $0x0  }
0x163: {  	s3 =	rddreg [dreg:$0x2];
	[bflag:$0x3] =	sbarrier.arrive $0xFFFF;
	s2 =	simm.s32 @!p0 $0x1C01  }
0x164: {  	[timem:s3], [sflag:s2] =	dma.local @!p0 [hbm:s0], s1  }
0x165: {  	s0 =	simm.s32 @!p0 $0x1  }
0x166: {  	_ =	swait.ge @!p0 [sflag:s0], s1  }
0x167: {  	s1 =	ssub.s32 @!p0 $0x0, s1;
	[sflag:s0] =	ssyncset.done @!p0 $0x0  }
0x168: {  	[sflag:s0] =	ssyncadd.s32 @!p0 s1  }
0x169: {  	[bflag:$0x3] =	sbarrier.arrive $0xFFFF  }
0x16a: {  	_ =	shalt  }

</sc_bundles>
